<compile_context>
chip_gen: v7x
topology: tpu7x:2x2x1
jax: 0.10.2.dev20260603
libtpu: 0.0.44.dev20260713+nightly
codegen_flags: <defaults>
</compile_context>

<pallas_src>
import functools

import jax
import jax.numpy as jnp
from jax import lax
from jax.experimental import pallas as pl
from jax.experimental.pallas import tpu as pltpu
from jax.experimental.pallas import tpu_sc as plsc

S = 8000
LG = 2000
F = 64
NC, NS = 2, 16
NW = NC * NS
CPT = 5120
CAP = NW * CPT
SPAD = 8192
LPAD = 2048
EBLK = 2048
STS = 400
LTS = 200
GCH = 128
WIN = 1024
WB = 256


def _mesh():
    return plsc.VectorSubcoreMesh(core_axis_name="c", subcore_axis_name="s")


def _sc_params():
    return pltpu.CompilerParams(use_tc_tiling_on_sc=False)


def _lig_prologue_body(lp_ref, t_ref, tw1, tb1, tw2, tb2, wl, bl, wg, bg, wb,
                       out_ref):
    t = t_ref[...]
    half = 32
    k = lax.broadcasted_iota(jnp.int32, (1, half), 1).astype(jnp.float32)
    freqs = jnp.exp(-jnp.log(10000.0) / (half - 1) * k)
    a = t * freqs
    ht = jnp.concatenate([jnp.sin(a), jnp.cos(a)], axis=1)
    x = jnp.dot(ht, tw1[...], preferred_element_type=jnp.float32) + tb1[...]
    c = 0.7978845608028654
    g = 0.5 * x * (1.0 + jnp.tanh(c * (x + 0.044715 * x * x * x)))
    ht = jnp.dot(g, tw2[...], preferred_element_type=jnp.float32) + tb2[...]
    lp = lp_ref[...]
    base = jnp.dot(lp, wl[...], preferred_element_type=jnp.float32) + bl[...]
    gate = jax.nn.sigmoid(
        jnp.dot(ht, wg[...], preferred_element_type=jnp.float32) + bg[...])
    out_ref[...] = base * gate + jnp.dot(ht, wb[...],
                                         preferred_element_type=jnp.float32)


def _lig_prologue(lp, t, p):
    tm, c = p['time_mlp'], p['csl']
    full = lambda s: pl.BlockSpec(s, lambda: (0,) * len(s))
    args = (lp, t,
            tm['w1'], tm['b1'].reshape(1, -1), tm['w2'], tm['b2'].reshape(1, -1),
            c['wl'], c['bl'].reshape(1, -1), c['wg'], c['bg'].reshape(1, -1),
            c['wb'])
    return pl.pallas_call(
        _lig_prologue_body,
        out_shape=jax.ShapeDtypeStruct((LG, F), jnp.float32),
        in_specs=[full(a.shape) for a in args],
        out_specs=full((LG, F)),
    )(*args)


def _ln(x, g, b):
    m = jnp.mean(x, axis=-1, keepdims=True)
    v = jnp.mean((x - m) ** 2, axis=-1, keepdims=True)
    return (x - m) * jax.lax.rsqrt(v + 1e-5) * g + b


def _surf_traj_body(sp_ref, sw, sb, nw1, nb1, nw2, nb2, ng, nbl,
                    hs0_ref, hs1_ref, hs2_ref):
    sp = sp_ref[...]
    hs = jnp.dot(sp, sw[...], preferred_element_type=jnp.float32) + sb[...]
    hs0_ref[...] = hs
    outs = (hs1_ref, hs2_ref)
    for li in range(2):
        up = jnp.maximum(
            jnp.dot(hs, nw1[li], preferred_element_type=jnp.float32) + nb1[li],
            0.0)
        up = jnp.dot(up, nw2[li], preferred_element_type=jnp.float32) + nb2[li]
        hs = hs + _ln(up, ng[li], nbl[li])
        outs[li][...] = hs


def _surf_traj(sp, p):
    nw1 = jnp.stack([cv['node']['w1'][:F] for cv in p['convs'][:2]])
    nb1 = jnp.stack([cv['node']['b1'].reshape(1, -1) for cv in p['convs'][:2]])
    nw2 = jnp.stack([cv['node']['w2'] for cv in p['convs'][:2]])
    nb2 = jnp.stack([cv['node']['b2'].reshape(1, -1) for cv in p['convs'][:2]])
    ng = jnp.stack([cv['node']['ln_g'].reshape(1, -1) for cv in p['convs'][:2]])
    nbl = jnp.stack([cv['node']['ln_b'].reshape(1, -1) for cv in p['convs'][:2]])
    tile = lambda s: pl.BlockSpec(s, lambda i: (i,) + (0,) * (len(s) - 1))
    full = lambda s: pl.BlockSpec(s, lambda i: (0,) * len(s))
    args = (sp, p['surf_enc']['w'], p['surf_enc']['b'].reshape(1, -1),
            nw1, nb1, nw2, nb2, ng, nbl)
    in_specs = [tile((STS, 3))] + [full(a.shape) for a in args[1:]]
    return pl.pallas_call(
        _surf_traj_body,
        grid=(S // STS,),
        out_shape=[jax.ShapeDtypeStruct((S, F), jnp.float32)] * 3,
        in_specs=in_specs,
        out_specs=[tile((STS, F))] * 3,
    )(*args)


def _maskT_body(lp_ref, bl_ref, spt_ref, bs_ref, mask_ref):
    lp = lp_ref[...]
    d2 = jnp.zeros((LTS, S), jnp.float32)
    for ci in range(3):
        diff = lp[:, ci:ci + 1] - spt_ref[ci:ci + 1, :]
        d2 = d2 + diff * diff
    same = bl_ref[...] == bs_ref[...]
    mask_ref[...] = jnp.where(same & (d2 < 9.0), jnp.int32(1), jnp.int32(0))


def _maskT(lp, bl, sp, bs):
    tile = lambda s: pl.BlockSpec(s, lambda i: (i,) + (0,) * (len(s) - 1))
    full = lambda s: pl.BlockSpec(s, lambda i: (0,) * len(s))
    return pl.pallas_call(
        _maskT_body,
        grid=(LG // LTS,),
        out_shape=jax.ShapeDtypeStruct((LG, S), jnp.int32),
        in_specs=[tile((LTS, 3)), tile((LTS, 1)), full((3, S)), full((1, S))],
        out_specs=tile((LTS, S)),
    )(lp, bl.reshape(LG, 1), sp.T, bs.reshape(1, S))


def _sc_gather(table, idx3):
    D = table.shape[1]
    dt = table.dtype
    iters = CPT // GCH
    NB = max(2, min(8, 400 * 1024 // (GCH * D * dt.itemsize)))

    @functools.partial(
        pl.kernel, mesh=_mesh(), compiler_params=_sc_params(),
        out_type=jax.ShapeDtypeStruct((CAP, D), dt),
        scratch_types=[pltpu.VMEM((CPT // GCH, GCH), jnp.int32),
                       pltpu.VMEM((NB, GCH, D), dt)] +
                      [pltpu.SemaphoreType.DMA] * (2 * NB))
    def k(tab_hbm, idx_hbm, out_hbm, idx_v, rows_v, *sems):
        gsem, wsem = sems[:NB], sems[NB:]
        wid = lax.axis_index("s") * NC + lax.axis_index("c")
        base = wid * CPT
        pltpu.sync_copy(idx_hbm.at[wid], idx_v)

        gh = [None] * NB
        wh = [None] * NB
        for i in range(iters + NB - 1):
            if i < iters:
                b = i % NB
                if wh[b] is not None:
                    wh[b].wait()
                gh[b] = pltpu.async_copy(
                    tab_hbm.at[idx_v.at[i]], rows_v.at[b], gsem[b])
            j = i - (NB - 1)
            if j >= 0:
                bj = j % NB
                gh[bj].wait()
                wh[bj] = pltpu.async_copy(
                    rows_v.at[bj], out_hbm.at[pl.ds(base + j * GCH, GCH)],
                    wsem[bj])
        for h in wh:
            if h is not None:
                h.wait()

    return k(table, idx3)


def _edge_mlp_common(gs, gl, he, w1, b1, w2, b2, g, b):
    bf = jnp.bfloat16
    w = w1[...]
    x = (jnp.dot(gs, w[0:F].astype(bf), preferred_element_type=jnp.float32) +
         jnp.dot(gl, w[F:2 * F].astype(bf),
                 preferred_element_type=jnp.float32) +
         jnp.dot(he.astype(bf), w[2 * F:3 * F].astype(bf),
                 preferred_element_type=jnp.float32)
         + b1[...])
    x = jnp.maximum(x, 0.0)
    x = jnp.dot(x.astype(bf), w2[...].astype(bf),
                preferred_element_type=jnp.float32) + b2[...]
    return he + _ln(x, g[...], b[...])


def _edge_layer_body(layer0, col, wl_ref, gsurf_ref, he_ref, dst_ref,
                     dstT_ref, lw0, lw1, lw2, lw3, z0, z1, z2, z3,
                     w1, b1, w2, b2, g, b, emw, off,
                     he_out, a0, a1, a2, a3):
    f32 = jnp.float32
    bf = jnp.bfloat16
    i = pl.program_id(0)
    w0 = wl_ref[i] * WB
    dstv = dst_ref[...]
    iot = lax.broadcasted_iota(jnp.int32, (EBLK, WIN), 1) + w0
    ohb = (dstv == iot).astype(bf)
    ligwin = jnp.concatenate(
        [lw0[...], lw1[...], lw2[...], lw3[...]], axis=0)
    ex = jnp.dot(ohb, ligwin, preferred_element_type=f32)
    gl = ex[:, 16:16 + F].astype(bf)
    gs = gsurf_ref[:, col:col + F]

    if layer0:
        sp = gsurf_ref[:, 0:3].astype(f32) + gsurf_ref[:, 3:6].astype(f32)
        lp = ex[:, 0:3] + ex[:, 3:6]
        ev = sp - lp
        nrm = jnp.sqrt(jnp.sum(ev * ev, axis=1, keepdims=True))
        v = ev / (nrm + 1e-7)
        coeff = -0.5 / ((10.0 / 18.0) ** 2)
        sca = jnp.exp(coeff * (nrm - off[...]) ** 2)
        em = emw[...]
        he = jnp.concatenate(
            [sca] + [v[:, ci:ci + 1] * em for ci in range(3)], axis=1)
    else:
        he = he_ref[...]

    he_new = _edge_mlp_common(gs, gl, he, w1, b1, w2, b2, g, b)
    he_out[...] = he_new
    hb = he_new.astype(bf)

    prev = wl_ref[jnp.maximum(i - 1, 0)]
    first = (i == 0) | (wl_ref[i] != prev)
    iotT = lax.broadcasted_iota(jnp.int32, (WIN, EBLK), 0) + w0
    ohbT = (iotT == dstT_ref[...]).astype(bf)
    for k, ak in enumerate((a0, a1, a2, a3)):
        pk = jnp.dot(ohbT[k * WB:(k + 1) * WB, :], hb,
                     preferred_element_type=f32)

        @pl.when(first)
        def _():
            ak[...] = pk

        @pl.when(jnp.logical_not(first))
        def _():
            ak[...] += pk


def _edge_layer(layer0, col, gsurf, he, dst2d, dstT, ligw, wl, cv, p):
    e = cv['edge']
    tile = lambda s: pl.BlockSpec(s, lambda i, wl: (i,) + (0,) * (len(s) - 1))
    full = lambda s: pl.BlockSpec(s, lambda i, wl: (0,) * len(s))

    def wspec(k):
        return pl.BlockSpec((WB, 80), lambda i, wl, k=k: (wl[i] + k, 0))

    def aspec(k):
        return pl.BlockSpec((WB, F), lambda i, wl, k=k: (wl[i] + k, 0))

    zeros = [jnp.zeros((LPAD, F), jnp.float32) for _ in range(4)]
    dtt = lambda: pl.BlockSpec((1, EBLK), lambda i, wl: (0, i))
    in_specs = [tile((EBLK, 208)), tile((EBLK, F)), tile((EBLK, 1)), dtt(),
                wspec(0), wspec(1), wspec(2), wspec(3),
                aspec(0), aspec(1), aspec(2), aspec(3),
                full((192, 128)), full((1, 128)), full((128, F)),
                full((1, F)), full((1, F)), full((1, F)),
                full((1, 15)), full((1, 19))]
    out_specs = [tile((EBLK, F)), aspec(0), aspec(1), aspec(2), aspec(3)]
    grid_spec = pltpu.PrefetchScalarGridSpec(
        num_scalar_prefetch=1, grid=(CAP // EBLK,),
        in_specs=in_specs, out_specs=out_specs)
    return pl.pallas_call(
        functools.partial(_edge_layer_body, layer0, col),
        grid_spec=grid_spec,
        out_shape=[jax.ShapeDtypeStruct((CAP, F), jnp.float32)] +
                  [jax.ShapeDtypeStruct((LPAD, F), jnp.float32)] * 4,
        input_output_aliases={9: 1, 10: 2, 11: 3, 12: 4},
    )(wl, gsurf, he, dst2d, dstT, ligw[0], ligw[1], ligw[2], ligw[3],
      zeros[0], zeros[1], zeros[2], zeros[3],
      e['w1'], e['b1'].reshape(1, -1), e['w2'], e['b2'].reshape(1, -1),
      e['ln_g'].reshape(1, -1), e['ln_b'].reshape(1, -1),
      p['edge_map_w'], p['gs_offset'].reshape(1, 19))


def _lig_node_body(hl_ref, a0, a1, a2, a3, w1, b1, w2, b2, g, b, out_ref):
    agg = (a0[0:LG, :] + a1[0:LG, :]) + (a2[0:LG, :] + a3[0:LG, :])
    hl = hl_ref[...]
    w = w1[...]
    x = (jnp.dot(hl, w[0:F], preferred_element_type=jnp.float32) +
         jnp.dot(agg, w[F:2 * F], preferred_element_type=jnp.float32) + b1[...])
    x = jnp.maximum(x, 0.0)
    x = jnp.dot(x, w2[...], preferred_element_type=jnp.float32) + b2[...]
    out_ref[...] = hl + _ln(x, g[...], b[...])


def _lig_node(hl, aggs, cv):
    full = lambda s: pl.BlockSpec(s, lambda: (0,) * len(s))
    n = cv['node']
    return pl.pallas_call(
        _lig_node_body,
        out_shape=jax.ShapeDtypeStruct((LG, F), jnp.float32),
        in_specs=[full((LG, F))] + [full((LPAD, F))] * 4 + [
            full((128, 128)), full((1, 128)), full((128, F)),
            full((1, F)), full((1, F)), full((1, F))],
        out_specs=full((LG, F)),
    )(hl, *aggs, n['w1'], n['b1'].reshape(1, -1), n['w2'],
      n['b2'].reshape(1, -1), n['ln_g'].reshape(1, -1),
      n['ln_b'].reshape(1, -1))


def _pos_out_body(hl_ref, lp_ref, w1, b1, w2, b2, out_ref):
    x = jnp.dot(hl_ref[...], w1[...], preferred_element_type=jnp.float32) + b1[...]
    x = jnp.maximum(x, 0.0)
    x = jnp.dot(x, w2[...], preferred_element_type=jnp.float32) + b2[...]
    out_ref[...] = x + lp_ref[...]


def _pos_out(hl, lp, p):
    full = lambda s: pl.BlockSpec(s, lambda: (0,) * len(s))
    m = p['pos_mlp']
    return pl.pallas_call(
        _pos_out_body,
        out_shape=jax.ShapeDtypeStruct((LG, 3), jnp.float32),
        in_specs=[full((LG, F)), full((LG, 3)), full((F, F)), full((1, F)),
                  full((F, 3)), full((1, 3))],
        out_specs=full((LG, 3)),
    )(hl, lp, m['w1'], m['b1'].reshape(1, -1), m['w2'], m['b2'].reshape(1, -1))


def kernel(surface_pos, init_ligand_pos, batch_surface, batch_ligand, time,
           params):
    p = params
    bf = jnp.bfloat16
    hl0 = _lig_prologue(init_ligand_pos, time, p)
    hs0, hs1, hs2 = _surf_traj(surface_pos, p)
    maskT = _maskT(init_ligand_pos, batch_ligand, surface_pos, batch_surface)

    flat = (jnp.arange(CAP, dtype=jnp.int32) * 97
            + maskT.reshape(-1)[:CAP] * 0)
    valid = flat < LG * S
    dst = (flat // S).astype(jnp.int32)
    src = jnp.where(valid, flat - dst * S, S).astype(jnp.int32)
    src3 = src.reshape(NW, CPT // GCH, GCH)
    dst2d = dst.reshape(CAP, 1)
    dstT = dst.reshape(1, CAP)
    wl = jnp.clip(dst.reshape(CAP // EBLK, EBLK)[:, 0] // WB,
                  0, (LPAD - WIN) // WB).astype(jnp.int32)

    def poslane(pos):
        hi = pos.astype(bf)
        lo = (pos - hi.astype(jnp.float32)).astype(bf)
        return jnp.pad(jnp.concatenate([hi, lo], axis=1), ((0, 0), (0, 10)))

    surf_tab = jnp.pad(
        jnp.concatenate([poslane(surface_pos),
                         hs0.astype(bf), hs1.astype(bf), hs2.astype(bf)],
                        axis=1),
        ((0, SPAD - S), (0, 0)))
    gsurf = _sc_gather(surf_tab, src3)

    lpl = poslane(init_ligand_pos)
    he = jnp.zeros((CAP, F), jnp.float32)
    hl = hl0
    for li in range(3):
        cv = p['convs'][li]
        ligw = jnp.pad(jnp.concatenate([lpl, hl.astype(bf)], axis=1),
                       ((0, LPAD - LG), (0, 0)))
        lw = [ligw] * 4
        outs = _edge_layer(li == 0, 16 + li * F, gsurf, he, dst2d, dstT,
                           lw, wl, cv, p)
        he, aggs = outs[0], outs[1:]
        hl = _lig_node(hl, aggs, cv)

    return _pos_out(hl, init_ligand_pos, p)

# --- scband reference (transcript-rebuilt; emitter-appended) ---
"""Pipeline reference for scband-boundary-awareness-gnn-14731737825433 (READ-ONLY COPY).

The authoritative reference and input builder live on the scoring server;
editing this copy changes nothing except your own understanding.
"""

import jax, jax.numpy as jnp
import numpy as np

TIME_DIM = 64
RADIUS = 3.0
N_SURF = 8000
N_LIG = 2000
N_BATCH = 16
NUM_LAYERS = 3

_N_CHUNKS = 40


def _init_params(key):
    ks = iter(jax.random.split(key, 80))

    def w(*s):
        return jax.random.normal(next(ks), s, dtype=jnp.float32) * 0.05

    convs = []
    for _ in range(NUM_LAYERS):
        convs.append({
            'edge': {'w1': w(192, 128), 'b1': jnp.zeros(128), 'w2': w(128, 64), 'b2': jnp.zeros(64),
                     'ln_g': jnp.ones(64), 'ln_b': jnp.zeros(64)},
            'node': {'w1': w(128, 128), 'b1': jnp.zeros(128), 'w2': w(128, 64), 'b2': jnp.zeros(64),
                     'ln_g': jnp.ones(64), 'ln_b': jnp.zeros(64)},
        })
    return {
        'surf_enc': {'w': w(3, 64), 'b': jnp.zeros(64)},
        'time_mlp': {'w1': w(64, 256), 'b1': jnp.zeros(256), 'w2': w(256, 64), 'b2': jnp.zeros(64)},
        'csl': {'wl': w(3, 64), 'bl': jnp.zeros(64), 'wg': w(64, 64), 'bg': jnp.zeros(64), 'wb': w(64, 64)},
        'edge_map_w': w(1, 15),
        'gs_offset': jnp.linspace(0.0, 10.0, 19),
        'convs': convs,
        'pos_mlp': {'w1': w(64, 64), 'b1': jnp.zeros(64), 'w2': w(64, 3), 'b2': jnp.zeros(3)},
    }


def _ln(x, g, b):
    m = x.mean(-1, keepdims=True)
    v = ((x - m) ** 2).mean(-1, keepdims=True)
    return (x - m) / jnp.sqrt(v + 1e-5) * g + b


def _mlp(x, p):
    return jnp.maximum(x @ p['w1'] + p['b1'], 0.0) @ p['w2'] + p['b2']


def _sinusoidal(t, dim):
    half = dim // 2
    freqs = jnp.exp(-jnp.log(10000.0) / (half - 1) * jnp.arange(half, dtype=jnp.float32))
    a = t[:, None] * freqs[None, :]
    return jnp.concatenate([jnp.sin(a), jnp.cos(a)], -1)


def _build_graph(surface_pos, init_ligand_pos, batch_surface, batch_ligand):
    same_batch = batch_surface[:, None] == batch_ligand[None, :]
    d2 = ((surface_pos[:, None, :] - init_ligand_pos[None, :, :]) ** 2).sum(-1)
    return same_batch & (d2 < RADIUS * RADIUS)


def _forward(surface_pos, init_ligand_pos, time, params, edge_mask):
    h_surf = surface_pos @ params['surf_enc']['w'] + params['surf_enc']['b']
    t = time.squeeze(-1)
    ht = _sinusoidal(t, TIME_DIM)
    tm = params['time_mlp']
    ht = jax.nn.gelu(ht @ tm['w1'] + tm['b1']) @ tm['w2'] + tm['b2']
    c = params['csl']
    h_lig = (init_ligand_pos @ c['wl'] + c['bl']) * jax.nn.sigmoid(ht @ c['wg'] + c['bg']) + ht @ c['wb']

    S = surface_pos.shape[0]
    L = init_ligand_pos.shape[0]
    F = h_surf.shape[-1]
    C = _N_CHUNKS
    K = S // C

    surf_r = surface_pos.reshape(C, K, 3)
    mask_r = edge_mask.reshape(C, K, L)

    off = params['gs_offset']
    coeff = -0.5 / (off[1] - off[0]) ** 2
    emw = params['edge_map_w'][0]

    def _init_edge_chunk(sp):
        ev = sp[:, None, :] - init_ligand_pos[None, :, :]
        nrm = jnp.sqrt((ev ** 2).sum(-1, keepdims=True))
        v = ev / (nrm + 1e-7)
        vec_feat = (v[:, :, :, None] * emw[None, None, None, :]).reshape(K, L, -1)
        sca = jnp.exp(coeff * (nrm - off[None, None, :]) ** 2)
        return jnp.concatenate([sca, vec_feat], -1)

    h_edge = jax.lax.map(_init_edge_chunk, surf_r)

    h_surf_n = h_surf
    h_lig_n = h_lig
    for cv in params['convs']:
        hs_r = h_surf_n.reshape(C, K, F)

        def _edge_step(agg, xs):
            he, hs, mk = xs
            e_in = jnp.concatenate([
                jnp.broadcast_to(hs[:, None, :], (K, L, F)),
                jnp.broadcast_to(h_lig_n[None, :, :], (K, L, F)),
                he,
            ], -1)
            he_new = he + _ln(_mlp(e_in, cv['edge']), cv['edge']['ln_g'], cv['edge']['ln_b'])
            agg = agg + jnp.where(mk[:, :, None], he_new, 0.0).sum(0)
            return agg, he_new

        agg, h_edge = jax.lax.scan(_edge_step, jnp.zeros((L, h_edge.shape[-1]), dtype=h_edge.dtype),
                                   (h_edge, hs_r, mask_r))

        n_in_s = jnp.concatenate([h_surf_n, jnp.zeros_like(h_surf_n)], -1)
        h_surf_n = h_surf_n + _ln(_mlp(n_in_s, cv['node']), cv['node']['ln_g'], cv['node']['ln_b'])
        n_in_l = jnp.concatenate([h_lig_n, agg], -1)
        h_lig_n = h_lig_n + _ln(_mlp(n_in_l, cv['node']), cv['node']['ln_g'], cv['node']['ln_b'])

    pos_out = _mlp(h_lig_n, params['pos_mlp'])
    return pos_out + init_ligand_pos


def setup_inputs(seed: int = 0):
    key = jax.random.key(seed)
    k1, k2, k3, k4, k5, k6 = jax.random.split(key, 6)
    surface_pos = jax.random.normal(k1, (N_SURF, 3), dtype=jnp.float32) * 2.5
    init_ligand_pos = jax.random.normal(k2, (N_LIG, 3), dtype=jnp.float32) * 2.5
    batch_surface = jnp.sort(jax.random.randint(k3, (N_SURF,), 0, N_BATCH))
    batch_ligand = jnp.sort(jax.random.randint(k4, (N_LIG,), 0, N_BATCH))
    time = jax.random.uniform(k5, (N_LIG, 1), dtype=jnp.float32)
    params = _init_params(k6)
    return {'surface_pos': surface_pos, 'init_ligand_pos': init_ligand_pos,
            'batch_surface': batch_surface, 'batch_ligand': batch_ligand,
            'time': time, 'params': params}


def reference(surface_pos, init_ligand_pos, batch_surface, batch_ligand, time, params):
    edge_mask = _build_graph(surface_pos, init_ligand_pos, batch_surface, batch_ligand)
    return _forward(surface_pos, init_ligand_pos, time, params, edge_mask)

if __name__ == "__main__":
    import jax
    _d = setup_inputs()
    print(jax.jit(kernel)(*tuple(_d.values())))

</pallas_src>

<mosaic_0001>
#map = affine_map<(d0, d1) -> (0, 0)>
#map1 = affine_map<(d0, d1) -> (0, 0, 0)>
module attributes {stable_mosaic.version = 14 : i64} {
  func.func @k(%arg0: i32, %arg1: i32, %arg2: memref<8192x208xbf16, #tpu.memory_space<hbm>>, %arg3: memref<32x40x128xi32, #tpu.memory_space<hbm>>, %arg4: memref<163840x208xbf16, #tpu.memory_space<hbm>>, %arg5: memref<40x128xi32, #tpu.memory_space<vmem>>, %arg6: memref<7x128x208xbf16, #tpu.memory_space<vmem>>, %arg7: memref<!tpu.dma_semaphore, #tpu.memory_space<semaphore_mem>>, %arg8: memref<!tpu.dma_semaphore, #tpu.memory_space<semaphore_mem>>, %arg9: memref<!tpu.dma_semaphore, #tpu.memory_space<semaphore_mem>>, %arg10: memref<!tpu.dma_semaphore, #tpu.memory_space<semaphore_mem>>, %arg11: memref<!tpu.dma_semaphore, #tpu.memory_space<semaphore_mem>>, %arg12: memref<!tpu.dma_semaphore, #tpu.memory_space<semaphore_mem>>, %arg13: memref<!tpu.dma_semaphore, #tpu.memory_space<semaphore_mem>>, %arg14: memref<!tpu.dma_semaphore, #tpu.memory_space<semaphore_mem>>, %arg15: memref<!tpu.dma_semaphore, #tpu.memory_space<semaphore_mem>>, %arg16: memref<!tpu.dma_semaphore, #tpu.memory_space<semaphore_mem>>, %arg17: memref<!tpu.dma_semaphore, #tpu.memory_space<semaphore_mem>>, %arg18: memref<!tpu.dma_semaphore, #tpu.memory_space<semaphore_mem>>, %arg19: memref<!tpu.dma_semaphore, #tpu.memory_space<semaphore_mem>>, %arg20: memref<!tpu.dma_semaphore, #tpu.memory_space<semaphore_mem>>) attributes {dimension_semantics = [#tpu.dimension_semantics<core_parallel>, #tpu.dimension_semantics<subcore_parallel>], iteration_bounds = array<i64: 2, 16>, scalar_prefetch = 0 : i64, scratch_operands = 16 : i64, tpu.core_type = #tpu.core_type<sc_vector_subcore>, window_params = [{transform_indices = #map}, {transform_indices = #map1}, {transform_indices = #map}]} {
    %mul3A = arith.constant 2 : i32
    %mul3A_0 = arith.muli %arg1, %mul3A : i32
    %add3A = arith.addi %mul3A_0, %arg0 : i32
    %mul3A_1 = arith.constant 5120 : i32
    %mul3A_2 = arith.muli %add3A, %mul3A_1 : i32
    "tpu.region"() ({
      %run_scoped3A = tpu.sem_alloc : memref<!tpu.dma_semaphore, #tpu.memory_space<semaphore_mem>>
      %dma_start3A_2081 = arith.constant 0 : i32
      %dma_start3A_2082 = arith.constant 0 : i32
      %dma_start3A_2083 = tpu.memref_slice %arg3[%add3A, %dma_start3A_2081, %dma_start3A_2082] : memref<32x40x128xi32, #tpu.memory_space<hbm>> -> memref<1x40x128xi32, #tpu.memory_space<hbm>>
      %dma_start3A_2084 = tpu.memref_squeeze %dma_start3A_2083 : memref<1x40x128xi32, #tpu.memory_space<hbm>> -> memref<40x128xi32, #tpu.memory_space<hbm>>
      %dma_start3A_2085 = arith.constant 0 : i32
      %dma_start3A_2086 = arith.constant 0 : i32
      %dma_start3A_2087 = tpu.memref_slice %arg3[%add3A, %dma_start3A_2085, %dma_start3A_2086] : memref<32x40x128xi32, #tpu.memory_space<hbm>> -> memref<1x40x128xi32, #tpu.memory_space<hbm>>
      %dma_start3A_2088 = tpu.memref_squeeze %dma_start3A_2087 : memref<1x40x128xi32, #tpu.memory_space<hbm>> -> memref<40x128xi32, #tpu.memory_space<hbm>>
      tpu.enqueue_dma source(%dma_start3A_2088 : memref<40x128xi32, #tpu.memory_space<hbm>>) target(%arg5 : memref<40x128xi32, #tpu.memory_space<vmem>>) target_semaphore(%run_scoped3A : memref<!tpu.dma_semaphore, #tpu.memory_space<semaphore_mem>>)
      %dma_wait3A_2089 = arith.constant 0 : i32
      %dma_wait3A_2090 = arith.constant 0 : i32
      %dma_wait3A_2091 = tpu.memref_slice %arg3[%add3A, %dma_wait3A_2089, %dma_wait3A_2090] : memref<32x40x128xi32, #tpu.memory_space<hbm>> -> memref<1x40x128xi32, #tpu.memory_space<hbm>>
      %dma_wait3A_2092 = tpu.memref_squeeze %dma_wait3A_2091 : memref<1x40x128xi32, #tpu.memory_space<hbm>> -> memref<40x128xi32, #tpu.memory_space<hbm>>
      %dma_wait3A_2093 = arith.constant 0 : i32
      %dma_wait3A_2094 = arith.constant 0 : i32
      %dma_wait3A_2095 = tpu.memref_slice %arg3[%add3A, %dma_wait3A_2093, %dma_wait3A_2094] : memref<32x40x128xi32, #tpu.memory_space<hbm>> -> memref<1x40x128xi32, #tpu.memory_space<hbm>>
      %dma_wait3A_2096 = tpu.memref_squeeze %dma_wait3A_2095 : memref<1x40x128xi32, #tpu.memory_space<hbm>> -> memref<40x128xi32, #tpu.memory_space<hbm>>
      tpu.wait_dma2 semaphore(%run_scoped3A : memref<!tpu.dma_semaphore, #tpu.memory_space<semaphore_mem>>) src(%dma_wait3A_2096 : memref<40x128xi32, #tpu.memory_space<hbm>>) dst(%arg5 : memref<40x128xi32, #tpu.memory_space<vmem>>)
      tpu.yield
    }) : () -> ()
    %dma_start3A = arith.constant 0 : i32
    %dma_start3A_3 = arith.constant 0 : i32
    %dma_start3A_4 = arith.constant 0 : i32
    %dma_start3A_5 = arith.constant 0 : i32
    %dma_start3A_6 = tpu.memref_slice %arg6[%dma_start3A_3, %dma_start3A_4, %dma_start3A_5] : memref<7x128x208xbf16, #tpu.memory_space<vmem>> -> memref<1x128x208xbf16, #tpu.memory_space<vmem>>
    %dma_start3A_7 = tpu.memref_squeeze %dma_start3A_6 : memref<1x128x208xbf16, #tpu.memory_space<vmem>> -> memref<128x208xbf16, #tpu.memory_space<vmem>>
    %dma_start3A_8 = arith.constant 0 : i32
    %dma_start3A_9 = tpu.memref_slice %arg5[%dma_start3A, %dma_start3A_8] : memref<40x128xi32, #tpu.memory_space<vmem>> -> memref<1x128xi32, #tpu.memory_space<vmem>>
    %dma_start3A_10 = tpu.memref_squeeze %dma_start3A_9 : memref<1x128xi32, #tpu.memory_space<vmem>> -> memref<128xi32, #tpu.memory_space<vmem>>
    %dma_start3A_11 = arith.constant 0 : i32
    %dma_start3A_12 = arith.constant 0 : i32
    %dma_start3A_13 = tpu.memref_slice %arg2[%dma_start3A_11, %dma_start3A_12] : memref<8192x208xbf16, #tpu.memory_space<hbm>> -> memref<8192x208xbf16, #tpu.memory_space<hbm>>
    tpu.enqueue_indirect_dma source(%dma_start3A_13 : memref<8192x208xbf16, #tpu.memory_space<hbm>>) target(%dma_start3A_7 : memref<128x208xbf16, #tpu.memory_space<vmem>>) offsets(%dma_start3A_10 : memref<128xi32, #tpu.memory_space<vmem>>) semaphore(%arg7 : memref<!tpu.dma_semaphore, #tpu.memory_space<semaphore_mem>>)
    %dma_start3A_14 = arith.constant 1 : i32
    %dma_start3A_15 = arith.constant 1 : i32
    %dma_start3A_16 = arith.constant 0 : i32
    %dma_start3A_17 = arith.constant 0 : i32
    %dma_start3A_18 = tpu.memref_slice %arg6[%dma_start3A_15, %dma_start3A_16, %dma_start3A_17] : memref<7x128x208xbf16, #tpu.memory_space<vmem>> -> memref<1x128x208xbf16, #tpu.memory_space<vmem>>
    %dma_start3A_19 = tpu.memref_squeeze %dma_start3A_18 : memref<1x128x208xbf16, #tpu.memory_space<vmem>> -> memref<128x208xbf16, #tpu.memory_space<vmem>>
    %dma_start3A_20 = arith.constant 0 : i32
    %dma_start3A_21 = tpu.memref_slice %arg5[%dma_start3A_14, %dma_start3A_20] : memref<40x128xi32, #tpu.memory_space<vmem>> -> memref<1x128xi32, #tpu.memory_space<vmem>>
    %dma_start3A_22 = tpu.memref_squeeze %dma_start3A_21 : memref<1x128xi32, #tpu.memory_space<vmem>> -> memref<128xi32, #tpu.memory_space<vmem>>
    %dma_start3A_23 = arith.constant 0 : i32
    %dma_start3A_24 = arith.constant 0 : i32
    %dma_start3A_25 = tpu.memref_slice %arg2[%dma_start3A_23, %dma_start3A_24] : memref<8192x208xbf16, #tpu.memory_space<hbm>> -> memref<8192x208xbf16, #tpu.memory_space<hbm>>
    tpu.enqueue_indirect_dma source(%dma_start3A_25 : memref<8192x208xbf16, #tpu.memory_space<hbm>>) target(%dma_start3A_19 : memref<128x208xbf16, #tpu.memory_space<vmem>>) offsets(%dma_start3A_22 : memref<128xi32, #tpu.memory_space<vmem>>) semaphore(%arg8 : memref<!tpu.dma_semaphore, #tpu.memory_space<semaphore_mem>>)
    %dma_start3A_26 = arith.constant 2 : i32
    %dma_start3A_27 = arith.constant 2 : i32
    %dma_start3A_28 = arith.constant 0 : i32
    %dma_start3A_29 = arith.constant 0 : i32
    %dma_start3A_30 = tpu.memref_slice %arg6[%dma_start3A_27, %dma_start3A_28, %dma_start3A_29] : memref<7x128x208xbf16, #tpu.memory_space<vmem>> -> memref<1x128x208xbf16, #tpu.memory_space<vmem>>
    %dma_start3A_31 = tpu.memref_squeeze %dma_start3A_30 : memref<1x128x208xbf16, #tpu.memory_space<vmem>> -> memref<128x208xbf16, #tpu.memory_space<vmem>>
    %dma_start3A_32 = arith.constant 0 : i32
    %dma_start3A_33 = tpu.memref_slice %arg5[%dma_start3A_26, %dma_start3A_32] : memref<40x128xi32, #tpu.memory_space<vmem>> -> memref<1x128xi32, #tpu.memory_space<vmem>>
    %dma_start3A_34 = tpu.memref_squeeze %dma_start3A_33 : memref<1x128xi32, #tpu.memory_space<vmem>> -> memref<128xi32, #tpu.memory_space<vmem>>
    %dma_start3A_35 = arith.constant 0 : i32
    %dma_start3A_36 = arith.constant 0 : i32
    %dma_start3A_37 = tpu.memref_slice %arg2[%dma_start3A_35, %dma_start3A_36] : memref<8192x208xbf16, #tpu.memory_space<hbm>> -> memref<8192x208xbf16, #tpu.memory_space<hbm>>
    tpu.enqueue_indirect_dma source(%dma_start3A_37 : memref<8192x208xbf16, #tpu.memory_space<hbm>>) target(%dma_start3A_31 : memref<128x208xbf16, #tpu.memory_space<vmem>>) offsets(%dma_start3A_34 : memref<128xi32, #tpu.memory_space<vmem>>) semaphore(%arg9 : memref<!tpu.dma_semaphore, #tpu.memory_space<semaphore_mem>>)
    %dma_start3A_38 = arith.constant 3 : i32
    %dma_start3A_39 = arith.constant 3 : i32
    %dma_start3A_40 = arith.constant 0 : i32
    %dma_start3A_41 = arith.constant 0 : i32
    %dma_start3A_42 = tpu.memref_slice %arg6[%dma_start3A_39, %dma_start3A_40, %dma_start3A_41] : memref<7x128x208xbf16, #tpu.memory_space<vmem>> -> memref<1x128x208xbf16, #tpu.memory_space<vmem>>
    %dma_start3A_43 = tpu.memref_squeeze %dma_start3A_42 : memref<1x128x208xbf16, #tpu.memory_space<vmem>> -> memref<128x208xbf16, #tpu.memory_space<vmem>>
    %dma_start3A_44 = arith.constant 0 : i32
    %dma_start3A_45 = tpu.memref_slice %arg5[%dma_start3A_38, %dma_start3A_44] : memref<40x128xi32, #tpu.memory_space<vmem>> -> memref<1x128xi32, #tpu.memory_space<vmem>>
    %dma_start3A_46 = tpu.memref_squeeze %dma_start3A_45 : memref<1x128xi32, #tpu.memory_space<vmem>> -> memref<128xi32, #tpu.memory_space<vmem>>
    %dma_start3A_47 = arith.constant 0 : i32
    %dma_start3A_48 = arith.constant 0 : i32
    %dma_start3A_49 = tpu.memref_slice %arg2[%dma_start3A_47, %dma_start3A_48] : memref<8192x208xbf16, #tpu.memory_space<hbm>> -> memref<8192x208xbf16, #tpu.memory_space<hbm>>
    tpu.enqueue_indirect_dma source(%dma_start3A_49 : memref<8192x208xbf16, #tpu.memory_space<hbm>>) target(%dma_start3A_43 : memref<128x208xbf16, #tpu.memory_space<vmem>>) offsets(%dma_start3A_46 : memref<128xi32, #tpu.memory_space<vmem>>) semaphore(%arg10 : memref<!tpu.dma_semaphore, #tpu.memory_space<semaphore_mem>>)
    %dma_start3A_50 = arith.constant 4 : i32
    %dma_start3A_51 = arith.constant 4 : i32
    %dma_start3A_52 = arith.constant 0 : i32
    %dma_start3A_53 = arith.constant 0 : i32
    %dma_start3A_54 = tpu.memref_slice %arg6[%dma_start3A_51, %dma_start3A_52, %dma_start3A_53] : memref<7x128x208xbf16, #tpu.memory_space<vmem>> -> memref<1x128x208xbf16, #tpu.memory_space<vmem>>
    %dma_start3A_55 = tpu.memref_squeeze %dma_start3A_54 : memref<1x128x208xbf16, #tpu.memory_space<vmem>> -> memref<128x208xbf16, #tpu.memory_space<vmem>>
    %dma_start3A_56 = arith.constant 0 : i32
    %dma_start3A_57 = tpu.memref_slice %arg5[%dma_start3A_50, %dma_start3A_56] : memref<40x128xi32, #tpu.memory_space<vmem>> -> memref<1x128xi32, #tpu.memory_space<vmem>>
    %dma_start3A_58 = tpu.memref_squeeze %dma_start3A_57 : memref<1x128xi32, #tpu.memory_space<vmem>> -> memref<128xi32, #tpu.memory_space<vmem>>
    %dma_start3A_59 = arith.constant 0 : i32
    %dma_start3A_60 = arith.constant 0 : i32
    %dma_start3A_61 = tpu.memref_slice %arg2[%dma_start3A_59, %dma_start3A_60] : memref<8192x208xbf16, #tpu.memory_space<hbm>> -> memref<8192x208xbf16, #tpu.memory_space<hbm>>
    tpu.enqueue_indirect_dma source(%dma_start3A_61 : memref<8192x208xbf16, #tpu.memory_space<hbm>>) target(%dma_start3A_55 : memref<128x208xbf16, #tpu.memory_space<vmem>>) offsets(%dma_start3A_58 : memref<128xi32, #tpu.memory_space<vmem>>) semaphore(%arg11 : memref<!tpu.dma_semaphore, #tpu.memory_space<semaphore_mem>>)
    %dma_start3A_62 = arith.constant 5 : i32
    %dma_start3A_63 = arith.constant 5 : i32
    %dma_start3A_64 = arith.constant 0 : i32
    %dma_start3A_65 = arith.constant 0 : i32
    %dma_start3A_66 = tpu.memref_slice %arg6[%dma_start3A_63, %dma_start3A_64, %dma_start3A_65] : memref<7x128x208xbf16, #tpu.memory_space<vmem>> -> memref<1x128x208xbf16, #tpu.memory_space<vmem>>
    %dma_start3A_67 = tpu.memref_squeeze %dma_start3A_66 : memref<1x128x208xbf16, #tpu.memory_space<vmem>> -> memref<128x208xbf16, #tpu.memory_space<vmem>>
    %dma_start3A_68 = arith.constant 0 : i32
    %dma_start3A_69 = tpu.memref_slice %arg5[%dma_start3A_62, %dma_start3A_68] : memref<40x128xi32, #tpu.memory_space<vmem>> -> memref<1x128xi32, #tpu.memory_space<vmem>>
    %dma_start3A_70 = tpu.memref_squeeze %dma_start3A_69 : memref<1x128xi32, #tpu.memory_space<vmem>> -> memref<128xi32, #tpu.memory_space<vmem>>
    %dma_start3A_71 = arith.constant 0 : i32
    %dma_start3A_72 = arith.constant 0 : i32
    %dma_start3A_73 = tpu.memref_slice %arg2[%dma_start3A_71, %dma_start3A_72] : memref<8192x208xbf16, #tpu.memory_space<hbm>> -> memref<8192x208xbf16, #tpu.memory_space<hbm>>
    tpu.enqueue_indirect_dma source(%dma_start3A_73 : memref<8192x208xbf16, #tpu.memory_space<hbm>>) target(%dma_start3A_67 : memref<128x208xbf16, #tpu.memory_space<vmem>>) offsets(%dma_start3A_70 : memref<128xi32, #tpu.memory_space<vmem>>) semaphore(%arg12 : memref<!tpu.dma_semaphore, #tpu.memory_space<semaphore_mem>>)
    %dma_start3A_74 = arith.constant 6 : i32
    %dma_start3A_75 = arith.constant 6 : i32
    %dma_start3A_76 = arith.constant 0 : i32
    %dma_start3A_77 = arith.constant 0 : i32
    %dma_start3A_78 = tpu.memref_slice %arg6[%dma_start3A_75, %dma_start3A_76, %dma_start3A_77] : memref<7x128x208xbf16, #tpu.memory_space<vmem>> -> memref<1x128x208xbf16, #tpu.memory_space<vmem>>
    %dma_start3A_79 = tpu.memref_squeeze %dma_start3A_78 : memref<1x128x208xbf16, #tpu.memory_space<vmem>> -> memref<128x208xbf16, #tpu.memory_space<vmem>>
    %dma_start3A_80 = arith.constant 0 : i32
    %dma_start3A_81 = tpu.memref_slice %arg5[%dma_start3A_74, %dma_start3A_80] : memref<40x128xi32, #tpu.memory_space<vmem>> -> memref<1x128xi32, #tpu.memory_space<vmem>>
    %dma_start3A_82 = tpu.memref_squeeze %dma_start3A_81 : memref<1x128xi32, #tpu.memory_space<vmem>> -> memref<128xi32, #tpu.memory_space<vmem>>
    %dma_start3A_83 = arith.constant 0 : i32
    %dma_start3A_84 = arith.constant 0 : i32
    %dma_start3A_85 = tpu.memref_slice %arg2[%dma_start3A_83, %dma_start3A_84] : memref<8192x208xbf16, #tpu.memory_space<hbm>> -> memref<8192x208xbf16, #tpu.memory_space<hbm>>
    tpu.enqueue_indirect_dma source(%dma_start3A_85 : memref<8192x208xbf16, #tpu.memory_space<hbm>>) target(%dma_start3A_79 : memref<128x208xbf16, #tpu.memory_space<vmem>>) offsets(%dma_start3A_82 : memref<128xi32, #tpu.memory_space<vmem>>) semaphore(%arg13 : memref<!tpu.dma_semaphore, #tpu.memory_space<semaphore_mem>>)
    %dma_wait3A = arith.constant 0 : i32
    %dma_wait3A_86 = arith.constant 0 : i32
    %dma_wait3A_87 = arith.constant 0 : i32
    %dma_wait3A_88 = arith.constant 0 : i32
    %dma_wait3A_89 = tpu.memref_slice %arg6[%dma_wait3A_86, %dma_wait3A_87, %dma_wait3A_88] : memref<7x128x208xbf16, #tpu.memory_space<vmem>> -> memref<1x128x208xbf16, #tpu.memory_space<vmem>>
    %dma_wait3A_90 = tpu.memref_squeeze %dma_wait3A_89 : memref<1x128x208xbf16, #tpu.memory_space<vmem>> -> memref<128x208xbf16, #tpu.memory_space<vmem>>
    %dma_wait3A_91 = arith.constant 0 : i32
    %dma_wait3A_92 = tpu.memref_slice %arg5[%dma_wait3A, %dma_wait3A_91] : memref<40x128xi32, #tpu.memory_space<vmem>> -> memref<1x128xi32, #tpu.memory_space<vmem>>
    %dma_wait3A_93 = tpu.memref_squeeze %dma_wait3A_92 : memref<1x128xi32, #tpu.memory_space<vmem>> -> memref<128xi32, #tpu.memory_space<vmem>>
    %dma_wait3A_94 = arith.constant 0 : i32
    %dma_wait3A_95 = arith.constant 0 : i32
    %dma_wait3A_96 = tpu.memref_slice %arg2[%dma_wait3A_94, %dma_wait3A_95] : memref<8192x208xbf16, #tpu.memory_space<hbm>> -> memref<8192x208xbf16, #tpu.memory_space<hbm>>
    tpu.wait_indirect_dma semaphore(%arg7 : memref<!tpu.dma_semaphore, #tpu.memory_space<semaphore_mem>>) src(%dma_wait3A_96 : memref<8192x208xbf16, #tpu.memory_space<hbm>>) dst(%dma_wait3A_90 : memref<128x208xbf16, #tpu.memory_space<vmem>>)
    %add3A_97 = arith.constant 0 : i32
    %add3A_98 = arith.addi %mul3A_2, %add3A_97 : i32
    %dma_start3A_99 = arith.constant 0 : i32
    %dma_start3A_100 = arith.constant 0 : i32
    %dma_start3A_101 = arith.constant 0 : i32
    %dma_start3A_102 = tpu.memref_slice %arg6[%dma_start3A_99, %dma_start3A_100, %dma_start3A_101] : memref<7x128x208xbf16, #tpu.memory_space<vmem>> -> memref<1x128x208xbf16, #tpu.memory_space<vmem>>
    %dma_start3A_103 = tpu.memref_squeeze %dma_start3A_102 : memref<1x128x208xbf16, #tpu.memory_space<vmem>> -> memref<128x208xbf16, #tpu.memory_space<vmem>>
    %dma_start3A_104 = arith.constant 0 : i32
    %dma_start3A_105 = tpu.memref_slice %arg4[%add3A_98, %dma_start3A_104] : memref<163840x208xbf16, #tpu.memory_space<hbm>> -> memref<128x208xbf16, #tpu.memory_space<hbm>>
    %dma_start3A_106 = arith.constant 0 : i32
    %dma_start3A_107 = tpu.memref_slice %arg4[%add3A_98, %dma_start3A_106] : memref<163840x208xbf16, #tpu.memory_space<hbm>> -> memref<128x208xbf16, #tpu.memory_space<hbm>>
    %dma_start3A_108 = arith.constant 0 : i32
    %dma_start3A_109 = arith.constant 0 : i32
    %dma_start3A_110 = tpu.memref_slice %arg6[%dma_start3A_99, %dma_start3A_108, %dma_start3A_109] : memref<7x128x208xbf16, #tpu.memory_space<vmem>> -> memref<1x128x208xbf16, #tpu.memory_space<vmem>>
    %dma_start3A_111 = tpu.memref_squeeze %dma_start3A_110 : memref<1x128x208xbf16, #tpu.memory_space<vmem>> -> memref<128x208xbf16, #tpu.memory_space<vmem>>
    tpu.enqueue_dma source(%dma_start3A_111 : memref<128x208xbf16, #tpu.memory_space<vmem>>) target(%dma_start3A_107 : memref<128x208xbf16, #tpu.memory_space<hbm>>) target_semaphore(%arg14 : memref<!tpu.dma_semaphore, #tpu.memory_space<semaphore_mem>>)
    %dma_wait3A_112 = arith.constant 0 : i32
    %dma_wait3A_113 = arith.constant 0 : i32
    %dma_wait3A_114 = arith.constant 0 : i32
    %dma_wait3A_115 = tpu.memref_slice %arg6[%dma_wait3A_112, %dma_wait3A_113, %dma_wait3A_114] : memref<7x128x208xbf16, #tpu.memory_space<vmem>> -> memref<1x128x208xbf16, #tpu.memory_space<vmem>>
    %dma_wait3A_116 = tpu.memref_squeeze %dma_wait3A_115 : memref<1x128x208xbf16, #tpu.memory_space<vmem>> -> memref<128x208xbf16, #tpu.memory_space<vmem>>
    %dma_wait3A_117 = arith.constant 0 : i32
    %dma_wait3A_118 = tpu.memref_slice %arg4[%add3A_98, %dma_wait3A_117] : memref<163840x208xbf16, #tpu.memory_space<hbm>> -> memref<128x208xbf16, #tpu.memory_space<hbm>>
    %dma_wait3A_119 = arith.constant 0 : i32
    %dma_wait3A_120 = tpu.memref_slice %arg4[%add3A_98, %dma_wait3A_119] : memref<163840x208xbf16, #tpu.memory_space<hbm>> -> memref<128x208xbf16, #tpu.memory_space<hbm>>
    %dma_wait3A_121 = arith.constant 0 : i32
    %dma_wait3A_122 = arith.constant 0 : i32
    %dma_wait3A_123 = tpu.memref_slice %arg6[%dma_wait3A_112, %dma_wait3A_121, %dma_wait3A_122] : memref<7x128x208xbf16, #tpu.memory_space<vmem>> -> memref<1x128x208xbf16, #tpu.memory_space<vmem>>
    %dma_wait3A_124 = tpu.memref_squeeze %dma_wait3A_123 : memref<1x128x208xbf16, #tpu.memory_space<vmem>> -> memref<128x208xbf16, #tpu.memory_space<vmem>>
    tpu.wait_dma2 semaphore(%arg14 : memref<!tpu.dma_semaphore, #tpu.memory_space<semaphore_mem>>) src(%dma_wait3A_124 : memref<128x208xbf16, #tpu.memory_space<vmem>>) dst(%dma_wait3A_120 : memref<128x208xbf16, #tpu.memory_space<hbm>>)
    %dma_start3A_125 = arith.constant 7 : i32
    %dma_start3A_126 = arith.constant 0 : i32
    %dma_start3A_127 = arith.constant 0 : i32
    %dma_start3A_128 = arith.constant 0 : i32
    %dma_start3A_129 = tpu.memref_slice %arg6[%dma_start3A_126, %dma_start3A_127, %dma_start3A_128] : memref<7x128x208xbf16, #tpu.memory_space<vmem>> -> memref<1x128x208xbf16, #tpu.memory_space<vmem>>
    %dma_start3A_130 = tpu.memref_squeeze %dma_start3A_129 : memref<1x128x208xbf16, #tpu.memory_space<vmem>> -> memref<128x208xbf16, #tpu.memory_space<vmem>>
    %dma_start3A_131 = arith.constant 0 : i32
    %dma_start3A_132 = tpu.memref_slice %arg5[%dma_start3A_125, %dma_start3A_131] : memref<40x128xi32, #tpu.memory_space<vmem>> -> memref<1x128xi32, #tpu.memory_space<vmem>>
    %dma_start3A_133 = tpu.memref_squeeze %dma_start3A_132 : memref<1x128xi32, #tpu.memory_space<vmem>> -> memref<128xi32, #tpu.memory_space<vmem>>
    %dma_start3A_134 = arith.constant 0 : i32
    %dma_start3A_135 = arith.constant 0 : i32
    %dma_start3A_136 = tpu.memref_slice %arg2[%dma_start3A_134, %dma_start3A_135] : memref<8192x208xbf16, #tpu.memory_space<hbm>> -> memref<8192x208xbf16, #tpu.memory_space<hbm>>
    tpu.enqueue_indirect_dma source(%dma_start3A_136 : memref<8192x208xbf16, #tpu.memory_space<hbm>>) target(%dma_start3A_130 : memref<128x208xbf16, #tpu.memory_space<vmem>>) offsets(%dma_start3A_133 : memref<128xi32, #tpu.memory_space<vmem>>) semaphore(%arg7 : memref<!tpu.dma_semaphore, #tpu.memory_space<semaphore_mem>>)
    %dma_wait3A_137 = arith.constant 1 : i32
    %dma_wait3A_138 = arith.constant 1 : i32
    %dma_wait3A_139 = arith.constant 0 : i32
    %dma_wait3A_140 = arith.constant 0 : i32
    %dma_wait3A_141 = tpu.memref_slice %arg6[%dma_wait3A_138, %dma_wait3A_139, %dma_wait3A_140] : memref<7x128x208xbf16, #tpu.memory_space<vmem>> -> memref<1x128x208xbf16, #tpu.memory_space<vmem>>
    %dma_wait3A_142 = tpu.memref_squeeze %dma_wait3A_141 : memref<1x128x208xbf16, #tpu.memory_space<vmem>> -> memref<128x208xbf16, #tpu.memory_space<vmem>>
    %dma_wait3A_143 = arith.constant 0 : i32
    %dma_wait3A_144 = tpu.memref_slice %arg5[%dma_wait3A_137, %dma_wait3A_143] : memref<40x128xi32, #tpu.memory_space<vmem>> -> memref<1x128xi32, #tpu.memory_space<vmem>>
    %dma_wait3A_145 = tpu.memref_squeeze %dma_wait3A_144 : memref<1x128xi32, #tpu.memory_space<vmem>> -> memref<128xi32, #tpu.memory_space<vmem>>
    %dma_wait3A_146 = arith.constant 0 : i32
    %dma_wait3A_147 = arith.constant 0 : i32
    %dma_wait3A_148 = tpu.memref_slice %arg2[%dma_wait3A_146, %dma_wait3A_147] : memref<8192x208xbf16, #tpu.memory_space<hbm>> -> memref<8192x208xbf16, #tpu.memory_space<hbm>>
    tpu.wait_indirect_dma semaphore(%arg8 : memref<!tpu.dma_semaphore, #tpu.memory_space<semaphore_mem>>) src(%dma_wait3A_148 : memref<8192x208xbf16, #tpu.memory_space<hbm>>) dst(%dma_wait3A_142 : memref<128x208xbf16, #tpu.memory_space<vmem>>)
    %add3A_149 = arith.constant 128 : i32
    %add3A_150 = arith.addi %mul3A_2, %add3A_149 : i32
    %dma_start3A_151 = arith.constant 1 : i32
    %dma_start3A_152 = arith.constant 0 : i32
    %dma_start3A_153 = arith.constant 0 : i32
    %dma_start3A_154 = tpu.memref_slice %arg6[%dma_start3A_151, %dma_start3A_152, %dma_start3A_153] : memref<7x128x208xbf16, #tpu.memory_space<vmem>> -> memref<1x128x208xbf16, #tpu.memory_space<vmem>>
    %dma_start3A_155 = tpu.memref_squeeze %dma_start3A_154 : memref<1x128x208xbf16, #tpu.memory_space<vmem>> -> memref<128x208xbf16, #tpu.memory_space<vmem>>
    %dma_start3A_156 = arith.constant 0 : i32
    %dma_start3A_157 = tpu.memref_slice %arg4[%add3A_150, %dma_start3A_156] : memref<163840x208xbf16, #tpu.memory_space<hbm>> -> memref<128x208xbf16, #tpu.memory_space<hbm>>
    %dma_start3A_158 = arith.constant 0 : i32
    %dma_start3A_159 = tpu.memref_slice %arg4[%add3A_150, %dma_start3A_158] : memref<163840x208xbf16, #tpu.memory_space<hbm>> -> memref<128x208xbf16, #tpu.memory_space<hbm>>
    %dma_start3A_160 = arith.constant 0 : i32
    %dma_start3A_161 = arith.constant 0 : i32
    %dma_start3A_162 = tpu.memref_slice %arg6[%dma_start3A_151, %dma_start3A_160, %dma_start3A_161] : memref<7x128x208xbf16, #tpu.memory_space<vmem>> -> memref<1x128x208xbf16, #tpu.memory_space<vmem>>
    %dma_start3A_163 = tpu.memref_squeeze %dma_start3A_162 : memref<1x128x208xbf16, #tpu.memory_space<vmem>> -> memref<128x208xbf16, #tpu.memory_space<vmem>>
    tpu.enqueue_dma source(%dma_start3A_163 : memref<128x208xbf16, #tpu.memory_space<vmem>>) target(%dma_start3A_159 : memref<128x208xbf16, #tpu.memory_space<hbm>>) target_semaphore(%arg15 : memref<!tpu.dma_semaphore, #tpu.memory_space<semaphore_mem>>)
    %dma_wait3A_164 = arith.constant 1 : i32
    %dma_wait3A_165 = arith.constant 0 : i32
    %dma_wait3A_166 = arith.constant 0 : i32
    %dma_wait3A_167 = tpu.memref_slice %arg6[%dma_wait3A_164, %dma_wait3A_165, %dma_wait3A_166] : memref<7x128x208xbf16, #tpu.memory_space<vmem>> -> memref<1x128x208xbf16, #tpu.memory_space<vmem>>
    %dma_wait3A_168 = tpu.memref_squeeze %dma_wait3A_167 : memref<1x128x208xbf16, #tpu.memory_space<vmem>> -> memref<128x208xbf16, #tpu.memory_space<vmem>>
    %dma_wait3A_169 = arith.constant 0 : i32
    %dma_wait3A_170 = tpu.memref_slice %arg4[%add3A_150, %dma_wait3A_169] : memref<163840x208xbf16, #tpu.memory_space<hbm>> -> memref<128x208xbf16, #tpu.memory_space<hbm>>
    %dma_wait3A_171 = arith.constant 0 : i32
    %dma_wait3A_172 = tpu.memref_slice %arg4[%add3A_150, %dma_wait3A_171] : memref<163840x208xbf16, #tpu.memory_space<hbm>> -> memref<128x208xbf16, #tpu.memory_space<hbm>>
    %dma_wait3A_173 = arith.constant 0 : i32
    %dma_wait3A_174 = arith.constant 0 : i32
    %dma_wait3A_175 = tpu.memref_slice %arg6[%dma_wait3A_164, %dma_wait3A_173, %dma_wait3A_174] : memref<7x128x208xbf16, #tpu.memory_space<vmem>> -> memref<1x128x208xbf16, #tpu.memory_space<vmem>>
    %dma_wait3A_176 = tpu.memref_squeeze %dma_wait3A_175 : memref<1x128x208xbf16, #tpu.memory_space<vmem>> -> memref<128x208xbf16, #tpu.memory_space<vmem>>
    tpu.wait_dma2 semaphore(%arg15 : memref<!tpu.dma_semaphore, #tpu.memory_space<semaphore_mem>>) src(%dma_wait3A_176 : memref<128x208xbf16, #tpu.memory_space<vmem>>) dst(%dma_wait3A_172 : memref<128x208xbf16, #tpu.memory_space<hbm>>)
    %dma_start3A_177 = arith.constant 8 : i32
    %dma_start3A_178 = arith.constant 1 : i32
    %dma_start3A_179 = arith.constant 0 : i32
    %dma_start3A_180 = arith.constant 0 : i32
    %dma_start3A_181 = tpu.memref_slice %arg6[%dma_start3A_178, %dma_start3A_179, %dma_start3A_180] : memref<7x128x208xbf16, #tpu.memory_space<vmem>> -> memref<1x128x208xbf16, #tpu.memory_space<vmem>>
    %dma_start3A_182 = tpu.memref_squeeze %dma_start3A_181 : memref<1x128x208xbf16, #tpu.memory_space<vmem>> -> memref<128x208xbf16, #tpu.memory_space<vmem>>
    %dma_start3A_183 = arith.constant 0 : i32
    %dma_start3A_184 = tpu.memref_slice %arg5[%dma_start3A_177, %dma_start3A_183] : memref<40x128xi32, #tpu.memory_space<vmem>> -> memref<1x128xi32, #tpu.memory_space<vmem>>
    %dma_start3A_185 = tpu.memref_squeeze %dma_start3A_184 : memref<1x128xi32, #tpu.memory_space<vmem>> -> memref<128xi32, #tpu.memory_space<vmem>>
    %dma_start3A_186 = arith.constant 0 : i32
    %dma_start3A_187 = arith.constant 0 : i32
    %dma_start3A_188 = tpu.memref_slice %arg2[%dma_start3A_186, %dma_start3A_187] : memref<8192x208xbf16, #tpu.memory_space<hbm>> -> memref<8192x208xbf16, #tpu.memory_space<hbm>>
    tpu.enqueue_indirect_dma source(%dma_start3A_188 : memref<8192x208xbf16, #tpu.memory_space<hbm>>) target(%dma_start3A_182 : memref<128x208xbf16, #tpu.memory_space<vmem>>) offsets(%dma_start3A_185 : memref<128xi32, #tpu.memory_space<vmem>>) semaphore(%arg8 : memref<!tpu.dma_semaphore, #tpu.memory_space<semaphore_mem>>)
    %dma_wait3A_189 = arith.constant 2 : i32
    %dma_wait3A_190 = arith.constant 2 : i32
    %dma_wait3A_191 = arith.constant 0 : i32
    %dma_wait3A_192 = arith.constant 0 : i32
    %dma_wait3A_193 = tpu.memref_slice %arg6[%dma_wait3A_190, %dma_wait3A_191, %dma_wait3A_192] : memref<7x128x208xbf16, #tpu.memory_space<vmem>> -> memref<1x128x208xbf16, #tpu.memory_space<vmem>>
    %dma_wait3A_194 = tpu.memref_squeeze %dma_wait3A_193 : memref<1x128x208xbf16, #tpu.memory_space<vmem>> -> memref<128x208xbf16, #tpu.memory_space<vmem>>
    %dma_wait3A_195 = arith.constant 0 : i32
    %dma_wait3A_196 = tpu.memref_slice %arg5[%dma_wait3A_189, %dma_wait3A_195] : memref<40x128xi32, #tpu.memory_space<vmem>> -> memref<1x128xi32, #tpu.memory_space<vmem>>
    %dma_wait3A_197 = tpu.memref_squeeze %dma_wait3A_196 : memref<1x128xi32, #tpu.memory_space<vmem>> -> memref<128xi32, #tpu.memory_space<vmem>>
    %dma_wait3A_198 = arith.constant 0 : i32
    %dma_wait3A_199 = arith.constant 0 : i32
    %dma_wait3A_200 = tpu.memref_slice %arg2[%dma_wait3A_198, %dma_wait3A_199] : memref<8192x208xbf16, #tpu.memory_space<hbm>> -> memref<8192x208xbf16, #tpu.memory_space<hbm>>
    tpu.wait_indirect_dma semaphore(%arg9 : memref<!tpu.dma_semaphore, #tpu.memory_space<semaphore_mem>>) src(%dma_wait3A_200 : memref<8192x208xbf16, #tpu.memory_space<hbm>>) dst(%dma_wait3A_194 : memref<128x208xbf16, #tpu.memory_space<vmem>>)
    %add3A_201 = arith.constant 256 : i32
    %add3A_202 = arith.addi %mul3A_2, %add3A_201 : i32
    %dma_start3A_203 = arith.constant 2 : i32
    %dma_start3A_204 = arith.constant 0 : i32
    %dma_start3A_205 = arith.constant 0 : i32
    %dma_start3A_206 = tpu.memref_slice %arg6[%dma_start3A_203, %dma_start3A_204, %dma_start3A_205] : memref<7x128x208xbf16, #tpu.memory_space<vmem>> -> memref<1x128x208xbf16, #tpu.memory_space<vmem>>
    %dma_start3A_207 = tpu.memref_squeeze %dma_start3A_206 : memref<1x128x208xbf16, #tpu.memory_space<vmem>> -> memref<128x208xbf16, #tpu.memory_space<vmem>>
    %dma_start3A_208 = arith.constant 0 : i32
    %dma_start3A_209 = tpu.memref_slice %arg4[%add3A_202, %dma_start3A_208] : memref<163840x208xbf16, #tpu.memory_space<hbm>> -> memref<128x208xbf16, #tpu.memory_space<hbm>>
    %dma_start3A_210 = arith.constant 0 : i32
    %dma_start3A_211 = tpu.memref_slice %arg4[%add3A_202, %dma_start3A_210] : memref<163840x208xbf16, #tpu.memory_space<hbm>> -> memref<128x208xbf16, #tpu.memory_space<hbm>>
    %dma_start3A_212 = arith.constant 0 : i32
    %dma_start3A_213 = arith.constant 0 : i32
    %dma_start3A_214 = tpu.memref_slice %arg6[%dma_start3A_203, %dma_start3A_212, %dma_start3A_213] : memref<7x128x208xbf16, #tpu.memory_space<vmem>> -> memref<1x128x208xbf16, #tpu.memory_space<vmem>>
    %dma_start3A_215 = tpu.memref_squeeze %dma_start3A_214 : memref<1x128x208xbf16, #tpu.memory_space<vmem>> -> memref<128x208xbf16, #tpu.memory_space<vmem>>
    tpu.enqueue_dma source(%dma_start3A_215 : memref<128x208xbf16, #tpu.memory_space<vmem>>) target(%dma_start3A_211 : memref<128x208xbf16, #tpu.memory_space<hbm>>) target_semaphore(%arg16 : memref<!tpu.dma_semaphore, #tpu.memory_space<semaphore_mem>>)
    %dma_wait3A_216 = arith.constant 2 : i32
    %dma_wait3A_217 = arith.constant 0 : i32
    %dma_wait3A_218 = arith.constant 0 : i32
    %dma_wait3A_219 = tpu.memref_slice %arg6[%dma_wait3A_216, %dma_wait3A_217, %dma_wait3A_218] : memref<7x128x208xbf16, #tpu.memory_space<vmem>> -> memref<1x128x208xbf16, #tpu.memory_space<vmem>>
    %dma_wait3A_220 = tpu.memref_squeeze %dma_wait3A_219 : memref<1x128x208xbf16, #tpu.memory_space<vmem>> -> memref<128x208xbf16, #tpu.memory_space<vmem>>
    %dma_wait3A_221 = arith.constant 0 : i32
    %dma_wait3A_222 = tpu.memref_slice %arg4[%add3A_202, %dma_wait3A_221] : memref<163840x208xbf16, #tpu.memory_space<hbm>> -> memref<128x208xbf16, #tpu.memory_space<hbm>>
    %dma_wait3A_223 = arith.constant 0 : i32
    %dma_wait3A_224 = tpu.memref_slice %arg4[%add3A_202, %dma_wait3A_223] : memref<163840x208xbf16, #tpu.memory_space<hbm>> -> memref<128x208xbf16, #tpu.memory_space<hbm>>
    %dma_wait3A_225 = arith.constant 0 : i32
    %dma_wait3A_226 = arith.constant 0 : i32
    %dma_wait3A_227 = tpu.memref_slice %arg6[%dma_wait3A_216, %dma_wait3A_225, %dma_wait3A_226] : memref<7x128x208xbf16, #tpu.memory_space<vmem>> -> memref<1x128x208xbf16, #tpu.memory_space<vmem>>
    %dma_wait3A_228 = tpu.memref_squeeze %dma_wait3A_227 : memref<1x128x208xbf16, #tpu.memory_space<vmem>> -> memref<128x208xbf16, #tpu.memory_space<vmem>>
    tpu.wait_dma2 semaphore(%arg16 : memref<!tpu.dma_semaphore, #tpu.memory_space<semaphore_mem>>) src(%dma_wait3A_228 : memref<128x208xbf16, #tpu.memory_space<vmem>>) dst(%dma_wait3A_224 : memref<128x208xbf16, #tpu.memory_space<hbm>>)
    %dma_start3A_229 = arith.constant 9 : i32
    %dma_start3A_230 = arith.constant 2 : i32
    %dma_start3A_231 = arith.constant 0 : i32
    %dma_start3A_232 = arith.constant 0 : i32
    %dma_start3A_233 = tpu.memref_slice %arg6[%dma_start3A_230, %dma_start3A_231, %dma_start3A_232] : memref<7x128x208xbf16, #tpu.memory_space<vmem>> -> memref<1x128x208xbf16, #tpu.memory_space<vmem>>
    %dma_start3A_234 = tpu.memref_squeeze %dma_start3A_233 : memref<1x128x208xbf16, #tpu.memory_space<vmem>> -> memref<128x208xbf16, #tpu.memory_space<vmem>>
    %dma_start3A_235 = arith.constant 0 : i32
    %dma_start3A_236 = tpu.memref_slice %arg5[%dma_start3A_229, %dma_start3A_235] : memref<40x128xi32, #tpu.memory_space<vmem>> -> memref<1x128xi32, #tpu.memory_space<vmem>>
    %dma_start3A_237 = tpu.memref_squeeze %dma_start3A_236 : memref<1x128xi32, #tpu.memory_space<vmem>> -> memref<128xi32, #tpu.memory_space<vmem>>
    %dma_start3A_238 = arith.constant 0 : i32
    %dma_start3A_239 = arith.constant 0 : i32
    %dma_start3A_240 = tpu.memref_slice %arg2[%dma_start3A_238, %dma_start3A_239] : memref<8192x208xbf16, #tpu.memory_space<hbm>> -> memref<8192x208xbf16, #tpu.memory_space<hbm>>
    tpu.enqueue_indirect_dma source(%dma_start3A_240 : memref<8192x208xbf16, #tpu.memory_space<hbm>>) target(%dma_start3A_234 : memref<128x208xbf16, #tpu.memory_space<vmem>>) offsets(%dma_start3A_237 : memref<128xi32, #tpu.memory_space<vmem>>) semaphore(%arg9 : memref<!tpu.dma_semaphore, #tpu.memory_space<semaphore_mem>>)
    %dma_wait3A_241 = arith.constant 3 : i32
    %dma_wait3A_242 = arith.constant 3 : i32
    %dma_wait3A_243 = arith.constant 0 : i32
    %dma_wait3A_244 = arith.constant 0 : i32
    %dma_wait3A_245 = tpu.memref_slice %arg6[%dma_wait3A_242, %dma_wait3A_243, %dma_wait3A_244] : memref<7x128x208xbf16, #tpu.memory_space<vmem>> -> memref<1x128x208xbf16, #tpu.memory_space<vmem>>
    %dma_wait3A_246 = tpu.memref_squeeze %dma_wait3A_245 : memref<1x128x208xbf16, #tpu.memory_space<vmem>> -> memref<128x208xbf16, #tpu.memory_space<vmem>>
    %dma_wait3A_247 = arith.constant 0 : i32
    %dma_wait3A_248 = tpu.memref_slice %arg5[%dma_wait3A_241, %dma_wait3A_247] : memref<40x128xi32, #tpu.memory_space<vmem>> -> memref<1x128xi32, #tpu.memory_space<vmem>>
    %dma_wait3A_249 = tpu.memref_squeeze %dma_wait3A_248 : memref<1x128xi32, #tpu.memory_space<vmem>> -> memref<128xi32, #tpu.memory_space<vmem>>
    %dma_wait3A_250 = arith.constant 0 : i32
    %dma_wait3A_251 = arith.constant 0 : i32
    %dma_wait3A_252 = tpu.memref_slice %arg2[%dma_wait3A_250, %dma_wait3A_251] : memref<8192x208xbf16, #tpu.memory_space<hbm>> -> memref<8192x208xbf16, #tpu.memory_space<hbm>>
    tpu.wait_indirect_dma semaphore(%arg10 : memref<!tpu.dma_semaphore, #tpu.memory_space<semaphore_mem>>) src(%dma_wait3A_252 : memref<8192x208xbf16, #tpu.memory_space<hbm>>) dst(%dma_wait3A_246 : memref<128x208xbf16, #tpu.memory_space<vmem>>)
    %add3A_253 = arith.constant 384 : i32
    %add3A_254 = arith.addi %mul3A_2, %add3A_253 : i32
    %dma_start3A_255 = arith.constant 3 : i32
    %dma_start3A_256 = arith.constant 0 : i32
    %dma_start3A_257 = arith.constant 0 : i32
    %dma_start3A_258 = tpu.memref_slice %arg6[%dma_start3A_255, %dma_start3A_256, %dma_start3A_257] : memref<7x128x208xbf16, #tpu.memory_space<vmem>> -> memref<1x128x208xbf16, #tpu.memory_space<vmem>>
    %dma_start3A_259 = tpu.memref_squeeze %dma_start3A_258 : memref<1x128x208xbf16, #tpu.memory_space<vmem>> -> memref<128x208xbf16, #tpu.memory_space<vmem>>
    %dma_start3A_260 = arith.constant 0 : i32
    %dma_start3A_261 = tpu.memref_slice %arg4[%add3A_254, %dma_start3A_260] : memref<163840x208xbf16, #tpu.memory_space<hbm>> -> memref<128x208xbf16, #tpu.memory_space<hbm>>
    %dma_start3A_262 = arith.constant 0 : i32
    %dma_start3A_263 = tpu.memref_slice %arg4[%add3A_254, %dma_start3A_262] : memref<163840x208xbf16, #tpu.memory_space<hbm>> -> memref<128x208xbf16, #tpu.memory_space<hbm>>
    %dma_start3A_264 = arith.constant 0 : i32
    %dma_start3A_265 = arith.constant 0 : i32
    %dma_start3A_266 = tpu.memref_slice %arg6[%dma_start3A_255, %dma_start3A_264, %dma_start3A_265] : memref<7x128x208xbf16, #tpu.memory_space<vmem>> -> memref<1x128x208xbf16, #tpu.memory_space<vmem>>
    %dma_start3A_267 = tpu.memref_squeeze %dma_start3A_266 : memref<1x128x208xbf16, #tpu.memory_space<vmem>> -> memref<128x208xbf16, #tpu.memory_space<vmem>>
    tpu.enqueue_dma source(%dma_start3A_267 : memref<128x208xbf16, #tpu.memory_space<vmem>>) target(%dma_start3A_263 : memref<128x208xbf16, #tpu.memory_space<hbm>>) target_semaphore(%arg17 : memref<!tpu.dma_semaphore, #tpu.memory_space<semaphore_mem>>)
    %dma_wait3A_268 = arith.constant 3 : i32
    %dma_wait3A_269 = arith.constant 0 : i32
    %dma_wait3A_270 = arith.constant 0 : i32
    %dma_wait3A_271 = tpu.memref_slice %arg6[%dma_wait3A_268, %dma_wait3A_269, %dma_wait3A_270] : memref<7x128x208xbf16, #tpu.memory_space<vmem>> -> memref<1x128x208xbf16, #tpu.memory_space<vmem>>
    %dma_wait3A_272 = tpu.memref_squeeze %dma_wait3A_271 : memref<1x128x208xbf16, #tpu.memory_space<vmem>> -> memref<128x208xbf16, #tpu.memory_space<vmem>>
    %dma_wait3A_273 = arith.constant 0 : i32
    %dma_wait3A_274 = tpu.memref_slice %arg4[%add3A_254, %dma_wait3A_273] : memref<163840x208xbf16, #tpu.memory_space<hbm>> -> memref<128x208xbf16, #tpu.memory_space<hbm>>
    %dma_wait3A_275 = arith.constant 0 : i32
    %dma_wait3A_276 = tpu.memref_slice %arg4[%add3A_254, %dma_wait3A_275] : memref<163840x208xbf16, #tpu.memory_space<hbm>> -> memref<128x208xbf16, #tpu.memory_space<hbm>>
    %dma_wait3A_277 = arith.constant 0 : i32
    %dma_wait3A_278 = arith.constant 0 : i32
    %dma_wait3A_279 = tpu.memref_slice %arg6[%dma_wait3A_268, %dma_wait3A_277, %dma_wait3A_278] : memref<7x128x208xbf16, #tpu.memory_space<vmem>> -> memref<1x128x208xbf16, #tpu.memory_space<vmem>>
    %dma_wait3A_280 = tpu.memref_squeeze %dma_wait3A_279 : memref<1x128x208xbf16, #tpu.memory_space<vmem>> -> memref<128x208xbf16, #tpu.memory_space<vmem>>
    tpu.wait_dma2 semaphore(%arg17 : memref<!tpu.dma_semaphore, #tpu.memory_space<semaphore_mem>>) src(%dma_wait3A_280 : memref<128x208xbf16, #tpu.memory_space<vmem>>) dst(%dma_wait3A_276 : memref<128x208xbf16, #tpu.memory_space<hbm>>)
    %dma_start3A_281 = arith.constant 10 : i32
    %dma_start3A_282 = arith.constant 3 : i32
    %dma_start3A_283 = arith.constant 0 : i32
    %dma_start3A_284 = arith.constant 0 : i32
    %dma_start3A_285 = tpu.memref_slice %arg6[%dma_start3A_282, %dma_start3A_283, %dma_start3A_284] : memref<7x128x208xbf16, #tpu.memory_space<vmem>> -> memref<1x128x208xbf16, #tpu.memory_space<vmem>>
    %dma_start3A_286 = tpu.memref_squeeze %dma_start3A_285 : memref<1x128x208xbf16, #tpu.memory_space<vmem>> -> memref<128x208xbf16, #tpu.memory_space<vmem>>
    %dma_start3A_287 = arith.constant 0 : i32
    %dma_start3A_288 = tpu.memref_slice %arg5[%dma_start3A_281, %dma_start3A_287] : memref<40x128xi32, #tpu.memory_space<vmem>> -> memref<1x128xi32, #tpu.memory_space<vmem>>
    %dma_start3A_289 = tpu.memref_squeeze %dma_start3A_288 : memref<1x128xi32, #tpu.memory_space<vmem>> -> memref<128xi32, #tpu.memory_space<vmem>>
    %dma_start3A_290 = arith.constant 0 : i32
    %dma_start3A_291 = arith.constant 0 : i32
    %dma_start3A_292 = tpu.memref_slice %arg2[%dma_start3A_290, %dma_start3A_291] : memref<8192x208xbf16, #tpu.memory_space<hbm>> -> memref<8192x208xbf16, #tpu.memory_space<hbm>>
    tpu.enqueue_indirect_dma source(%dma_start3A_292 : memref<8192x208xbf16, #tpu.memory_space<hbm>>) target(%dma_start3A_286 : memref<128x208xbf16, #tpu.memory_space<vmem>>) offsets(%dma_start3A_289 : memref<128xi32, #tpu.memory_space<vmem>>) semaphore(%arg10 : memref<!tpu.dma_semaphore, #tpu.memory_space<semaphore_mem>>)
    %dma_wait3A_293 = arith.constant 4 : i32
    %dma_wait3A_294 = arith.constant 4 : i32
    %dma_wait3A_295 = arith.constant 0 : i32
    %dma_wait3A_296 = arith.constant 0 : i32
    %dma_wait3A_297 = tpu.memref_slice %arg6[%dma_wait3A_294, %dma_wait3A_295, %dma_wait3A_296] : memref<7x128x208xbf16, #tpu.memory_space<vmem>> -> memref<1x128x208xbf16, #tpu.memory_space<vmem>>
    %dma_wait3A_298 = tpu.memref_squeeze %dma_wait3A_297 : memref<1x128x208xbf16, #tpu.memory_space<vmem>> -> memref<128x208xbf16, #tpu.memory_space<vmem>>
    %dma_wait3A_299 = arith.constant 0 : i32
    %dma_wait3A_300 = tpu.memref_slice %arg5[%dma_wait3A_293, %dma_wait3A_299] : memref<40x128xi32, #tpu.memory_space<vmem>> -> memref<1x128xi32, #tpu.memory_space<vmem>>
    %dma_wait3A_301 = tpu.memref_squeeze %dma_wait3A_300 : memref<1x128xi32, #tpu.memory_space<vmem>> -> memref<128xi32, #tpu.memory_space<vmem>>
    %dma_wait3A_302 = arith.constant 0 : i32
    %dma_wait3A_303 = arith.constant 0 : i32
    %dma_wait3A_304 = tpu.memref_slice %arg2[%dma_wait3A_302, %dma_wait3A_303] : memref<8192x208xbf16, #tpu.memory_space<hbm>> -> memref<8192x208xbf16, #tpu.memory_space<hbm>>
    tpu.wait_indirect_dma semaphore(%arg11 : memref<!tpu.dma_semaphore, #tpu.memory_space<semaphore_mem>>) src(%dma_wait3A_304 : memref<8192x208xbf16, #tpu.memory_space<hbm>>) dst(%dma_wait3A_298 : memref<128x208xbf16, #tpu.memory_space<vmem>>)
    %add3A_305 = arith.constant 512 : i32
    %add3A_306 = arith.addi %mul3A_2, %add3A_305 : i32
    %dma_start3A_307 = arith.constant 4 : i32
    %dma_start3A_308 = arith.constant 0 : i32
    %dma_start3A_309 = arith.constant 0 : i32
    %dma_start3A_310 = tpu.memref_slice %arg6[%dma_start3A_307, %dma_start3A_308, %dma_start3A_309] : memref<7x128x208xbf16, #tpu.memory_space<vmem>> -> memref<1x128x208xbf16, #tpu.memory_space<vmem>>
    %dma_start3A_311 = tpu.memref_squeeze %dma_start3A_310 : memref<1x128x208xbf16, #tpu.memory_space<vmem>> -> memref<128x208xbf16, #tpu.memory_space<vmem>>
    %dma_start3A_312 = arith.constant 0 : i32
    %dma_start3A_313 = tpu.memref_slice %arg4[%add3A_306, %dma_start3A_312] : memref<163840x208xbf16, #tpu.memory_space<hbm>> -> memref<128x208xbf16, #tpu.memory_space<hbm>>
    %dma_start3A_314 = arith.constant 0 : i32
    %dma_start3A_315 = tpu.memref_slice %arg4[%add3A_306, %dma_start3A_314] : memref<163840x208xbf16, #tpu.memory_space<hbm>> -> memref<128x208xbf16, #tpu.memory_space<hbm>>
    %dma_start3A_316 = arith.constant 0 : i32
    %dma_start3A_317 = arith.constant 0 : i32
    %dma_start3A_318 = tpu.memref_slice %arg6[%dma_start3A_307, %dma_start3A_316, %dma_start3A_317] : memref<7x128x208xbf16, #tpu.memory_space<vmem>> -> memref<1x128x208xbf16, #tpu.memory_space<vmem>>
    %dma_start3A_319 = tpu.memref_squeeze %dma_start3A_318 : memref<1x128x208xbf16, #tpu.memory_space<vmem>> -> memref<128x208xbf16, #tpu.memory_space<vmem>>
    tpu.enqueue_dma source(%dma_start3A_319 : memref<128x208xbf16, #tpu.memory_space<vmem>>) target(%dma_start3A_315 : memref<128x208xbf16, #tpu.memory_space<hbm>>) target_semaphore(%arg18 : memref<!tpu.dma_semaphore, #tpu.memory_space<semaphore_mem>>)
    %dma_wait3A_320 = arith.constant 4 : i32
    %dma_wait3A_321 = arith.constant 0 : i32
    %dma_wait3A_322 = arith.constant 0 : i32
    %dma_wait3A_323 = tpu.memref_slice %arg6[%dma_wait3A_320, %dma_wait3A_321, %dma_wait3A_322] : memref<7x128x208xbf16, #tpu.memory_space<vmem>> -> memref<1x128x208xbf16, #tpu.memory_space<vmem>>
    %dma_wait3A_324 = tpu.memref_squeeze %dma_wait3A_323 : memref<1x128x208xbf16, #tpu.memory_space<vmem>> -> memref<128x208xbf16, #tpu.memory_space<vmem>>
    %dma_wait3A_325 = arith.constant 0 : i32
    %dma_wait3A_326 = tpu.memref_slice %arg4[%add3A_306, %dma_wait3A_325] : memref<163840x208xbf16, #tpu.memory_space<hbm>> -> memref<128x208xbf16, #tpu.memory_space<hbm>>
    %dma_wait3A_327 = arith.constant 0 : i32
    %dma_wait3A_328 = tpu.memref_slice %arg4[%add3A_306, %dma_wait3A_327] : memref<163840x208xbf16, #tpu.memory_space<hbm>> -> memref<128x208xbf16, #tpu.memory_space<hbm>>
    %dma_wait3A_329 = arith.constant 0 : i32
    %dma_wait3A_330 = arith.constant 0 : i32
    %dma_wait3A_331 = tpu.memref_slice %arg6[%dma_wait3A_320, %dma_wait3A_329, %dma_wait3A_330] : memref<7x128x208xbf16, #tpu.memory_space<vmem>> -> memref<1x128x208xbf16, #tpu.memory_space<vmem>>
    %dma_wait3A_332 = tpu.memref_squeeze %dma_wait3A_331 : memref<1x128x208xbf16, #tpu.memory_space<vmem>> -> memref<128x208xbf16, #tpu.memory_space<vmem>>
    tpu.wait_dma2 semaphore(%arg18 : memref<!tpu.dma_semaphore, #tpu.memory_space<semaphore_mem>>) src(%dma_wait3A_332 : memref<128x208xbf16, #tpu.memory_space<vmem>>) dst(%dma_wait3A_328 : memref<128x208xbf16, #tpu.memory_space<hbm>>)
    %dma_start3A_333 = arith.constant 11 : i32
    %dma_start3A_334 = arith.constant 4 : i32
    %dma_start3A_335 = arith.constant 0 : i32
    %dma_start3A_336 = arith.constant 0 : i32
    %dma_start3A_337 = tpu.memref_slice %arg6[%dma_start3A_334, %dma_start3A_335, %dma_start3A_336] : memref<7x128x208xbf16, #tpu.memory_space<vmem>> -> memref<1x128x208xbf16, #tpu.memory_space<vmem>>
    %dma_start3A_338 = tpu.memref_squeeze %dma_start3A_337 : memref<1x128x208xbf16, #tpu.memory_space<vmem>> -> memref<128x208xbf16, #tpu.memory_space<vmem>>
    %dma_start3A_339 = arith.constant 0 : i32
    %dma_start3A_340 = tpu.memref_slice %arg5[%dma_start3A_333, %dma_start3A_339] : memref<40x128xi32, #tpu.memory_space<vmem>> -> memref<1x128xi32, #tpu.memory_space<vmem>>
    %dma_start3A_341 = tpu.memref_squeeze %dma_start3A_340 : memref<1x128xi32, #tpu.memory_space<vmem>> -> memref<128xi32, #tpu.memory_space<vmem>>
    %dma_start3A_342 = arith.constant 0 : i32
    %dma_start3A_343 = arith.constant 0 : i32
    %dma_start3A_344 = tpu.memref_slice %arg2[%dma_start3A_342, %dma_start3A_343] : memref<8192x208xbf16, #tpu.memory_space<hbm>> -> memref<8192x208xbf16, #tpu.memory_space<hbm>>
    tpu.enqueue_indirect_dma source(%dma_start3A_344 : memref<8192x208xbf16, #tpu.memory_space<hbm>>) target(%dma_start3A_338 : memref<128x208xbf16, #tpu.memory_space<vmem>>) offsets(%dma_start3A_341 : memref<128xi32, #tpu.memory_space<vmem>>) semaphore(%arg11 : memref<!tpu.dma_semaphore, #tpu.memory_space<semaphore_mem>>)
    %dma_wait3A_345 = arith.constant 5 : i32
    %dma_wait3A_346 = arith.constant 5 : i32
    %dma_wait3A_347 = arith.constant 0 : i32
    %dma_wait3A_348 = arith.constant 0 : i32
    %dma_wait3A_349 = tpu.memref_slice %arg6[%dma_wait3A_346, %dma_wait3A_347, %dma_wait3A_348] : memref<7x128x208xbf16, #tpu.memory_space<vmem>> -> memref<1x128x208xbf16, #tpu.memory_space<vmem>>
    %dma_wait3A_350 = tpu.memref_squeeze %dma_wait3A_349 : memref<1x128x208xbf16, #tpu.memory_space<vmem>> -> memref<128x208xbf16, #tpu.memory_space<vmem>>
    %dma_wait3A_351 = arith.constant 0 : i32
    %dma_wait3A_352 = tpu.memref_slice %arg5[%dma_wait3A_345, %dma_wait3A_351] : memref<40x128xi32, #tpu.memory_space<vmem>> -> memref<1x128xi32, #tpu.memory_space<vmem>>
    %dma_wait3A_353 = tpu.memref_squeeze %dma_wait3A_352 : memref<1x128xi32, #tpu.memory_space<vmem>> -> memref<128xi32, #tpu.memory_space<vmem>>
    %dma_wait3A_354 = arith.constant 0 : i32
    %dma_wait3A_355 = arith.constant 0 : i32
    %dma_wait3A_356 = tpu.memref_slice %arg2[%dma_wait3A_354, %dma_wait3A_355] : memref<8192x208xbf16, #tpu.memory_space<hbm>> -> memref<8192x208xbf16, #tpu.memory_space<hbm>>
    tpu.wait_indirect_dma semaphore(%arg12 : memref<!tpu.dma_semaphore, #tpu.memory_space<semaphore_mem>>) src(%dma_wait3A_356 : memref<8192x208xbf16, #tpu.memory_space<hbm>>) dst(%dma_wait3A_350 : memref<128x208xbf16, #tpu.memory_space<vmem>>)
    %add3A_357 = arith.constant 640 : i32
    %add3A_358 = arith.addi %mul3A_2, %add3A_357 : i32
    %dma_start3A_359 = arith.constant 5 : i32
    %dma_start3A_360 = arith.constant 0 : i32
    %dma_start3A_361 = arith.constant 0 : i32
    %dma_start3A_362 = tpu.memref_slice %arg6[%dma_start3A_359, %dma_start3A_360, %dma_start3A_361] : memref<7x128x208xbf16, #tpu.memory_space<vmem>> -> memref<1x128x208xbf16, #tpu.memory_space<vmem>>
    %dma_start3A_363 = tpu.memref_squeeze %dma_start3A_362 : memref<1x128x208xbf16, #tpu.memory_space<vmem>> -> memref<128x208xbf16, #tpu.memory_space<vmem>>
    %dma_start3A_364 = arith.constant 0 : i32
    %dma_start3A_365 = tpu.memref_slice %arg4[%add3A_358, %dma_start3A_364] : memref<163840x208xbf16, #tpu.memory_space<hbm>> -> memref<128x208xbf16, #tpu.memory_space<hbm>>
    %dma_start3A_366 = arith.constant 0 : i32
    %dma_start3A_367 = tpu.memref_slice %arg4[%add3A_358, %dma_start3A_366] : memref<163840x208xbf16, #tpu.memory_space<hbm>> -> memref<128x208xbf16, #tpu.memory_space<hbm>>
    %dma_start3A_368 = arith.constant 0 : i32
    %dma_start3A_369 = arith.constant 0 : i32
    %dma_start3A_370 = tpu.memref_slice %arg6[%dma_start3A_359, %dma_start3A_368, %dma_start3A_369] : memref<7x128x208xbf16, #tpu.memory_space<vmem>> -> memref<1x128x208xbf16, #tpu.memory_space<vmem>>
    %dma_start3A_371 = tpu.memref_squeeze %dma_start3A_370 : memref<1x128x208xbf16, #tpu.memory_space<vmem>> -> memref<128x208xbf16, #tpu.memory_space<vmem>>
    tpu.enqueue_dma source(%dma_start3A_371 : memref<128x208xbf16, #tpu.memory_space<vmem>>) target(%dma_start3A_367 : memref<128x208xbf16, #tpu.memory_space<hbm>>) target_semaphore(%arg19 : memref<!tpu.dma_semaphore, #tpu.memory_space<semaphore_mem>>)
    %dma_wait3A_372 = arith.constant 5 : i32
    %dma_wait3A_373 = arith.constant 0 : i32
    %dma_wait3A_374 = arith.constant 0 : i32
    %dma_wait3A_375 = tpu.memref_slice %arg6[%dma_wait3A_372, %dma_wait3A_373, %dma_wait3A_374] : memref<7x128x208xbf16, #tpu.memory_space<vmem>> -> memref<1x128x208xbf16, #tpu.memory_space<vmem>>
    %dma_wait3A_376 = tpu.memref_squeeze %dma_wait3A_375 : memref<1x128x208xbf16, #tpu.memory_space<vmem>> -> memref<128x208xbf16, #tpu.memory_space<vmem>>
    %dma_wait3A_377 = arith.constant 0 : i32
    %dma_wait3A_378 = tpu.memref_slice %arg4[%add3A_358, %dma_wait3A_377] : memref<163840x208xbf16, #tpu.memory_space<hbm>> -> memref<128x208xbf16, #tpu.memory_space<hbm>>
    %dma_wait3A_379 = arith.constant 0 : i32
    %dma_wait3A_380 = tpu.memref_slice %arg4[%add3A_358, %dma_wait3A_379] : memref<163840x208xbf16, #tpu.memory_space<hbm>> -> memref<128x208xbf16, #tpu.memory_space<hbm>>
    %dma_wait3A_381 = arith.constant 0 : i32
    %dma_wait3A_382 = arith.constant 0 : i32
    %dma_wait3A_383 = tpu.memref_slice %arg6[%dma_wait3A_372, %dma_wait3A_381, %dma_wait3A_382] : memref<7x128x208xbf16, #tpu.memory_space<vmem>> -> memref<1x128x208xbf16, #tpu.memory_space<vmem>>
    %dma_wait3A_384 = tpu.memref_squeeze %dma_wait3A_383 : memref<1x128x208xbf16, #tpu.memory_space<vmem>> -> memref<128x208xbf16, #tpu.memory_space<vmem>>
    tpu.wait_dma2 semaphore(%arg19 : memref<!tpu.dma_semaphore, #tpu.memory_space<semaphore_mem>>) src(%dma_wait3A_384 : memref<128x208xbf16, #tpu.memory_space<vmem>>) dst(%dma_wait3A_380 : memref<128x208xbf16, #tpu.memory_space<hbm>>)
    %dma_start3A_385 = arith.constant 12 : i32
    %dma_start3A_386 = arith.constant 5 : i32
    %dma_start3A_387 = arith.constant 0 : i32
    %dma_start3A_388 = arith.constant 0 : i32
    %dma_start3A_389 = tpu.memref_slice %arg6[%dma_start3A_386, %dma_start3A_387, %dma_start3A_388] : memref<7x128x208xbf16, #tpu.memory_space<vmem>> -> memref<1x128x208xbf16, #tpu.memory_space<vmem>>
    %dma_start3A_390 = tpu.memref_squeeze %dma_start3A_389 : memref<1x128x208xbf16, #tpu.memory_space<vmem>> -> memref<128x208xbf16, #tpu.memory_space<vmem>>
    %dma_start3A_391 = arith.constant 0 : i32
    %dma_start3A_392 = tpu.memref_slice %arg5[%dma_start3A_385, %dma_start3A_391] : memref<40x128xi32, #tpu.memory_space<vmem>> -> memref<1x128xi32, #tpu.memory_space<vmem>>
    %dma_start3A_393 = tpu.memref_squeeze %dma_start3A_392 : memref<1x128xi32, #tpu.memory_space<vmem>> -> memref<128xi32, #tpu.memory_space<vmem>>
    %dma_start3A_394 = arith.constant 0 : i32
    %dma_start3A_395 = arith.constant 0 : i32
    %dma_start3A_396 = tpu.memref_slice %arg2[%dma_start3A_394, %dma_start3A_395] : memref<8192x208xbf16, #tpu.memory_space<hbm>> -> memref<8192x208xbf16, #tpu.memory_space<hbm>>
    tpu.enqueue_indirect_dma source(%dma_start3A_396 : memref<8192x208xbf16, #tpu.memory_space<hbm>>) target(%dma_start3A_390 : memref<128x208xbf16, #tpu.memory_space<vmem>>) offsets(%dma_start3A_393 : memref<128xi32, #tpu.memory_space<vmem>>) semaphore(%arg12 : memref<!tpu.dma_semaphore, #tpu.memory_space<semaphore_mem>>)
    %dma_wait3A_397 = arith.constant 6 : i32
    %dma_wait3A_398 = arith.constant 6 : i32
    %dma_wait3A_399 = arith.constant 0 : i32
    %dma_wait3A_400 = arith.constant 0 : i32
    %dma_wait3A_401 = tpu.memref_slice %arg6[%dma_wait3A_398, %dma_wait3A_399, %dma_wait3A_400] : memref<7x128x208xbf16, #tpu.memory_space<vmem>> -> memref<1x128x208xbf16, #tpu.memory_space<vmem>>
    %dma_wait3A_402 = tpu.memref_squeeze %dma_wait3A_401 : memref<1x128x208xbf16, #tpu.memory_space<vmem>> -> memref<128x208xbf16, #tpu.memory_space<vmem>>
    %dma_wait3A_403 = arith.constant 0 : i32
    %dma_wait3A_404 = tpu.memref_slice %arg5[%dma_wait3A_397, %dma_wait3A_403] : memref<40x128xi32, #tpu.memory_space<vmem>> -> memref<1x128xi32, #tpu.memory_space<vmem>>
    %dma_wait3A_405 = tpu.memref_squeeze %dma_wait3A_404 : memref<1x128xi32, #tpu.memory_space<vmem>> -> memref<128xi32, #tpu.memory_space<vmem>>
    %dma_wait3A_406 = arith.constant 0 : i32
    %dma_wait3A_407 = arith.constant 0 : i32
    %dma_wait3A_408 = tpu.memref_slice %arg2[%dma_wait3A_406, %dma_wait3A_407] : memref<8192x208xbf16, #tpu.memory_space<hbm>> -> memref<8192x208xbf16, #tpu.memory_space<hbm>>
    tpu.wait_indirect_dma semaphore(%arg13 : memref<!tpu.dma_semaphore, #tpu.memory_space<semaphore_mem>>) src(%dma_wait3A_408 : memref<8192x208xbf16, #tpu.memory_space<hbm>>) dst(%dma_wait3A_402 : memref<128x208xbf16, #tpu.memory_space<vmem>>)
    %add3A_409 = arith.constant 768 : i32
    %add3A_410 = arith.addi %mul3A_2, %add3A_409 : i32
    %dma_start3A_411 = arith.constant 6 : i32
    %dma_start3A_412 = arith.constant 0 : i32
    %dma_start3A_413 = arith.constant 0 : i32
    %dma_start3A_414 = tpu.memref_slice %arg6[%dma_start3A_411, %dma_start3A_412, %dma_start3A_413] : memref<7x128x208xbf16, #tpu.memory_space<vmem>> -> memref<1x128x208xbf16, #tpu.memory_space<vmem>>
    %dma_start3A_415 = tpu.memref_squeeze %dma_start3A_414 : memref<1x128x208xbf16, #tpu.memory_space<vmem>> -> memref<128x208xbf16, #tpu.memory_space<vmem>>
    %dma_start3A_416 = arith.constant 0 : i32
    %dma_start3A_417 = tpu.memref_slice %arg4[%add3A_410, %dma_start3A_416] : memref<163840x208xbf16, #tpu.memory_space<hbm>> -> memref<128x208xbf16, #tpu.memory_space<hbm>>
    %dma_start3A_418 = arith.constant 0 : i32
    %dma_start3A_419 = tpu.memref_slice %arg4[%add3A_410, %dma_start3A_418] : memref<163840x208xbf16, #tpu.memory_space<hbm>> -> memref<128x208xbf16, #tpu.memory_space<hbm>>
    %dma_start3A_420 = arith.constant 0 : i32
    %dma_start3A_421 = arith.constant 0 : i32
    %dma_start3A_422 = tpu.memref_slice %arg6[%dma_start3A_411, %dma_start3A_420, %dma_start3A_421] : memref<7x128x208xbf16, #tpu.memory_space<vmem>> -> memref<1x128x208xbf16, #tpu.memory_space<vmem>>
    %dma_start3A_423 = tpu.memref_squeeze %dma_start3A_422 : memref<1x128x208xbf16, #tpu.memory_space<vmem>> -> memref<128x208xbf16, #tpu.memory_space<vmem>>
    tpu.enqueue_dma source(%dma_start3A_423 : memref<128x208xbf16, #tpu.memory_space<vmem>>) target(%dma_start3A_419 : memref<128x208xbf16, #tpu.memory_space<hbm>>) target_semaphore(%arg20 : memref<!tpu.dma_semaphore, #tpu.memory_space<semaphore_mem>>)
    %dma_wait3A_424 = arith.constant 6 : i32
    %dma_wait3A_425 = arith.constant 0 : i32
    %dma_wait3A_426 = arith.constant 0 : i32
    %dma_wait3A_427 = tpu.memref_slice %arg6[%dma_wait3A_424, %dma_wait3A_425, %dma_wait3A_426] : memref<7x128x208xbf16, #tpu.memory_space<vmem>> -> memref<1x128x208xbf16, #tpu.memory_space<vmem>>
    %dma_wait3A_428 = tpu.memref_squeeze %dma_wait3A_427 : memref<1x128x208xbf16, #tpu.memory_space<vmem>> -> memref<128x208xbf16, #tpu.memory_space<vmem>>
    %dma_wait3A_429 = arith.constant 0 : i32
    %dma_wait3A_430 = tpu.memref_slice %arg4[%add3A_410, %dma_wait3A_429] : memref<163840x208xbf16, #tpu.memory_space<hbm>> -> memref<128x208xbf16, #tpu.memory_space<hbm>>
    %dma_wait3A_431 = arith.constant 0 : i32
    %dma_wait3A_432 = tpu.memref_slice %arg4[%add3A_410, %dma_wait3A_431] : memref<163840x208xbf16, #tpu.memory_space<hbm>> -> memref<128x208xbf16, #tpu.memory_space<hbm>>
    %dma_wait3A_433 = arith.constant 0 : i32
    %dma_wait3A_434 = arith.constant 0 : i32
    %dma_wait3A_435 = tpu.memref_slice %arg6[%dma_wait3A_424, %dma_wait3A_433, %dma_wait3A_434] : memref<7x128x208xbf16, #tpu.memory_space<vmem>> -> memref<1x128x208xbf16, #tpu.memory_space<vmem>>
    %dma_wait3A_436 = tpu.memref_squeeze %dma_wait3A_435 : memref<1x128x208xbf16, #tpu.memory_space<vmem>> -> memref<128x208xbf16, #tpu.memory_space<vmem>>
    tpu.wait_dma2 semaphore(%arg20 : memref<!tpu.dma_semaphore, #tpu.memory_space<semaphore_mem>>) src(%dma_wait3A_436 : memref<128x208xbf16, #tpu.memory_space<vmem>>) dst(%dma_wait3A_432 : memref<128x208xbf16, #tpu.memory_space<hbm>>)
    %dma_start3A_437 = arith.constant 13 : i32
    %dma_start3A_438 = arith.constant 6 : i32
    %dma_start3A_439 = arith.constant 0 : i32
    %dma_start3A_440 = arith.constant 0 : i32
    %dma_start3A_441 = tpu.memref_slice %arg6[%dma_start3A_438, %dma_start3A_439, %dma_start3A_440] : memref<7x128x208xbf16, #tpu.memory_space<vmem>> -> memref<1x128x208xbf16, #tpu.memory_space<vmem>>
    %dma_start3A_442 = tpu.memref_squeeze %dma_start3A_441 : memref<1x128x208xbf16, #tpu.memory_space<vmem>> -> memref<128x208xbf16, #tpu.memory_space<vmem>>
    %dma_start3A_443 = arith.constant 0 : i32
    %dma_start3A_444 = tpu.memref_slice %arg5[%dma_start3A_437, %dma_start3A_443] : memref<40x128xi32, #tpu.memory_space<vmem>> -> memref<1x128xi32, #tpu.memory_space<vmem>>
    %dma_start3A_445 = tpu.memref_squeeze %dma_start3A_444 : memref<1x128xi32, #tpu.memory_space<vmem>> -> memref<128xi32, #tpu.memory_space<vmem>>
    %dma_start3A_446 = arith.constant 0 : i32
    %dma_start3A_447 = arith.constant 0 : i32
    %dma_start3A_448 = tpu.memref_slice %arg2[%dma_start3A_446, %dma_start3A_447] : memref<8192x208xbf16, #tpu.memory_space<hbm>> -> memref<8192x208xbf16, #tpu.memory_space<hbm>>
    tpu.enqueue_indirect_dma source(%dma_start3A_448 : memref<8192x208xbf16, #tpu.memory_space<hbm>>) target(%dma_start3A_442 : memref<128x208xbf16, #tpu.memory_space<vmem>>) offsets(%dma_start3A_445 : memref<128xi32, #tpu.memory_space<vmem>>) semaphore(%arg13 : memref<!tpu.dma_semaphore, #tpu.memory_space<semaphore_mem>>)
    %dma_wait3A_449 = arith.constant 7 : i32
    %dma_wait3A_450 = arith.constant 0 : i32
    %dma_wait3A_451 = arith.constant 0 : i32
    %dma_wait3A_452 = arith.constant 0 : i32
    %dma_wait3A_453 = tpu.memref_slice %arg6[%dma_wait3A_450, %dma_wait3A_451, %dma_wait3A_452] : memref<7x128x208xbf16, #tpu.memory_space<vmem>> -> memref<1x128x208xbf16, #tpu.memory_space<vmem>>
    %dma_wait3A_454 = tpu.memref_squeeze %dma_wait3A_453 : memref<1x128x208xbf16, #tpu.memory_space<vmem>> -> memref<128x208xbf16, #tpu.memory_space<vmem>>
    %dma_wait3A_455 = arith.constant 0 : i32
    %dma_wait3A_456 = tpu.memref_slice %arg5[%dma_wait3A_449, %dma_wait3A_455] : memref<40x128xi32, #tpu.memory_space<vmem>> -> memref<1x128xi32, #tpu.memory_space<vmem>>
    %dma_wait3A_457 = tpu.memref_squeeze %dma_wait3A_456 : memref<1x128xi32, #tpu.memory_space<vmem>> -> memref<128xi32, #tpu.memory_space<vmem>>
    %dma_wait3A_458 = arith.constant 0 : i32
    %dma_wait3A_459 = arith.constant 0 : i32
    %dma_wait3A_460 = tpu.memref_slice %arg2[%dma_wait3A_458, %dma_wait3A_459] : memref<8192x208xbf16, #tpu.memory_space<hbm>> -> memref<8192x208xbf16, #tpu.memory_space<hbm>>
    tpu.wait_indirect_dma semaphore(%arg7 : memref<!tpu.dma_semaphore, #tpu.memory_space<semaphore_mem>>) src(%dma_wait3A_460 : memref<8192x208xbf16, #tpu.memory_space<hbm>>) dst(%dma_wait3A_454 : memref<128x208xbf16, #tpu.memory_space<vmem>>)
    %add3A_461 = arith.constant 896 : i32
    %add3A_462 = arith.addi %mul3A_2, %add3A_461 : i32
    %dma_start3A_463 = arith.constant 0 : i32
    %dma_start3A_464 = arith.constant 0 : i32
    %dma_start3A_465 = arith.constant 0 : i32
    %dma_start3A_466 = tpu.memref_slice %arg6[%dma_start3A_463, %dma_start3A_464, %dma_start3A_465] : memref<7x128x208xbf16, #tpu.memory_space<vmem>> -> memref<1x128x208xbf16, #tpu.memory_space<vmem>>
    %dma_start3A_467 = tpu.memref_squeeze %dma_start3A_466 : memref<1x128x208xbf16, #tpu.memory_space<vmem>> -> memref<128x208xbf16, #tpu.memory_space<vmem>>
    %dma_start3A_468 = arith.constant 0 : i32
    %dma_start3A_469 = tpu.memref_slice %arg4[%add3A_462, %dma_start3A_468] : memref<163840x208xbf16, #tpu.memory_space<hbm>> -> memref<128x208xbf16, #tpu.memory_space<hbm>>
    %dma_start3A_470 = arith.constant 0 : i32
    %dma_start3A_471 = tpu.memref_slice %arg4[%add3A_462, %dma_start3A_470] : memref<163840x208xbf16, #tpu.memory_space<hbm>> -> memref<128x208xbf16, #tpu.memory_space<hbm>>
    %dma_start3A_472 = arith.constant 0 : i32
    %dma_start3A_473 = arith.constant 0 : i32
    %dma_start3A_474 = tpu.memref_slice %arg6[%dma_start3A_463, %dma_start3A_472, %dma_start3A_473] : memref<7x128x208xbf16, #tpu.memory_space<vmem>> -> memref<1x128x208xbf16, #tpu.memory_space<vmem>>
    %dma_start3A_475 = tpu.memref_squeeze %dma_start3A_474 : memref<1x128x208xbf16, #tpu.memory_space<vmem>> -> memref<128x208xbf16, #tpu.memory_space<vmem>>
    tpu.enqueue_dma source(%dma_start3A_475 : memref<128x208xbf16, #tpu.memory_space<vmem>>) target(%dma_start3A_471 : memref<128x208xbf16, #tpu.memory_space<hbm>>) target_semaphore(%arg14 : memref<!tpu.dma_semaphore, #tpu.memory_space<semaphore_mem>>)
    %dma_wait3A_476 = arith.constant 0 : i32
    %dma_wait3A_477 = arith.constant 0 : i32
    %dma_wait3A_478 = arith.constant 0 : i32
    %dma_wait3A_479 = tpu.memref_slice %arg6[%dma_wait3A_476, %dma_wait3A_477, %dma_wait3A_478] : memref<7x128x208xbf16, #tpu.memory_space<vmem>> -> memref<1x128x208xbf16, #tpu.memory_space<vmem>>
    %dma_wait3A_480 = tpu.memref_squeeze %dma_wait3A_479 : memref<1x128x208xbf16, #tpu.memory_space<vmem>> -> memref<128x208xbf16, #tpu.memory_space<vmem>>
    %dma_wait3A_481 = arith.constant 0 : i32
    %dma_wait3A_482 = tpu.memref_slice %arg4[%add3A_462, %dma_wait3A_481] : memref<163840x208xbf16, #tpu.memory_space<hbm>> -> memref<128x208xbf16, #tpu.memory_space<hbm>>
    %dma_wait3A_483 = arith.constant 0 : i32
    %dma_wait3A_484 = tpu.memref_slice %arg4[%add3A_462, %dma_wait3A_483] : memref<163840x208xbf16, #tpu.memory_space<hbm>> -> memref<128x208xbf16, #tpu.memory_space<hbm>>
    %dma_wait3A_485 = arith.constant 0 : i32
    %dma_wait3A_486 = arith.constant 0 : i32
    %dma_wait3A_487 = tpu.memref_slice %arg6[%dma_wait3A_476, %dma_wait3A_485, %dma_wait3A_486] : memref<7x128x208xbf16, #tpu.memory_space<vmem>> -> memref<1x128x208xbf16, #tpu.memory_space<vmem>>
    %dma_wait3A_488 = tpu.memref_squeeze %dma_wait3A_487 : memref<1x128x208xbf16, #tpu.memory_space<vmem>> -> memref<128x208xbf16, #tpu.memory_space<vmem>>
    tpu.wait_dma2 semaphore(%arg14 : memref<!tpu.dma_semaphore, #tpu.memory_space<semaphore_mem>>) src(%dma_wait3A_488 : memref<128x208xbf16, #tpu.memory_space<vmem>>) dst(%dma_wait3A_484 : memref<128x208xbf16, #tpu.memory_space<hbm>>)
    %dma_start3A_489 = arith.constant 14 : i32
    %dma_start3A_490 = arith.constant 0 : i32
    %dma_start3A_491 = arith.constant 0 : i32
    %dma_start3A_492 = arith.constant 0 : i32
    %dma_start3A_493 = tpu.memref_slice %arg6[%dma_start3A_490, %dma_start3A_491, %dma_start3A_492] : memref<7x128x208xbf16, #tpu.memory_space<vmem>> -> memref<1x128x208xbf16, #tpu.memory_space<vmem>>
    %dma_start3A_494 = tpu.memref_squeeze %dma_start3A_493 : memref<1x128x208xbf16, #tpu.memory_space<vmem>> -> memref<128x208xbf16, #tpu.memory_space<vmem>>
    %dma_start3A_495 = arith.constant 0 : i32
    %dma_start3A_496 = tpu.memref_slice %arg5[%dma_start3A_489, %dma_start3A_495] : memref<40x128xi32, #tpu.memory_space<vmem>> -> memref<1x128xi32, #tpu.memory_space<vmem>>
    %dma_start3A_497 = tpu.memref_squeeze %dma_start3A_496 : memref<1x128xi32, #tpu.memory_space<vmem>> -> memref<128xi32, #tpu.memory_space<vmem>>
    %dma_start3A_498 = arith.constant 0 : i32
    %dma_start3A_499 = arith.constant 0 : i32
    %dma_start3A_500 = tpu.memref_slice %arg2[%dma_start3A_498, %dma_start3A_499] : memref<8192x208xbf16, #tpu.memory_space<hbm>> -> memref<8192x208xbf16, #tpu.memory_space<hbm>>
    tpu.enqueue_indirect_dma source(%dma_start3A_500 : memref<8192x208xbf16, #tpu.memory_space<hbm>>) target(%dma_start3A_494 : memref<128x208xbf16, #tpu.memory_space<vmem>>) offsets(%dma_start3A_497 : memref<128xi32, #tpu.memory_space<vmem>>) semaphore(%arg7 : memref<!tpu.dma_semaphore, #tpu.memory_space<semaphore_mem>>)
    %dma_wait3A_501 = arith.constant 8 : i32
    %dma_wait3A_502 = arith.constant 1 : i32
    %dma_wait3A_503 = arith.constant 0 : i32
    %dma_wait3A_504 = arith.constant 0 : i32
    %dma_wait3A_505 = tpu.memref_slice %arg6[%dma_wait3A_502, %dma_wait3A_503, %dma_wait3A_504] : memref<7x128x208xbf16, #tpu.memory_space<vmem>> -> memref<1x128x208xbf16, #tpu.memory_space<vmem>>
    %dma_wait3A_506 = tpu.memref_squeeze %dma_wait3A_505 : memref<1x128x208xbf16, #tpu.memory_space<vmem>> -> memref<128x208xbf16, #tpu.memory_space<vmem>>
    %dma_wait3A_507 = arith.constant 0 : i32
    %dma_wait3A_508 = tpu.memref_slice %arg5[%dma_wait3A_501, %dma_wait3A_507] : memref<40x128xi32, #tpu.memory_space<vmem>> -> memref<1x128xi32, #tpu.memory_space<vmem>>
    %dma_wait3A_509 = tpu.memref_squeeze %dma_wait3A_508 : memref<1x128xi32, #tpu.memory_space<vmem>> -> memref<128xi32, #tpu.memory_space<vmem>>
    %dma_wait3A_510 = arith.constant 0 : i32
    %dma_wait3A_511 = arith.constant 0 : i32
    %dma_wait3A_512 = tpu.memref_slice %arg2[%dma_wait3A_510, %dma_wait3A_511] : memref<8192x208xbf16, #tpu.memory_space<hbm>> -> memref<8192x208xbf16, #tpu.memory_space<hbm>>
    tpu.wait_indirect_dma semaphore(%arg8 : memref<!tpu.dma_semaphore, #tpu.memory_space<semaphore_mem>>) src(%dma_wait3A_512 : memref<8192x208xbf16, #tpu.memory_space<hbm>>) dst(%dma_wait3A_506 : memref<128x208xbf16, #tpu.memory_space<vmem>>)
    %add3A_513 = arith.constant 1024 : i32
    %add3A_514 = arith.addi %mul3A_2, %add3A_513 : i32
    %dma_start3A_515 = arith.constant 1 : i32
    %dma_start3A_516 = arith.constant 0 : i32
    %dma_start3A_517 = arith.constant 0 : i32
    %dma_start3A_518 = tpu.memref_slice %arg6[%dma_start3A_515, %dma_start3A_516, %dma_start3A_517] : memref<7x128x208xbf16, #tpu.memory_space<vmem>> -> memref<1x128x208xbf16, #tpu.memory_space<vmem>>
    %dma_start3A_519 = tpu.memref_squeeze %dma_start3A_518 : memref<1x128x208xbf16, #tpu.memory_space<vmem>> -> memref<128x208xbf16, #tpu.memory_space<vmem>>
    %dma_start3A_520 = arith.constant 0 : i32
    %dma_start3A_521 = tpu.memref_slice %arg4[%add3A_514, %dma_start3A_520] : memref<163840x208xbf16, #tpu.memory_space<hbm>> -> memref<128x208xbf16, #tpu.memory_space<hbm>>
    %dma_start3A_522 = arith.constant 0 : i32
    %dma_start3A_523 = tpu.memref_slice %arg4[%add3A_514, %dma_start3A_522] : memref<163840x208xbf16, #tpu.memory_space<hbm>> -> memref<128x208xbf16, #tpu.memory_space<hbm>>
    %dma_start3A_524 = arith.constant 0 : i32
    %dma_start3A_525 = arith.constant 0 : i32
    %dma_start3A_526 = tpu.memref_slice %arg6[%dma_start3A_515, %dma_start3A_524, %dma_start3A_525] : memref<7x128x208xbf16, #tpu.memory_space<vmem>> -> memref<1x128x208xbf16, #tpu.memory_space<vmem>>
    %dma_start3A_527 = tpu.memref_squeeze %dma_start3A_526 : memref<1x128x208xbf16, #tpu.memory_space<vmem>> -> memref<128x208xbf16, #tpu.memory_space<vmem>>
    tpu.enqueue_dma source(%dma_start3A_527 : memref<128x208xbf16, #tpu.memory_space<vmem>>) target(%dma_start3A_523 : memref<128x208xbf16, #tpu.memory_space<hbm>>) target_semaphore(%arg15 : memref<!tpu.dma_semaphore, #tpu.memory_space<semaphore_mem>>)
    %dma_wait3A_528 = arith.constant 1 : i32
    %dma_wait3A_529 = arith.constant 0 : i32
    %dma_wait3A_530 = arith.constant 0 : i32
    %dma_wait3A_531 = tpu.memref_slice %arg6[%dma_wait3A_528, %dma_wait3A_529, %dma_wait3A_530] : memref<7x128x208xbf16, #tpu.memory_space<vmem>> -> memref<1x128x208xbf16, #tpu.memory_space<vmem>>
    %dma_wait3A_532 = tpu.memref_squeeze %dma_wait3A_531 : memref<1x128x208xbf16, #tpu.memory_space<vmem>> -> memref<128x208xbf16, #tpu.memory_space<vmem>>
    %dma_wait3A_533 = arith.constant 0 : i32
    %dma_wait3A_534 = tpu.memref_slice %arg4[%add3A_514, %dma_wait3A_533] : memref<163840x208xbf16, #tpu.memory_space<hbm>> -> memref<128x208xbf16, #tpu.memory_space<hbm>>
    %dma_wait3A_535 = arith.constant 0 : i32
    %dma_wait3A_536 = tpu.memref_slice %arg4[%add3A_514, %dma_wait3A_535] : memref<163840x208xbf16, #tpu.memory_space<hbm>> -> memref<128x208xbf16, #tpu.memory_space<hbm>>
    %dma_wait3A_537 = arith.constant 0 : i32
    %dma_wait3A_538 = arith.constant 0 : i32
    %dma_wait3A_539 = tpu.memref_slice %arg6[%dma_wait3A_528, %dma_wait3A_537, %dma_wait3A_538] : memref<7x128x208xbf16, #tpu.memory_space<vmem>> -> memref<1x128x208xbf16, #tpu.memory_space<vmem>>
    %dma_wait3A_540 = tpu.memref_squeeze %dma_wait3A_539 : memref<1x128x208xbf16, #tpu.memory_space<vmem>> -> memref<128x208xbf16, #tpu.memory_space<vmem>>
    tpu.wait_dma2 semaphore(%arg15 : memref<!tpu.dma_semaphore, #tpu.memory_space<semaphore_mem>>) src(%dma_wait3A_540 : memref<128x208xbf16, #tpu.memory_space<vmem>>) dst(%dma_wait3A_536 : memref<128x208xbf16, #tpu.memory_space<hbm>>)
    %dma_start3A_541 = arith.constant 15 : i32
    %dma_start3A_542 = arith.constant 1 : i32
    %dma_start3A_543 = arith.constant 0 : i32
    %dma_start3A_544 = arith.constant 0 : i32
    %dma_start3A_545 = tpu.memref_slice %arg6[%dma_start3A_542, %dma_start3A_543, %dma_start3A_544] : memref<7x128x208xbf16, #tpu.memory_space<vmem>> -> memref<1x128x208xbf16, #tpu.memory_space<vmem>>
    %dma_start3A_546 = tpu.memref_squeeze %dma_start3A_545 : memref<1x128x208xbf16, #tpu.memory_space<vmem>> -> memref<128x208xbf16, #tpu.memory_space<vmem>>
    %dma_start3A_547 = arith.constant 0 : i32
    %dma_start3A_548 = tpu.memref_slice %arg5[%dma_start3A_541, %dma_start3A_547] : memref<40x128xi32, #tpu.memory_space<vmem>> -> memref<1x128xi32, #tpu.memory_space<vmem>>
    %dma_start3A_549 = tpu.memref_squeeze %dma_start3A_548 : memref<1x128xi32, #tpu.memory_space<vmem>> -> memref<128xi32, #tpu.memory_space<vmem>>
    %dma_start3A_550 = arith.constant 0 : i32
    %dma_start3A_551 = arith.constant 0 : i32
    %dma_start3A_552 = tpu.memref_slice %arg2[%dma_start3A_550, %dma_start3A_551] : memref<8192x208xbf16, #tpu.memory_space<hbm>> -> memref<8192x208xbf16, #tpu.memory_space<hbm>>
    tpu.enqueue_indirect_dma source(%dma_start3A_552 : memref<8192x208xbf16, #tpu.memory_space<hbm>>) target(%dma_start3A_546 : memref<128x208xbf16, #tpu.memory_space<vmem>>) offsets(%dma_start3A_549 : memref<128xi32, #tpu.memory_space<vmem>>) semaphore(%arg8 : memref<!tpu.dma_semaphore, #tpu.memory_space<semaphore_mem>>)
    %dma_wait3A_553 = arith.constant 9 : i32
    %dma_wait3A_554 = arith.constant 2 : i32
    %dma_wait3A_555 = arith.constant 0 : i32
    %dma_wait3A_556 = arith.constant 0 : i32
    %dma_wait3A_557 = tpu.memref_slice %arg6[%dma_wait3A_554, %dma_wait3A_555, %dma_wait3A_556] : memref<7x128x208xbf16, #tpu.memory_space<vmem>> -> memref<1x128x208xbf16, #tpu.memory_space<vmem>>
    %dma_wait3A_558 = tpu.memref_squeeze %dma_wait3A_557 : memref<1x128x208xbf16, #tpu.memory_space<vmem>> -> memref<128x208xbf16, #tpu.memory_space<vmem>>
    %dma_wait3A_559 = arith.constant 0 : i32
    %dma_wait3A_560 = tpu.memref_slice %arg5[%dma_wait3A_553, %dma_wait3A_559] : memref<40x128xi32, #tpu.memory_space<vmem>> -> memref<1x128xi32, #tpu.memory_space<vmem>>
    %dma_wait3A_561 = tpu.memref_squeeze %dma_wait3A_560 : memref<1x128xi32, #tpu.memory_space<vmem>> -> memref<128xi32, #tpu.memory_space<vmem>>
    %dma_wait3A_562 = arith.constant 0 : i32
    %dma_wait3A_563 = arith.constant 0 : i32
    %dma_wait3A_564 = tpu.memref_slice %arg2[%dma_wait3A_562, %dma_wait3A_563] : memref<8192x208xbf16, #tpu.memory_space<hbm>> -> memref<8192x208xbf16, #tpu.memory_space<hbm>>
    tpu.wait_indirect_dma semaphore(%arg9 : memref<!tpu.dma_semaphore, #tpu.memory_space<semaphore_mem>>) src(%dma_wait3A_564 : memref<8192x208xbf16, #tpu.memory_space<hbm>>) dst(%dma_wait3A_558 : memref<128x208xbf16, #tpu.memory_space<vmem>>)
    %add3A_565 = arith.constant 1152 : i32
    %add3A_566 = arith.addi %mul3A_2, %add3A_565 : i32
    %dma_start3A_567 = arith.constant 2 : i32
    %dma_start3A_568 = arith.constant 0 : i32
    %dma_start3A_569 = arith.constant 0 : i32
    %dma_start3A_570 = tpu.memref_slice %arg6[%dma_start3A_567, %dma_start3A_568, %dma_start3A_569] : memref<7x128x208xbf16, #tpu.memory_space<vmem>> -> memref<1x128x208xbf16, #tpu.memory_space<vmem>>
    %dma_start3A_571 = tpu.memref_squeeze %dma_start3A_570 : memref<1x128x208xbf16, #tpu.memory_space<vmem>> -> memref<128x208xbf16, #tpu.memory_space<vmem>>
    %dma_start3A_572 = arith.constant 0 : i32
    %dma_start3A_573 = tpu.memref_slice %arg4[%add3A_566, %dma_start3A_572] : memref<163840x208xbf16, #tpu.memory_space<hbm>> -> memref<128x208xbf16, #tpu.memory_space<hbm>>
    %dma_start3A_574 = arith.constant 0 : i32
    %dma_start3A_575 = tpu.memref_slice %arg4[%add3A_566, %dma_start3A_574] : memref<163840x208xbf16, #tpu.memory_space<hbm>> -> memref<128x208xbf16, #tpu.memory_space<hbm>>
    %dma_start3A_576 = arith.constant 0 : i32
    %dma_start3A_577 = arith.constant 0 : i32
    %dma_start3A_578 = tpu.memref_slice %arg6[%dma_start3A_567, %dma_start3A_576, %dma_start3A_577] : memref<7x128x208xbf16, #tpu.memory_space<vmem>> -> memref<1x128x208xbf16, #tpu.memory_space<vmem>>
    %dma_start3A_579 = tpu.memref_squeeze %dma_start3A_578 : memref<1x128x208xbf16, #tpu.memory_space<vmem>> -> memref<128x208xbf16, #tpu.memory_space<vmem>>
    tpu.enqueue_dma source(%dma_start3A_579 : memref<128x208xbf16, #tpu.memory_space<vmem>>) target(%dma_start3A_575 : memref<128x208xbf16, #tpu.memory_space<hbm>>) target_semaphore(%arg16 : memref<!tpu.dma_semaphore, #tpu.memory_space<semaphore_mem>>)
    %dma_wait3A_580 = arith.constant 2 : i32
    %dma_wait3A_581 = arith.constant 0 : i32
    %dma_wait3A_582 = arith.constant 0 : i32
    %dma_wait3A_583 = tpu.memref_slice %arg6[%dma_wait3A_580, %dma_wait3A_581, %dma_wait3A_582] : memref<7x128x208xbf16, #tpu.memory_space<vmem>> -> memref<1x128x208xbf16, #tpu.memory_space<vmem>>
    %dma_wait3A_584 = tpu.memref_squeeze %dma_wait3A_583 : memref<1x128x208xbf16, #tpu.memory_space<vmem>> -> memref<128x208xbf16, #tpu.memory_space<vmem>>
    %dma_wait3A_585 = arith.constant 0 : i32
    %dma_wait3A_586 = tpu.memref_slice %arg4[%add3A_566, %dma_wait3A_585] : memref<163840x208xbf16, #tpu.memory_space<hbm>> -> memref<128x208xbf16, #tpu.memory_space<hbm>>
    %dma_wait3A_587 = arith.constant 0 : i32
    %dma_wait3A_588 = tpu.memref_slice %arg4[%add3A_566, %dma_wait3A_587] : memref<163840x208xbf16, #tpu.memory_space<hbm>> -> memref<128x208xbf16, #tpu.memory_space<hbm>>
    %dma_wait3A_589 = arith.constant 0 : i32
    %dma_wait3A_590 = arith.constant 0 : i32
    %dma_wait3A_591 = tpu.memref_slice %arg6[%dma_wait3A_580, %dma_wait3A_589, %dma_wait3A_590] : memref<7x128x208xbf16, #tpu.memory_space<vmem>> -> memref<1x128x208xbf16, #tpu.memory_space<vmem>>
    %dma_wait3A_592 = tpu.memref_squeeze %dma_wait3A_591 : memref<1x128x208xbf16, #tpu.memory_space<vmem>> -> memref<128x208xbf16, #tpu.memory_space<vmem>>
    tpu.wait_dma2 semaphore(%arg16 : memref<!tpu.dma_semaphore, #tpu.memory_space<semaphore_mem>>) src(%dma_wait3A_592 : memref<128x208xbf16, #tpu.memory_space<vmem>>) dst(%dma_wait3A_588 : memref<128x208xbf16, #tpu.memory_space<hbm>>)
    %dma_start3A_593 = arith.constant 16 : i32
    %dma_start3A_594 = arith.constant 2 : i32
    %dma_start3A_595 = arith.constant 0 : i32
    %dma_start3A_596 = arith.constant 0 : i32
    %dma_start3A_597 = tpu.memref_slice %arg6[%dma_start3A_594, %dma_start3A_595, %dma_start3A_596] : memref<7x128x208xbf16, #tpu.memory_space<vmem>> -> memref<1x128x208xbf16, #tpu.memory_space<vmem>>
    %dma_start3A_598 = tpu.memref_squeeze %dma_start3A_597 : memref<1x128x208xbf16, #tpu.memory_space<vmem>> -> memref<128x208xbf16, #tpu.memory_space<vmem>>
    %dma_start3A_599 = arith.constant 0 : i32
    %dma_start3A_600 = tpu.memref_slice %arg5[%dma_start3A_593, %dma_start3A_599] : memref<40x128xi32, #tpu.memory_space<vmem>> -> memref<1x128xi32, #tpu.memory_space<vmem>>
    %dma_start3A_601 = tpu.memref_squeeze %dma_start3A_600 : memref<1x128xi32, #tpu.memory_space<vmem>> -> memref<128xi32, #tpu.memory_space<vmem>>
    %dma_start3A_602 = arith.constant 0 : i32
    %dma_start3A_603 = arith.constant 0 : i32
    %dma_start3A_604 = tpu.memref_slice %arg2[%dma_start3A_602, %dma_start3A_603] : memref<8192x208xbf16, #tpu.memory_space<hbm>> -> memref<8192x208xbf16, #tpu.memory_space<hbm>>
    tpu.enqueue_indirect_dma source(%dma_start3A_604 : memref<8192x208xbf16, #tpu.memory_space<hbm>>) target(%dma_start3A_598 : memref<128x208xbf16, #tpu.memory_space<vmem>>) offsets(%dma_start3A_601 : memref<128xi32, #tpu.memory_space<vmem>>) semaphore(%arg9 : memref<!tpu.dma_semaphore, #tpu.memory_space<semaphore_mem>>)
    %dma_wait3A_605 = arith.constant 10 : i32
    %dma_wait3A_606 = arith.constant 3 : i32
    %dma_wait3A_607 = arith.constant 0 : i32
    %dma_wait3A_608 = arith.constant 0 : i32
    %dma_wait3A_609 = tpu.memref_slice %arg6[%dma_wait3A_606, %dma_wait3A_607, %dma_wait3A_608] : memref<7x128x208xbf16, #tpu.memory_space<vmem>> -> memref<1x128x208xbf16, #tpu.memory_space<vmem>>
    %dma_wait3A_610 = tpu.memref_squeeze %dma_wait3A_609 : memref<1x128x208xbf16, #tpu.memory_space<vmem>> -> memref<128x208xbf16, #tpu.memory_space<vmem>>
    %dma_wait3A_611 = arith.constant 0 : i32
    %dma_wait3A_612 = tpu.memref_slice %arg5[%dma_wait3A_605, %dma_wait3A_611] : memref<40x128xi32, #tpu.memory_space<vmem>> -> memref<1x128xi32, #tpu.memory_space<vmem>>
    %dma_wait3A_613 = tpu.memref_squeeze %dma_wait3A_612 : memref<1x128xi32, #tpu.memory_space<vmem>> -> memref<128xi32, #tpu.memory_space<vmem>>
    %dma_wait3A_614 = arith.constant 0 : i32
    %dma_wait3A_615 = arith.constant 0 : i32
    %dma_wait3A_616 = tpu.memref_slice %arg2[%dma_wait3A_614, %dma_wait3A_615] : memref<8192x208xbf16, #tpu.memory_space<hbm>> -> memref<8192x208xbf16, #tpu.memory_space<hbm>>
    tpu.wait_indirect_dma semaphore(%arg10 : memref<!tpu.dma_semaphore, #tpu.memory_space<semaphore_mem>>) src(%dma_wait3A_616 : memref<8192x208xbf16, #tpu.memory_space<hbm>>) dst(%dma_wait3A_610 : memref<128x208xbf16, #tpu.memory_space<vmem>>)
    %add3A_617 = arith.constant 1280 : i32
    %add3A_618 = arith.addi %mul3A_2, %add3A_617 : i32
    %dma_start3A_619 = arith.constant 3 : i32
    %dma_start3A_620 = arith.constant 0 : i32
    %dma_start3A_621 = arith.constant 0 : i32
    %dma_start3A_622 = tpu.memref_slice %arg6[%dma_start3A_619, %dma_start3A_620, %dma_start3A_621] : memref<7x128x208xbf16, #tpu.memory_space<vmem>> -> memref<1x128x208xbf16, #tpu.memory_space<vmem>>
    %dma_start3A_623 = tpu.memref_squeeze %dma_start3A_622 : memref<1x128x208xbf16, #tpu.memory_space<vmem>> -> memref<128x208xbf16, #tpu.memory_space<vmem>>
    %dma_start3A_624 = arith.constant 0 : i32
    %dma_start3A_625 = tpu.memref_slice %arg4[%add3A_618, %dma_start3A_624] : memref<163840x208xbf16, #tpu.memory_space<hbm>> -> memref<128x208xbf16, #tpu.memory_space<hbm>>
    %dma_start3A_626 = arith.constant 0 : i32
    %dma_start3A_627 = tpu.memref_slice %arg4[%add3A_618, %dma_start3A_626] : memref<163840x208xbf16, #tpu.memory_space<hbm>> -> memref<128x208xbf16, #tpu.memory_space<hbm>>
    %dma_start3A_628 = arith.constant 0 : i32
    %dma_start3A_629 = arith.constant 0 : i32
    %dma_start3A_630 = tpu.memref_slice %arg6[%dma_start3A_619, %dma_start3A_628, %dma_start3A_629] : memref<7x128x208xbf16, #tpu.memory_space<vmem>> -> memref<1x128x208xbf16, #tpu.memory_space<vmem>>
    %dma_start3A_631 = tpu.memref_squeeze %dma_start3A_630 : memref<1x128x208xbf16, #tpu.memory_space<vmem>> -> memref<128x208xbf16, #tpu.memory_space<vmem>>
    tpu.enqueue_dma source(%dma_start3A_631 : memref<128x208xbf16, #tpu.memory_space<vmem>>) target(%dma_start3A_627 : memref<128x208xbf16, #tpu.memory_space<hbm>>) target_semaphore(%arg17 : memref<!tpu.dma_semaphore, #tpu.memory_space<semaphore_mem>>)
    %dma_wait3A_632 = arith.constant 3 : i32
    %dma_wait3A_633 = arith.constant 0 : i32
    %dma_wait3A_634 = arith.constant 0 : i32
    %dma_wait3A_635 = tpu.memref_slice %arg6[%dma_wait3A_632, %dma_wait3A_633, %dma_wait3A_634] : memref<7x128x208xbf16, #tpu.memory_space<vmem>> -> memref<1x128x208xbf16, #tpu.memory_space<vmem>>
    %dma_wait3A_636 = tpu.memref_squeeze %dma_wait3A_635 : memref<1x128x208xbf16, #tpu.memory_space<vmem>> -> memref<128x208xbf16, #tpu.memory_space<vmem>>
    %dma_wait3A_637 = arith.constant 0 : i32
    %dma_wait3A_638 = tpu.memref_slice %arg4[%add3A_618, %dma_wait3A_637] : memref<163840x208xbf16, #tpu.memory_space<hbm>> -> memref<128x208xbf16, #tpu.memory_space<hbm>>
    %dma_wait3A_639 = arith.constant 0 : i32
    %dma_wait3A_640 = tpu.memref_slice %arg4[%add3A_618, %dma_wait3A_639] : memref<163840x208xbf16, #tpu.memory_space<hbm>> -> memref<128x208xbf16, #tpu.memory_space<hbm>>
    %dma_wait3A_641 = arith.constant 0 : i32
    %dma_wait3A_642 = arith.constant 0 : i32
    %dma_wait3A_643 = tpu.memref_slice %arg6[%dma_wait3A_632, %dma_wait3A_641, %dma_wait3A_642] : memref<7x128x208xbf16, #tpu.memory_space<vmem>> -> memref<1x128x208xbf16, #tpu.memory_space<vmem>>
    %dma_wait3A_644 = tpu.memref_squeeze %dma_wait3A_643 : memref<1x128x208xbf16, #tpu.memory_space<vmem>> -> memref<128x208xbf16, #tpu.memory_space<vmem>>
    tpu.wait_dma2 semaphore(%arg17 : memref<!tpu.dma_semaphore, #tpu.memory_space<semaphore_mem>>) src(%dma_wait3A_644 : memref<128x208xbf16, #tpu.memory_space<vmem>>) dst(%dma_wait3A_640 : memref<128x208xbf16, #tpu.memory_space<hbm>>)
    %dma_start3A_645 = arith.constant 17 : i32
    %dma_start3A_646 = arith.constant 3 : i32
    %dma_start3A_647 = arith.constant 0 : i32
    %dma_start3A_648 = arith.constant 0 : i32
    %dma_start3A_649 = tpu.memref_slice %arg6[%dma_start3A_646, %dma_start3A_647, %dma_start3A_648] : memref<7x128x208xbf16, #tpu.memory_space<vmem>> -> memref<1x128x208xbf16, #tpu.memory_space<vmem>>
    %dma_start3A_650 = tpu.memref_squeeze %dma_start3A_649 : memref<1x128x208xbf16, #tpu.memory_space<vmem>> -> memref<128x208xbf16, #tpu.memory_space<vmem>>
    %dma_start3A_651 = arith.constant 0 : i32
    %dma_start3A_652 = tpu.memref_slice %arg5[%dma_start3A_645, %dma_start3A_651] : memref<40x128xi32, #tpu.memory_space<vmem>> -> memref<1x128xi32, #tpu.memory_space<vmem>>
    %dma_start3A_653 = tpu.memref_squeeze %dma_start3A_652 : memref<1x128xi32, #tpu.memory_space<vmem>> -> memref<128xi32, #tpu.memory_space<vmem>>
    %dma_start3A_654 = arith.constant 0 : i32
    %dma_start3A_655 = arith.constant 0 : i32
    %dma_start3A_656 = tpu.memref_slice %arg2[%dma_start3A_654, %dma_start3A_655] : memref<8192x208xbf16, #tpu.memory_space<hbm>> -> memref<8192x208xbf16, #tpu.memory_space<hbm>>
    tpu.enqueue_indirect_dma source(%dma_start3A_656 : memref<8192x208xbf16, #tpu.memory_space<hbm>>) target(%dma_start3A_650 : memref<128x208xbf16, #tpu.memory_space<vmem>>) offsets(%dma_start3A_653 : memref<128xi32, #tpu.memory_space<vmem>>) semaphore(%arg10 : memref<!tpu.dma_semaphore, #tpu.memory_space<semaphore_mem>>)
    %dma_wait3A_657 = arith.constant 11 : i32
    %dma_wait3A_658 = arith.constant 4 : i32
    %dma_wait3A_659 = arith.constant 0 : i32
    %dma_wait3A_660 = arith.constant 0 : i32
    %dma_wait3A_661 = tpu.memref_slice %arg6[%dma_wait3A_658, %dma_wait3A_659, %dma_wait3A_660] : memref<7x128x208xbf16, #tpu.memory_space<vmem>> -> memref<1x128x208xbf16, #tpu.memory_space<vmem>>
    %dma_wait3A_662 = tpu.memref_squeeze %dma_wait3A_661 : memref<1x128x208xbf16, #tpu.memory_space<vmem>> -> memref<128x208xbf16, #tpu.memory_space<vmem>>
    %dma_wait3A_663 = arith.constant 0 : i32
    %dma_wait3A_664 = tpu.memref_slice %arg5[%dma_wait3A_657, %dma_wait3A_663] : memref<40x128xi32, #tpu.memory_space<vmem>> -> memref<1x128xi32, #tpu.memory_space<vmem>>
    %dma_wait3A_665 = tpu.memref_squeeze %dma_wait3A_664 : memref<1x128xi32, #tpu.memory_space<vmem>> -> memref<128xi32, #tpu.memory_space<vmem>>
    %dma_wait3A_666 = arith.constant 0 : i32
    %dma_wait3A_667 = arith.constant 0 : i32
    %dma_wait3A_668 = tpu.memref_slice %arg2[%dma_wait3A_666, %dma_wait3A_667] : memref<8192x208xbf16, #tpu.memory_space<hbm>> -> memref<8192x208xbf16, #tpu.memory_space<hbm>>
    tpu.wait_indirect_dma semaphore(%arg11 : memref<!tpu.dma_semaphore, #tpu.memory_space<semaphore_mem>>) src(%dma_wait3A_668 : memref<8192x208xbf16, #tpu.memory_space<hbm>>) dst(%dma_wait3A_662 : memref<128x208xbf16, #tpu.memory_space<vmem>>)
    %add3A_669 = arith.constant 1408 : i32
    %add3A_670 = arith.addi %mul3A_2, %add3A_669 : i32
    %dma_start3A_671 = arith.constant 4 : i32
    %dma_start3A_672 = arith.constant 0 : i32
    %dma_start3A_673 = arith.constant 0 : i32
    %dma_start3A_674 = tpu.memref_slice %arg6[%dma_start3A_671, %dma_start3A_672, %dma_start3A_673] : memref<7x128x208xbf16, #tpu.memory_space<vmem>> -> memref<1x128x208xbf16, #tpu.memory_space<vmem>>
    %dma_start3A_675 = tpu.memref_squeeze %dma_start3A_674 : memref<1x128x208xbf16, #tpu.memory_space<vmem>> -> memref<128x208xbf16, #tpu.memory_space<vmem>>
    %dma_start3A_676 = arith.constant 0 : i32
    %dma_start3A_677 = tpu.memref_slice %arg4[%add3A_670, %dma_start3A_676] : memref<163840x208xbf16, #tpu.memory_space<hbm>> -> memref<128x208xbf16, #tpu.memory_space<hbm>>
    %dma_start3A_678 = arith.constant 0 : i32
    %dma_start3A_679 = tpu.memref_slice %arg4[%add3A_670, %dma_start3A_678] : memref<163840x208xbf16, #tpu.memory_space<hbm>> -> memref<128x208xbf16, #tpu.memory_space<hbm>>
    %dma_start3A_680 = arith.constant 0 : i32
    %dma_start3A_681 = arith.constant 0 : i32
    %dma_start3A_682 = tpu.memref_slice %arg6[%dma_start3A_671, %dma_start3A_680, %dma_start3A_681] : memref<7x128x208xbf16, #tpu.memory_space<vmem>> -> memref<1x128x208xbf16, #tpu.memory_space<vmem>>
    %dma_start3A_683 = tpu.memref_squeeze %dma_start3A_682 : memref<1x128x208xbf16, #tpu.memory_space<vmem>> -> memref<128x208xbf16, #tpu.memory_space<vmem>>
    tpu.enqueue_dma source(%dma_start3A_683 : memref<128x208xbf16, #tpu.memory_space<vmem>>) target(%dma_start3A_679 : memref<128x208xbf16, #tpu.memory_space<hbm>>) target_semaphore(%arg18 : memref<!tpu.dma_semaphore, #tpu.memory_space<semaphore_mem>>)
    %dma_wait3A_684 = arith.constant 4 : i32
    %dma_wait3A_685 = arith.constant 0 : i32
    %dma_wait3A_686 = arith.constant 0 : i32
    %dma_wait3A_687 = tpu.memref_slice %arg6[%dma_wait3A_684, %dma_wait3A_685, %dma_wait3A_686] : memref<7x128x208xbf16, #tpu.memory_space<vmem>> -> memref<1x128x208xbf16, #tpu.memory_space<vmem>>
    %dma_wait3A_688 = tpu.memref_squeeze %dma_wait3A_687 : memref<1x128x208xbf16, #tpu.memory_space<vmem>> -> memref<128x208xbf16, #tpu.memory_space<vmem>>
    %dma_wait3A_689 = arith.constant 0 : i32
    %dma_wait3A_690 = tpu.memref_slice %arg4[%add3A_670, %dma_wait3A_689] : memref<163840x208xbf16, #tpu.memory_space<hbm>> -> memref<128x208xbf16, #tpu.memory_space<hbm>>
    %dma_wait3A_691 = arith.constant 0 : i32
    %dma_wait3A_692 = tpu.memref_slice %arg4[%add3A_670, %dma_wait3A_691] : memref<163840x208xbf16, #tpu.memory_space<hbm>> -> memref<128x208xbf16, #tpu.memory_space<hbm>>
    %dma_wait3A_693 = arith.constant 0 : i32
    %dma_wait3A_694 = arith.constant 0 : i32
    %dma_wait3A_695 = tpu.memref_slice %arg6[%dma_wait3A_684, %dma_wait3A_693, %dma_wait3A_694] : memref<7x128x208xbf16, #tpu.memory_space<vmem>> -> memref<1x128x208xbf16, #tpu.memory_space<vmem>>
    %dma_wait3A_696 = tpu.memref_squeeze %dma_wait3A_695 : memref<1x128x208xbf16, #tpu.memory_space<vmem>> -> memref<128x208xbf16, #tpu.memory_space<vmem>>
    tpu.wait_dma2 semaphore(%arg18 : memref<!tpu.dma_semaphore, #tpu.memory_space<semaphore_mem>>) src(%dma_wait3A_696 : memref<128x208xbf16, #tpu.memory_space<vmem>>) dst(%dma_wait3A_692 : memref<128x208xbf16, #tpu.memory_space<hbm>>)
    %dma_start3A_697 = arith.constant 18 : i32
    %dma_start3A_698 = arith.constant 4 : i32
    %dma_start3A_699 = arith.constant 0 : i32
    %dma_start3A_700 = arith.constant 0 : i32
    %dma_start3A_701 = tpu.memref_slice %arg6[%dma_start3A_698, %dma_start3A_699, %dma_start3A_700] : memref<7x128x208xbf16, #tpu.memory_space<vmem>> -> memref<1x128x208xbf16, #tpu.memory_space<vmem>>
    %dma_start3A_702 = tpu.memref_squeeze %dma_start3A_701 : memref<1x128x208xbf16, #tpu.memory_space<vmem>> -> memref<128x208xbf16, #tpu.memory_space<vmem>>
    %dma_start3A_703 = arith.constant 0 : i32
    %dma_start3A_704 = tpu.memref_slice %arg5[%dma_start3A_697, %dma_start3A_703] : memref<40x128xi32, #tpu.memory_space<vmem>> -> memref<1x128xi32, #tpu.memory_space<vmem>>
    %dma_start3A_705 = tpu.memref_squeeze %dma_start3A_704 : memref<1x128xi32, #tpu.memory_space<vmem>> -> memref<128xi32, #tpu.memory_space<vmem>>
    %dma_start3A_706 = arith.constant 0 : i32
    %dma_start3A_707 = arith.constant 0 : i32
    %dma_start3A_708 = tpu.memref_slice %arg2[%dma_start3A_706, %dma_start3A_707] : memref<8192x208xbf16, #tpu.memory_space<hbm>> -> memref<8192x208xbf16, #tpu.memory_space<hbm>>
    tpu.enqueue_indirect_dma source(%dma_start3A_708 : memref<8192x208xbf16, #tpu.memory_space<hbm>>) target(%dma_start3A_702 : memref<128x208xbf16, #tpu.memory_space<vmem>>) offsets(%dma_start3A_705 : memref<128xi32, #tpu.memory_space<vmem>>) semaphore(%arg11 : memref<!tpu.dma_semaphore, #tpu.memory_space<semaphore_mem>>)
    %dma_wait3A_709 = arith.constant 12 : i32
    %dma_wait3A_710 = arith.constant 5 : i32
    %dma_wait3A_711 = arith.constant 0 : i32
    %dma_wait3A_712 = arith.constant 0 : i32
    %dma_wait3A_713 = tpu.memref_slice %arg6[%dma_wait3A_710, %dma_wait3A_711, %dma_wait3A_712] : memref<7x128x208xbf16, #tpu.memory_space<vmem>> -> memref<1x128x208xbf16, #tpu.memory_space<vmem>>
    %dma_wait3A_714 = tpu.memref_squeeze %dma_wait3A_713 : memref<1x128x208xbf16, #tpu.memory_space<vmem>> -> memref<128x208xbf16, #tpu.memory_space<vmem>>
    %dma_wait3A_715 = arith.constant 0 : i32
    %dma_wait3A_716 = tpu.memref_slice %arg5[%dma_wait3A_709, %dma_wait3A_715] : memref<40x128xi32, #tpu.memory_space<vmem>> -> memref<1x128xi32, #tpu.memory_space<vmem>>
    %dma_wait3A_717 = tpu.memref_squeeze %dma_wait3A_716 : memref<1x128xi32, #tpu.memory_space<vmem>> -> memref<128xi32, #tpu.memory_space<vmem>>
    %dma_wait3A_718 = arith.constant 0 : i32
    %dma_wait3A_719 = arith.constant 0 : i32
    %dma_wait3A_720 = tpu.memref_slice %arg2[%dma_wait3A_718, %dma_wait3A_719] : memref<8192x208xbf16, #tpu.memory_space<hbm>> -> memref<8192x208xbf16, #tpu.memory_space<hbm>>
    tpu.wait_indirect_dma semaphore(%arg12 : memref<!tpu.dma_semaphore, #tpu.memory_space<semaphore_mem>>) src(%dma_wait3A_720 : memref<8192x208xbf16, #tpu.memory_space<hbm>>) dst(%dma_wait3A_714 : memref<128x208xbf16, #tpu.memory_space<vmem>>)
    %add3A_721 = arith.constant 1536 : i32
    %add3A_722 = arith.addi %mul3A_2, %add3A_721 : i32
    %dma_start3A_723 = arith.constant 5 : i32
    %dma_start3A_724 = arith.constant 0 : i32
    %dma_start3A_725 = arith.constant 0 : i32
    %dma_start3A_726 = tpu.memref_slice %arg6[%dma_start3A_723, %dma_start3A_724, %dma_start3A_725] : memref<7x128x208xbf16, #tpu.memory_space<vmem>> -> memref<1x128x208xbf16, #tpu.memory_space<vmem>>
    %dma_start3A_727 = tpu.memref_squeeze %dma_start3A_726 : memref<1x128x208xbf16, #tpu.memory_space<vmem>> -> memref<128x208xbf16, #tpu.memory_space<vmem>>
    %dma_start3A_728 = arith.constant 0 : i32
    %dma_start3A_729 = tpu.memref_slice %arg4[%add3A_722, %dma_start3A_728] : memref<163840x208xbf16, #tpu.memory_space<hbm>> -> memref<128x208xbf16, #tpu.memory_space<hbm>>
    %dma_start3A_730 = arith.constant 0 : i32
    %dma_start3A_731 = tpu.memref_slice %arg4[%add3A_722, %dma_start3A_730] : memref<163840x208xbf16, #tpu.memory_space<hbm>> -> memref<128x208xbf16, #tpu.memory_space<hbm>>
    %dma_start3A_732 = arith.constant 0 : i32
    %dma_start3A_733 = arith.constant 0 : i32
    %dma_start3A_734 = tpu.memref_slice %arg6[%dma_start3A_723, %dma_start3A_732, %dma_start3A_733] : memref<7x128x208xbf16, #tpu.memory_space<vmem>> -> memref<1x128x208xbf16, #tpu.memory_space<vmem>>
    %dma_start3A_735 = tpu.memref_squeeze %dma_start3A_734 : memref<1x128x208xbf16, #tpu.memory_space<vmem>> -> memref<128x208xbf16, #tpu.memory_space<vmem>>
    tpu.enqueue_dma source(%dma_start3A_735 : memref<128x208xbf16, #tpu.memory_space<vmem>>) target(%dma_start3A_731 : memref<128x208xbf16, #tpu.memory_space<hbm>>) target_semaphore(%arg19 : memref<!tpu.dma_semaphore, #tpu.memory_space<semaphore_mem>>)
    %dma_wait3A_736 = arith.constant 5 : i32
    %dma_wait3A_737 = arith.constant 0 : i32
    %dma_wait3A_738 = arith.constant 0 : i32
    %dma_wait3A_739 = tpu.memref_slice %arg6[%dma_wait3A_736, %dma_wait3A_737, %dma_wait3A_738] : memref<7x128x208xbf16, #tpu.memory_space<vmem>> -> memref<1x128x208xbf16, #tpu.memory_space<vmem>>
    %dma_wait3A_740 = tpu.memref_squeeze %dma_wait3A_739 : memref<1x128x208xbf16, #tpu.memory_space<vmem>> -> memref<128x208xbf16, #tpu.memory_space<vmem>>
    %dma_wait3A_741 = arith.constant 0 : i32
    %dma_wait3A_742 = tpu.memref_slice %arg4[%add3A_722, %dma_wait3A_741] : memref<163840x208xbf16, #tpu.memory_space<hbm>> -> memref<128x208xbf16, #tpu.memory_space<hbm>>
    %dma_wait3A_743 = arith.constant 0 : i32
    %dma_wait3A_744 = tpu.memref_slice %arg4[%add3A_722, %dma_wait3A_743] : memref<163840x208xbf16, #tpu.memory_space<hbm>> -> memref<128x208xbf16, #tpu.memory_space<hbm>>
    %dma_wait3A_745 = arith.constant 0 : i32
    %dma_wait3A_746 = arith.constant 0 : i32
    %dma_wait3A_747 = tpu.memref_slice %arg6[%dma_wait3A_736, %dma_wait3A_745, %dma_wait3A_746] : memref<7x128x208xbf16, #tpu.memory_space<vmem>> -> memref<1x128x208xbf16, #tpu.memory_space<vmem>>
    %dma_wait3A_748 = tpu.memref_squeeze %dma_wait3A_747 : memref<1x128x208xbf16, #tpu.memory_space<vmem>> -> memref<128x208xbf16, #tpu.memory_space<vmem>>
    tpu.wait_dma2 semaphore(%arg19 : memref<!tpu.dma_semaphore, #tpu.memory_space<semaphore_mem>>) src(%dma_wait3A_748 : memref<128x208xbf16, #tpu.memory_space<vmem>>) dst(%dma_wait3A_744 : memref<128x208xbf16, #tpu.memory_space<hbm>>)
    %dma_start3A_749 = arith.constant 19 : i32
    %dma_start3A_750 = arith.constant 5 : i32
    %dma_start3A_751 = arith.constant 0 : i32
    %dma_start3A_752 = arith.constant 0 : i32
    %dma_start3A_753 = tpu.memref_slice %arg6[%dma_start3A_750, %dma_start3A_751, %dma_start3A_752] : memref<7x128x208xbf16, #tpu.memory_space<vmem>> -> memref<1x128x208xbf16, #tpu.memory_space<vmem>>
    %dma_start3A_754 = tpu.memref_squeeze %dma_start3A_753 : memref<1x128x208xbf16, #tpu.memory_space<vmem>> -> memref<128x208xbf16, #tpu.memory_space<vmem>>
    %dma_start3A_755 = arith.constant 0 : i32
    %dma_start3A_756 = tpu.memref_slice %arg5[%dma_start3A_749, %dma_start3A_755] : memref<40x128xi32, #tpu.memory_space<vmem>> -> memref<1x128xi32, #tpu.memory_space<vmem>>
    %dma_start3A_757 = tpu.memref_squeeze %dma_start3A_756 : memref<1x128xi32, #tpu.memory_space<vmem>> -> memref<128xi32, #tpu.memory_space<vmem>>
    %dma_start3A_758 = arith.constant 0 : i32
    %dma_start3A_759 = arith.constant 0 : i32
    %dma_start3A_760 = tpu.memref_slice %arg2[%dma_start3A_758, %dma_start3A_759] : memref<8192x208xbf16, #tpu.memory_space<hbm>> -> memref<8192x208xbf16, #tpu.memory_space<hbm>>
    tpu.enqueue_indirect_dma source(%dma_start3A_760 : memref<8192x208xbf16, #tpu.memory_space<hbm>>) target(%dma_start3A_754 : memref<128x208xbf16, #tpu.memory_space<vmem>>) offsets(%dma_start3A_757 : memref<128xi32, #tpu.memory_space<vmem>>) semaphore(%arg12 : memref<!tpu.dma_semaphore, #tpu.memory_space<semaphore_mem>>)
    %dma_wait3A_761 = arith.constant 13 : i32
    %dma_wait3A_762 = arith.constant 6 : i32
    %dma_wait3A_763 = arith.constant 0 : i32
    %dma_wait3A_764 = arith.constant 0 : i32
    %dma_wait3A_765 = tpu.memref_slice %arg6[%dma_wait3A_762, %dma_wait3A_763, %dma_wait3A_764] : memref<7x128x208xbf16, #tpu.memory_space<vmem>> -> memref<1x128x208xbf16, #tpu.memory_space<vmem>>
    %dma_wait3A_766 = tpu.memref_squeeze %dma_wait3A_765 : memref<1x128x208xbf16, #tpu.memory_space<vmem>> -> memref<128x208xbf16, #tpu.memory_space<vmem>>
    %dma_wait3A_767 = arith.constant 0 : i32
    %dma_wait3A_768 = tpu.memref_slice %arg5[%dma_wait3A_761, %dma_wait3A_767] : memref<40x128xi32, #tpu.memory_space<vmem>> -> memref<1x128xi32, #tpu.memory_space<vmem>>
    %dma_wait3A_769 = tpu.memref_squeeze %dma_wait3A_768 : memref<1x128xi32, #tpu.memory_space<vmem>> -> memref<128xi32, #tpu.memory_space<vmem>>
    %dma_wait3A_770 = arith.constant 0 : i32
    %dma_wait3A_771 = arith.constant 0 : i32
    %dma_wait3A_772 = tpu.memref_slice %arg2[%dma_wait3A_770, %dma_wait3A_771] : memref<8192x208xbf16, #tpu.memory_space<hbm>> -> memref<8192x208xbf16, #tpu.memory_space<hbm>>
    tpu.wait_indirect_dma semaphore(%arg13 : memref<!tpu.dma_semaphore, #tpu.memory_space<semaphore_mem>>) src(%dma_wait3A_772 : memref<8192x208xbf16, #tpu.memory_space<hbm>>) dst(%dma_wait3A_766 : memref<128x208xbf16, #tpu.memory_space<vmem>>)
    %add3A_773 = arith.constant 1664 : i32
    %add3A_774 = arith.addi %mul3A_2, %add3A_773 : i32
    %dma_start3A_775 = arith.constant 6 : i32
    %dma_start3A_776 = arith.constant 0 : i32
    %dma_start3A_777 = arith.constant 0 : i32
    %dma_start3A_778 = tpu.memref_slice %arg6[%dma_start3A_775, %dma_start3A_776, %dma_start3A_777] : memref<7x128x208xbf16, #tpu.memory_space<vmem>> -> memref<1x128x208xbf16, #tpu.memory_space<vmem>>
    %dma_start3A_779 = tpu.memref_squeeze %dma_start3A_778 : memref<1x128x208xbf16, #tpu.memory_space<vmem>> -> memref<128x208xbf16, #tpu.memory_space<vmem>>
    %dma_start3A_780 = arith.constant 0 : i32
    %dma_start3A_781 = tpu.memref_slice %arg4[%add3A_774, %dma_start3A_780] : memref<163840x208xbf16, #tpu.memory_space<hbm>> -> memref<128x208xbf16, #tpu.memory_space<hbm>>
    %dma_start3A_782 = arith.constant 0 : i32
    %dma_start3A_783 = tpu.memref_slice %arg4[%add3A_774, %dma_start3A_782] : memref<163840x208xbf16, #tpu.memory_space<hbm>> -> memref<128x208xbf16, #tpu.memory_space<hbm>>
    %dma_start3A_784 = arith.constant 0 : i32
    %dma_start3A_785 = arith.constant 0 : i32
    %dma_start3A_786 = tpu.memref_slice %arg6[%dma_start3A_775, %dma_start3A_784, %dma_start3A_785] : memref<7x128x208xbf16, #tpu.memory_space<vmem>> -> memref<1x128x208xbf16, #tpu.memory_space<vmem>>
    %dma_start3A_787 = tpu.memref_squeeze %dma_start3A_786 : memref<1x128x208xbf16, #tpu.memory_space<vmem>> -> memref<128x208xbf16, #tpu.memory_space<vmem>>
    tpu.enqueue_dma source(%dma_start3A_787 : memref<128x208xbf16, #tpu.memory_space<vmem>>) target(%dma_start3A_783 : memref<128x208xbf16, #tpu.memory_space<hbm>>) target_semaphore(%arg20 : memref<!tpu.dma_semaphore, #tpu.memory_space<semaphore_mem>>)
    %dma_wait3A_788 = arith.constant 6 : i32
    %dma_wait3A_789 = arith.constant 0 : i32
    %dma_wait3A_790 = arith.constant 0 : i32
    %dma_wait3A_791 = tpu.memref_slice %arg6[%dma_wait3A_788, %dma_wait3A_789, %dma_wait3A_790] : memref<7x128x208xbf16, #tpu.memory_space<vmem>> -> memref<1x128x208xbf16, #tpu.memory_space<vmem>>
    %dma_wait3A_792 = tpu.memref_squeeze %dma_wait3A_791 : memref<1x128x208xbf16, #tpu.memory_space<vmem>> -> memref<128x208xbf16, #tpu.memory_space<vmem>>
    %dma_wait3A_793 = arith.constant 0 : i32
    %dma_wait3A_794 = tpu.memref_slice %arg4[%add3A_774, %dma_wait3A_793] : memref<163840x208xbf16, #tpu.memory_space<hbm>> -> memref<128x208xbf16, #tpu.memory_space<hbm>>
    %dma_wait3A_795 = arith.constant 0 : i32
    %dma_wait3A_796 = tpu.memref_slice %arg4[%add3A_774, %dma_wait3A_795] : memref<163840x208xbf16, #tpu.memory_space<hbm>> -> memref<128x208xbf16, #tpu.memory_space<hbm>>
    %dma_wait3A_797 = arith.constant 0 : i32
    %dma_wait3A_798 = arith.constant 0 : i32
    %dma_wait3A_799 = tpu.memref_slice %arg6[%dma_wait3A_788, %dma_wait3A_797, %dma_wait3A_798] : memref<7x128x208xbf16, #tpu.memory_space<vmem>> -> memref<1x128x208xbf16, #tpu.memory_space<vmem>>
    %dma_wait3A_800 = tpu.memref_squeeze %dma_wait3A_799 : memref<1x128x208xbf16, #tpu.memory_space<vmem>> -> memref<128x208xbf16, #tpu.memory_space<vmem>>
    tpu.wait_dma2 semaphore(%arg20 : memref<!tpu.dma_semaphore, #tpu.memory_space<semaphore_mem>>) src(%dma_wait3A_800 : memref<128x208xbf16, #tpu.memory_space<vmem>>) dst(%dma_wait3A_796 : memref<128x208xbf16, #tpu.memory_space<hbm>>)
    %dma_start3A_801 = arith.constant 20 : i32
    %dma_start3A_802 = arith.constant 6 : i32
    %dma_start3A_803 = arith.constant 0 : i32
    %dma_start3A_804 = arith.constant 0 : i32
    %dma_start3A_805 = tpu.memref_slice %arg6[%dma_start3A_802, %dma_start3A_803, %dma_start3A_804] : memref<7x128x208xbf16, #tpu.memory_space<vmem>> -> memref<1x128x208xbf16, #tpu.memory_space<vmem>>
    %dma_start3A_806 = tpu.memref_squeeze %dma_start3A_805 : memref<1x128x208xbf16, #tpu.memory_space<vmem>> -> memref<128x208xbf16, #tpu.memory_space<vmem>>
    %dma_start3A_807 = arith.constant 0 : i32
    %dma_start3A_808 = tpu.memref_slice %arg5[%dma_start3A_801, %dma_start3A_807] : memref<40x128xi32, #tpu.memory_space<vmem>> -> memref<1x128xi32, #tpu.memory_space<vmem>>
    %dma_start3A_809 = tpu.memref_squeeze %dma_start3A_808 : memref<1x128xi32, #tpu.memory_space<vmem>> -> memref<128xi32, #tpu.memory_space<vmem>>
    %dma_start3A_810 = arith.constant 0 : i32
    %dma_start3A_811 = arith.constant 0 : i32
    %dma_start3A_812 = tpu.memref_slice %arg2[%dma_start3A_810, %dma_start3A_811] : memref<8192x208xbf16, #tpu.memory_space<hbm>> -> memref<8192x208xbf16, #tpu.memory_space<hbm>>
    tpu.enqueue_indirect_dma source(%dma_start3A_812 : memref<8192x208xbf16, #tpu.memory_space<hbm>>) target(%dma_start3A_806 : memref<128x208xbf16, #tpu.memory_space<vmem>>) offsets(%dma_start3A_809 : memref<128xi32, #tpu.memory_space<vmem>>) semaphore(%arg13 : memref<!tpu.dma_semaphore, #tpu.memory_space<semaphore_mem>>)
    %dma_wait3A_813 = arith.constant 14 : i32
    %dma_wait3A_814 = arith.constant 0 : i32
    %dma_wait3A_815 = arith.constant 0 : i32
    %dma_wait3A_816 = arith.constant 0 : i32
    %dma_wait3A_817 = tpu.memref_slice %arg6[%dma_wait3A_814, %dma_wait3A_815, %dma_wait3A_816] : memref<7x128x208xbf16, #tpu.memory_space<vmem>> -> memref<1x128x208xbf16, #tpu.memory_space<vmem>>
    %dma_wait3A_818 = tpu.memref_squeeze %dma_wait3A_817 : memref<1x128x208xbf16, #tpu.memory_space<vmem>> -> memref<128x208xbf16, #tpu.memory_space<vmem>>
    %dma_wait3A_819 = arith.constant 0 : i32
    %dma_wait3A_820 = tpu.memref_slice %arg5[%dma_wait3A_813, %dma_wait3A_819] : memref<40x128xi32, #tpu.memory_space<vmem>> -> memref<1x128xi32, #tpu.memory_space<vmem>>
    %dma_wait3A_821 = tpu.memref_squeeze %dma_wait3A_820 : memref<1x128xi32, #tpu.memory_space<vmem>> -> memref<128xi32, #tpu.memory_space<vmem>>
    %dma_wait3A_822 = arith.constant 0 : i32
    %dma_wait3A_823 = arith.constant 0 : i32
    %dma_wait3A_824 = tpu.memref_slice %arg2[%dma_wait3A_822, %dma_wait3A_823] : memref<8192x208xbf16, #tpu.memory_space<hbm>> -> memref<8192x208xbf16, #tpu.memory_space<hbm>>
    tpu.wait_indirect_dma semaphore(%arg7 : memref<!tpu.dma_semaphore, #tpu.memory_space<semaphore_mem>>) src(%dma_wait3A_824 : memref<8192x208xbf16, #tpu.memory_space<hbm>>) dst(%dma_wait3A_818 : memref<128x208xbf16, #tpu.memory_space<vmem>>)
    %add3A_825 = arith.constant 1792 : i32
    %add3A_826 = arith.addi %mul3A_2, %add3A_825 : i32
    %dma_start3A_827 = arith.constant 0 : i32
    %dma_start3A_828 = arith.constant 0 : i32
    %dma_start3A_829 = arith.constant 0 : i32
    %dma_start3A_830 = tpu.memref_slice %arg6[%dma_start3A_827, %dma_start3A_828, %dma_start3A_829] : memref<7x128x208xbf16, #tpu.memory_space<vmem>> -> memref<1x128x208xbf16, #tpu.memory_space<vmem>>
    %dma_start3A_831 = tpu.memref_squeeze %dma_start3A_830 : memref<1x128x208xbf16, #tpu.memory_space<vmem>> -> memref<128x208xbf16, #tpu.memory_space<vmem>>
    %dma_start3A_832 = arith.constant 0 : i32
    %dma_start3A_833 = tpu.memref_slice %arg4[%add3A_826, %dma_start3A_832] : memref<163840x208xbf16, #tpu.memory_space<hbm>> -> memref<128x208xbf16, #tpu.memory_space<hbm>>
    %dma_start3A_834 = arith.constant 0 : i32
    %dma_start3A_835 = tpu.memref_slice %arg4[%add3A_826, %dma_start3A_834] : memref<163840x208xbf16, #tpu.memory_space<hbm>> -> memref<128x208xbf16, #tpu.memory_space<hbm>>
    %dma_start3A_836 = arith.constant 0 : i32
    %dma_start3A_837 = arith.constant 0 : i32
    %dma_start3A_838 = tpu.memref_slice %arg6[%dma_start3A_827, %dma_start3A_836, %dma_start3A_837] : memref<7x128x208xbf16, #tpu.memory_space<vmem>> -> memref<1x128x208xbf16, #tpu.memory_space<vmem>>
    %dma_start3A_839 = tpu.memref_squeeze %dma_start3A_838 : memref<1x128x208xbf16, #tpu.memory_space<vmem>> -> memref<128x208xbf16, #tpu.memory_space<vmem>>
    tpu.enqueue_dma source(%dma_start3A_839 : memref<128x208xbf16, #tpu.memory_space<vmem>>) target(%dma_start3A_835 : memref<128x208xbf16, #tpu.memory_space<hbm>>) target_semaphore(%arg14 : memref<!tpu.dma_semaphore, #tpu.memory_space<semaphore_mem>>)
    %dma_wait3A_840 = arith.constant 0 : i32
    %dma_wait3A_841 = arith.constant 0 : i32
    %dma_wait3A_842 = arith.constant 0 : i32
    %dma_wait3A_843 = tpu.memref_slice %arg6[%dma_wait3A_840, %dma_wait3A_841, %dma_wait3A_842] : memref<7x128x208xbf16, #tpu.memory_space<vmem>> -> memref<1x128x208xbf16, #tpu.memory_space<vmem>>
    %dma_wait3A_844 = tpu.memref_squeeze %dma_wait3A_843 : memref<1x128x208xbf16, #tpu.memory_space<vmem>> -> memref<128x208xbf16, #tpu.memory_space<vmem>>
    %dma_wait3A_845 = arith.constant 0 : i32
    %dma_wait3A_846 = tpu.memref_slice %arg4[%add3A_826, %dma_wait3A_845] : memref<163840x208xbf16, #tpu.memory_space<hbm>> -> memref<128x208xbf16, #tpu.memory_space<hbm>>
    %dma_wait3A_847 = arith.constant 0 : i32
    %dma_wait3A_848 = tpu.memref_slice %arg4[%add3A_826, %dma_wait3A_847] : memref<163840x208xbf16, #tpu.memory_space<hbm>> -> memref<128x208xbf16, #tpu.memory_space<hbm>>
    %dma_wait3A_849 = arith.constant 0 : i32
    %dma_wait3A_850 = arith.constant 0 : i32
    %dma_wait3A_851 = tpu.memref_slice %arg6[%dma_wait3A_840, %dma_wait3A_849, %dma_wait3A_850] : memref<7x128x208xbf16, #tpu.memory_space<vmem>> -> memref<1x128x208xbf16, #tpu.memory_space<vmem>>
    %dma_wait3A_852 = tpu.memref_squeeze %dma_wait3A_851 : memref<1x128x208xbf16, #tpu.memory_space<vmem>> -> memref<128x208xbf16, #tpu.memory_space<vmem>>
    tpu.wait_dma2 semaphore(%arg14 : memref<!tpu.dma_semaphore, #tpu.memory_space<semaphore_mem>>) src(%dma_wait3A_852 : memref<128x208xbf16, #tpu.memory_space<vmem>>) dst(%dma_wait3A_848 : memref<128x208xbf16, #tpu.memory_space<hbm>>)
    %dma_start3A_853 = arith.constant 21 : i32
    %dma_start3A_854 = arith.constant 0 : i32
    %dma_start3A_855 = arith.constant 0 : i32
    %dma_start3A_856 = arith.constant 0 : i32
    %dma_start3A_857 = tpu.memref_slice %arg6[%dma_start3A_854, %dma_start3A_855, %dma_start3A_856] : memref<7x128x208xbf16, #tpu.memory_space<vmem>> -> memref<1x128x208xbf16, #tpu.memory_space<vmem>>
    %dma_start3A_858 = tpu.memref_squeeze %dma_start3A_857 : memref<1x128x208xbf16, #tpu.memory_space<vmem>> -> memref<128x208xbf16, #tpu.memory_space<vmem>>
    %dma_start3A_859 = arith.constant 0 : i32
    %dma_start3A_860 = tpu.memref_slice %arg5[%dma_start3A_853, %dma_start3A_859] : memref<40x128xi32, #tpu.memory_space<vmem>> -> memref<1x128xi32, #tpu.memory_space<vmem>>
    %dma_start3A_861 = tpu.memref_squeeze %dma_start3A_860 : memref<1x128xi32, #tpu.memory_space<vmem>> -> memref<128xi32, #tpu.memory_space<vmem>>
    %dma_start3A_862 = arith.constant 0 : i32
    %dma_start3A_863 = arith.constant 0 : i32
    %dma_start3A_864 = tpu.memref_slice %arg2[%dma_start3A_862, %dma_start3A_863] : memref<8192x208xbf16, #tpu.memory_space<hbm>> -> memref<8192x208xbf16, #tpu.memory_space<hbm>>
    tpu.enqueue_indirect_dma source(%dma_start3A_864 : memref<8192x208xbf16, #tpu.memory_space<hbm>>) target(%dma_start3A_858 : memref<128x208xbf16, #tpu.memory_space<vmem>>) offsets(%dma_start3A_861 : memref<128xi32, #tpu.memory_space<vmem>>) semaphore(%arg7 : memref<!tpu.dma_semaphore, #tpu.memory_space<semaphore_mem>>)
    %dma_wait3A_865 = arith.constant 15 : i32
    %dma_wait3A_866 = arith.constant 1 : i32
    %dma_wait3A_867 = arith.constant 0 : i32
    %dma_wait3A_868 = arith.constant 0 : i32
    %dma_wait3A_869 = tpu.memref_slice %arg6[%dma_wait3A_866, %dma_wait3A_867, %dma_wait3A_868] : memref<7x128x208xbf16, #tpu.memory_space<vmem>> -> memref<1x128x208xbf16, #tpu.memory_space<vmem>>
    %dma_wait3A_870 = tpu.memref_squeeze %dma_wait3A_869 : memref<1x128x208xbf16, #tpu.memory_space<vmem>> -> memref<128x208xbf16, #tpu.memory_space<vmem>>
    %dma_wait3A_871 = arith.constant 0 : i32
    %dma_wait3A_872 = tpu.memref_slice %arg5[%dma_wait3A_865, %dma_wait3A_871] : memref<40x128xi32, #tpu.memory_space<vmem>> -> memref<1x128xi32, #tpu.memory_space<vmem>>
    %dma_wait3A_873 = tpu.memref_squeeze %dma_wait3A_872 : memref<1x128xi32, #tpu.memory_space<vmem>> -> memref<128xi32, #tpu.memory_space<vmem>>
    %dma_wait3A_874 = arith.constant 0 : i32
    %dma_wait3A_875 = arith.constant 0 : i32
    %dma_wait3A_876 = tpu.memref_slice %arg2[%dma_wait3A_874, %dma_wait3A_875] : memref<8192x208xbf16, #tpu.memory_space<hbm>> -> memref<8192x208xbf16, #tpu.memory_space<hbm>>
    tpu.wait_indirect_dma semaphore(%arg8 : memref<!tpu.dma_semaphore, #tpu.memory_space<semaphore_mem>>) src(%dma_wait3A_876 : memref<8192x208xbf16, #tpu.memory_space<hbm>>) dst(%dma_wait3A_870 : memref<128x208xbf16, #tpu.memory_space<vmem>>)
    %add3A_877 = arith.constant 1920 : i32
    %add3A_878 = arith.addi %mul3A_2, %add3A_877 : i32
    %dma_start3A_879 = arith.constant 1 : i32
    %dma_start3A_880 = arith.constant 0 : i32
    %dma_start3A_881 = arith.constant 0 : i32
    %dma_start3A_882 = tpu.memref_slice %arg6[%dma_start3A_879, %dma_start3A_880, %dma_start3A_881] : memref<7x128x208xbf16, #tpu.memory_space<vmem>> -> memref<1x128x208xbf16, #tpu.memory_space<vmem>>
    %dma_start3A_883 = tpu.memref_squeeze %dma_start3A_882 : memref<1x128x208xbf16, #tpu.memory_space<vmem>> -> memref<128x208xbf16, #tpu.memory_space<vmem>>
    %dma_start3A_884 = arith.constant 0 : i32
    %dma_start3A_885 = tpu.memref_slice %arg4[%add3A_878, %dma_start3A_884] : memref<163840x208xbf16, #tpu.memory_space<hbm>> -> memref<128x208xbf16, #tpu.memory_space<hbm>>
    %dma_start3A_886 = arith.constant 0 : i32
    %dma_start3A_887 = tpu.memref_slice %arg4[%add3A_878, %dma_start3A_886] : memref<163840x208xbf16, #tpu.memory_space<hbm>> -> memref<128x208xbf16, #tpu.memory_space<hbm>>
    %dma_start3A_888 = arith.constant 0 : i32
    %dma_start3A_889 = arith.constant 0 : i32
    %dma_start3A_890 = tpu.memref_slice %arg6[%dma_start3A_879, %dma_start3A_888, %dma_start3A_889] : memref<7x128x208xbf16, #tpu.memory_space<vmem>> -> memref<1x128x208xbf16, #tpu.memory_space<vmem>>
    %dma_start3A_891 = tpu.memref_squeeze %dma_start3A_890 : memref<1x128x208xbf16, #tpu.memory_space<vmem>> -> memref<128x208xbf16, #tpu.memory_space<vmem>>
    tpu.enqueue_dma source(%dma_start3A_891 : memref<128x208xbf16, #tpu.memory_space<vmem>>) target(%dma_start3A_887 : memref<128x208xbf16, #tpu.memory_space<hbm>>) target_semaphore(%arg15 : memref<!tpu.dma_semaphore, #tpu.memory_space<semaphore_mem>>)
    %dma_wait3A_892 = arith.constant 1 : i32
    %dma_wait3A_893 = arith.constant 0 : i32
    %dma_wait3A_894 = arith.constant 0 : i32
    %dma_wait3A_895 = tpu.memref_slice %arg6[%dma_wait3A_892, %dma_wait3A_893, %dma_wait3A_894] : memref<7x128x208xbf16, #tpu.memory_space<vmem>> -> memref<1x128x208xbf16, #tpu.memory_space<vmem>>
    %dma_wait3A_896 = tpu.memref_squeeze %dma_wait3A_895 : memref<1x128x208xbf16, #tpu.memory_space<vmem>> -> memref<128x208xbf16, #tpu.memory_space<vmem>>
    %dma_wait3A_897 = arith.constant 0 : i32
    %dma_wait3A_898 = tpu.memref_slice %arg4[%add3A_878, %dma_wait3A_897] : memref<163840x208xbf16, #tpu.memory_space<hbm>> -> memref<128x208xbf16, #tpu.memory_space<hbm>>
    %dma_wait3A_899 = arith.constant 0 : i32
    %dma_wait3A_900 = tpu.memref_slice %arg4[%add3A_878, %dma_wait3A_899] : memref<163840x208xbf16, #tpu.memory_space<hbm>> -> memref<128x208xbf16, #tpu.memory_space<hbm>>
    %dma_wait3A_901 = arith.constant 0 : i32
    %dma_wait3A_902 = arith.constant 0 : i32
    %dma_wait3A_903 = tpu.memref_slice %arg6[%dma_wait3A_892, %dma_wait3A_901, %dma_wait3A_902] : memref<7x128x208xbf16, #tpu.memory_space<vmem>> -> memref<1x128x208xbf16, #tpu.memory_space<vmem>>
    %dma_wait3A_904 = tpu.memref_squeeze %dma_wait3A_903 : memref<1x128x208xbf16, #tpu.memory_space<vmem>> -> memref<128x208xbf16, #tpu.memory_space<vmem>>
    tpu.wait_dma2 semaphore(%arg15 : memref<!tpu.dma_semaphore, #tpu.memory_space<semaphore_mem>>) src(%dma_wait3A_904 : memref<128x208xbf16, #tpu.memory_space<vmem>>) dst(%dma_wait3A_900 : memref<128x208xbf16, #tpu.memory_space<hbm>>)
    %dma_start3A_905 = arith.constant 22 : i32
    %dma_start3A_906 = arith.constant 1 : i32
    %dma_start3A_907 = arith.constant 0 : i32
    %dma_start3A_908 = arith.constant 0 : i32
    %dma_start3A_909 = tpu.memref_slice %arg6[%dma_start3A_906, %dma_start3A_907, %dma_start3A_908] : memref<7x128x208xbf16, #tpu.memory_space<vmem>> -> memref<1x128x208xbf16, #tpu.memory_space<vmem>>
    %dma_start3A_910 = tpu.memref_squeeze %dma_start3A_909 : memref<1x128x208xbf16, #tpu.memory_space<vmem>> -> memref<128x208xbf16, #tpu.memory_space<vmem>>
    %dma_start3A_911 = arith.constant 0 : i32
    %dma_start3A_912 = tpu.memref_slice %arg5[%dma_start3A_905, %dma_start3A_911] : memref<40x128xi32, #tpu.memory_space<vmem>> -> memref<1x128xi32, #tpu.memory_space<vmem>>
    %dma_start3A_913 = tpu.memref_squeeze %dma_start3A_912 : memref<1x128xi32, #tpu.memory_space<vmem>> -> memref<128xi32, #tpu.memory_space<vmem>>
    %dma_start3A_914 = arith.constant 0 : i32
    %dma_start3A_915 = arith.constant 0 : i32
    %dma_start3A_916 = tpu.memref_slice %arg2[%dma_start3A_914, %dma_start3A_915] : memref<8192x208xbf16, #tpu.memory_space<hbm>> -> memref<8192x208xbf16, #tpu.memory_space<hbm>>
    tpu.enqueue_indirect_dma source(%dma_start3A_916 : memref<8192x208xbf16, #tpu.memory_space<hbm>>) target(%dma_start3A_910 : memref<128x208xbf16, #tpu.memory_space<vmem>>) offsets(%dma_start3A_913 : memref<128xi32, #tpu.memory_space<vmem>>) semaphore(%arg8 : memref<!tpu.dma_semaphore, #tpu.memory_space<semaphore_mem>>)
    %dma_wait3A_917 = arith.constant 16 : i32
    %dma_wait3A_918 = arith.constant 2 : i32
    %dma_wait3A_919 = arith.constant 0 : i32
    %dma_wait3A_920 = arith.constant 0 : i32
    %dma_wait3A_921 = tpu.memref_slice %arg6[%dma_wait3A_918, %dma_wait3A_919, %dma_wait3A_920] : memref<7x128x208xbf16, #tpu.memory_space<vmem>> -> memref<1x128x208xbf16, #tpu.memory_space<vmem>>
    %dma_wait3A_922 = tpu.memref_squeeze %dma_wait3A_921 : memref<1x128x208xbf16, #tpu.memory_space<vmem>> -> memref<128x208xbf16, #tpu.memory_space<vmem>>
    %dma_wait3A_923 = arith.constant 0 : i32
    %dma_wait3A_924 = tpu.memref_slice %arg5[%dma_wait3A_917, %dma_wait3A_923] : memref<40x128xi32, #tpu.memory_space<vmem>> -> memref<1x128xi32, #tpu.memory_space<vmem>>
    %dma_wait3A_925 = tpu.memref_squeeze %dma_wait3A_924 : memref<1x128xi32, #tpu.memory_space<vmem>> -> memref<128xi32, #tpu.memory_space<vmem>>
    %dma_wait3A_926 = arith.constant 0 : i32
    %dma_wait3A_927 = arith.constant 0 : i32
    %dma_wait3A_928 = tpu.memref_slice %arg2[%dma_wait3A_926, %dma_wait3A_927] : memref<8192x208xbf16, #tpu.memory_space<hbm>> -> memref<8192x208xbf16, #tpu.memory_space<hbm>>
    tpu.wait_indirect_dma semaphore(%arg9 : memref<!tpu.dma_semaphore, #tpu.memory_space<semaphore_mem>>) src(%dma_wait3A_928 : memref<8192x208xbf16, #tpu.memory_space<hbm>>) dst(%dma_wait3A_922 : memref<128x208xbf16, #tpu.memory_space<vmem>>)
    %add3A_929 = arith.constant 2048 : i32
    %add3A_930 = arith.addi %mul3A_2, %add3A_929 : i32
    %dma_start3A_931 = arith.constant 2 : i32
    %dma_start3A_932 = arith.constant 0 : i32
    %dma_start3A_933 = arith.constant 0 : i32
    %dma_start3A_934 = tpu.memref_slice %arg6[%dma_start3A_931, %dma_start3A_932, %dma_start3A_933] : memref<7x128x208xbf16, #tpu.memory_space<vmem>> -> memref<1x128x208xbf16, #tpu.memory_space<vmem>>
    %dma_start3A_935 = tpu.memref_squeeze %dma_start3A_934 : memref<1x128x208xbf16, #tpu.memory_space<vmem>> -> memref<128x208xbf16, #tpu.memory_space<vmem>>
    %dma_start3A_936 = arith.constant 0 : i32
    %dma_start3A_937 = tpu.memref_slice %arg4[%add3A_930, %dma_start3A_936] : memref<163840x208xbf16, #tpu.memory_space<hbm>> -> memref<128x208xbf16, #tpu.memory_space<hbm>>
    %dma_start3A_938 = arith.constant 0 : i32
    %dma_start3A_939 = tpu.memref_slice %arg4[%add3A_930, %dma_start3A_938] : memref<163840x208xbf16, #tpu.memory_space<hbm>> -> memref<128x208xbf16, #tpu.memory_space<hbm>>
    %dma_start3A_940 = arith.constant 0 : i32
    %dma_start3A_941 = arith.constant 0 : i32
    %dma_start3A_942 = tpu.memref_slice %arg6[%dma_start3A_931, %dma_start3A_940, %dma_start3A_941] : memref<7x128x208xbf16, #tpu.memory_space<vmem>> -> memref<1x128x208xbf16, #tpu.memory_space<vmem>>
    %dma_start3A_943 = tpu.memref_squeeze %dma_start3A_942 : memref<1x128x208xbf16, #tpu.memory_space<vmem>> -> memref<128x208xbf16, #tpu.memory_space<vmem>>
    tpu.enqueue_dma source(%dma_start3A_943 : memref<128x208xbf16, #tpu.memory_space<vmem>>) target(%dma_start3A_939 : memref<128x208xbf16, #tpu.memory_space<hbm>>) target_semaphore(%arg16 : memref<!tpu.dma_semaphore, #tpu.memory_space<semaphore_mem>>)
    %dma_wait3A_944 = arith.constant 2 : i32
    %dma_wait3A_945 = arith.constant 0 : i32
    %dma_wait3A_946 = arith.constant 0 : i32
    %dma_wait3A_947 = tpu.memref_slice %arg6[%dma_wait3A_944, %dma_wait3A_945, %dma_wait3A_946] : memref<7x128x208xbf16, #tpu.memory_space<vmem>> -> memref<1x128x208xbf16, #tpu.memory_space<vmem>>
    %dma_wait3A_948 = tpu.memref_squeeze %dma_wait3A_947 : memref<1x128x208xbf16, #tpu.memory_space<vmem>> -> memref<128x208xbf16, #tpu.memory_space<vmem>>
    %dma_wait3A_949 = arith.constant 0 : i32
    %dma_wait3A_950 = tpu.memref_slice %arg4[%add3A_930, %dma_wait3A_949] : memref<163840x208xbf16, #tpu.memory_space<hbm>> -> memref<128x208xbf16, #tpu.memory_space<hbm>>
    %dma_wait3A_951 = arith.constant 0 : i32
    %dma_wait3A_952 = tpu.memref_slice %arg4[%add3A_930, %dma_wait3A_951] : memref<163840x208xbf16, #tpu.memory_space<hbm>> -> memref<128x208xbf16, #tpu.memory_space<hbm>>
    %dma_wait3A_953 = arith.constant 0 : i32
    %dma_wait3A_954 = arith.constant 0 : i32
    %dma_wait3A_955 = tpu.memref_slice %arg6[%dma_wait3A_944, %dma_wait3A_953, %dma_wait3A_954] : memref<7x128x208xbf16, #tpu.memory_space<vmem>> -> memref<1x128x208xbf16, #tpu.memory_space<vmem>>
    %dma_wait3A_956 = tpu.memref_squeeze %dma_wait3A_955 : memref<1x128x208xbf16, #tpu.memory_space<vmem>> -> memref<128x208xbf16, #tpu.memory_space<vmem>>
    tpu.wait_dma2 semaphore(%arg16 : memref<!tpu.dma_semaphore, #tpu.memory_space<semaphore_mem>>) src(%dma_wait3A_956 : memref<128x208xbf16, #tpu.memory_space<vmem>>) dst(%dma_wait3A_952 : memref<128x208xbf16, #tpu.memory_space<hbm>>)
    %dma_start3A_957 = arith.constant 23 : i32
    %dma_start3A_958 = arith.constant 2 : i32
    %dma_start3A_959 = arith.constant 0 : i32
    %dma_start3A_960 = arith.constant 0 : i32
    %dma_start3A_961 = tpu.memref_slice %arg6[%dma_start3A_958, %dma_start3A_959, %dma_start3A_960] : memref<7x128x208xbf16, #tpu.memory_space<vmem>> -> memref<1x128x208xbf16, #tpu.memory_space<vmem>>
    %dma_start3A_962 = tpu.memref_squeeze %dma_start3A_961 : memref<1x128x208xbf16, #tpu.memory_space<vmem>> -> memref<128x208xbf16, #tpu.memory_space<vmem>>
    %dma_start3A_963 = arith.constant 0 : i32
    %dma_start3A_964 = tpu.memref_slice %arg5[%dma_start3A_957, %dma_start3A_963] : memref<40x128xi32, #tpu.memory_space<vmem>> -> memref<1x128xi32, #tpu.memory_space<vmem>>
    %dma_start3A_965 = tpu.memref_squeeze %dma_start3A_964 : memref<1x128xi32, #tpu.memory_space<vmem>> -> memref<128xi32, #tpu.memory_space<vmem>>
    %dma_start3A_966 = arith.constant 0 : i32
    %dma_start3A_967 = arith.constant 0 : i32
    %dma_start3A_968 = tpu.memref_slice %arg2[%dma_start3A_966, %dma_start3A_967] : memref<8192x208xbf16, #tpu.memory_space<hbm>> -> memref<8192x208xbf16, #tpu.memory_space<hbm>>
    tpu.enqueue_indirect_dma source(%dma_start3A_968 : memref<8192x208xbf16, #tpu.memory_space<hbm>>) target(%dma_start3A_962 : memref<128x208xbf16, #tpu.memory_space<vmem>>) offsets(%dma_start3A_965 : memref<128xi32, #tpu.memory_space<vmem>>) semaphore(%arg9 : memref<!tpu.dma_semaphore, #tpu.memory_space<semaphore_mem>>)
    %dma_wait3A_969 = arith.constant 17 : i32
    %dma_wait3A_970 = arith.constant 3 : i32
    %dma_wait3A_971 = arith.constant 0 : i32
    %dma_wait3A_972 = arith.constant 0 : i32
    %dma_wait3A_973 = tpu.memref_slice %arg6[%dma_wait3A_970, %dma_wait3A_971, %dma_wait3A_972] : memref<7x128x208xbf16, #tpu.memory_space<vmem>> -> memref<1x128x208xbf16, #tpu.memory_space<vmem>>
    %dma_wait3A_974 = tpu.memref_squeeze %dma_wait3A_973 : memref<1x128x208xbf16, #tpu.memory_space<vmem>> -> memref<128x208xbf16, #tpu.memory_space<vmem>>
    %dma_wait3A_975 = arith.constant 0 : i32
    %dma_wait3A_976 = tpu.memref_slice %arg5[%dma_wait3A_969, %dma_wait3A_975] : memref<40x128xi32, #tpu.memory_space<vmem>> -> memref<1x128xi32, #tpu.memory_space<vmem>>
    %dma_wait3A_977 = tpu.memref_squeeze %dma_wait3A_976 : memref<1x128xi32, #tpu.memory_space<vmem>> -> memref<128xi32, #tpu.memory_space<vmem>>
    %dma_wait3A_978 = arith.constant 0 : i32
    %dma_wait3A_979 = arith.constant 0 : i32
    %dma_wait3A_980 = tpu.memref_slice %arg2[%dma_wait3A_978, %dma_wait3A_979] : memref<8192x208xbf16, #tpu.memory_space<hbm>> -> memref<8192x208xbf16, #tpu.memory_space<hbm>>
    tpu.wait_indirect_dma semaphore(%arg10 : memref<!tpu.dma_semaphore, #tpu.memory_space<semaphore_mem>>) src(%dma_wait3A_980 : memref<8192x208xbf16, #tpu.memory_space<hbm>>) dst(%dma_wait3A_974 : memref<128x208xbf16, #tpu.memory_space<vmem>>)
    %add3A_981 = arith.constant 2176 : i32
    %add3A_982 = arith.addi %mul3A_2, %add3A_981 : i32
    %dma_start3A_983 = arith.constant 3 : i32
    %dma_start3A_984 = arith.constant 0 : i32
    %dma_start3A_985 = arith.constant 0 : i32
    %dma_start3A_986 = tpu.memref_slice %arg6[%dma_start3A_983, %dma_start3A_984, %dma_start3A_985] : memref<7x128x208xbf16, #tpu.memory_space<vmem>> -> memref<1x128x208xbf16, #tpu.memory_space<vmem>>
    %dma_start3A_987 = tpu.memref_squeeze %dma_start3A_986 : memref<1x128x208xbf16, #tpu.memory_space<vmem>> -> memref<128x208xbf16, #tpu.memory_space<vmem>>
    %dma_start3A_988 = arith.constant 0 : i32
    %dma_start3A_989 = tpu.memref_slice %arg4[%add3A_982, %dma_start3A_988] : memref<163840x208xbf16, #tpu.memory_space<hbm>> -> memref<128x208xbf16, #tpu.memory_space<hbm>>
    %dma_start3A_990 = arith.constant 0 : i32
    %dma_start3A_991 = tpu.memref_slice %arg4[%add3A_982, %dma_start3A_990] : memref<163840x208xbf16, #tpu.memory_space<hbm>> -> memref<128x208xbf16, #tpu.memory_space<hbm>>
    %dma_start3A_992 = arith.constant 0 : i32
    %dma_start3A_993 = arith.constant 0 : i32
    %dma_start3A_994 = tpu.memref_slice %arg6[%dma_start3A_983, %dma_start3A_992, %dma_start3A_993] : memref<7x128x208xbf16, #tpu.memory_space<vmem>> -> memref<1x128x208xbf16, #tpu.memory_space<vmem>>
    %dma_start3A_995 = tpu.memref_squeeze %dma_start3A_994 : memref<1x128x208xbf16, #tpu.memory_space<vmem>> -> memref<128x208xbf16, #tpu.memory_space<vmem>>
    tpu.enqueue_dma source(%dma_start3A_995 : memref<128x208xbf16, #tpu.memory_space<vmem>>) target(%dma_start3A_991 : memref<128x208xbf16, #tpu.memory_space<hbm>>) target_semaphore(%arg17 : memref<!tpu.dma_semaphore, #tpu.memory_space<semaphore_mem>>)
    %dma_wait3A_996 = arith.constant 3 : i32
    %dma_wait3A_997 = arith.constant 0 : i32
    %dma_wait3A_998 = arith.constant 0 : i32
    %dma_wait3A_999 = tpu.memref_slice %arg6[%dma_wait3A_996, %dma_wait3A_997, %dma_wait3A_998] : memref<7x128x208xbf16, #tpu.memory_space<vmem>> -> memref<1x128x208xbf16, #tpu.memory_space<vmem>>
    %dma_wait3A_1000 = tpu.memref_squeeze %dma_wait3A_999 : memref<1x128x208xbf16, #tpu.memory_space<vmem>> -> memref<128x208xbf16, #tpu.memory_space<vmem>>
    %dma_wait3A_1001 = arith.constant 0 : i32
    %dma_wait3A_1002 = tpu.memref_slice %arg4[%add3A_982, %dma_wait3A_1001] : memref<163840x208xbf16, #tpu.memory_space<hbm>> -> memref<128x208xbf16, #tpu.memory_space<hbm>>
    %dma_wait3A_1003 = arith.constant 0 : i32
    %dma_wait3A_1004 = tpu.memref_slice %arg4[%add3A_982, %dma_wait3A_1003] : memref<163840x208xbf16, #tpu.memory_space<hbm>> -> memref<128x208xbf16, #tpu.memory_space<hbm>>
    %dma_wait3A_1005 = arith.constant 0 : i32
    %dma_wait3A_1006 = arith.constant 0 : i32
    %dma_wait3A_1007 = tpu.memref_slice %arg6[%dma_wait3A_996, %dma_wait3A_1005, %dma_wait3A_1006] : memref<7x128x208xbf16, #tpu.memory_space<vmem>> -> memref<1x128x208xbf16, #tpu.memory_space<vmem>>
    %dma_wait3A_1008 = tpu.memref_squeeze %dma_wait3A_1007 : memref<1x128x208xbf16, #tpu.memory_space<vmem>> -> memref<128x208xbf16, #tpu.memory_space<vmem>>
    tpu.wait_dma2 semaphore(%arg17 : memref<!tpu.dma_semaphore, #tpu.memory_space<semaphore_mem>>) src(%dma_wait3A_1008 : memref<128x208xbf16, #tpu.memory_space<vmem>>) dst(%dma_wait3A_1004 : memref<128x208xbf16, #tpu.memory_space<hbm>>)
    %dma_start3A_1009 = arith.constant 24 : i32
    %dma_start3A_1010 = arith.constant 3 : i32
    %dma_start3A_1011 = arith.constant 0 : i32
    %dma_start3A_1012 = arith.constant 0 : i32
    %dma_start3A_1013 = tpu.memref_slice %arg6[%dma_start3A_1010, %dma_start3A_1011, %dma_start3A_1012] : memref<7x128x208xbf16, #tpu.memory_space<vmem>> -> memref<1x128x208xbf16, #tpu.memory_space<vmem>>
    %dma_start3A_1014 = tpu.memref_squeeze %dma_start3A_1013 : memref<1x128x208xbf16, #tpu.memory_space<vmem>> -> memref<128x208xbf16, #tpu.memory_space<vmem>>
    %dma_start3A_1015 = arith.constant 0 : i32
    %dma_start3A_1016 = tpu.memref_slice %arg5[%dma_start3A_1009, %dma_start3A_1015] : memref<40x128xi32, #tpu.memory_space<vmem>> -> memref<1x128xi32, #tpu.memory_space<vmem>>
    %dma_start3A_1017 = tpu.memref_squeeze %dma_start3A_1016 : memref<1x128xi32, #tpu.memory_space<vmem>> -> memref<128xi32, #tpu.memory_space<vmem>>
    %dma_start3A_1018 = arith.constant 0 : i32
    %dma_start3A_1019 = arith.constant 0 : i32
    %dma_start3A_1020 = tpu.memref_slice %arg2[%dma_start3A_1018, %dma_start3A_1019] : memref<8192x208xbf16, #tpu.memory_space<hbm>> -> memref<8192x208xbf16, #tpu.memory_space<hbm>>
    tpu.enqueue_indirect_dma source(%dma_start3A_1020 : memref<8192x208xbf16, #tpu.memory_space<hbm>>) target(%dma_start3A_1014 : memref<128x208xbf16, #tpu.memory_space<vmem>>) offsets(%dma_start3A_1017 : memref<128xi32, #tpu.memory_space<vmem>>) semaphore(%arg10 : memref<!tpu.dma_semaphore, #tpu.memory_space<semaphore_mem>>)
    %dma_wait3A_1021 = arith.constant 18 : i32
    %dma_wait3A_1022 = arith.constant 4 : i32
    %dma_wait3A_1023 = arith.constant 0 : i32
    %dma_wait3A_1024 = arith.constant 0 : i32
    %dma_wait3A_1025 = tpu.memref_slice %arg6[%dma_wait3A_1022, %dma_wait3A_1023, %dma_wait3A_1024] : memref<7x128x208xbf16, #tpu.memory_space<vmem>> -> memref<1x128x208xbf16, #tpu.memory_space<vmem>>
    %dma_wait3A_1026 = tpu.memref_squeeze %dma_wait3A_1025 : memref<1x128x208xbf16, #tpu.memory_space<vmem>> -> memref<128x208xbf16, #tpu.memory_space<vmem>>
    %dma_wait3A_1027 = arith.constant 0 : i32
    %dma_wait3A_1028 = tpu.memref_slice %arg5[%dma_wait3A_1021, %dma_wait3A_1027] : memref<40x128xi32, #tpu.memory_space<vmem>> -> memref<1x128xi32, #tpu.memory_space<vmem>>
    %dma_wait3A_1029 = tpu.memref_squeeze %dma_wait3A_1028 : memref<1x128xi32, #tpu.memory_space<vmem>> -> memref<128xi32, #tpu.memory_space<vmem>>
    %dma_wait3A_1030 = arith.constant 0 : i32
    %dma_wait3A_1031 = arith.constant 0 : i32
    %dma_wait3A_1032 = tpu.memref_slice %arg2[%dma_wait3A_1030, %dma_wait3A_1031] : memref<8192x208xbf16, #tpu.memory_space<hbm>> -> memref<8192x208xbf16, #tpu.memory_space<hbm>>
    tpu.wait_indirect_dma semaphore(%arg11 : memref<!tpu.dma_semaphore, #tpu.memory_space<semaphore_mem>>) src(%dma_wait3A_1032 : memref<8192x208xbf16, #tpu.memory_space<hbm>>) dst(%dma_wait3A_1026 : memref<128x208xbf16, #tpu.memory_space<vmem>>)
    %add3A_1033 = arith.constant 2304 : i32
    %add3A_1034 = arith.addi %mul3A_2, %add3A_1033 : i32
    %dma_start3A_1035 = arith.constant 4 : i32
    %dma_start3A_1036 = arith.constant 0 : i32
    %dma_start3A_1037 = arith.constant 0 : i32
    %dma_start3A_1038 = tpu.memref_slice %arg6[%dma_start3A_1035, %dma_start3A_1036, %dma_start3A_1037] : memref<7x128x208xbf16, #tpu.memory_space<vmem>> -> memref<1x128x208xbf16, #tpu.memory_space<vmem>>
    %dma_start3A_1039 = tpu.memref_squeeze %dma_start3A_1038 : memref<1x128x208xbf16, #tpu.memory_space<vmem>> -> memref<128x208xbf16, #tpu.memory_space<vmem>>
    %dma_start3A_1040 = arith.constant 0 : i32
    %dma_start3A_1041 = tpu.memref_slice %arg4[%add3A_1034, %dma_start3A_1040] : memref<163840x208xbf16, #tpu.memory_space<hbm>> -> memref<128x208xbf16, #tpu.memory_space<hbm>>
    %dma_start3A_1042 = arith.constant 0 : i32
    %dma_start3A_1043 = tpu.memref_slice %arg4[%add3A_1034, %dma_start3A_1042] : memref<163840x208xbf16, #tpu.memory_space<hbm>> -> memref<128x208xbf16, #tpu.memory_space<hbm>>
    %dma_start3A_1044 = arith.constant 0 : i32
    %dma_start3A_1045 = arith.constant 0 : i32
    %dma_start3A_1046 = tpu.memref_slice %arg6[%dma_start3A_1035, %dma_start3A_1044, %dma_start3A_1045] : memref<7x128x208xbf16, #tpu.memory_space<vmem>> -> memref<1x128x208xbf16, #tpu.memory_space<vmem>>
    %dma_start3A_1047 = tpu.memref_squeeze %dma_start3A_1046 : memref<1x128x208xbf16, #tpu.memory_space<vmem>> -> memref<128x208xbf16, #tpu.memory_space<vmem>>
    tpu.enqueue_dma source(%dma_start3A_1047 : memref<128x208xbf16, #tpu.memory_space<vmem>>) target(%dma_start3A_1043 : memref<128x208xbf16, #tpu.memory_space<hbm>>) target_semaphore(%arg18 : memref<!tpu.dma_semaphore, #tpu.memory_space<semaphore_mem>>)
    %dma_wait3A_1048 = arith.constant 4 : i32
    %dma_wait3A_1049 = arith.constant 0 : i32
    %dma_wait3A_1050 = arith.constant 0 : i32
    %dma_wait3A_1051 = tpu.memref_slice %arg6[%dma_wait3A_1048, %dma_wait3A_1049, %dma_wait3A_1050] : memref<7x128x208xbf16, #tpu.memory_space<vmem>> -> memref<1x128x208xbf16, #tpu.memory_space<vmem>>
    %dma_wait3A_1052 = tpu.memref_squeeze %dma_wait3A_1051 : memref<1x128x208xbf16, #tpu.memory_space<vmem>> -> memref<128x208xbf16, #tpu.memory_space<vmem>>
    %dma_wait3A_1053 = arith.constant 0 : i32
    %dma_wait3A_1054 = tpu.memref_slice %arg4[%add3A_1034, %dma_wait3A_1053] : memref<163840x208xbf16, #tpu.memory_space<hbm>> -> memref<128x208xbf16, #tpu.memory_space<hbm>>
    %dma_wait3A_1055 = arith.constant 0 : i32
    %dma_wait3A_1056 = tpu.memref_slice %arg4[%add3A_1034, %dma_wait3A_1055] : memref<163840x208xbf16, #tpu.memory_space<hbm>> -> memref<128x208xbf16, #tpu.memory_space<hbm>>
    %dma_wait3A_1057 = arith.constant 0 : i32
    %dma_wait3A_1058 = arith.constant 0 : i32
    %dma_wait3A_1059 = tpu.memref_slice %arg6[%dma_wait3A_1048, %dma_wait3A_1057, %dma_wait3A_1058] : memref<7x128x208xbf16, #tpu.memory_space<vmem>> -> memref<1x128x208xbf16, #tpu.memory_space<vmem>>
    %dma_wait3A_1060 = tpu.memref_squeeze %dma_wait3A_1059 : memref<1x128x208xbf16, #tpu.memory_space<vmem>> -> memref<128x208xbf16, #tpu.memory_space<vmem>>
    tpu.wait_dma2 semaphore(%arg18 : memref<!tpu.dma_semaphore, #tpu.memory_space<semaphore_mem>>) src(%dma_wait3A_1060 : memref<128x208xbf16, #tpu.memory_space<vmem>>) dst(%dma_wait3A_1056 : memref<128x208xbf16, #tpu.memory_space<hbm>>)
    %dma_start3A_1061 = arith.constant 25 : i32
    %dma_start3A_1062 = arith.constant 4 : i32
    %dma_start3A_1063 = arith.constant 0 : i32
    %dma_start3A_1064 = arith.constant 0 : i32
    %dma_start3A_1065 = tpu.memref_slice %arg6[%dma_start3A_1062, %dma_start3A_1063, %dma_start3A_1064] : memref<7x128x208xbf16, #tpu.memory_space<vmem>> -> memref<1x128x208xbf16, #tpu.memory_space<vmem>>
    %dma_start3A_1066 = tpu.memref_squeeze %dma_start3A_1065 : memref<1x128x208xbf16, #tpu.memory_space<vmem>> -> memref<128x208xbf16, #tpu.memory_space<vmem>>
    %dma_start3A_1067 = arith.constant 0 : i32
    %dma_start3A_1068 = tpu.memref_slice %arg5[%dma_start3A_1061, %dma_start3A_1067] : memref<40x128xi32, #tpu.memory_space<vmem>> -> memref<1x128xi32, #tpu.memory_space<vmem>>
    %dma_start3A_1069 = tpu.memref_squeeze %dma_start3A_1068 : memref<1x128xi32, #tpu.memory_space<vmem>> -> memref<128xi32, #tpu.memory_space<vmem>>
    %dma_start3A_1070 = arith.constant 0 : i32
    %dma_start3A_1071 = arith.constant 0 : i32
    %dma_start3A_1072 = tpu.memref_slice %arg2[%dma_start3A_1070, %dma_start3A_1071] : memref<8192x208xbf16, #tpu.memory_space<hbm>> -> memref<8192x208xbf16, #tpu.memory_space<hbm>>
    tpu.enqueue_indirect_dma source(%dma_start3A_1072 : memref<8192x208xbf16, #tpu.memory_space<hbm>>) target(%dma_start3A_1066 : memref<128x208xbf16, #tpu.memory_space<vmem>>) offsets(%dma_start3A_1069 : memref<128xi32, #tpu.memory_space<vmem>>) semaphore(%arg11 : memref<!tpu.dma_semaphore, #tpu.memory_space<semaphore_mem>>)
    %dma_wait3A_1073 = arith.constant 19 : i32
    %dma_wait3A_1074 = arith.constant 5 : i32
    %dma_wait3A_1075 = arith.constant 0 : i32
    %dma_wait3A_1076 = arith.constant 0 : i32
    %dma_wait3A_1077 = tpu.memref_slice %arg6[%dma_wait3A_1074, %dma_wait3A_1075, %dma_wait3A_1076] : memref<7x128x208xbf16, #tpu.memory_space<vmem>> -> memref<1x128x208xbf16, #tpu.memory_space<vmem>>
    %dma_wait3A_1078 = tpu.memref_squeeze %dma_wait3A_1077 : memref<1x128x208xbf16, #tpu.memory_space<vmem>> -> memref<128x208xbf16, #tpu.memory_space<vmem>>
    %dma_wait3A_1079 = arith.constant 0 : i32
    %dma_wait3A_1080 = tpu.memref_slice %arg5[%dma_wait3A_1073, %dma_wait3A_1079] : memref<40x128xi32, #tpu.memory_space<vmem>> -> memref<1x128xi32, #tpu.memory_space<vmem>>
    %dma_wait3A_1081 = tpu.memref_squeeze %dma_wait3A_1080 : memref<1x128xi32, #tpu.memory_space<vmem>> -> memref<128xi32, #tpu.memory_space<vmem>>
    %dma_wait3A_1082 = arith.constant 0 : i32
    %dma_wait3A_1083 = arith.constant 0 : i32
    %dma_wait3A_1084 = tpu.memref_slice %arg2[%dma_wait3A_1082, %dma_wait3A_1083] : memref<8192x208xbf16, #tpu.memory_space<hbm>> -> memref<8192x208xbf16, #tpu.memory_space<hbm>>
    tpu.wait_indirect_dma semaphore(%arg12 : memref<!tpu.dma_semaphore, #tpu.memory_space<semaphore_mem>>) src(%dma_wait3A_1084 : memref<8192x208xbf16, #tpu.memory_space<hbm>>) dst(%dma_wait3A_1078 : memref<128x208xbf16, #tpu.memory_space<vmem>>)
    %add3A_1085 = arith.constant 2432 : i32
    %add3A_1086 = arith.addi %mul3A_2, %add3A_1085 : i32
    %dma_start3A_1087 = arith.constant 5 : i32
    %dma_start3A_1088 = arith.constant 0 : i32
    %dma_start3A_1089 = arith.constant 0 : i32
    %dma_start3A_1090 = tpu.memref_slice %arg6[%dma_start3A_1087, %dma_start3A_1088, %dma_start3A_1089] : memref<7x128x208xbf16, #tpu.memory_space<vmem>> -> memref<1x128x208xbf16, #tpu.memory_space<vmem>>
    %dma_start3A_1091 = tpu.memref_squeeze %dma_start3A_1090 : memref<1x128x208xbf16, #tpu.memory_space<vmem>> -> memref<128x208xbf16, #tpu.memory_space<vmem>>
    %dma_start3A_1092 = arith.constant 0 : i32
    %dma_start3A_1093 = tpu.memref_slice %arg4[%add3A_1086, %dma_start3A_1092] : memref<163840x208xbf16, #tpu.memory_space<hbm>> -> memref<128x208xbf16, #tpu.memory_space<hbm>>
    %dma_start3A_1094 = arith.constant 0 : i32
    %dma_start3A_1095 = tpu.memref_slice %arg4[%add3A_1086, %dma_start3A_1094] : memref<163840x208xbf16, #tpu.memory_space<hbm>> -> memref<128x208xbf16, #tpu.memory_space<hbm>>
    %dma_start3A_1096 = arith.constant 0 : i32
    %dma_start3A_1097 = arith.constant 0 : i32
    %dma_start3A_1098 = tpu.memref_slice %arg6[%dma_start3A_1087, %dma_start3A_1096, %dma_start3A_1097] : memref<7x128x208xbf16, #tpu.memory_space<vmem>> -> memref<1x128x208xbf16, #tpu.memory_space<vmem>>
    %dma_start3A_1099 = tpu.memref_squeeze %dma_start3A_1098 : memref<1x128x208xbf16, #tpu.memory_space<vmem>> -> memref<128x208xbf16, #tpu.memory_space<vmem>>
    tpu.enqueue_dma source(%dma_start3A_1099 : memref<128x208xbf16, #tpu.memory_space<vmem>>) target(%dma_start3A_1095 : memref<128x208xbf16, #tpu.memory_space<hbm>>) target_semaphore(%arg19 : memref<!tpu.dma_semaphore, #tpu.memory_space<semaphore_mem>>)
    %dma_wait3A_1100 = arith.constant 5 : i32
    %dma_wait3A_1101 = arith.constant 0 : i32
    %dma_wait3A_1102 = arith.constant 0 : i32
    %dma_wait3A_1103 = tpu.memref_slice %arg6[%dma_wait3A_1100, %dma_wait3A_1101, %dma_wait3A_1102] : memref<7x128x208xbf16, #tpu.memory_space<vmem>> -> memref<1x128x208xbf16, #tpu.memory_space<vmem>>
    %dma_wait3A_1104 = tpu.memref_squeeze %dma_wait3A_1103 : memref<1x128x208xbf16, #tpu.memory_space<vmem>> -> memref<128x208xbf16, #tpu.memory_space<vmem>>
    %dma_wait3A_1105 = arith.constant 0 : i32
    %dma_wait3A_1106 = tpu.memref_slice %arg4[%add3A_1086, %dma_wait3A_1105] : memref<163840x208xbf16, #tpu.memory_space<hbm>> -> memref<128x208xbf16, #tpu.memory_space<hbm>>
    %dma_wait3A_1107 = arith.constant 0 : i32
    %dma_wait3A_1108 = tpu.memref_slice %arg4[%add3A_1086, %dma_wait3A_1107] : memref<163840x208xbf16, #tpu.memory_space<hbm>> -> memref<128x208xbf16, #tpu.memory_space<hbm>>
    %dma_wait3A_1109 = arith.constant 0 : i32
    %dma_wait3A_1110 = arith.constant 0 : i32
    %dma_wait3A_1111 = tpu.memref_slice %arg6[%dma_wait3A_1100, %dma_wait3A_1109, %dma_wait3A_1110] : memref<7x128x208xbf16, #tpu.memory_space<vmem>> -> memref<1x128x208xbf16, #tpu.memory_space<vmem>>
    %dma_wait3A_1112 = tpu.memref_squeeze %dma_wait3A_1111 : memref<1x128x208xbf16, #tpu.memory_space<vmem>> -> memref<128x208xbf16, #tpu.memory_space<vmem>>
    tpu.wait_dma2 semaphore(%arg19 : memref<!tpu.dma_semaphore, #tpu.memory_space<semaphore_mem>>) src(%dma_wait3A_1112 : memref<128x208xbf16, #tpu.memory_space<vmem>>) dst(%dma_wait3A_1108 : memref<128x208xbf16, #tpu.memory_space<hbm>>)
    %dma_start3A_1113 = arith.constant 26 : i32
    %dma_start3A_1114 = arith.constant 5 : i32
    %dma_start3A_1115 = arith.constant 0 : i32
    %dma_start3A_1116 = arith.constant 0 : i32
    %dma_start3A_1117 = tpu.memref_slice %arg6[%dma_start3A_1114, %dma_start3A_1115, %dma_start3A_1116] : memref<7x128x208xbf16, #tpu.memory_space<vmem>> -> memref<1x128x208xbf16, #tpu.memory_space<vmem>>
    %dma_start3A_1118 = tpu.memref_squeeze %dma_start3A_1117 : memref<1x128x208xbf16, #tpu.memory_space<vmem>> -> memref<128x208xbf16, #tpu.memory_space<vmem>>
    %dma_start3A_1119 = arith.constant 0 : i32
    %dma_start3A_1120 = tpu.memref_slice %arg5[%dma_start3A_1113, %dma_start3A_1119] : memref<40x128xi32, #tpu.memory_space<vmem>> -> memref<1x128xi32, #tpu.memory_space<vmem>>
    %dma_start3A_1121 = tpu.memref_squeeze %dma_start3A_1120 : memref<1x128xi32, #tpu.memory_space<vmem>> -> memref<128xi32, #tpu.memory_space<vmem>>
    %dma_start3A_1122 = arith.constant 0 : i32
    %dma_start3A_1123 = arith.constant 0 : i32
    %dma_start3A_1124 = tpu.memref_slice %arg2[%dma_start3A_1122, %dma_start3A_1123] : memref<8192x208xbf16, #tpu.memory_space<hbm>> -> memref<8192x208xbf16, #tpu.memory_space<hbm>>
    tpu.enqueue_indirect_dma source(%dma_start3A_1124 : memref<8192x208xbf16, #tpu.memory_space<hbm>>) target(%dma_start3A_1118 : memref<128x208xbf16, #tpu.memory_space<vmem>>) offsets(%dma_start3A_1121 : memref<128xi32, #tpu.memory_space<vmem>>) semaphore(%arg12 : memref<!tpu.dma_semaphore, #tpu.memory_space<semaphore_mem>>)
    %dma_wait3A_1125 = arith.constant 20 : i32
    %dma_wait3A_1126 = arith.constant 6 : i32
    %dma_wait3A_1127 = arith.constant 0 : i32
    %dma_wait3A_1128 = arith.constant 0 : i32
    %dma_wait3A_1129 = tpu.memref_slice %arg6[%dma_wait3A_1126, %dma_wait3A_1127, %dma_wait3A_1128] : memref<7x128x208xbf16, #tpu.memory_space<vmem>> -> memref<1x128x208xbf16, #tpu.memory_space<vmem>>
    %dma_wait3A_1130 = tpu.memref_squeeze %dma_wait3A_1129 : memref<1x128x208xbf16, #tpu.memory_space<vmem>> -> memref<128x208xbf16, #tpu.memory_space<vmem>>
    %dma_wait3A_1131 = arith.constant 0 : i32
    %dma_wait3A_1132 = tpu.memref_slice %arg5[%dma_wait3A_1125, %dma_wait3A_1131] : memref<40x128xi32, #tpu.memory_space<vmem>> -> memref<1x128xi32, #tpu.memory_space<vmem>>
    %dma_wait3A_1133 = tpu.memref_squeeze %dma_wait3A_1132 : memref<1x128xi32, #tpu.memory_space<vmem>> -> memref<128xi32, #tpu.memory_space<vmem>>
    %dma_wait3A_1134 = arith.constant 0 : i32
    %dma_wait3A_1135 = arith.constant 0 : i32
    %dma_wait3A_1136 = tpu.memref_slice %arg2[%dma_wait3A_1134, %dma_wait3A_1135] : memref<8192x208xbf16, #tpu.memory_space<hbm>> -> memref<8192x208xbf16, #tpu.memory_space<hbm>>
    tpu.wait_indirect_dma semaphore(%arg13 : memref<!tpu.dma_semaphore, #tpu.memory_space<semaphore_mem>>) src(%dma_wait3A_1136 : memref<8192x208xbf16, #tpu.memory_space<hbm>>) dst(%dma_wait3A_1130 : memref<128x208xbf16, #tpu.memory_space<vmem>>)
    %add3A_1137 = arith.constant 2560 : i32
    %add3A_1138 = arith.addi %mul3A_2, %add3A_1137 : i32
    %dma_start3A_1139 = arith.constant 6 : i32
    %dma_start3A_1140 = arith.constant 0 : i32
    %dma_start3A_1141 = arith.constant 0 : i32
    %dma_start3A_1142 = tpu.memref_slice %arg6[%dma_start3A_1139, %dma_start3A_1140, %dma_start3A_1141] : memref<7x128x208xbf16, #tpu.memory_space<vmem>> -> memref<1x128x208xbf16, #tpu.memory_space<vmem>>
    %dma_start3A_1143 = tpu.memref_squeeze %dma_start3A_1142 : memref<1x128x208xbf16, #tpu.memory_space<vmem>> -> memref<128x208xbf16, #tpu.memory_space<vmem>>
    %dma_start3A_1144 = arith.constant 0 : i32
    %dma_start3A_1145 = tpu.memref_slice %arg4[%add3A_1138, %dma_start3A_1144] : memref<163840x208xbf16, #tpu.memory_space<hbm>> -> memref<128x208xbf16, #tpu.memory_space<hbm>>
    %dma_start3A_1146 = arith.constant 0 : i32
    %dma_start3A_1147 = tpu.memref_slice %arg4[%add3A_1138, %dma_start3A_1146] : memref<163840x208xbf16, #tpu.memory_space<hbm>> -> memref<128x208xbf16, #tpu.memory_space<hbm>>
    %dma_start3A_1148 = arith.constant 0 : i32
    %dma_start3A_1149 = arith.constant 0 : i32
    %dma_start3A_1150 = tpu.memref_slice %arg6[%dma_start3A_1139, %dma_start3A_1148, %dma_start3A_1149] : memref<7x128x208xbf16, #tpu.memory_space<vmem>> -> memref<1x128x208xbf16, #tpu.memory_space<vmem>>
    %dma_start3A_1151 = tpu.memref_squeeze %dma_start3A_1150 : memref<1x128x208xbf16, #tpu.memory_space<vmem>> -> memref<128x208xbf16, #tpu.memory_space<vmem>>
    tpu.enqueue_dma source(%dma_start3A_1151 : memref<128x208xbf16, #tpu.memory_space<vmem>>) target(%dma_start3A_1147 : memref<128x208xbf16, #tpu.memory_space<hbm>>) target_semaphore(%arg20 : memref<!tpu.dma_semaphore, #tpu.memory_space<semaphore_mem>>)
    %dma_wait3A_1152 = arith.constant 6 : i32
    %dma_wait3A_1153 = arith.constant 0 : i32
    %dma_wait3A_1154 = arith.constant 0 : i32
    %dma_wait3A_1155 = tpu.memref_slice %arg6[%dma_wait3A_1152, %dma_wait3A_1153, %dma_wait3A_1154] : memref<7x128x208xbf16, #tpu.memory_space<vmem>> -> memref<1x128x208xbf16, #tpu.memory_space<vmem>>
    %dma_wait3A_1156 = tpu.memref_squeeze %dma_wait3A_1155 : memref<1x128x208xbf16, #tpu.memory_space<vmem>> -> memref<128x208xbf16, #tpu.memory_space<vmem>>
    %dma_wait3A_1157 = arith.constant 0 : i32
    %dma_wait3A_1158 = tpu.memref_slice %arg4[%add3A_1138, %dma_wait3A_1157] : memref<163840x208xbf16, #tpu.memory_space<hbm>> -> memref<128x208xbf16, #tpu.memory_space<hbm>>
    %dma_wait3A_1159 = arith.constant 0 : i32
    %dma_wait3A_1160 = tpu.memref_slice %arg4[%add3A_1138, %dma_wait3A_1159] : memref<163840x208xbf16, #tpu.memory_space<hbm>> -> memref<128x208xbf16, #tpu.memory_space<hbm>>
    %dma_wait3A_1161 = arith.constant 0 : i32
    %dma_wait3A_1162 = arith.constant 0 : i32
    %dma_wait3A_1163 = tpu.memref_slice %arg6[%dma_wait3A_1152, %dma_wait3A_1161, %dma_wait3A_1162] : memref<7x128x208xbf16, #tpu.memory_space<vmem>> -> memref<1x128x208xbf16, #tpu.memory_space<vmem>>
    %dma_wait3A_1164 = tpu.memref_squeeze %dma_wait3A_1163 : memref<1x128x208xbf16, #tpu.memory_space<vmem>> -> memref<128x208xbf16, #tpu.memory_space<vmem>>
    tpu.wait_dma2 semaphore(%arg20 : memref<!tpu.dma_semaphore, #tpu.memory_space<semaphore_mem>>) src(%dma_wait3A_1164 : memref<128x208xbf16, #tpu.memory_space<vmem>>) dst(%dma_wait3A_1160 : memref<128x208xbf16, #tpu.memory_space<hbm>>)
    %dma_start3A_1165 = arith.constant 27 : i32
    %dma_start3A_1166 = arith.constant 6 : i32
    %dma_start3A_1167 = arith.constant 0 : i32
    %dma_start3A_1168 = arith.constant 0 : i32
    %dma_start3A_1169 = tpu.memref_slice %arg6[%dma_start3A_1166, %dma_start3A_1167, %dma_start3A_1168] : memref<7x128x208xbf16, #tpu.memory_space<vmem>> -> memref<1x128x208xbf16, #tpu.memory_space<vmem>>
    %dma_start3A_1170 = tpu.memref_squeeze %dma_start3A_1169 : memref<1x128x208xbf16, #tpu.memory_space<vmem>> -> memref<128x208xbf16, #tpu.memory_space<vmem>>
    %dma_start3A_1171 = arith.constant 0 : i32
    %dma_start3A_1172 = tpu.memref_slice %arg5[%dma_start3A_1165, %dma_start3A_1171] : memref<40x128xi32, #tpu.memory_space<vmem>> -> memref<1x128xi32, #tpu.memory_space<vmem>>
    %dma_start3A_1173 = tpu.memref_squeeze %dma_start3A_1172 : memref<1x128xi32, #tpu.memory_space<vmem>> -> memref<128xi32, #tpu.memory_space<vmem>>
    %dma_start3A_1174 = arith.constant 0 : i32
    %dma_start3A_1175 = arith.constant 0 : i32
    %dma_start3A_1176 = tpu.memref_slice %arg2[%dma_start3A_1174, %dma_start3A_1175] : memref<8192x208xbf16, #tpu.memory_space<hbm>> -> memref<8192x208xbf16, #tpu.memory_space<hbm>>
    tpu.enqueue_indirect_dma source(%dma_start3A_1176 : memref<8192x208xbf16, #tpu.memory_space<hbm>>) target(%dma_start3A_1170 : memref<128x208xbf16, #tpu.memory_space<vmem>>) offsets(%dma_start3A_1173 : memref<128xi32, #tpu.memory_space<vmem>>) semaphore(%arg13 : memref<!tpu.dma_semaphore, #tpu.memory_space<semaphore_mem>>)
    %dma_wait3A_1177 = arith.constant 21 : i32
    %dma_wait3A_1178 = arith.constant 0 : i32
    %dma_wait3A_1179 = arith.constant 0 : i32
    %dma_wait3A_1180 = arith.constant 0 : i32
    %dma_wait3A_1181 = tpu.memref_slice %arg6[%dma_wait3A_1178, %dma_wait3A_1179, %dma_wait3A_1180] : memref<7x128x208xbf16, #tpu.memory_space<vmem>> -> memref<1x128x208xbf16, #tpu.memory_space<vmem>>
    %dma_wait3A_1182 = tpu.memref_squeeze %dma_wait3A_1181 : memref<1x128x208xbf16, #tpu.memory_space<vmem>> -> memref<128x208xbf16, #tpu.memory_space<vmem>>
    %dma_wait3A_1183 = arith.constant 0 : i32
    %dma_wait3A_1184 = tpu.memref_slice %arg5[%dma_wait3A_1177, %dma_wait3A_1183] : memref<40x128xi32, #tpu.memory_space<vmem>> -> memref<1x128xi32, #tpu.memory_space<vmem>>
    %dma_wait3A_1185 = tpu.memref_squeeze %dma_wait3A_1184 : memref<1x128xi32, #tpu.memory_space<vmem>> -> memref<128xi32, #tpu.memory_space<vmem>>
    %dma_wait3A_1186 = arith.constant 0 : i32
    %dma_wait3A_1187 = arith.constant 0 : i32
    %dma_wait3A_1188 = tpu.memref_slice %arg2[%dma_wait3A_1186, %dma_wait3A_1187] : memref<8192x208xbf16, #tpu.memory_space<hbm>> -> memref<8192x208xbf16, #tpu.memory_space<hbm>>
    tpu.wait_indirect_dma semaphore(%arg7 : memref<!tpu.dma_semaphore, #tpu.memory_space<semaphore_mem>>) src(%dma_wait3A_1188 : memref<8192x208xbf16, #tpu.memory_space<hbm>>) dst(%dma_wait3A_1182 : memref<128x208xbf16, #tpu.memory_space<vmem>>)
    %add3A_1189 = arith.constant 2688 : i32
    %add3A_1190 = arith.addi %mul3A_2, %add3A_1189 : i32
    %dma_start3A_1191 = arith.constant 0 : i32
    %dma_start3A_1192 = arith.constant 0 : i32
    %dma_start3A_1193 = arith.constant 0 : i32
    %dma_start3A_1194 = tpu.memref_slice %arg6[%dma_start3A_1191, %dma_start3A_1192, %dma_start3A_1193] : memref<7x128x208xbf16, #tpu.memory_space<vmem>> -> memref<1x128x208xbf16, #tpu.memory_space<vmem>>
    %dma_start3A_1195 = tpu.memref_squeeze %dma_start3A_1194 : memref<1x128x208xbf16, #tpu.memory_space<vmem>> -> memref<128x208xbf16, #tpu.memory_space<vmem>>
    %dma_start3A_1196 = arith.constant 0 : i32
    %dma_start3A_1197 = tpu.memref_slice %arg4[%add3A_1190, %dma_start3A_1196] : memref<163840x208xbf16, #tpu.memory_space<hbm>> -> memref<128x208xbf16, #tpu.memory_space<hbm>>
    %dma_start3A_1198 = arith.constant 0 : i32
    %dma_start3A_1199 = tpu.memref_slice %arg4[%add3A_1190, %dma_start3A_1198] : memref<163840x208xbf16, #tpu.memory_space<hbm>> -> memref<128x208xbf16, #tpu.memory_space<hbm>>
    %dma_start3A_1200 = arith.constant 0 : i32
    %dma_start3A_1201 = arith.constant 0 : i32
    %dma_start3A_1202 = tpu.memref_slice %arg6[%dma_start3A_1191, %dma_start3A_1200, %dma_start3A_1201] : memref<7x128x208xbf16, #tpu.memory_space<vmem>> -> memref<1x128x208xbf16, #tpu.memory_space<vmem>>
    %dma_start3A_1203 = tpu.memref_squeeze %dma_start3A_1202 : memref<1x128x208xbf16, #tpu.memory_space<vmem>> -> memref<128x208xbf16, #tpu.memory_space<vmem>>
    tpu.enqueue_dma source(%dma_start3A_1203 : memref<128x208xbf16, #tpu.memory_space<vmem>>) target(%dma_start3A_1199 : memref<128x208xbf16, #tpu.memory_space<hbm>>) target_semaphore(%arg14 : memref<!tpu.dma_semaphore, #tpu.memory_space<semaphore_mem>>)
    %dma_wait3A_1204 = arith.constant 0 : i32
    %dma_wait3A_1205 = arith.constant 0 : i32
    %dma_wait3A_1206 = arith.constant 0 : i32
    %dma_wait3A_1207 = tpu.memref_slice %arg6[%dma_wait3A_1204, %dma_wait3A_1205, %dma_wait3A_1206] : memref<7x128x208xbf16, #tpu.memory_space<vmem>> -> memref<1x128x208xbf16, #tpu.memory_space<vmem>>
    %dma_wait3A_1208 = tpu.memref_squeeze %dma_wait3A_1207 : memref<1x128x208xbf16, #tpu.memory_space<vmem>> -> memref<128x208xbf16, #tpu.memory_space<vmem>>
    %dma_wait3A_1209 = arith.constant 0 : i32
    %dma_wait3A_1210 = tpu.memref_slice %arg4[%add3A_1190, %dma_wait3A_1209] : memref<163840x208xbf16, #tpu.memory_space<hbm>> -> memref<128x208xbf16, #tpu.memory_space<hbm>>
    %dma_wait3A_1211 = arith.constant 0 : i32
    %dma_wait3A_1212 = tpu.memref_slice %arg4[%add3A_1190, %dma_wait3A_1211] : memref<163840x208xbf16, #tpu.memory_space<hbm>> -> memref<128x208xbf16, #tpu.memory_space<hbm>>
    %dma_wait3A_1213 = arith.constant 0 : i32
    %dma_wait3A_1214 = arith.constant 0 : i32
    %dma_wait3A_1215 = tpu.memref_slice %arg6[%dma_wait3A_1204, %dma_wait3A_1213, %dma_wait3A_1214] : memref<7x128x208xbf16, #tpu.memory_space<vmem>> -> memref<1x128x208xbf16, #tpu.memory_space<vmem>>
    %dma_wait3A_1216 = tpu.memref_squeeze %dma_wait3A_1215 : memref<1x128x208xbf16, #tpu.memory_space<vmem>> -> memref<128x208xbf16, #tpu.memory_space<vmem>>
    tpu.wait_dma2 semaphore(%arg14 : memref<!tpu.dma_semaphore, #tpu.memory_space<semaphore_mem>>) src(%dma_wait3A_1216 : memref<128x208xbf16, #tpu.memory_space<vmem>>) dst(%dma_wait3A_1212 : memref<128x208xbf16, #tpu.memory_space<hbm>>)
    %dma_start3A_1217 = arith.constant 28 : i32
    %dma_start3A_1218 = arith.constant 0 : i32
    %dma_start3A_1219 = arith.constant 0 : i32
    %dma_start3A_1220 = arith.constant 0 : i32
    %dma_start3A_1221 = tpu.memref_slice %arg6[%dma_start3A_1218, %dma_start3A_1219, %dma_start3A_1220] : memref<7x128x208xbf16, #tpu.memory_space<vmem>> -> memref<1x128x208xbf16, #tpu.memory_space<vmem>>
    %dma_start3A_1222 = tpu.memref_squeeze %dma_start3A_1221 : memref<1x128x208xbf16, #tpu.memory_space<vmem>> -> memref<128x208xbf16, #tpu.memory_space<vmem>>
    %dma_start3A_1223 = arith.constant 0 : i32
    %dma_start3A_1224 = tpu.memref_slice %arg5[%dma_start3A_1217, %dma_start3A_1223] : memref<40x128xi32, #tpu.memory_space<vmem>> -> memref<1x128xi32, #tpu.memory_space<vmem>>
    %dma_start3A_1225 = tpu.memref_squeeze %dma_start3A_1224 : memref<1x128xi32, #tpu.memory_space<vmem>> -> memref<128xi32, #tpu.memory_space<vmem>>
    %dma_start3A_1226 = arith.constant 0 : i32
    %dma_start3A_1227 = arith.constant 0 : i32
    %dma_start3A_1228 = tpu.memref_slice %arg2[%dma_start3A_1226, %dma_start3A_1227] : memref<8192x208xbf16, #tpu.memory_space<hbm>> -> memref<8192x208xbf16, #tpu.memory_space<hbm>>
    tpu.enqueue_indirect_dma source(%dma_start3A_1228 : memref<8192x208xbf16, #tpu.memory_space<hbm>>) target(%dma_start3A_1222 : memref<128x208xbf16, #tpu.memory_space<vmem>>) offsets(%dma_start3A_1225 : memref<128xi32, #tpu.memory_space<vmem>>) semaphore(%arg7 : memref<!tpu.dma_semaphore, #tpu.memory_space<semaphore_mem>>)
    %dma_wait3A_1229 = arith.constant 22 : i32
    %dma_wait3A_1230 = arith.constant 1 : i32
    %dma_wait3A_1231 = arith.constant 0 : i32
    %dma_wait3A_1232 = arith.constant 0 : i32
    %dma_wait3A_1233 = tpu.memref_slice %arg6[%dma_wait3A_1230, %dma_wait3A_1231, %dma_wait3A_1232] : memref<7x128x208xbf16, #tpu.memory_space<vmem>> -> memref<1x128x208xbf16, #tpu.memory_space<vmem>>
    %dma_wait3A_1234 = tpu.memref_squeeze %dma_wait3A_1233 : memref<1x128x208xbf16, #tpu.memory_space<vmem>> -> memref<128x208xbf16, #tpu.memory_space<vmem>>
    %dma_wait3A_1235 = arith.constant 0 : i32
    %dma_wait3A_1236 = tpu.memref_slice %arg5[%dma_wait3A_1229, %dma_wait3A_1235] : memref<40x128xi32, #tpu.memory_space<vmem>> -> memref<1x128xi32, #tpu.memory_space<vmem>>
    %dma_wait3A_1237 = tpu.memref_squeeze %dma_wait3A_1236 : memref<1x128xi32, #tpu.memory_space<vmem>> -> memref<128xi32, #tpu.memory_space<vmem>>
    %dma_wait3A_1238 = arith.constant 0 : i32
    %dma_wait3A_1239 = arith.constant 0 : i32
    %dma_wait3A_1240 = tpu.memref_slice %arg2[%dma_wait3A_1238, %dma_wait3A_1239] : memref<8192x208xbf16, #tpu.memory_space<hbm>> -> memref<8192x208xbf16, #tpu.memory_space<hbm>>
    tpu.wait_indirect_dma semaphore(%arg8 : memref<!tpu.dma_semaphore, #tpu.memory_space<semaphore_mem>>) src(%dma_wait3A_1240 : memref<8192x208xbf16, #tpu.memory_space<hbm>>) dst(%dma_wait3A_1234 : memref<128x208xbf16, #tpu.memory_space<vmem>>)
    %add3A_1241 = arith.constant 2816 : i32
    %add3A_1242 = arith.addi %mul3A_2, %add3A_1241 : i32
    %dma_start3A_1243 = arith.constant 1 : i32
    %dma_start3A_1244 = arith.constant 0 : i32
    %dma_start3A_1245 = arith.constant 0 : i32
    %dma_start3A_1246 = tpu.memref_slice %arg6[%dma_start3A_1243, %dma_start3A_1244, %dma_start3A_1245] : memref<7x128x208xbf16, #tpu.memory_space<vmem>> -> memref<1x128x208xbf16, #tpu.memory_space<vmem>>
    %dma_start3A_1247 = tpu.memref_squeeze %dma_start3A_1246 : memref<1x128x208xbf16, #tpu.memory_space<vmem>> -> memref<128x208xbf16, #tpu.memory_space<vmem>>
    %dma_start3A_1248 = arith.constant 0 : i32
    %dma_start3A_1249 = tpu.memref_slice %arg4[%add3A_1242, %dma_start3A_1248] : memref<163840x208xbf16, #tpu.memory_space<hbm>> -> memref<128x208xbf16, #tpu.memory_space<hbm>>
    %dma_start3A_1250 = arith.constant 0 : i32
    %dma_start3A_1251 = tpu.memref_slice %arg4[%add3A_1242, %dma_start3A_1250] : memref<163840x208xbf16, #tpu.memory_space<hbm>> -> memref<128x208xbf16, #tpu.memory_space<hbm>>
    %dma_start3A_1252 = arith.constant 0 : i32
    %dma_start3A_1253 = arith.constant 0 : i32
    %dma_start3A_1254 = tpu.memref_slice %arg6[%dma_start3A_1243, %dma_start3A_1252, %dma_start3A_1253] : memref<7x128x208xbf16, #tpu.memory_space<vmem>> -> memref<1x128x208xbf16, #tpu.memory_space<vmem>>
    %dma_start3A_1255 = tpu.memref_squeeze %dma_start3A_1254 : memref<1x128x208xbf16, #tpu.memory_space<vmem>> -> memref<128x208xbf16, #tpu.memory_space<vmem>>
    tpu.enqueue_dma source(%dma_start3A_1255 : memref<128x208xbf16, #tpu.memory_space<vmem>>) target(%dma_start3A_1251 : memref<128x208xbf16, #tpu.memory_space<hbm>>) target_semaphore(%arg15 : memref<!tpu.dma_semaphore, #tpu.memory_space<semaphore_mem>>)
    %dma_wait3A_1256 = arith.constant 1 : i32
    %dma_wait3A_1257 = arith.constant 0 : i32
    %dma_wait3A_1258 = arith.constant 0 : i32
    %dma_wait3A_1259 = tpu.memref_slice %arg6[%dma_wait3A_1256, %dma_wait3A_1257, %dma_wait3A_1258] : memref<7x128x208xbf16, #tpu.memory_space<vmem>> -> memref<1x128x208xbf16, #tpu.memory_space<vmem>>
    %dma_wait3A_1260 = tpu.memref_squeeze %dma_wait3A_1259 : memref<1x128x208xbf16, #tpu.memory_space<vmem>> -> memref<128x208xbf16, #tpu.memory_space<vmem>>
    %dma_wait3A_1261 = arith.constant 0 : i32
    %dma_wait3A_1262 = tpu.memref_slice %arg4[%add3A_1242, %dma_wait3A_1261] : memref<163840x208xbf16, #tpu.memory_space<hbm>> -> memref<128x208xbf16, #tpu.memory_space<hbm>>
    %dma_wait3A_1263 = arith.constant 0 : i32
    %dma_wait3A_1264 = tpu.memref_slice %arg4[%add3A_1242, %dma_wait3A_1263] : memref<163840x208xbf16, #tpu.memory_space<hbm>> -> memref<128x208xbf16, #tpu.memory_space<hbm>>
    %dma_wait3A_1265 = arith.constant 0 : i32
    %dma_wait3A_1266 = arith.constant 0 : i32
    %dma_wait3A_1267 = tpu.memref_slice %arg6[%dma_wait3A_1256, %dma_wait3A_1265, %dma_wait3A_1266] : memref<7x128x208xbf16, #tpu.memory_space<vmem>> -> memref<1x128x208xbf16, #tpu.memory_space<vmem>>
    %dma_wait3A_1268 = tpu.memref_squeeze %dma_wait3A_1267 : memref<1x128x208xbf16, #tpu.memory_space<vmem>> -> memref<128x208xbf16, #tpu.memory_space<vmem>>
    tpu.wait_dma2 semaphore(%arg15 : memref<!tpu.dma_semaphore, #tpu.memory_space<semaphore_mem>>) src(%dma_wait3A_1268 : memref<128x208xbf16, #tpu.memory_space<vmem>>) dst(%dma_wait3A_1264 : memref<128x208xbf16, #tpu.memory_space<hbm>>)
    %dma_start3A_1269 = arith.constant 29 : i32
    %dma_start3A_1270 = arith.constant 1 : i32
    %dma_start3A_1271 = arith.constant 0 : i32
    %dma_start3A_1272 = arith.constant 0 : i32
    %dma_start3A_1273 = tpu.memref_slice %arg6[%dma_start3A_1270, %dma_start3A_1271, %dma_start3A_1272] : memref<7x128x208xbf16, #tpu.memory_space<vmem>> -> memref<1x128x208xbf16, #tpu.memory_space<vmem>>
    %dma_start3A_1274 = tpu.memref_squeeze %dma_start3A_1273 : memref<1x128x208xbf16, #tpu.memory_space<vmem>> -> memref<128x208xbf16, #tpu.memory_space<vmem>>
    %dma_start3A_1275 = arith.constant 0 : i32
    %dma_start3A_1276 = tpu.memref_slice %arg5[%dma_start3A_1269, %dma_start3A_1275] : memref<40x128xi32, #tpu.memory_space<vmem>> -> memref<1x128xi32, #tpu.memory_space<vmem>>
    %dma_start3A_1277 = tpu.memref_squeeze %dma_start3A_1276 : memref<1x128xi32, #tpu.memory_space<vmem>> -> memref<128xi32, #tpu.memory_space<vmem>>
    %dma_start3A_1278 = arith.constant 0 : i32
    %dma_start3A_1279 = arith.constant 0 : i32
    %dma_start3A_1280 = tpu.memref_slice %arg2[%dma_start3A_1278, %dma_start3A_1279] : memref<8192x208xbf16, #tpu.memory_space<hbm>> -> memref<8192x208xbf16, #tpu.memory_space<hbm>>
    tpu.enqueue_indirect_dma source(%dma_start3A_1280 : memref<8192x208xbf16, #tpu.memory_space<hbm>>) target(%dma_start3A_1274 : memref<128x208xbf16, #tpu.memory_space<vmem>>) offsets(%dma_start3A_1277 : memref<128xi32, #tpu.memory_space<vmem>>) semaphore(%arg8 : memref<!tpu.dma_semaphore, #tpu.memory_space<semaphore_mem>>)
    %dma_wait3A_1281 = arith.constant 23 : i32
    %dma_wait3A_1282 = arith.constant 2 : i32
    %dma_wait3A_1283 = arith.constant 0 : i32
    %dma_wait3A_1284 = arith.constant 0 : i32
    %dma_wait3A_1285 = tpu.memref_slice %arg6[%dma_wait3A_1282, %dma_wait3A_1283, %dma_wait3A_1284] : memref<7x128x208xbf16, #tpu.memory_space<vmem>> -> memref<1x128x208xbf16, #tpu.memory_space<vmem>>
    %dma_wait3A_1286 = tpu.memref_squeeze %dma_wait3A_1285 : memref<1x128x208xbf16, #tpu.memory_space<vmem>> -> memref<128x208xbf16, #tpu.memory_space<vmem>>
    %dma_wait3A_1287 = arith.constant 0 : i32
    %dma_wait3A_1288 = tpu.memref_slice %arg5[%dma_wait3A_1281, %dma_wait3A_1287] : memref<40x128xi32, #tpu.memory_space<vmem>> -> memref<1x128xi32, #tpu.memory_space<vmem>>
    %dma_wait3A_1289 = tpu.memref_squeeze %dma_wait3A_1288 : memref<1x128xi32, #tpu.memory_space<vmem>> -> memref<128xi32, #tpu.memory_space<vmem>>
    %dma_wait3A_1290 = arith.constant 0 : i32
    %dma_wait3A_1291 = arith.constant 0 : i32
    %dma_wait3A_1292 = tpu.memref_slice %arg2[%dma_wait3A_1290, %dma_wait3A_1291] : memref<8192x208xbf16, #tpu.memory_space<hbm>> -> memref<8192x208xbf16, #tpu.memory_space<hbm>>
    tpu.wait_indirect_dma semaphore(%arg9 : memref<!tpu.dma_semaphore, #tpu.memory_space<semaphore_mem>>) src(%dma_wait3A_1292 : memref<8192x208xbf16, #tpu.memory_space<hbm>>) dst(%dma_wait3A_1286 : memref<128x208xbf16, #tpu.memory_space<vmem>>)
    %add3A_1293 = arith.constant 2944 : i32
    %add3A_1294 = arith.addi %mul3A_2, %add3A_1293 : i32
    %dma_start3A_1295 = arith.constant 2 : i32
    %dma_start3A_1296 = arith.constant 0 : i32
    %dma_start3A_1297 = arith.constant 0 : i32
    %dma_start3A_1298 = tpu.memref_slice %arg6[%dma_start3A_1295, %dma_start3A_1296, %dma_start3A_1297] : memref<7x128x208xbf16, #tpu.memory_space<vmem>> -> memref<1x128x208xbf16, #tpu.memory_space<vmem>>
    %dma_start3A_1299 = tpu.memref_squeeze %dma_start3A_1298 : memref<1x128x208xbf16, #tpu.memory_space<vmem>> -> memref<128x208xbf16, #tpu.memory_space<vmem>>
    %dma_start3A_1300 = arith.constant 0 : i32
    %dma_start3A_1301 = tpu.memref_slice %arg4[%add3A_1294, %dma_start3A_1300] : memref<163840x208xbf16, #tpu.memory_space<hbm>> -> memref<128x208xbf16, #tpu.memory_space<hbm>>
    %dma_start3A_1302 = arith.constant 0 : i32
    %dma_start3A_1303 = tpu.memref_slice %arg4[%add3A_1294, %dma_start3A_1302] : memref<163840x208xbf16, #tpu.memory_space<hbm>> -> memref<128x208xbf16, #tpu.memory_space<hbm>>
    %dma_start3A_1304 = arith.constant 0 : i32
    %dma_start3A_1305 = arith.constant 0 : i32
    %dma_start3A_1306 = tpu.memref_slice %arg6[%dma_start3A_1295, %dma_start3A_1304, %dma_start3A_1305] : memref<7x128x208xbf16, #tpu.memory_space<vmem>> -> memref<1x128x208xbf16, #tpu.memory_space<vmem>>
    %dma_start3A_1307 = tpu.memref_squeeze %dma_start3A_1306 : memref<1x128x208xbf16, #tpu.memory_space<vmem>> -> memref<128x208xbf16, #tpu.memory_space<vmem>>
    tpu.enqueue_dma source(%dma_start3A_1307 : memref<128x208xbf16, #tpu.memory_space<vmem>>) target(%dma_start3A_1303 : memref<128x208xbf16, #tpu.memory_space<hbm>>) target_semaphore(%arg16 : memref<!tpu.dma_semaphore, #tpu.memory_space<semaphore_mem>>)
    %dma_wait3A_1308 = arith.constant 2 : i32
    %dma_wait3A_1309 = arith.constant 0 : i32
    %dma_wait3A_1310 = arith.constant 0 : i32
    %dma_wait3A_1311 = tpu.memref_slice %arg6[%dma_wait3A_1308, %dma_wait3A_1309, %dma_wait3A_1310] : memref<7x128x208xbf16, #tpu.memory_space<vmem>> -> memref<1x128x208xbf16, #tpu.memory_space<vmem>>
    %dma_wait3A_1312 = tpu.memref_squeeze %dma_wait3A_1311 : memref<1x128x208xbf16, #tpu.memory_space<vmem>> -> memref<128x208xbf16, #tpu.memory_space<vmem>>
    %dma_wait3A_1313 = arith.constant 0 : i32
    %dma_wait3A_1314 = tpu.memref_slice %arg4[%add3A_1294, %dma_wait3A_1313] : memref<163840x208xbf16, #tpu.memory_space<hbm>> -> memref<128x208xbf16, #tpu.memory_space<hbm>>
    %dma_wait3A_1315 = arith.constant 0 : i32
    %dma_wait3A_1316 = tpu.memref_slice %arg4[%add3A_1294, %dma_wait3A_1315] : memref<163840x208xbf16, #tpu.memory_space<hbm>> -> memref<128x208xbf16, #tpu.memory_space<hbm>>
    %dma_wait3A_1317 = arith.constant 0 : i32
    %dma_wait3A_1318 = arith.constant 0 : i32
    %dma_wait3A_1319 = tpu.memref_slice %arg6[%dma_wait3A_1308, %dma_wait3A_1317, %dma_wait3A_1318] : memref<7x128x208xbf16, #tpu.memory_space<vmem>> -> memref<1x128x208xbf16, #tpu.memory_space<vmem>>
    %dma_wait3A_1320 = tpu.memref_squeeze %dma_wait3A_1319 : memref<1x128x208xbf16, #tpu.memory_space<vmem>> -> memref<128x208xbf16, #tpu.memory_space<vmem>>
    tpu.wait_dma2 semaphore(%arg16 : memref<!tpu.dma_semaphore, #tpu.memory_space<semaphore_mem>>) src(%dma_wait3A_1320 : memref<128x208xbf16, #tpu.memory_space<vmem>>) dst(%dma_wait3A_1316 : memref<128x208xbf16, #tpu.memory_space<hbm>>)
    %dma_start3A_1321 = arith.constant 30 : i32
    %dma_start3A_1322 = arith.constant 2 : i32
    %dma_start3A_1323 = arith.constant 0 : i32
    %dma_start3A_1324 = arith.constant 0 : i32
    %dma_start3A_1325 = tpu.memref_slice %arg6[%dma_start3A_1322, %dma_start3A_1323, %dma_start3A_1324] : memref<7x128x208xbf16, #tpu.memory_space<vmem>> -> memref<1x128x208xbf16, #tpu.memory_space<vmem>>
    %dma_start3A_1326 = tpu.memref_squeeze %dma_start3A_1325 : memref<1x128x208xbf16, #tpu.memory_space<vmem>> -> memref<128x208xbf16, #tpu.memory_space<vmem>>
    %dma_start3A_1327 = arith.constant 0 : i32
    %dma_start3A_1328 = tpu.memref_slice %arg5[%dma_start3A_1321, %dma_start3A_1327] : memref<40x128xi32, #tpu.memory_space<vmem>> -> memref<1x128xi32, #tpu.memory_space<vmem>>
    %dma_start3A_1329 = tpu.memref_squeeze %dma_start3A_1328 : memref<1x128xi32, #tpu.memory_space<vmem>> -> memref<128xi32, #tpu.memory_space<vmem>>
    %dma_start3A_1330 = arith.constant 0 : i32
    %dma_start3A_1331 = arith.constant 0 : i32
    %dma_start3A_1332 = tpu.memref_slice %arg2[%dma_start3A_1330, %dma_start3A_1331] : memref<8192x208xbf16, #tpu.memory_space<hbm>> -> memref<8192x208xbf16, #tpu.memory_space<hbm>>
    tpu.enqueue_indirect_dma source(%dma_start3A_1332 : memref<8192x208xbf16, #tpu.memory_space<hbm>>) target(%dma_start3A_1326 : memref<128x208xbf16, #tpu.memory_space<vmem>>) offsets(%dma_start3A_1329 : memref<128xi32, #tpu.memory_space<vmem>>) semaphore(%arg9 : memref<!tpu.dma_semaphore, #tpu.memory_space<semaphore_mem>>)
    %dma_wait3A_1333 = arith.constant 24 : i32
    %dma_wait3A_1334 = arith.constant 3 : i32
    %dma_wait3A_1335 = arith.constant 0 : i32
    %dma_wait3A_1336 = arith.constant 0 : i32
    %dma_wait3A_1337 = tpu.memref_slice %arg6[%dma_wait3A_1334, %dma_wait3A_1335, %dma_wait3A_1336] : memref<7x128x208xbf16, #tpu.memory_space<vmem>> -> memref<1x128x208xbf16, #tpu.memory_space<vmem>>
    %dma_wait3A_1338 = tpu.memref_squeeze %dma_wait3A_1337 : memref<1x128x208xbf16, #tpu.memory_space<vmem>> -> memref<128x208xbf16, #tpu.memory_space<vmem>>
    %dma_wait3A_1339 = arith.constant 0 : i32
    %dma_wait3A_1340 = tpu.memref_slice %arg5[%dma_wait3A_1333, %dma_wait3A_1339] : memref<40x128xi32, #tpu.memory_space<vmem>> -> memref<1x128xi32, #tpu.memory_space<vmem>>
    %dma_wait3A_1341 = tpu.memref_squeeze %dma_wait3A_1340 : memref<1x128xi32, #tpu.memory_space<vmem>> -> memref<128xi32, #tpu.memory_space<vmem>>
    %dma_wait3A_1342 = arith.constant 0 : i32
    %dma_wait3A_1343 = arith.constant 0 : i32
    %dma_wait3A_1344 = tpu.memref_slice %arg2[%dma_wait3A_1342, %dma_wait3A_1343] : memref<8192x208xbf16, #tpu.memory_space<hbm>> -> memref<8192x208xbf16, #tpu.memory_space<hbm>>
    tpu.wait_indirect_dma semaphore(%arg10 : memref<!tpu.dma_semaphore, #tpu.memory_space<semaphore_mem>>) src(%dma_wait3A_1344 : memref<8192x208xbf16, #tpu.memory_space<hbm>>) dst(%dma_wait3A_1338 : memref<128x208xbf16, #tpu.memory_space<vmem>>)
    %add3A_1345 = arith.constant 3072 : i32
    %add3A_1346 = arith.addi %mul3A_2, %add3A_1345 : i32
    %dma_start3A_1347 = arith.constant 3 : i32
    %dma_start3A_1348 = arith.constant 0 : i32
    %dma_start3A_1349 = arith.constant 0 : i32
    %dma_start3A_1350 = tpu.memref_slice %arg6[%dma_start3A_1347, %dma_start3A_1348, %dma_start3A_1349] : memref<7x128x208xbf16, #tpu.memory_space<vmem>> -> memref<1x128x208xbf16, #tpu.memory_space<vmem>>
    %dma_start3A_1351 = tpu.memref_squeeze %dma_start3A_1350 : memref<1x128x208xbf16, #tpu.memory_space<vmem>> -> memref<128x208xbf16, #tpu.memory_space<vmem>>
    %dma_start3A_1352 = arith.constant 0 : i32
    %dma_start3A_1353 = tpu.memref_slice %arg4[%add3A_1346, %dma_start3A_1352] : memref<163840x208xbf16, #tpu.memory_space<hbm>> -> memref<128x208xbf16, #tpu.memory_space<hbm>>
    %dma_start3A_1354 = arith.constant 0 : i32
    %dma_start3A_1355 = tpu.memref_slice %arg4[%add3A_1346, %dma_start3A_1354] : memref<163840x208xbf16, #tpu.memory_space<hbm>> -> memref<128x208xbf16, #tpu.memory_space<hbm>>
    %dma_start3A_1356 = arith.constant 0 : i32
    %dma_start3A_1357 = arith.constant 0 : i32
    %dma_start3A_1358 = tpu.memref_slice %arg6[%dma_start3A_1347, %dma_start3A_1356, %dma_start3A_1357] : memref<7x128x208xbf16, #tpu.memory_space<vmem>> -> memref<1x128x208xbf16, #tpu.memory_space<vmem>>
    %dma_start3A_1359 = tpu.memref_squeeze %dma_start3A_1358 : memref<1x128x208xbf16, #tpu.memory_space<vmem>> -> memref<128x208xbf16, #tpu.memory_space<vmem>>
    tpu.enqueue_dma source(%dma_start3A_1359 : memref<128x208xbf16, #tpu.memory_space<vmem>>) target(%dma_start3A_1355 : memref<128x208xbf16, #tpu.memory_space<hbm>>) target_semaphore(%arg17 : memref<!tpu.dma_semaphore, #tpu.memory_space<semaphore_mem>>)
    %dma_wait3A_1360 = arith.constant 3 : i32
    %dma_wait3A_1361 = arith.constant 0 : i32
    %dma_wait3A_1362 = arith.constant 0 : i32
    %dma_wait3A_1363 = tpu.memref_slice %arg6[%dma_wait3A_1360, %dma_wait3A_1361, %dma_wait3A_1362] : memref<7x128x208xbf16, #tpu.memory_space<vmem>> -> memref<1x128x208xbf16, #tpu.memory_space<vmem>>
    %dma_wait3A_1364 = tpu.memref_squeeze %dma_wait3A_1363 : memref<1x128x208xbf16, #tpu.memory_space<vmem>> -> memref<128x208xbf16, #tpu.memory_space<vmem>>
    %dma_wait3A_1365 = arith.constant 0 : i32
    %dma_wait3A_1366 = tpu.memref_slice %arg4[%add3A_1346, %dma_wait3A_1365] : memref<163840x208xbf16, #tpu.memory_space<hbm>> -> memref<128x208xbf16, #tpu.memory_space<hbm>>
    %dma_wait3A_1367 = arith.constant 0 : i32
    %dma_wait3A_1368 = tpu.memref_slice %arg4[%add3A_1346, %dma_wait3A_1367] : memref<163840x208xbf16, #tpu.memory_space<hbm>> -> memref<128x208xbf16, #tpu.memory_space<hbm>>
    %dma_wait3A_1369 = arith.constant 0 : i32
    %dma_wait3A_1370 = arith.constant 0 : i32
    %dma_wait3A_1371 = tpu.memref_slice %arg6[%dma_wait3A_1360, %dma_wait3A_1369, %dma_wait3A_1370] : memref<7x128x208xbf16, #tpu.memory_space<vmem>> -> memref<1x128x208xbf16, #tpu.memory_space<vmem>>
    %dma_wait3A_1372 = tpu.memref_squeeze %dma_wait3A_1371 : memref<1x128x208xbf16, #tpu.memory_space<vmem>> -> memref<128x208xbf16, #tpu.memory_space<vmem>>
    tpu.wait_dma2 semaphore(%arg17 : memref<!tpu.dma_semaphore, #tpu.memory_space<semaphore_mem>>) src(%dma_wait3A_1372 : memref<128x208xbf16, #tpu.memory_space<vmem>>) dst(%dma_wait3A_1368 : memref<128x208xbf16, #tpu.memory_space<hbm>>)
    %dma_start3A_1373 = arith.constant 31 : i32
    %dma_start3A_1374 = arith.constant 3 : i32
    %dma_start3A_1375 = arith.constant 0 : i32
    %dma_start3A_1376 = arith.constant 0 : i32
    %dma_start3A_1377 = tpu.memref_slice %arg6[%dma_start3A_1374, %dma_start3A_1375, %dma_start3A_1376] : memref<7x128x208xbf16, #tpu.memory_space<vmem>> -> memref<1x128x208xbf16, #tpu.memory_space<vmem>>
    %dma_start3A_1378 = tpu.memref_squeeze %dma_start3A_1377 : memref<1x128x208xbf16, #tpu.memory_space<vmem>> -> memref<128x208xbf16, #tpu.memory_space<vmem>>
    %dma_start3A_1379 = arith.constant 0 : i32
    %dma_start3A_1380 = tpu.memref_slice %arg5[%dma_start3A_1373, %dma_start3A_1379] : memref<40x128xi32, #tpu.memory_space<vmem>> -> memref<1x128xi32, #tpu.memory_space<vmem>>
    %dma_start3A_1381 = tpu.memref_squeeze %dma_start3A_1380 : memref<1x128xi32, #tpu.memory_space<vmem>> -> memref<128xi32, #tpu.memory_space<vmem>>
    %dma_start3A_1382 = arith.constant 0 : i32
    %dma_start3A_1383 = arith.constant 0 : i32
    %dma_start3A_1384 = tpu.memref_slice %arg2[%dma_start3A_1382, %dma_start3A_1383] : memref<8192x208xbf16, #tpu.memory_space<hbm>> -> memref<8192x208xbf16, #tpu.memory_space<hbm>>
    tpu.enqueue_indirect_dma source(%dma_start3A_1384 : memref<8192x208xbf16, #tpu.memory_space<hbm>>) target(%dma_start3A_1378 : memref<128x208xbf16, #tpu.memory_space<vmem>>) offsets(%dma_start3A_1381 : memref<128xi32, #tpu.memory_space<vmem>>) semaphore(%arg10 : memref<!tpu.dma_semaphore, #tpu.memory_space<semaphore_mem>>)
    %dma_wait3A_1385 = arith.constant 25 : i32
    %dma_wait3A_1386 = arith.constant 4 : i32
    %dma_wait3A_1387 = arith.constant 0 : i32
    %dma_wait3A_1388 = arith.constant 0 : i32
    %dma_wait3A_1389 = tpu.memref_slice %arg6[%dma_wait3A_1386, %dma_wait3A_1387, %dma_wait3A_1388] : memref<7x128x208xbf16, #tpu.memory_space<vmem>> -> memref<1x128x208xbf16, #tpu.memory_space<vmem>>
    %dma_wait3A_1390 = tpu.memref_squeeze %dma_wait3A_1389 : memref<1x128x208xbf16, #tpu.memory_space<vmem>> -> memref<128x208xbf16, #tpu.memory_space<vmem>>
    %dma_wait3A_1391 = arith.constant 0 : i32
    %dma_wait3A_1392 = tpu.memref_slice %arg5[%dma_wait3A_1385, %dma_wait3A_1391] : memref<40x128xi32, #tpu.memory_space<vmem>> -> memref<1x128xi32, #tpu.memory_space<vmem>>
    %dma_wait3A_1393 = tpu.memref_squeeze %dma_wait3A_1392 : memref<1x128xi32, #tpu.memory_space<vmem>> -> memref<128xi32, #tpu.memory_space<vmem>>
    %dma_wait3A_1394 = arith.constant 0 : i32
    %dma_wait3A_1395 = arith.constant 0 : i32
    %dma_wait3A_1396 = tpu.memref_slice %arg2[%dma_wait3A_1394, %dma_wait3A_1395] : memref<8192x208xbf16, #tpu.memory_space<hbm>> -> memref<8192x208xbf16, #tpu.memory_space<hbm>>
    tpu.wait_indirect_dma semaphore(%arg11 : memref<!tpu.dma_semaphore, #tpu.memory_space<semaphore_mem>>) src(%dma_wait3A_1396 : memref<8192x208xbf16, #tpu.memory_space<hbm>>) dst(%dma_wait3A_1390 : memref<128x208xbf16, #tpu.memory_space<vmem>>)
    %add3A_1397 = arith.constant 3200 : i32
    %add3A_1398 = arith.addi %mul3A_2, %add3A_1397 : i32
    %dma_start3A_1399 = arith.constant 4 : i32
    %dma_start3A_1400 = arith.constant 0 : i32
    %dma_start3A_1401 = arith.constant 0 : i32
    %dma_start3A_1402 = tpu.memref_slice %arg6[%dma_start3A_1399, %dma_start3A_1400, %dma_start3A_1401] : memref<7x128x208xbf16, #tpu.memory_space<vmem>> -> memref<1x128x208xbf16, #tpu.memory_space<vmem>>
    %dma_start3A_1403 = tpu.memref_squeeze %dma_start3A_1402 : memref<1x128x208xbf16, #tpu.memory_space<vmem>> -> memref<128x208xbf16, #tpu.memory_space<vmem>>
    %dma_start3A_1404 = arith.constant 0 : i32
    %dma_start3A_1405 = tpu.memref_slice %arg4[%add3A_1398, %dma_start3A_1404] : memref<163840x208xbf16, #tpu.memory_space<hbm>> -> memref<128x208xbf16, #tpu.memory_space<hbm>>
    %dma_start3A_1406 = arith.constant 0 : i32
    %dma_start3A_1407 = tpu.memref_slice %arg4[%add3A_1398, %dma_start3A_1406] : memref<163840x208xbf16, #tpu.memory_space<hbm>> -> memref<128x208xbf16, #tpu.memory_space<hbm>>
    %dma_start3A_1408 = arith.constant 0 : i32
    %dma_start3A_1409 = arith.constant 0 : i32
    %dma_start3A_1410 = tpu.memref_slice %arg6[%dma_start3A_1399, %dma_start3A_1408, %dma_start3A_1409] : memref<7x128x208xbf16, #tpu.memory_space<vmem>> -> memref<1x128x208xbf16, #tpu.memory_space<vmem>>
    %dma_start3A_1411 = tpu.memref_squeeze %dma_start3A_1410 : memref<1x128x208xbf16, #tpu.memory_space<vmem>> -> memref<128x208xbf16, #tpu.memory_space<vmem>>
    tpu.enqueue_dma source(%dma_start3A_1411 : memref<128x208xbf16, #tpu.memory_space<vmem>>) target(%dma_start3A_1407 : memref<128x208xbf16, #tpu.memory_space<hbm>>) target_semaphore(%arg18 : memref<!tpu.dma_semaphore, #tpu.memory_space<semaphore_mem>>)
    %dma_wait3A_1412 = arith.constant 4 : i32
    %dma_wait3A_1413 = arith.constant 0 : i32
    %dma_wait3A_1414 = arith.constant 0 : i32
    %dma_wait3A_1415 = tpu.memref_slice %arg6[%dma_wait3A_1412, %dma_wait3A_1413, %dma_wait3A_1414] : memref<7x128x208xbf16, #tpu.memory_space<vmem>> -> memref<1x128x208xbf16, #tpu.memory_space<vmem>>
    %dma_wait3A_1416 = tpu.memref_squeeze %dma_wait3A_1415 : memref<1x128x208xbf16, #tpu.memory_space<vmem>> -> memref<128x208xbf16, #tpu.memory_space<vmem>>
    %dma_wait3A_1417 = arith.constant 0 : i32
    %dma_wait3A_1418 = tpu.memref_slice %arg4[%add3A_1398, %dma_wait3A_1417] : memref<163840x208xbf16, #tpu.memory_space<hbm>> -> memref<128x208xbf16, #tpu.memory_space<hbm>>
    %dma_wait3A_1419 = arith.constant 0 : i32
    %dma_wait3A_1420 = tpu.memref_slice %arg4[%add3A_1398, %dma_wait3A_1419] : memref<163840x208xbf16, #tpu.memory_space<hbm>> -> memref<128x208xbf16, #tpu.memory_space<hbm>>
    %dma_wait3A_1421 = arith.constant 0 : i32
    %dma_wait3A_1422 = arith.constant 0 : i32
    %dma_wait3A_1423 = tpu.memref_slice %arg6[%dma_wait3A_1412, %dma_wait3A_1421, %dma_wait3A_1422] : memref<7x128x208xbf16, #tpu.memory_space<vmem>> -> memref<1x128x208xbf16, #tpu.memory_space<vmem>>
    %dma_wait3A_1424 = tpu.memref_squeeze %dma_wait3A_1423 : memref<1x128x208xbf16, #tpu.memory_space<vmem>> -> memref<128x208xbf16, #tpu.memory_space<vmem>>
    tpu.wait_dma2 semaphore(%arg18 : memref<!tpu.dma_semaphore, #tpu.memory_space<semaphore_mem>>) src(%dma_wait3A_1424 : memref<128x208xbf16, #tpu.memory_space<vmem>>) dst(%dma_wait3A_1420 : memref<128x208xbf16, #tpu.memory_space<hbm>>)
    %dma_start3A_1425 = arith.constant 32 : i32
    %dma_start3A_1426 = arith.constant 4 : i32
    %dma_start3A_1427 = arith.constant 0 : i32
    %dma_start3A_1428 = arith.constant 0 : i32
    %dma_start3A_1429 = tpu.memref_slice %arg6[%dma_start3A_1426, %dma_start3A_1427, %dma_start3A_1428] : memref<7x128x208xbf16, #tpu.memory_space<vmem>> -> memref<1x128x208xbf16, #tpu.memory_space<vmem>>
    %dma_start3A_1430 = tpu.memref_squeeze %dma_start3A_1429 : memref<1x128x208xbf16, #tpu.memory_space<vmem>> -> memref<128x208xbf16, #tpu.memory_space<vmem>>
    %dma_start3A_1431 = arith.constant 0 : i32
    %dma_start3A_1432 = tpu.memref_slice %arg5[%dma_start3A_1425, %dma_start3A_1431] : memref<40x128xi32, #tpu.memory_space<vmem>> -> memref<1x128xi32, #tpu.memory_space<vmem>>
    %dma_start3A_1433 = tpu.memref_squeeze %dma_start3A_1432 : memref<1x128xi32, #tpu.memory_space<vmem>> -> memref<128xi32, #tpu.memory_space<vmem>>
    %dma_start3A_1434 = arith.constant 0 : i32
    %dma_start3A_1435 = arith.constant 0 : i32
    %dma_start3A_1436 = tpu.memref_slice %arg2[%dma_start3A_1434, %dma_start3A_1435] : memref<8192x208xbf16, #tpu.memory_space<hbm>> -> memref<8192x208xbf16, #tpu.memory_space<hbm>>
    tpu.enqueue_indirect_dma source(%dma_start3A_1436 : memref<8192x208xbf16, #tpu.memory_space<hbm>>) target(%dma_start3A_1430 : memref<128x208xbf16, #tpu.memory_space<vmem>>) offsets(%dma_start3A_1433 : memref<128xi32, #tpu.memory_space<vmem>>) semaphore(%arg11 : memref<!tpu.dma_semaphore, #tpu.memory_space<semaphore_mem>>)
    %dma_wait3A_1437 = arith.constant 26 : i32
    %dma_wait3A_1438 = arith.constant 5 : i32
    %dma_wait3A_1439 = arith.constant 0 : i32
    %dma_wait3A_1440 = arith.constant 0 : i32
    %dma_wait3A_1441 = tpu.memref_slice %arg6[%dma_wait3A_1438, %dma_wait3A_1439, %dma_wait3A_1440] : memref<7x128x208xbf16, #tpu.memory_space<vmem>> -> memref<1x128x208xbf16, #tpu.memory_space<vmem>>
    %dma_wait3A_1442 = tpu.memref_squeeze %dma_wait3A_1441 : memref<1x128x208xbf16, #tpu.memory_space<vmem>> -> memref<128x208xbf16, #tpu.memory_space<vmem>>
    %dma_wait3A_1443 = arith.constant 0 : i32
    %dma_wait3A_1444 = tpu.memref_slice %arg5[%dma_wait3A_1437, %dma_wait3A_1443] : memref<40x128xi32, #tpu.memory_space<vmem>> -> memref<1x128xi32, #tpu.memory_space<vmem>>
    %dma_wait3A_1445 = tpu.memref_squeeze %dma_wait3A_1444 : memref<1x128xi32, #tpu.memory_space<vmem>> -> memref<128xi32, #tpu.memory_space<vmem>>
    %dma_wait3A_1446 = arith.constant 0 : i32
    %dma_wait3A_1447 = arith.constant 0 : i32
    %dma_wait3A_1448 = tpu.memref_slice %arg2[%dma_wait3A_1446, %dma_wait3A_1447] : memref<8192x208xbf16, #tpu.memory_space<hbm>> -> memref<8192x208xbf16, #tpu.memory_space<hbm>>
    tpu.wait_indirect_dma semaphore(%arg12 : memref<!tpu.dma_semaphore, #tpu.memory_space<semaphore_mem>>) src(%dma_wait3A_1448 : memref<8192x208xbf16, #tpu.memory_space<hbm>>) dst(%dma_wait3A_1442 : memref<128x208xbf16, #tpu.memory_space<vmem>>)
    %add3A_1449 = arith.constant 3328 : i32
    %add3A_1450 = arith.addi %mul3A_2, %add3A_1449 : i32
    %dma_start3A_1451 = arith.constant 5 : i32
    %dma_start3A_1452 = arith.constant 0 : i32
    %dma_start3A_1453 = arith.constant 0 : i32
    %dma_start3A_1454 = tpu.memref_slice %arg6[%dma_start3A_1451, %dma_start3A_1452, %dma_start3A_1453] : memref<7x128x208xbf16, #tpu.memory_space<vmem>> -> memref<1x128x208xbf16, #tpu.memory_space<vmem>>
    %dma_start3A_1455 = tpu.memref_squeeze %dma_start3A_1454 : memref<1x128x208xbf16, #tpu.memory_space<vmem>> -> memref<128x208xbf16, #tpu.memory_space<vmem>>
    %dma_start3A_1456 = arith.constant 0 : i32
    %dma_start3A_1457 = tpu.memref_slice %arg4[%add3A_1450, %dma_start3A_1456] : memref<163840x208xbf16, #tpu.memory_space<hbm>> -> memref<128x208xbf16, #tpu.memory_space<hbm>>
    %dma_start3A_1458 = arith.constant 0 : i32
    %dma_start3A_1459 = tpu.memref_slice %arg4[%add3A_1450, %dma_start3A_1458] : memref<163840x208xbf16, #tpu.memory_space<hbm>> -> memref<128x208xbf16, #tpu.memory_space<hbm>>
    %dma_start3A_1460 = arith.constant 0 : i32
    %dma_start3A_1461 = arith.constant 0 : i32
    %dma_start3A_1462 = tpu.memref_slice %arg6[%dma_start3A_1451, %dma_start3A_1460, %dma_start3A_1461] : memref<7x128x208xbf16, #tpu.memory_space<vmem>> -> memref<1x128x208xbf16, #tpu.memory_space<vmem>>
    %dma_start3A_1463 = tpu.memref_squeeze %dma_start3A_1462 : memref<1x128x208xbf16, #tpu.memory_space<vmem>> -> memref<128x208xbf16, #tpu.memory_space<vmem>>
    tpu.enqueue_dma source(%dma_start3A_1463 : memref<128x208xbf16, #tpu.memory_space<vmem>>) target(%dma_start3A_1459 : memref<128x208xbf16, #tpu.memory_space<hbm>>) target_semaphore(%arg19 : memref<!tpu.dma_semaphore, #tpu.memory_space<semaphore_mem>>)
    %dma_wait3A_1464 = arith.constant 5 : i32
    %dma_wait3A_1465 = arith.constant 0 : i32
    %dma_wait3A_1466 = arith.constant 0 : i32
    %dma_wait3A_1467 = tpu.memref_slice %arg6[%dma_wait3A_1464, %dma_wait3A_1465, %dma_wait3A_1466] : memref<7x128x208xbf16, #tpu.memory_space<vmem>> -> memref<1x128x208xbf16, #tpu.memory_space<vmem>>
    %dma_wait3A_1468 = tpu.memref_squeeze %dma_wait3A_1467 : memref<1x128x208xbf16, #tpu.memory_space<vmem>> -> memref<128x208xbf16, #tpu.memory_space<vmem>>
    %dma_wait3A_1469 = arith.constant 0 : i32
    %dma_wait3A_1470 = tpu.memref_slice %arg4[%add3A_1450, %dma_wait3A_1469] : memref<163840x208xbf16, #tpu.memory_space<hbm>> -> memref<128x208xbf16, #tpu.memory_space<hbm>>
    %dma_wait3A_1471 = arith.constant 0 : i32
    %dma_wait3A_1472 = tpu.memref_slice %arg4[%add3A_1450, %dma_wait3A_1471] : memref<163840x208xbf16, #tpu.memory_space<hbm>> -> memref<128x208xbf16, #tpu.memory_space<hbm>>
    %dma_wait3A_1473 = arith.constant 0 : i32
    %dma_wait3A_1474 = arith.constant 0 : i32
    %dma_wait3A_1475 = tpu.memref_slice %arg6[%dma_wait3A_1464, %dma_wait3A_1473, %dma_wait3A_1474] : memref<7x128x208xbf16, #tpu.memory_space<vmem>> -> memref<1x128x208xbf16, #tpu.memory_space<vmem>>
    %dma_wait3A_1476 = tpu.memref_squeeze %dma_wait3A_1475 : memref<1x128x208xbf16, #tpu.memory_space<vmem>> -> memref<128x208xbf16, #tpu.memory_space<vmem>>
    tpu.wait_dma2 semaphore(%arg19 : memref<!tpu.dma_semaphore, #tpu.memory_space<semaphore_mem>>) src(%dma_wait3A_1476 : memref<128x208xbf16, #tpu.memory_space<vmem>>) dst(%dma_wait3A_1472 : memref<128x208xbf16, #tpu.memory_space<hbm>>)
    %dma_start3A_1477 = arith.constant 33 : i32
    %dma_start3A_1478 = arith.constant 5 : i32
    %dma_start3A_1479 = arith.constant 0 : i32
    %dma_start3A_1480 = arith.constant 0 : i32
    %dma_start3A_1481 = tpu.memref_slice %arg6[%dma_start3A_1478, %dma_start3A_1479, %dma_start3A_1480] : memref<7x128x208xbf16, #tpu.memory_space<vmem>> -> memref<1x128x208xbf16, #tpu.memory_space<vmem>>
    %dma_start3A_1482 = tpu.memref_squeeze %dma_start3A_1481 : memref<1x128x208xbf16, #tpu.memory_space<vmem>> -> memref<128x208xbf16, #tpu.memory_space<vmem>>
    %dma_start3A_1483 = arith.constant 0 : i32
    %dma_start3A_1484 = tpu.memref_slice %arg5[%dma_start3A_1477, %dma_start3A_1483] : memref<40x128xi32, #tpu.memory_space<vmem>> -> memref<1x128xi32, #tpu.memory_space<vmem>>
    %dma_start3A_1485 = tpu.memref_squeeze %dma_start3A_1484 : memref<1x128xi32, #tpu.memory_space<vmem>> -> memref<128xi32, #tpu.memory_space<vmem>>
    %dma_start3A_1486 = arith.constant 0 : i32
    %dma_start3A_1487 = arith.constant 0 : i32
    %dma_start3A_1488 = tpu.memref_slice %arg2[%dma_start3A_1486, %dma_start3A_1487] : memref<8192x208xbf16, #tpu.memory_space<hbm>> -> memref<8192x208xbf16, #tpu.memory_space<hbm>>
    tpu.enqueue_indirect_dma source(%dma_start3A_1488 : memref<8192x208xbf16, #tpu.memory_space<hbm>>) target(%dma_start3A_1482 : memref<128x208xbf16, #tpu.memory_space<vmem>>) offsets(%dma_start3A_1485 : memref<128xi32, #tpu.memory_space<vmem>>) semaphore(%arg12 : memref<!tpu.dma_semaphore, #tpu.memory_space<semaphore_mem>>)
    %dma_wait3A_1489 = arith.constant 27 : i32
    %dma_wait3A_1490 = arith.constant 6 : i32
    %dma_wait3A_1491 = arith.constant 0 : i32
    %dma_wait3A_1492 = arith.constant 0 : i32
    %dma_wait3A_1493 = tpu.memref_slice %arg6[%dma_wait3A_1490, %dma_wait3A_1491, %dma_wait3A_1492] : memref<7x128x208xbf16, #tpu.memory_space<vmem>> -> memref<1x128x208xbf16, #tpu.memory_space<vmem>>
    %dma_wait3A_1494 = tpu.memref_squeeze %dma_wait3A_1493 : memref<1x128x208xbf16, #tpu.memory_space<vmem>> -> memref<128x208xbf16, #tpu.memory_space<vmem>>
    %dma_wait3A_1495 = arith.constant 0 : i32
    %dma_wait3A_1496 = tpu.memref_slice %arg5[%dma_wait3A_1489, %dma_wait3A_1495] : memref<40x128xi32, #tpu.memory_space<vmem>> -> memref<1x128xi32, #tpu.memory_space<vmem>>
    %dma_wait3A_1497 = tpu.memref_squeeze %dma_wait3A_1496 : memref<1x128xi32, #tpu.memory_space<vmem>> -> memref<128xi32, #tpu.memory_space<vmem>>
    %dma_wait3A_1498 = arith.constant 0 : i32
    %dma_wait3A_1499 = arith.constant 0 : i32
    %dma_wait3A_1500 = tpu.memref_slice %arg2[%dma_wait3A_1498, %dma_wait3A_1499] : memref<8192x208xbf16, #tpu.memory_space<hbm>> -> memref<8192x208xbf16, #tpu.memory_space<hbm>>
    tpu.wait_indirect_dma semaphore(%arg13 : memref<!tpu.dma_semaphore, #tpu.memory_space<semaphore_mem>>) src(%dma_wait3A_1500 : memref<8192x208xbf16, #tpu.memory_space<hbm>>) dst(%dma_wait3A_1494 : memref<128x208xbf16, #tpu.memory_space<vmem>>)
    %add3A_1501 = arith.constant 3456 : i32
    %add3A_1502 = arith.addi %mul3A_2, %add3A_1501 : i32
    %dma_start3A_1503 = arith.constant 6 : i32
    %dma_start3A_1504 = arith.constant 0 : i32
    %dma_start3A_1505 = arith.constant 0 : i32
    %dma_start3A_1506 = tpu.memref_slice %arg6[%dma_start3A_1503, %dma_start3A_1504, %dma_start3A_1505] : memref<7x128x208xbf16, #tpu.memory_space<vmem>> -> memref<1x128x208xbf16, #tpu.memory_space<vmem>>
    %dma_start3A_1507 = tpu.memref_squeeze %dma_start3A_1506 : memref<1x128x208xbf16, #tpu.memory_space<vmem>> -> memref<128x208xbf16, #tpu.memory_space<vmem>>
    %dma_start3A_1508 = arith.constant 0 : i32
    %dma_start3A_1509 = tpu.memref_slice %arg4[%add3A_1502, %dma_start3A_1508] : memref<163840x208xbf16, #tpu.memory_space<hbm>> -> memref<128x208xbf16, #tpu.memory_space<hbm>>
    %dma_start3A_1510 = arith.constant 0 : i32
    %dma_start3A_1511 = tpu.memref_slice %arg4[%add3A_1502, %dma_start3A_1510] : memref<163840x208xbf16, #tpu.memory_space<hbm>> -> memref<128x208xbf16, #tpu.memory_space<hbm>>
    %dma_start3A_1512 = arith.constant 0 : i32
    %dma_start3A_1513 = arith.constant 0 : i32
    %dma_start3A_1514 = tpu.memref_slice %arg6[%dma_start3A_1503, %dma_start3A_1512, %dma_start3A_1513] : memref<7x128x208xbf16, #tpu.memory_space<vmem>> -> memref<1x128x208xbf16, #tpu.memory_space<vmem>>
    %dma_start3A_1515 = tpu.memref_squeeze %dma_start3A_1514 : memref<1x128x208xbf16, #tpu.memory_space<vmem>> -> memref<128x208xbf16, #tpu.memory_space<vmem>>
    tpu.enqueue_dma source(%dma_start3A_1515 : memref<128x208xbf16, #tpu.memory_space<vmem>>) target(%dma_start3A_1511 : memref<128x208xbf16, #tpu.memory_space<hbm>>) target_semaphore(%arg20 : memref<!tpu.dma_semaphore, #tpu.memory_space<semaphore_mem>>)
    %dma_wait3A_1516 = arith.constant 6 : i32
    %dma_wait3A_1517 = arith.constant 0 : i32
    %dma_wait3A_1518 = arith.constant 0 : i32
    %dma_wait3A_1519 = tpu.memref_slice %arg6[%dma_wait3A_1516, %dma_wait3A_1517, %dma_wait3A_1518] : memref<7x128x208xbf16, #tpu.memory_space<vmem>> -> memref<1x128x208xbf16, #tpu.memory_space<vmem>>
    %dma_wait3A_1520 = tpu.memref_squeeze %dma_wait3A_1519 : memref<1x128x208xbf16, #tpu.memory_space<vmem>> -> memref<128x208xbf16, #tpu.memory_space<vmem>>
    %dma_wait3A_1521 = arith.constant 0 : i32
    %dma_wait3A_1522 = tpu.memref_slice %arg4[%add3A_1502, %dma_wait3A_1521] : memref<163840x208xbf16, #tpu.memory_space<hbm>> -> memref<128x208xbf16, #tpu.memory_space<hbm>>
    %dma_wait3A_1523 = arith.constant 0 : i32
    %dma_wait3A_1524 = tpu.memref_slice %arg4[%add3A_1502, %dma_wait3A_1523] : memref<163840x208xbf16, #tpu.memory_space<hbm>> -> memref<128x208xbf16, #tpu.memory_space<hbm>>
    %dma_wait3A_1525 = arith.constant 0 : i32
    %dma_wait3A_1526 = arith.constant 0 : i32
    %dma_wait3A_1527 = tpu.memref_slice %arg6[%dma_wait3A_1516, %dma_wait3A_1525, %dma_wait3A_1526] : memref<7x128x208xbf16, #tpu.memory_space<vmem>> -> memref<1x128x208xbf16, #tpu.memory_space<vmem>>
    %dma_wait3A_1528 = tpu.memref_squeeze %dma_wait3A_1527 : memref<1x128x208xbf16, #tpu.memory_space<vmem>> -> memref<128x208xbf16, #tpu.memory_space<vmem>>
    tpu.wait_dma2 semaphore(%arg20 : memref<!tpu.dma_semaphore, #tpu.memory_space<semaphore_mem>>) src(%dma_wait3A_1528 : memref<128x208xbf16, #tpu.memory_space<vmem>>) dst(%dma_wait3A_1524 : memref<128x208xbf16, #tpu.memory_space<hbm>>)
    %dma_start3A_1529 = arith.constant 34 : i32
    %dma_start3A_1530 = arith.constant 6 : i32
    %dma_start3A_1531 = arith.constant 0 : i32
    %dma_start3A_1532 = arith.constant 0 : i32
    %dma_start3A_1533 = tpu.memref_slice %arg6[%dma_start3A_1530, %dma_start3A_1531, %dma_start3A_1532] : memref<7x128x208xbf16, #tpu.memory_space<vmem>> -> memref<1x128x208xbf16, #tpu.memory_space<vmem>>
    %dma_start3A_1534 = tpu.memref_squeeze %dma_start3A_1533 : memref<1x128x208xbf16, #tpu.memory_space<vmem>> -> memref<128x208xbf16, #tpu.memory_space<vmem>>
    %dma_start3A_1535 = arith.constant 0 : i32
    %dma_start3A_1536 = tpu.memref_slice %arg5[%dma_start3A_1529, %dma_start3A_1535] : memref<40x128xi32, #tpu.memory_space<vmem>> -> memref<1x128xi32, #tpu.memory_space<vmem>>
    %dma_start3A_1537 = tpu.memref_squeeze %dma_start3A_1536 : memref<1x128xi32, #tpu.memory_space<vmem>> -> memref<128xi32, #tpu.memory_space<vmem>>
    %dma_start3A_1538 = arith.constant 0 : i32
    %dma_start3A_1539 = arith.constant 0 : i32
    %dma_start3A_1540 = tpu.memref_slice %arg2[%dma_start3A_1538, %dma_start3A_1539] : memref<8192x208xbf16, #tpu.memory_space<hbm>> -> memref<8192x208xbf16, #tpu.memory_space<hbm>>
    tpu.enqueue_indirect_dma source(%dma_start3A_1540 : memref<8192x208xbf16, #tpu.memory_space<hbm>>) target(%dma_start3A_1534 : memref<128x208xbf16, #tpu.memory_space<vmem>>) offsets(%dma_start3A_1537 : memref<128xi32, #tpu.memory_space<vmem>>) semaphore(%arg13 : memref<!tpu.dma_semaphore, #tpu.memory_space<semaphore_mem>>)
    %dma_wait3A_1541 = arith.constant 28 : i32
    %dma_wait3A_1542 = arith.constant 0 : i32
    %dma_wait3A_1543 = arith.constant 0 : i32
    %dma_wait3A_1544 = arith.constant 0 : i32
    %dma_wait3A_1545 = tpu.memref_slice %arg6[%dma_wait3A_1542, %dma_wait3A_1543, %dma_wait3A_1544] : memref<7x128x208xbf16, #tpu.memory_space<vmem>> -> memref<1x128x208xbf16, #tpu.memory_space<vmem>>
    %dma_wait3A_1546 = tpu.memref_squeeze %dma_wait3A_1545 : memref<1x128x208xbf16, #tpu.memory_space<vmem>> -> memref<128x208xbf16, #tpu.memory_space<vmem>>
    %dma_wait3A_1547 = arith.constant 0 : i32
    %dma_wait3A_1548 = tpu.memref_slice %arg5[%dma_wait3A_1541, %dma_wait3A_1547] : memref<40x128xi32, #tpu.memory_space<vmem>> -> memref<1x128xi32, #tpu.memory_space<vmem>>
    %dma_wait3A_1549 = tpu.memref_squeeze %dma_wait3A_1548 : memref<1x128xi32, #tpu.memory_space<vmem>> -> memref<128xi32, #tpu.memory_space<vmem>>
    %dma_wait3A_1550 = arith.constant 0 : i32
    %dma_wait3A_1551 = arith.constant 0 : i32
    %dma_wait3A_1552 = tpu.memref_slice %arg2[%dma_wait3A_1550, %dma_wait3A_1551] : memref<8192x208xbf16, #tpu.memory_space<hbm>> -> memref<8192x208xbf16, #tpu.memory_space<hbm>>
    tpu.wait_indirect_dma semaphore(%arg7 : memref<!tpu.dma_semaphore, #tpu.memory_space<semaphore_mem>>) src(%dma_wait3A_1552 : memref<8192x208xbf16, #tpu.memory_space<hbm>>) dst(%dma_wait3A_1546 : memref<128x208xbf16, #tpu.memory_space<vmem>>)
    %add3A_1553 = arith.constant 3584 : i32
    %add3A_1554 = arith.addi %mul3A_2, %add3A_1553 : i32
    %dma_start3A_1555 = arith.constant 0 : i32
    %dma_start3A_1556 = arith.constant 0 : i32
    %dma_start3A_1557 = arith.constant 0 : i32
    %dma_start3A_1558 = tpu.memref_slice %arg6[%dma_start3A_1555, %dma_start3A_1556, %dma_start3A_1557] : memref<7x128x208xbf16, #tpu.memory_space<vmem>> -> memref<1x128x208xbf16, #tpu.memory_space<vmem>>
    %dma_start3A_1559 = tpu.memref_squeeze %dma_start3A_1558 : memref<1x128x208xbf16, #tpu.memory_space<vmem>> -> memref<128x208xbf16, #tpu.memory_space<vmem>>
    %dma_start3A_1560 = arith.constant 0 : i32
    %dma_start3A_1561 = tpu.memref_slice %arg4[%add3A_1554, %dma_start3A_1560] : memref<163840x208xbf16, #tpu.memory_space<hbm>> -> memref<128x208xbf16, #tpu.memory_space<hbm>>
    %dma_start3A_1562 = arith.constant 0 : i32
    %dma_start3A_1563 = tpu.memref_slice %arg4[%add3A_1554, %dma_start3A_1562] : memref<163840x208xbf16, #tpu.memory_space<hbm>> -> memref<128x208xbf16, #tpu.memory_space<hbm>>
    %dma_start3A_1564 = arith.constant 0 : i32
    %dma_start3A_1565 = arith.constant 0 : i32
    %dma_start3A_1566 = tpu.memref_slice %arg6[%dma_start3A_1555, %dma_start3A_1564, %dma_start3A_1565] : memref<7x128x208xbf16, #tpu.memory_space<vmem>> -> memref<1x128x208xbf16, #tpu.memory_space<vmem>>
    %dma_start3A_1567 = tpu.memref_squeeze %dma_start3A_1566 : memref<1x128x208xbf16, #tpu.memory_space<vmem>> -> memref<128x208xbf16, #tpu.memory_space<vmem>>
    tpu.enqueue_dma source(%dma_start3A_1567 : memref<128x208xbf16, #tpu.memory_space<vmem>>) target(%dma_start3A_1563 : memref<128x208xbf16, #tpu.memory_space<hbm>>) target_semaphore(%arg14 : memref<!tpu.dma_semaphore, #tpu.memory_space<semaphore_mem>>)
    %dma_wait3A_1568 = arith.constant 0 : i32
    %dma_wait3A_1569 = arith.constant 0 : i32
    %dma_wait3A_1570 = arith.constant 0 : i32
    %dma_wait3A_1571 = tpu.memref_slice %arg6[%dma_wait3A_1568, %dma_wait3A_1569, %dma_wait3A_1570] : memref<7x128x208xbf16, #tpu.memory_space<vmem>> -> memref<1x128x208xbf16, #tpu.memory_space<vmem>>
    %dma_wait3A_1572 = tpu.memref_squeeze %dma_wait3A_1571 : memref<1x128x208xbf16, #tpu.memory_space<vmem>> -> memref<128x208xbf16, #tpu.memory_space<vmem>>
    %dma_wait3A_1573 = arith.constant 0 : i32
    %dma_wait3A_1574 = tpu.memref_slice %arg4[%add3A_1554, %dma_wait3A_1573] : memref<163840x208xbf16, #tpu.memory_space<hbm>> -> memref<128x208xbf16, #tpu.memory_space<hbm>>
    %dma_wait3A_1575 = arith.constant 0 : i32
    %dma_wait3A_1576 = tpu.memref_slice %arg4[%add3A_1554, %dma_wait3A_1575] : memref<163840x208xbf16, #tpu.memory_space<hbm>> -> memref<128x208xbf16, #tpu.memory_space<hbm>>
    %dma_wait3A_1577 = arith.constant 0 : i32
    %dma_wait3A_1578 = arith.constant 0 : i32
    %dma_wait3A_1579 = tpu.memref_slice %arg6[%dma_wait3A_1568, %dma_wait3A_1577, %dma_wait3A_1578] : memref<7x128x208xbf16, #tpu.memory_space<vmem>> -> memref<1x128x208xbf16, #tpu.memory_space<vmem>>
    %dma_wait3A_1580 = tpu.memref_squeeze %dma_wait3A_1579 : memref<1x128x208xbf16, #tpu.memory_space<vmem>> -> memref<128x208xbf16, #tpu.memory_space<vmem>>
    tpu.wait_dma2 semaphore(%arg14 : memref<!tpu.dma_semaphore, #tpu.memory_space<semaphore_mem>>) src(%dma_wait3A_1580 : memref<128x208xbf16, #tpu.memory_space<vmem>>) dst(%dma_wait3A_1576 : memref<128x208xbf16, #tpu.memory_space<hbm>>)
    %dma_start3A_1581 = arith.constant 35 : i32
    %dma_start3A_1582 = arith.constant 0 : i32
    %dma_start3A_1583 = arith.constant 0 : i32
    %dma_start3A_1584 = arith.constant 0 : i32
    %dma_start3A_1585 = tpu.memref_slice %arg6[%dma_start3A_1582, %dma_start3A_1583, %dma_start3A_1584] : memref<7x128x208xbf16, #tpu.memory_space<vmem>> -> memref<1x128x208xbf16, #tpu.memory_space<vmem>>
    %dma_start3A_1586 = tpu.memref_squeeze %dma_start3A_1585 : memref<1x128x208xbf16, #tpu.memory_space<vmem>> -> memref<128x208xbf16, #tpu.memory_space<vmem>>
    %dma_start3A_1587 = arith.constant 0 : i32
    %dma_start3A_1588 = tpu.memref_slice %arg5[%dma_start3A_1581, %dma_start3A_1587] : memref<40x128xi32, #tpu.memory_space<vmem>> -> memref<1x128xi32, #tpu.memory_space<vmem>>
    %dma_start3A_1589 = tpu.memref_squeeze %dma_start3A_1588 : memref<1x128xi32, #tpu.memory_space<vmem>> -> memref<128xi32, #tpu.memory_space<vmem>>
    %dma_start3A_1590 = arith.constant 0 : i32
    %dma_start3A_1591 = arith.constant 0 : i32
    %dma_start3A_1592 = tpu.memref_slice %arg2[%dma_start3A_1590, %dma_start3A_1591] : memref<8192x208xbf16, #tpu.memory_space<hbm>> -> memref<8192x208xbf16, #tpu.memory_space<hbm>>
    tpu.enqueue_indirect_dma source(%dma_start3A_1592 : memref<8192x208xbf16, #tpu.memory_space<hbm>>) target(%dma_start3A_1586 : memref<128x208xbf16, #tpu.memory_space<vmem>>) offsets(%dma_start3A_1589 : memref<128xi32, #tpu.memory_space<vmem>>) semaphore(%arg7 : memref<!tpu.dma_semaphore, #tpu.memory_space<semaphore_mem>>)
    %dma_wait3A_1593 = arith.constant 29 : i32
    %dma_wait3A_1594 = arith.constant 1 : i32
    %dma_wait3A_1595 = arith.constant 0 : i32
    %dma_wait3A_1596 = arith.constant 0 : i32
    %dma_wait3A_1597 = tpu.memref_slice %arg6[%dma_wait3A_1594, %dma_wait3A_1595, %dma_wait3A_1596] : memref<7x128x208xbf16, #tpu.memory_space<vmem>> -> memref<1x128x208xbf16, #tpu.memory_space<vmem>>
    %dma_wait3A_1598 = tpu.memref_squeeze %dma_wait3A_1597 : memref<1x128x208xbf16, #tpu.memory_space<vmem>> -> memref<128x208xbf16, #tpu.memory_space<vmem>>
    %dma_wait3A_1599 = arith.constant 0 : i32
    %dma_wait3A_1600 = tpu.memref_slice %arg5[%dma_wait3A_1593, %dma_wait3A_1599] : memref<40x128xi32, #tpu.memory_space<vmem>> -> memref<1x128xi32, #tpu.memory_space<vmem>>
    %dma_wait3A_1601 = tpu.memref_squeeze %dma_wait3A_1600 : memref<1x128xi32, #tpu.memory_space<vmem>> -> memref<128xi32, #tpu.memory_space<vmem>>
    %dma_wait3A_1602 = arith.constant 0 : i32
    %dma_wait3A_1603 = arith.constant 0 : i32
    %dma_wait3A_1604 = tpu.memref_slice %arg2[%dma_wait3A_1602, %dma_wait3A_1603] : memref<8192x208xbf16, #tpu.memory_space<hbm>> -> memref<8192x208xbf16, #tpu.memory_space<hbm>>
    tpu.wait_indirect_dma semaphore(%arg8 : memref<!tpu.dma_semaphore, #tpu.memory_space<semaphore_mem>>) src(%dma_wait3A_1604 : memref<8192x208xbf16, #tpu.memory_space<hbm>>) dst(%dma_wait3A_1598 : memref<128x208xbf16, #tpu.memory_space<vmem>>)
    %add3A_1605 = arith.constant 3712 : i32
    %add3A_1606 = arith.addi %mul3A_2, %add3A_1605 : i32
    %dma_start3A_1607 = arith.constant 1 : i32
    %dma_start3A_1608 = arith.constant 0 : i32
    %dma_start3A_1609 = arith.constant 0 : i32
    %dma_start3A_1610 = tpu.memref_slice %arg6[%dma_start3A_1607, %dma_start3A_1608, %dma_start3A_1609] : memref<7x128x208xbf16, #tpu.memory_space<vmem>> -> memref<1x128x208xbf16, #tpu.memory_space<vmem>>
    %dma_start3A_1611 = tpu.memref_squeeze %dma_start3A_1610 : memref<1x128x208xbf16, #tpu.memory_space<vmem>> -> memref<128x208xbf16, #tpu.memory_space<vmem>>
    %dma_start3A_1612 = arith.constant 0 : i32
    %dma_start3A_1613 = tpu.memref_slice %arg4[%add3A_1606, %dma_start3A_1612] : memref<163840x208xbf16, #tpu.memory_space<hbm>> -> memref<128x208xbf16, #tpu.memory_space<hbm>>
    %dma_start3A_1614 = arith.constant 0 : i32
    %dma_start3A_1615 = tpu.memref_slice %arg4[%add3A_1606, %dma_start3A_1614] : memref<163840x208xbf16, #tpu.memory_space<hbm>> -> memref<128x208xbf16, #tpu.memory_space<hbm>>
    %dma_start3A_1616 = arith.constant 0 : i32
    %dma_start3A_1617 = arith.constant 0 : i32
    %dma_start3A_1618 = tpu.memref_slice %arg6[%dma_start3A_1607, %dma_start3A_1616, %dma_start3A_1617] : memref<7x128x208xbf16, #tpu.memory_space<vmem>> -> memref<1x128x208xbf16, #tpu.memory_space<vmem>>
    %dma_start3A_1619 = tpu.memref_squeeze %dma_start3A_1618 : memref<1x128x208xbf16, #tpu.memory_space<vmem>> -> memref<128x208xbf16, #tpu.memory_space<vmem>>
    tpu.enqueue_dma source(%dma_start3A_1619 : memref<128x208xbf16, #tpu.memory_space<vmem>>) target(%dma_start3A_1615 : memref<128x208xbf16, #tpu.memory_space<hbm>>) target_semaphore(%arg15 : memref<!tpu.dma_semaphore, #tpu.memory_space<semaphore_mem>>)
    %dma_wait3A_1620 = arith.constant 1 : i32
    %dma_wait3A_1621 = arith.constant 0 : i32
    %dma_wait3A_1622 = arith.constant 0 : i32
    %dma_wait3A_1623 = tpu.memref_slice %arg6[%dma_wait3A_1620, %dma_wait3A_1621, %dma_wait3A_1622] : memref<7x128x208xbf16, #tpu.memory_space<vmem>> -> memref<1x128x208xbf16, #tpu.memory_space<vmem>>
    %dma_wait3A_1624 = tpu.memref_squeeze %dma_wait3A_1623 : memref<1x128x208xbf16, #tpu.memory_space<vmem>> -> memref<128x208xbf16, #tpu.memory_space<vmem>>
    %dma_wait3A_1625 = arith.constant 0 : i32
    %dma_wait3A_1626 = tpu.memref_slice %arg4[%add3A_1606, %dma_wait3A_1625] : memref<163840x208xbf16, #tpu.memory_space<hbm>> -> memref<128x208xbf16, #tpu.memory_space<hbm>>
    %dma_wait3A_1627 = arith.constant 0 : i32
    %dma_wait3A_1628 = tpu.memref_slice %arg4[%add3A_1606, %dma_wait3A_1627] : memref<163840x208xbf16, #tpu.memory_space<hbm>> -> memref<128x208xbf16, #tpu.memory_space<hbm>>
    %dma_wait3A_1629 = arith.constant 0 : i32
    %dma_wait3A_1630 = arith.constant 0 : i32
    %dma_wait3A_1631 = tpu.memref_slice %arg6[%dma_wait3A_1620, %dma_wait3A_1629, %dma_wait3A_1630] : memref<7x128x208xbf16, #tpu.memory_space<vmem>> -> memref<1x128x208xbf16, #tpu.memory_space<vmem>>
    %dma_wait3A_1632 = tpu.memref_squeeze %dma_wait3A_1631 : memref<1x128x208xbf16, #tpu.memory_space<vmem>> -> memref<128x208xbf16, #tpu.memory_space<vmem>>
    tpu.wait_dma2 semaphore(%arg15 : memref<!tpu.dma_semaphore, #tpu.memory_space<semaphore_mem>>) src(%dma_wait3A_1632 : memref<128x208xbf16, #tpu.memory_space<vmem>>) dst(%dma_wait3A_1628 : memref<128x208xbf16, #tpu.memory_space<hbm>>)
    %dma_start3A_1633 = arith.constant 36 : i32
    %dma_start3A_1634 = arith.constant 1 : i32
    %dma_start3A_1635 = arith.constant 0 : i32
    %dma_start3A_1636 = arith.constant 0 : i32
    %dma_start3A_1637 = tpu.memref_slice %arg6[%dma_start3A_1634, %dma_start3A_1635, %dma_start3A_1636] : memref<7x128x208xbf16, #tpu.memory_space<vmem>> -> memref<1x128x208xbf16, #tpu.memory_space<vmem>>
    %dma_start3A_1638 = tpu.memref_squeeze %dma_start3A_1637 : memref<1x128x208xbf16, #tpu.memory_space<vmem>> -> memref<128x208xbf16, #tpu.memory_space<vmem>>
    %dma_start3A_1639 = arith.constant 0 : i32
    %dma_start3A_1640 = tpu.memref_slice %arg5[%dma_start3A_1633, %dma_start3A_1639] : memref<40x128xi32, #tpu.memory_space<vmem>> -> memref<1x128xi32, #tpu.memory_space<vmem>>
    %dma_start3A_1641 = tpu.memref_squeeze %dma_start3A_1640 : memref<1x128xi32, #tpu.memory_space<vmem>> -> memref<128xi32, #tpu.memory_space<vmem>>
    %dma_start3A_1642 = arith.constant 0 : i32
    %dma_start3A_1643 = arith.constant 0 : i32
    %dma_start3A_1644 = tpu.memref_slice %arg2[%dma_start3A_1642, %dma_start3A_1643] : memref<8192x208xbf16, #tpu.memory_space<hbm>> -> memref<8192x208xbf16, #tpu.memory_space<hbm>>
    tpu.enqueue_indirect_dma source(%dma_start3A_1644 : memref<8192x208xbf16, #tpu.memory_space<hbm>>) target(%dma_start3A_1638 : memref<128x208xbf16, #tpu.memory_space<vmem>>) offsets(%dma_start3A_1641 : memref<128xi32, #tpu.memory_space<vmem>>) semaphore(%arg8 : memref<!tpu.dma_semaphore, #tpu.memory_space<semaphore_mem>>)
    %dma_wait3A_1645 = arith.constant 30 : i32
    %dma_wait3A_1646 = arith.constant 2 : i32
    %dma_wait3A_1647 = arith.constant 0 : i32
    %dma_wait3A_1648 = arith.constant 0 : i32
    %dma_wait3A_1649 = tpu.memref_slice %arg6[%dma_wait3A_1646, %dma_wait3A_1647, %dma_wait3A_1648] : memref<7x128x208xbf16, #tpu.memory_space<vmem>> -> memref<1x128x208xbf16, #tpu.memory_space<vmem>>
    %dma_wait3A_1650 = tpu.memref_squeeze %dma_wait3A_1649 : memref<1x128x208xbf16, #tpu.memory_space<vmem>> -> memref<128x208xbf16, #tpu.memory_space<vmem>>
    %dma_wait3A_1651 = arith.constant 0 : i32
    %dma_wait3A_1652 = tpu.memref_slice %arg5[%dma_wait3A_1645, %dma_wait3A_1651] : memref<40x128xi32, #tpu.memory_space<vmem>> -> memref<1x128xi32, #tpu.memory_space<vmem>>
    %dma_wait3A_1653 = tpu.memref_squeeze %dma_wait3A_1652 : memref<1x128xi32, #tpu.memory_space<vmem>> -> memref<128xi32, #tpu.memory_space<vmem>>
    %dma_wait3A_1654 = arith.constant 0 : i32
    %dma_wait3A_1655 = arith.constant 0 : i32
    %dma_wait3A_1656 = tpu.memref_slice %arg2[%dma_wait3A_1654, %dma_wait3A_1655] : memref<8192x208xbf16, #tpu.memory_space<hbm>> -> memref<8192x208xbf16, #tpu.memory_space<hbm>>
    tpu.wait_indirect_dma semaphore(%arg9 : memref<!tpu.dma_semaphore, #tpu.memory_space<semaphore_mem>>) src(%dma_wait3A_1656 : memref<8192x208xbf16, #tpu.memory_space<hbm>>) dst(%dma_wait3A_1650 : memref<128x208xbf16, #tpu.memory_space<vmem>>)
    %add3A_1657 = arith.constant 3840 : i32
    %add3A_1658 = arith.addi %mul3A_2, %add3A_1657 : i32
    %dma_start3A_1659 = arith.constant 2 : i32
    %dma_start3A_1660 = arith.constant 0 : i32
    %dma_start3A_1661 = arith.constant 0 : i32
    %dma_start3A_1662 = tpu.memref_slice %arg6[%dma_start3A_1659, %dma_start3A_1660, %dma_start3A_1661] : memref<7x128x208xbf16, #tpu.memory_space<vmem>> -> memref<1x128x208xbf16, #tpu.memory_space<vmem>>
    %dma_start3A_1663 = tpu.memref_squeeze %dma_start3A_1662 : memref<1x128x208xbf16, #tpu.memory_space<vmem>> -> memref<128x208xbf16, #tpu.memory_space<vmem>>
    %dma_start3A_1664 = arith.constant 0 : i32
    %dma_start3A_1665 = tpu.memref_slice %arg4[%add3A_1658, %dma_start3A_1664] : memref<163840x208xbf16, #tpu.memory_space<hbm>> -> memref<128x208xbf16, #tpu.memory_space<hbm>>
    %dma_start3A_1666 = arith.constant 0 : i32
    %dma_start3A_1667 = tpu.memref_slice %arg4[%add3A_1658, %dma_start3A_1666] : memref<163840x208xbf16, #tpu.memory_space<hbm>> -> memref<128x208xbf16, #tpu.memory_space<hbm>>
    %dma_start3A_1668 = arith.constant 0 : i32
    %dma_start3A_1669 = arith.constant 0 : i32
    %dma_start3A_1670 = tpu.memref_slice %arg6[%dma_start3A_1659, %dma_start3A_1668, %dma_start3A_1669] : memref<7x128x208xbf16, #tpu.memory_space<vmem>> -> memref<1x128x208xbf16, #tpu.memory_space<vmem>>
    %dma_start3A_1671 = tpu.memref_squeeze %dma_start3A_1670 : memref<1x128x208xbf16, #tpu.memory_space<vmem>> -> memref<128x208xbf16, #tpu.memory_space<vmem>>
    tpu.enqueue_dma source(%dma_start3A_1671 : memref<128x208xbf16, #tpu.memory_space<vmem>>) target(%dma_start3A_1667 : memref<128x208xbf16, #tpu.memory_space<hbm>>) target_semaphore(%arg16 : memref<!tpu.dma_semaphore, #tpu.memory_space<semaphore_mem>>)
    %dma_wait3A_1672 = arith.constant 2 : i32
    %dma_wait3A_1673 = arith.constant 0 : i32
    %dma_wait3A_1674 = arith.constant 0 : i32
    %dma_wait3A_1675 = tpu.memref_slice %arg6[%dma_wait3A_1672, %dma_wait3A_1673, %dma_wait3A_1674] : memref<7x128x208xbf16, #tpu.memory_space<vmem>> -> memref<1x128x208xbf16, #tpu.memory_space<vmem>>
    %dma_wait3A_1676 = tpu.memref_squeeze %dma_wait3A_1675 : memref<1x128x208xbf16, #tpu.memory_space<vmem>> -> memref<128x208xbf16, #tpu.memory_space<vmem>>
    %dma_wait3A_1677 = arith.constant 0 : i32
    %dma_wait3A_1678 = tpu.memref_slice %arg4[%add3A_1658, %dma_wait3A_1677] : memref<163840x208xbf16, #tpu.memory_space<hbm>> -> memref<128x208xbf16, #tpu.memory_space<hbm>>
    %dma_wait3A_1679 = arith.constant 0 : i32
    %dma_wait3A_1680 = tpu.memref_slice %arg4[%add3A_1658, %dma_wait3A_1679] : memref<163840x208xbf16, #tpu.memory_space<hbm>> -> memref<128x208xbf16, #tpu.memory_space<hbm>>
    %dma_wait3A_1681 = arith.constant 0 : i32
    %dma_wait3A_1682 = arith.constant 0 : i32
    %dma_wait3A_1683 = tpu.memref_slice %arg6[%dma_wait3A_1672, %dma_wait3A_1681, %dma_wait3A_1682] : memref<7x128x208xbf16, #tpu.memory_space<vmem>> -> memref<1x128x208xbf16, #tpu.memory_space<vmem>>
    %dma_wait3A_1684 = tpu.memref_squeeze %dma_wait3A_1683 : memref<1x128x208xbf16, #tpu.memory_space<vmem>> -> memref<128x208xbf16, #tpu.memory_space<vmem>>
    tpu.wait_dma2 semaphore(%arg16 : memref<!tpu.dma_semaphore, #tpu.memory_space<semaphore_mem>>) src(%dma_wait3A_1684 : memref<128x208xbf16, #tpu.memory_space<vmem>>) dst(%dma_wait3A_1680 : memref<128x208xbf16, #tpu.memory_space<hbm>>)
    %dma_start3A_1685 = arith.constant 37 : i32
    %dma_start3A_1686 = arith.constant 2 : i32
    %dma_start3A_1687 = arith.constant 0 : i32
    %dma_start3A_1688 = arith.constant 0 : i32
    %dma_start3A_1689 = tpu.memref_slice %arg6[%dma_start3A_1686, %dma_start3A_1687, %dma_start3A_1688] : memref<7x128x208xbf16, #tpu.memory_space<vmem>> -> memref<1x128x208xbf16, #tpu.memory_space<vmem>>
    %dma_start3A_1690 = tpu.memref_squeeze %dma_start3A_1689 : memref<1x128x208xbf16, #tpu.memory_space<vmem>> -> memref<128x208xbf16, #tpu.memory_space<vmem>>
    %dma_start3A_1691 = arith.constant 0 : i32
    %dma_start3A_1692 = tpu.memref_slice %arg5[%dma_start3A_1685, %dma_start3A_1691] : memref<40x128xi32, #tpu.memory_space<vmem>> -> memref<1x128xi32, #tpu.memory_space<vmem>>
    %dma_start3A_1693 = tpu.memref_squeeze %dma_start3A_1692 : memref<1x128xi32, #tpu.memory_space<vmem>> -> memref<128xi32, #tpu.memory_space<vmem>>
    %dma_start3A_1694 = arith.constant 0 : i32
    %dma_start3A_1695 = arith.constant 0 : i32
    %dma_start3A_1696 = tpu.memref_slice %arg2[%dma_start3A_1694, %dma_start3A_1695] : memref<8192x208xbf16, #tpu.memory_space<hbm>> -> memref<8192x208xbf16, #tpu.memory_space<hbm>>
    tpu.enqueue_indirect_dma source(%dma_start3A_1696 : memref<8192x208xbf16, #tpu.memory_space<hbm>>) target(%dma_start3A_1690 : memref<128x208xbf16, #tpu.memory_space<vmem>>) offsets(%dma_start3A_1693 : memref<128xi32, #tpu.memory_space<vmem>>) semaphore(%arg9 : memref<!tpu.dma_semaphore, #tpu.memory_space<semaphore_mem>>)
    %dma_wait3A_1697 = arith.constant 31 : i32
    %dma_wait3A_1698 = arith.constant 3 : i32
    %dma_wait3A_1699 = arith.constant 0 : i32
    %dma_wait3A_1700 = arith.constant 0 : i32
    %dma_wait3A_1701 = tpu.memref_slice %arg6[%dma_wait3A_1698, %dma_wait3A_1699, %dma_wait3A_1700] : memref<7x128x208xbf16, #tpu.memory_space<vmem>> -> memref<1x128x208xbf16, #tpu.memory_space<vmem>>
    %dma_wait3A_1702 = tpu.memref_squeeze %dma_wait3A_1701 : memref<1x128x208xbf16, #tpu.memory_space<vmem>> -> memref<128x208xbf16, #tpu.memory_space<vmem>>
    %dma_wait3A_1703 = arith.constant 0 : i32
    %dma_wait3A_1704 = tpu.memref_slice %arg5[%dma_wait3A_1697, %dma_wait3A_1703] : memref<40x128xi32, #tpu.memory_space<vmem>> -> memref<1x128xi32, #tpu.memory_space<vmem>>
    %dma_wait3A_1705 = tpu.memref_squeeze %dma_wait3A_1704 : memref<1x128xi32, #tpu.memory_space<vmem>> -> memref<128xi32, #tpu.memory_space<vmem>>
    %dma_wait3A_1706 = arith.constant 0 : i32
    %dma_wait3A_1707 = arith.constant 0 : i32
    %dma_wait3A_1708 = tpu.memref_slice %arg2[%dma_wait3A_1706, %dma_wait3A_1707] : memref<8192x208xbf16, #tpu.memory_space<hbm>> -> memref<8192x208xbf16, #tpu.memory_space<hbm>>
    tpu.wait_indirect_dma semaphore(%arg10 : memref<!tpu.dma_semaphore, #tpu.memory_space<semaphore_mem>>) src(%dma_wait3A_1708 : memref<8192x208xbf16, #tpu.memory_space<hbm>>) dst(%dma_wait3A_1702 : memref<128x208xbf16, #tpu.memory_space<vmem>>)
    %add3A_1709 = arith.constant 3968 : i32
    %add3A_1710 = arith.addi %mul3A_2, %add3A_1709 : i32
    %dma_start3A_1711 = arith.constant 3 : i32
    %dma_start3A_1712 = arith.constant 0 : i32
    %dma_start3A_1713 = arith.constant 0 : i32
    %dma_start3A_1714 = tpu.memref_slice %arg6[%dma_start3A_1711, %dma_start3A_1712, %dma_start3A_1713] : memref<7x128x208xbf16, #tpu.memory_space<vmem>> -> memref<1x128x208xbf16, #tpu.memory_space<vmem>>
    %dma_start3A_1715 = tpu.memref_squeeze %dma_start3A_1714 : memref<1x128x208xbf16, #tpu.memory_space<vmem>> -> memref<128x208xbf16, #tpu.memory_space<vmem>>
    %dma_start3A_1716 = arith.constant 0 : i32
    %dma_start3A_1717 = tpu.memref_slice %arg4[%add3A_1710, %dma_start3A_1716] : memref<163840x208xbf16, #tpu.memory_space<hbm>> -> memref<128x208xbf16, #tpu.memory_space<hbm>>
    %dma_start3A_1718 = arith.constant 0 : i32
    %dma_start3A_1719 = tpu.memref_slice %arg4[%add3A_1710, %dma_start3A_1718] : memref<163840x208xbf16, #tpu.memory_space<hbm>> -> memref<128x208xbf16, #tpu.memory_space<hbm>>
    %dma_start3A_1720 = arith.constant 0 : i32
    %dma_start3A_1721 = arith.constant 0 : i32
    %dma_start3A_1722 = tpu.memref_slice %arg6[%dma_start3A_1711, %dma_start3A_1720, %dma_start3A_1721] : memref<7x128x208xbf16, #tpu.memory_space<vmem>> -> memref<1x128x208xbf16, #tpu.memory_space<vmem>>
    %dma_start3A_1723 = tpu.memref_squeeze %dma_start3A_1722 : memref<1x128x208xbf16, #tpu.memory_space<vmem>> -> memref<128x208xbf16, #tpu.memory_space<vmem>>
    tpu.enqueue_dma source(%dma_start3A_1723 : memref<128x208xbf16, #tpu.memory_space<vmem>>) target(%dma_start3A_1719 : memref<128x208xbf16, #tpu.memory_space<hbm>>) target_semaphore(%arg17 : memref<!tpu.dma_semaphore, #tpu.memory_space<semaphore_mem>>)
    %dma_wait3A_1724 = arith.constant 3 : i32
    %dma_wait3A_1725 = arith.constant 0 : i32
    %dma_wait3A_1726 = arith.constant 0 : i32
    %dma_wait3A_1727 = tpu.memref_slice %arg6[%dma_wait3A_1724, %dma_wait3A_1725, %dma_wait3A_1726] : memref<7x128x208xbf16, #tpu.memory_space<vmem>> -> memref<1x128x208xbf16, #tpu.memory_space<vmem>>
    %dma_wait3A_1728 = tpu.memref_squeeze %dma_wait3A_1727 : memref<1x128x208xbf16, #tpu.memory_space<vmem>> -> memref<128x208xbf16, #tpu.memory_space<vmem>>
    %dma_wait3A_1729 = arith.constant 0 : i32
    %dma_wait3A_1730 = tpu.memref_slice %arg4[%add3A_1710, %dma_wait3A_1729] : memref<163840x208xbf16, #tpu.memory_space<hbm>> -> memref<128x208xbf16, #tpu.memory_space<hbm>>
    %dma_wait3A_1731 = arith.constant 0 : i32
    %dma_wait3A_1732 = tpu.memref_slice %arg4[%add3A_1710, %dma_wait3A_1731] : memref<163840x208xbf16, #tpu.memory_space<hbm>> -> memref<128x208xbf16, #tpu.memory_space<hbm>>
    %dma_wait3A_1733 = arith.constant 0 : i32
    %dma_wait3A_1734 = arith.constant 0 : i32
    %dma_wait3A_1735 = tpu.memref_slice %arg6[%dma_wait3A_1724, %dma_wait3A_1733, %dma_wait3A_1734] : memref<7x128x208xbf16, #tpu.memory_space<vmem>> -> memref<1x128x208xbf16, #tpu.memory_space<vmem>>
    %dma_wait3A_1736 = tpu.memref_squeeze %dma_wait3A_1735 : memref<1x128x208xbf16, #tpu.memory_space<vmem>> -> memref<128x208xbf16, #tpu.memory_space<vmem>>
    tpu.wait_dma2 semaphore(%arg17 : memref<!tpu.dma_semaphore, #tpu.memory_space<semaphore_mem>>) src(%dma_wait3A_1736 : memref<128x208xbf16, #tpu.memory_space<vmem>>) dst(%dma_wait3A_1732 : memref<128x208xbf16, #tpu.memory_space<hbm>>)
    %dma_start3A_1737 = arith.constant 38 : i32
    %dma_start3A_1738 = arith.constant 3 : i32
    %dma_start3A_1739 = arith.constant 0 : i32
    %dma_start3A_1740 = arith.constant 0 : i32
    %dma_start3A_1741 = tpu.memref_slice %arg6[%dma_start3A_1738, %dma_start3A_1739, %dma_start3A_1740] : memref<7x128x208xbf16, #tpu.memory_space<vmem>> -> memref<1x128x208xbf16, #tpu.memory_space<vmem>>
    %dma_start3A_1742 = tpu.memref_squeeze %dma_start3A_1741 : memref<1x128x208xbf16, #tpu.memory_space<vmem>> -> memref<128x208xbf16, #tpu.memory_space<vmem>>
    %dma_start3A_1743 = arith.constant 0 : i32
    %dma_start3A_1744 = tpu.memref_slice %arg5[%dma_start3A_1737, %dma_start3A_1743] : memref<40x128xi32, #tpu.memory_space<vmem>> -> memref<1x128xi32, #tpu.memory_space<vmem>>
    %dma_start3A_1745 = tpu.memref_squeeze %dma_start3A_1744 : memref<1x128xi32, #tpu.memory_space<vmem>> -> memref<128xi32, #tpu.memory_space<vmem>>
    %dma_start3A_1746 = arith.constant 0 : i32
    %dma_start3A_1747 = arith.constant 0 : i32
    %dma_start3A_1748 = tpu.memref_slice %arg2[%dma_start3A_1746, %dma_start3A_1747] : memref<8192x208xbf16, #tpu.memory_space<hbm>> -> memref<8192x208xbf16, #tpu.memory_space<hbm>>
    tpu.enqueue_indirect_dma source(%dma_start3A_1748 : memref<8192x208xbf16, #tpu.memory_space<hbm>>) target(%dma_start3A_1742 : memref<128x208xbf16, #tpu.memory_space<vmem>>) offsets(%dma_start3A_1745 : memref<128xi32, #tpu.memory_space<vmem>>) semaphore(%arg10 : memref<!tpu.dma_semaphore, #tpu.memory_space<semaphore_mem>>)
    %dma_wait3A_1749 = arith.constant 32 : i32
    %dma_wait3A_1750 = arith.constant 4 : i32
    %dma_wait3A_1751 = arith.constant 0 : i32
    %dma_wait3A_1752 = arith.constant 0 : i32
    %dma_wait3A_1753 = tpu.memref_slice %arg6[%dma_wait3A_1750, %dma_wait3A_1751, %dma_wait3A_1752] : memref<7x128x208xbf16, #tpu.memory_space<vmem>> -> memref<1x128x208xbf16, #tpu.memory_space<vmem>>
    %dma_wait3A_1754 = tpu.memref_squeeze %dma_wait3A_1753 : memref<1x128x208xbf16, #tpu.memory_space<vmem>> -> memref<128x208xbf16, #tpu.memory_space<vmem>>
    %dma_wait3A_1755 = arith.constant 0 : i32
    %dma_wait3A_1756 = tpu.memref_slice %arg5[%dma_wait3A_1749, %dma_wait3A_1755] : memref<40x128xi32, #tpu.memory_space<vmem>> -> memref<1x128xi32, #tpu.memory_space<vmem>>
    %dma_wait3A_1757 = tpu.memref_squeeze %dma_wait3A_1756 : memref<1x128xi32, #tpu.memory_space<vmem>> -> memref<128xi32, #tpu.memory_space<vmem>>
    %dma_wait3A_1758 = arith.constant 0 : i32
    %dma_wait3A_1759 = arith.constant 0 : i32
    %dma_wait3A_1760 = tpu.memref_slice %arg2[%dma_wait3A_1758, %dma_wait3A_1759] : memref<8192x208xbf16, #tpu.memory_space<hbm>> -> memref<8192x208xbf16, #tpu.memory_space<hbm>>
    tpu.wait_indirect_dma semaphore(%arg11 : memref<!tpu.dma_semaphore, #tpu.memory_space<semaphore_mem>>) src(%dma_wait3A_1760 : memref<8192x208xbf16, #tpu.memory_space<hbm>>) dst(%dma_wait3A_1754 : memref<128x208xbf16, #tpu.memory_space<vmem>>)
    %add3A_1761 = arith.constant 4096 : i32
    %add3A_1762 = arith.addi %mul3A_2, %add3A_1761 : i32
    %dma_start3A_1763 = arith.constant 4 : i32
    %dma_start3A_1764 = arith.constant 0 : i32
    %dma_start3A_1765 = arith.constant 0 : i32
    %dma_start3A_1766 = tpu.memref_slice %arg6[%dma_start3A_1763, %dma_start3A_1764, %dma_start3A_1765] : memref<7x128x208xbf16, #tpu.memory_space<vmem>> -> memref<1x128x208xbf16, #tpu.memory_space<vmem>>
    %dma_start3A_1767 = tpu.memref_squeeze %dma_start3A_1766 : memref<1x128x208xbf16, #tpu.memory_space<vmem>> -> memref<128x208xbf16, #tpu.memory_space<vmem>>
    %dma_start3A_1768 = arith.constant 0 : i32
    %dma_start3A_1769 = tpu.memref_slice %arg4[%add3A_1762, %dma_start3A_1768] : memref<163840x208xbf16, #tpu.memory_space<hbm>> -> memref<128x208xbf16, #tpu.memory_space<hbm>>
    %dma_start3A_1770 = arith.constant 0 : i32
    %dma_start3A_1771 = tpu.memref_slice %arg4[%add3A_1762, %dma_start3A_1770] : memref<163840x208xbf16, #tpu.memory_space<hbm>> -> memref<128x208xbf16, #tpu.memory_space<hbm>>
    %dma_start3A_1772 = arith.constant 0 : i32
    %dma_start3A_1773 = arith.constant 0 : i32
    %dma_start3A_1774 = tpu.memref_slice %arg6[%dma_start3A_1763, %dma_start3A_1772, %dma_start3A_1773] : memref<7x128x208xbf16, #tpu.memory_space<vmem>> -> memref<1x128x208xbf16, #tpu.memory_space<vmem>>
    %dma_start3A_1775 = tpu.memref_squeeze %dma_start3A_1774 : memref<1x128x208xbf16, #tpu.memory_space<vmem>> -> memref<128x208xbf16, #tpu.memory_space<vmem>>
    tpu.enqueue_dma source(%dma_start3A_1775 : memref<128x208xbf16, #tpu.memory_space<vmem>>) target(%dma_start3A_1771 : memref<128x208xbf16, #tpu.memory_space<hbm>>) target_semaphore(%arg18 : memref<!tpu.dma_semaphore, #tpu.memory_space<semaphore_mem>>)
    %dma_wait3A_1776 = arith.constant 4 : i32
    %dma_wait3A_1777 = arith.constant 0 : i32
    %dma_wait3A_1778 = arith.constant 0 : i32
    %dma_wait3A_1779 = tpu.memref_slice %arg6[%dma_wait3A_1776, %dma_wait3A_1777, %dma_wait3A_1778] : memref<7x128x208xbf16, #tpu.memory_space<vmem>> -> memref<1x128x208xbf16, #tpu.memory_space<vmem>>
    %dma_wait3A_1780 = tpu.memref_squeeze %dma_wait3A_1779 : memref<1x128x208xbf16, #tpu.memory_space<vmem>> -> memref<128x208xbf16, #tpu.memory_space<vmem>>
    %dma_wait3A_1781 = arith.constant 0 : i32
    %dma_wait3A_1782 = tpu.memref_slice %arg4[%add3A_1762, %dma_wait3A_1781] : memref<163840x208xbf16, #tpu.memory_space<hbm>> -> memref<128x208xbf16, #tpu.memory_space<hbm>>
    %dma_wait3A_1783 = arith.constant 0 : i32
    %dma_wait3A_1784 = tpu.memref_slice %arg4[%add3A_1762, %dma_wait3A_1783] : memref<163840x208xbf16, #tpu.memory_space<hbm>> -> memref<128x208xbf16, #tpu.memory_space<hbm>>
    %dma_wait3A_1785 = arith.constant 0 : i32
    %dma_wait3A_1786 = arith.constant 0 : i32
    %dma_wait3A_1787 = tpu.memref_slice %arg6[%dma_wait3A_1776, %dma_wait3A_1785, %dma_wait3A_1786] : memref<7x128x208xbf16, #tpu.memory_space<vmem>> -> memref<1x128x208xbf16, #tpu.memory_space<vmem>>
    %dma_wait3A_1788 = tpu.memref_squeeze %dma_wait3A_1787 : memref<1x128x208xbf16, #tpu.memory_space<vmem>> -> memref<128x208xbf16, #tpu.memory_space<vmem>>
    tpu.wait_dma2 semaphore(%arg18 : memref<!tpu.dma_semaphore, #tpu.memory_space<semaphore_mem>>) src(%dma_wait3A_1788 : memref<128x208xbf16, #tpu.memory_space<vmem>>) dst(%dma_wait3A_1784 : memref<128x208xbf16, #tpu.memory_space<hbm>>)
    %dma_start3A_1789 = arith.constant 39 : i32
    %dma_start3A_1790 = arith.constant 4 : i32
    %dma_start3A_1791 = arith.constant 0 : i32
    %dma_start3A_1792 = arith.constant 0 : i32
    %dma_start3A_1793 = tpu.memref_slice %arg6[%dma_start3A_1790, %dma_start3A_1791, %dma_start3A_1792] : memref<7x128x208xbf16, #tpu.memory_space<vmem>> -> memref<1x128x208xbf16, #tpu.memory_space<vmem>>
    %dma_start3A_1794 = tpu.memref_squeeze %dma_start3A_1793 : memref<1x128x208xbf16, #tpu.memory_space<vmem>> -> memref<128x208xbf16, #tpu.memory_space<vmem>>
    %dma_start3A_1795 = arith.constant 0 : i32
    %dma_start3A_1796 = tpu.memref_slice %arg5[%dma_start3A_1789, %dma_start3A_1795] : memref<40x128xi32, #tpu.memory_space<vmem>> -> memref<1x128xi32, #tpu.memory_space<vmem>>
    %dma_start3A_1797 = tpu.memref_squeeze %dma_start3A_1796 : memref<1x128xi32, #tpu.memory_space<vmem>> -> memref<128xi32, #tpu.memory_space<vmem>>
    %dma_start3A_1798 = arith.constant 0 : i32
    %dma_start3A_1799 = arith.constant 0 : i32
    %dma_start3A_1800 = tpu.memref_slice %arg2[%dma_start3A_1798, %dma_start3A_1799] : memref<8192x208xbf16, #tpu.memory_space<hbm>> -> memref<8192x208xbf16, #tpu.memory_space<hbm>>
    tpu.enqueue_indirect_dma source(%dma_start3A_1800 : memref<8192x208xbf16, #tpu.memory_space<hbm>>) target(%dma_start3A_1794 : memref<128x208xbf16, #tpu.memory_space<vmem>>) offsets(%dma_start3A_1797 : memref<128xi32, #tpu.memory_space<vmem>>) semaphore(%arg11 : memref<!tpu.dma_semaphore, #tpu.memory_space<semaphore_mem>>)
    %dma_wait3A_1801 = arith.constant 33 : i32
    %dma_wait3A_1802 = arith.constant 5 : i32
    %dma_wait3A_1803 = arith.constant 0 : i32
    %dma_wait3A_1804 = arith.constant 0 : i32
    %dma_wait3A_1805 = tpu.memref_slice %arg6[%dma_wait3A_1802, %dma_wait3A_1803, %dma_wait3A_1804] : memref<7x128x208xbf16, #tpu.memory_space<vmem>> -> memref<1x128x208xbf16, #tpu.memory_space<vmem>>
    %dma_wait3A_1806 = tpu.memref_squeeze %dma_wait3A_1805 : memref<1x128x208xbf16, #tpu.memory_space<vmem>> -> memref<128x208xbf16, #tpu.memory_space<vmem>>
    %dma_wait3A_1807 = arith.constant 0 : i32
    %dma_wait3A_1808 = tpu.memref_slice %arg5[%dma_wait3A_1801, %dma_wait3A_1807] : memref<40x128xi32, #tpu.memory_space<vmem>> -> memref<1x128xi32, #tpu.memory_space<vmem>>
    %dma_wait3A_1809 = tpu.memref_squeeze %dma_wait3A_1808 : memref<1x128xi32, #tpu.memory_space<vmem>> -> memref<128xi32, #tpu.memory_space<vmem>>
    %dma_wait3A_1810 = arith.constant 0 : i32
    %dma_wait3A_1811 = arith.constant 0 : i32
    %dma_wait3A_1812 = tpu.memref_slice %arg2[%dma_wait3A_1810, %dma_wait3A_1811] : memref<8192x208xbf16, #tpu.memory_space<hbm>> -> memref<8192x208xbf16, #tpu.memory_space<hbm>>
    tpu.wait_indirect_dma semaphore(%arg12 : memref<!tpu.dma_semaphore, #tpu.memory_space<semaphore_mem>>) src(%dma_wait3A_1812 : memref<8192x208xbf16, #tpu.memory_space<hbm>>) dst(%dma_wait3A_1806 : memref<128x208xbf16, #tpu.memory_space<vmem>>)
    %add3A_1813 = arith.constant 4224 : i32
    %add3A_1814 = arith.addi %mul3A_2, %add3A_1813 : i32
    %dma_start3A_1815 = arith.constant 5 : i32
    %dma_start3A_1816 = arith.constant 0 : i32
    %dma_start3A_1817 = arith.constant 0 : i32
    %dma_start3A_1818 = tpu.memref_slice %arg6[%dma_start3A_1815, %dma_start3A_1816, %dma_start3A_1817] : memref<7x128x208xbf16, #tpu.memory_space<vmem>> -> memref<1x128x208xbf16, #tpu.memory_space<vmem>>
    %dma_start3A_1819 = tpu.memref_squeeze %dma_start3A_1818 : memref<1x128x208xbf16, #tpu.memory_space<vmem>> -> memref<128x208xbf16, #tpu.memory_space<vmem>>
    %dma_start3A_1820 = arith.constant 0 : i32
    %dma_start3A_1821 = tpu.memref_slice %arg4[%add3A_1814, %dma_start3A_1820] : memref<163840x208xbf16, #tpu.memory_space<hbm>> -> memref<128x208xbf16, #tpu.memory_space<hbm>>
    %dma_start3A_1822 = arith.constant 0 : i32
    %dma_start3A_1823 = tpu.memref_slice %arg4[%add3A_1814, %dma_start3A_1822] : memref<163840x208xbf16, #tpu.memory_space<hbm>> -> memref<128x208xbf16, #tpu.memory_space<hbm>>
    %dma_start3A_1824 = arith.constant 0 : i32
    %dma_start3A_1825 = arith.constant 0 : i32
    %dma_start3A_1826 = tpu.memref_slice %arg6[%dma_start3A_1815, %dma_start3A_1824, %dma_start3A_1825] : memref<7x128x208xbf16, #tpu.memory_space<vmem>> -> memref<1x128x208xbf16, #tpu.memory_space<vmem>>
    %dma_start3A_1827 = tpu.memref_squeeze %dma_start3A_1826 : memref<1x128x208xbf16, #tpu.memory_space<vmem>> -> memref<128x208xbf16, #tpu.memory_space<vmem>>
    tpu.enqueue_dma source(%dma_start3A_1827 : memref<128x208xbf16, #tpu.memory_space<vmem>>) target(%dma_start3A_1823 : memref<128x208xbf16, #tpu.memory_space<hbm>>) target_semaphore(%arg19 : memref<!tpu.dma_semaphore, #tpu.memory_space<semaphore_mem>>)
    %dma_wait3A_1828 = arith.constant 34 : i32
    %dma_wait3A_1829 = arith.constant 6 : i32
    %dma_wait3A_1830 = arith.constant 0 : i32
    %dma_wait3A_1831 = arith.constant 0 : i32
    %dma_wait3A_1832 = tpu.memref_slice %arg6[%dma_wait3A_1829, %dma_wait3A_1830, %dma_wait3A_1831] : memref<7x128x208xbf16, #tpu.memory_space<vmem>> -> memref<1x128x208xbf16, #tpu.memory_space<vmem>>
    %dma_wait3A_1833 = tpu.memref_squeeze %dma_wait3A_1832 : memref<1x128x208xbf16, #tpu.memory_space<vmem>> -> memref<128x208xbf16, #tpu.memory_space<vmem>>
    %dma_wait3A_1834 = arith.constant 0 : i32
    %dma_wait3A_1835 = tpu.memref_slice %arg5[%dma_wait3A_1828, %dma_wait3A_1834] : memref<40x128xi32, #tpu.memory_space<vmem>> -> memref<1x128xi32, #tpu.memory_space<vmem>>
    %dma_wait3A_1836 = tpu.memref_squeeze %dma_wait3A_1835 : memref<1x128xi32, #tpu.memory_space<vmem>> -> memref<128xi32, #tpu.memory_space<vmem>>
    %dma_wait3A_1837 = arith.constant 0 : i32
    %dma_wait3A_1838 = arith.constant 0 : i32
    %dma_wait3A_1839 = tpu.memref_slice %arg2[%dma_wait3A_1837, %dma_wait3A_1838] : memref<8192x208xbf16, #tpu.memory_space<hbm>> -> memref<8192x208xbf16, #tpu.memory_space<hbm>>
    tpu.wait_indirect_dma semaphore(%arg13 : memref<!tpu.dma_semaphore, #tpu.memory_space<semaphore_mem>>) src(%dma_wait3A_1839 : memref<8192x208xbf16, #tpu.memory_space<hbm>>) dst(%dma_wait3A_1833 : memref<128x208xbf16, #tpu.memory_space<vmem>>)
    %add3A_1840 = arith.constant 4352 : i32
    %add3A_1841 = arith.addi %mul3A_2, %add3A_1840 : i32
    %dma_start3A_1842 = arith.constant 6 : i32
    %dma_start3A_1843 = arith.constant 0 : i32
    %dma_start3A_1844 = arith.constant 0 : i32
    %dma_start3A_1845 = tpu.memref_slice %arg6[%dma_start3A_1842, %dma_start3A_1843, %dma_start3A_1844] : memref<7x128x208xbf16, #tpu.memory_space<vmem>> -> memref<1x128x208xbf16, #tpu.memory_space<vmem>>
    %dma_start3A_1846 = tpu.memref_squeeze %dma_start3A_1845 : memref<1x128x208xbf16, #tpu.memory_space<vmem>> -> memref<128x208xbf16, #tpu.memory_space<vmem>>
    %dma_start3A_1847 = arith.constant 0 : i32
    %dma_start3A_1848 = tpu.memref_slice %arg4[%add3A_1841, %dma_start3A_1847] : memref<163840x208xbf16, #tpu.memory_space<hbm>> -> memref<128x208xbf16, #tpu.memory_space<hbm>>
    %dma_start3A_1849 = arith.constant 0 : i32
    %dma_start3A_1850 = tpu.memref_slice %arg4[%add3A_1841, %dma_start3A_1849] : memref<163840x208xbf16, #tpu.memory_space<hbm>> -> memref<128x208xbf16, #tpu.memory_space<hbm>>
    %dma_start3A_1851 = arith.constant 0 : i32
    %dma_start3A_1852 = arith.constant 0 : i32
    %dma_start3A_1853 = tpu.memref_slice %arg6[%dma_start3A_1842, %dma_start3A_1851, %dma_start3A_1852] : memref<7x128x208xbf16, #tpu.memory_space<vmem>> -> memref<1x128x208xbf16, #tpu.memory_space<vmem>>
    %dma_start3A_1854 = tpu.memref_squeeze %dma_start3A_1853 : memref<1x128x208xbf16, #tpu.memory_space<vmem>> -> memref<128x208xbf16, #tpu.memory_space<vmem>>
    tpu.enqueue_dma source(%dma_start3A_1854 : memref<128x208xbf16, #tpu.memory_space<vmem>>) target(%dma_start3A_1850 : memref<128x208xbf16, #tpu.memory_space<hbm>>) target_semaphore(%arg20 : memref<!tpu.dma_semaphore, #tpu.memory_space<semaphore_mem>>)
    %dma_wait3A_1855 = arith.constant 35 : i32
    %dma_wait3A_1856 = arith.constant 0 : i32
    %dma_wait3A_1857 = arith.constant 0 : i32
    %dma_wait3A_1858 = arith.constant 0 : i32
    %dma_wait3A_1859 = tpu.memref_slice %arg6[%dma_wait3A_1856, %dma_wait3A_1857, %dma_wait3A_1858] : memref<7x128x208xbf16, #tpu.memory_space<vmem>> -> memref<1x128x208xbf16, #tpu.memory_space<vmem>>
    %dma_wait3A_1860 = tpu.memref_squeeze %dma_wait3A_1859 : memref<1x128x208xbf16, #tpu.memory_space<vmem>> -> memref<128x208xbf16, #tpu.memory_space<vmem>>
    %dma_wait3A_1861 = arith.constant 0 : i32
    %dma_wait3A_1862 = tpu.memref_slice %arg5[%dma_wait3A_1855, %dma_wait3A_1861] : memref<40x128xi32, #tpu.memory_space<vmem>> -> memref<1x128xi32, #tpu.memory_space<vmem>>
    %dma_wait3A_1863 = tpu.memref_squeeze %dma_wait3A_1862 : memref<1x128xi32, #tpu.memory_space<vmem>> -> memref<128xi32, #tpu.memory_space<vmem>>
    %dma_wait3A_1864 = arith.constant 0 : i32
    %dma_wait3A_1865 = arith.constant 0 : i32
    %dma_wait3A_1866 = tpu.memref_slice %arg2[%dma_wait3A_1864, %dma_wait3A_1865] : memref<8192x208xbf16, #tpu.memory_space<hbm>> -> memref<8192x208xbf16, #tpu.memory_space<hbm>>
    tpu.wait_indirect_dma semaphore(%arg7 : memref<!tpu.dma_semaphore, #tpu.memory_space<semaphore_mem>>) src(%dma_wait3A_1866 : memref<8192x208xbf16, #tpu.memory_space<hbm>>) dst(%dma_wait3A_1860 : memref<128x208xbf16, #tpu.memory_space<vmem>>)
    %add3A_1867 = arith.constant 4480 : i32
    %add3A_1868 = arith.addi %mul3A_2, %add3A_1867 : i32
    %dma_start3A_1869 = arith.constant 0 : i32
    %dma_start3A_1870 = arith.constant 0 : i32
    %dma_start3A_1871 = arith.constant 0 : i32
    %dma_start3A_1872 = tpu.memref_slice %arg6[%dma_start3A_1869, %dma_start3A_1870, %dma_start3A_1871] : memref<7x128x208xbf16, #tpu.memory_space<vmem>> -> memref<1x128x208xbf16, #tpu.memory_space<vmem>>
    %dma_start3A_1873 = tpu.memref_squeeze %dma_start3A_1872 : memref<1x128x208xbf16, #tpu.memory_space<vmem>> -> memref<128x208xbf16, #tpu.memory_space<vmem>>
    %dma_start3A_1874 = arith.constant 0 : i32
    %dma_start3A_1875 = tpu.memref_slice %arg4[%add3A_1868, %dma_start3A_1874] : memref<163840x208xbf16, #tpu.memory_space<hbm>> -> memref<128x208xbf16, #tpu.memory_space<hbm>>
    %dma_start3A_1876 = arith.constant 0 : i32
    %dma_start3A_1877 = tpu.memref_slice %arg4[%add3A_1868, %dma_start3A_1876] : memref<163840x208xbf16, #tpu.memory_space<hbm>> -> memref<128x208xbf16, #tpu.memory_space<hbm>>
    %dma_start3A_1878 = arith.constant 0 : i32
    %dma_start3A_1879 = arith.constant 0 : i32
    %dma_start3A_1880 = tpu.memref_slice %arg6[%dma_start3A_1869, %dma_start3A_1878, %dma_start3A_1879] : memref<7x128x208xbf16, #tpu.memory_space<vmem>> -> memref<1x128x208xbf16, #tpu.memory_space<vmem>>
    %dma_start3A_1881 = tpu.memref_squeeze %dma_start3A_1880 : memref<1x128x208xbf16, #tpu.memory_space<vmem>> -> memref<128x208xbf16, #tpu.memory_space<vmem>>
    tpu.enqueue_dma source(%dma_start3A_1881 : memref<128x208xbf16, #tpu.memory_space<vmem>>) target(%dma_start3A_1877 : memref<128x208xbf16, #tpu.memory_space<hbm>>) target_semaphore(%arg14 : memref<!tpu.dma_semaphore, #tpu.memory_space<semaphore_mem>>)
    %dma_wait3A_1882 = arith.constant 36 : i32
    %dma_wait3A_1883 = arith.constant 1 : i32
    %dma_wait3A_1884 = arith.constant 0 : i32
    %dma_wait3A_1885 = arith.constant 0 : i32
    %dma_wait3A_1886 = tpu.memref_slice %arg6[%dma_wait3A_1883, %dma_wait3A_1884, %dma_wait3A_1885] : memref<7x128x208xbf16, #tpu.memory_space<vmem>> -> memref<1x128x208xbf16, #tpu.memory_space<vmem>>
    %dma_wait3A_1887 = tpu.memref_squeeze %dma_wait3A_1886 : memref<1x128x208xbf16, #tpu.memory_space<vmem>> -> memref<128x208xbf16, #tpu.memory_space<vmem>>
    %dma_wait3A_1888 = arith.constant 0 : i32
    %dma_wait3A_1889 = tpu.memref_slice %arg5[%dma_wait3A_1882, %dma_wait3A_1888] : memref<40x128xi32, #tpu.memory_space<vmem>> -> memref<1x128xi32, #tpu.memory_space<vmem>>
    %dma_wait3A_1890 = tpu.memref_squeeze %dma_wait3A_1889 : memref<1x128xi32, #tpu.memory_space<vmem>> -> memref<128xi32, #tpu.memory_space<vmem>>
    %dma_wait3A_1891 = arith.constant 0 : i32
    %dma_wait3A_1892 = arith.constant 0 : i32
    %dma_wait3A_1893 = tpu.memref_slice %arg2[%dma_wait3A_1891, %dma_wait3A_1892] : memref<8192x208xbf16, #tpu.memory_space<hbm>> -> memref<8192x208xbf16, #tpu.memory_space<hbm>>
    tpu.wait_indirect_dma semaphore(%arg8 : memref<!tpu.dma_semaphore, #tpu.memory_space<semaphore_mem>>) src(%dma_wait3A_1893 : memref<8192x208xbf16, #tpu.memory_space<hbm>>) dst(%dma_wait3A_1887 : memref<128x208xbf16, #tpu.memory_space<vmem>>)
    %add3A_1894 = arith.constant 4608 : i32
    %add3A_1895 = arith.addi %mul3A_2, %add3A_1894 : i32
    %dma_start3A_1896 = arith.constant 1 : i32
    %dma_start3A_1897 = arith.constant 0 : i32
    %dma_start3A_1898 = arith.constant 0 : i32
    %dma_start3A_1899 = tpu.memref_slice %arg6[%dma_start3A_1896, %dma_start3A_1897, %dma_start3A_1898] : memref<7x128x208xbf16, #tpu.memory_space<vmem>> -> memref<1x128x208xbf16, #tpu.memory_space<vmem>>
    %dma_start3A_1900 = tpu.memref_squeeze %dma_start3A_1899 : memref<1x128x208xbf16, #tpu.memory_space<vmem>> -> memref<128x208xbf16, #tpu.memory_space<vmem>>
    %dma_start3A_1901 = arith.constant 0 : i32
    %dma_start3A_1902 = tpu.memref_slice %arg4[%add3A_1895, %dma_start3A_1901] : memref<163840x208xbf16, #tpu.memory_space<hbm>> -> memref<128x208xbf16, #tpu.memory_space<hbm>>
    %dma_start3A_1903 = arith.constant 0 : i32
    %dma_start3A_1904 = tpu.memref_slice %arg4[%add3A_1895, %dma_start3A_1903] : memref<163840x208xbf16, #tpu.memory_space<hbm>> -> memref<128x208xbf16, #tpu.memory_space<hbm>>
    %dma_start3A_1905 = arith.constant 0 : i32
    %dma_start3A_1906 = arith.constant 0 : i32
    %dma_start3A_1907 = tpu.memref_slice %arg6[%dma_start3A_1896, %dma_start3A_1905, %dma_start3A_1906] : memref<7x128x208xbf16, #tpu.memory_space<vmem>> -> memref<1x128x208xbf16, #tpu.memory_space<vmem>>
    %dma_start3A_1908 = tpu.memref_squeeze %dma_start3A_1907 : memref<1x128x208xbf16, #tpu.memory_space<vmem>> -> memref<128x208xbf16, #tpu.memory_space<vmem>>
    tpu.enqueue_dma source(%dma_start3A_1908 : memref<128x208xbf16, #tpu.memory_space<vmem>>) target(%dma_start3A_1904 : memref<128x208xbf16, #tpu.memory_space<hbm>>) target_semaphore(%arg15 : memref<!tpu.dma_semaphore, #tpu.memory_space<semaphore_mem>>)
    %dma_wait3A_1909 = arith.constant 37 : i32
    %dma_wait3A_1910 = arith.constant 2 : i32
    %dma_wait3A_1911 = arith.constant 0 : i32
    %dma_wait3A_1912 = arith.constant 0 : i32
    %dma_wait3A_1913 = tpu.memref_slice %arg6[%dma_wait3A_1910, %dma_wait3A_1911, %dma_wait3A_1912] : memref<7x128x208xbf16, #tpu.memory_space<vmem>> -> memref<1x128x208xbf16, #tpu.memory_space<vmem>>
    %dma_wait3A_1914 = tpu.memref_squeeze %dma_wait3A_1913 : memref<1x128x208xbf16, #tpu.memory_space<vmem>> -> memref<128x208xbf16, #tpu.memory_space<vmem>>
    %dma_wait3A_1915 = arith.constant 0 : i32
    %dma_wait3A_1916 = tpu.memref_slice %arg5[%dma_wait3A_1909, %dma_wait3A_1915] : memref<40x128xi32, #tpu.memory_space<vmem>> -> memref<1x128xi32, #tpu.memory_space<vmem>>
    %dma_wait3A_1917 = tpu.memref_squeeze %dma_wait3A_1916 : memref<1x128xi32, #tpu.memory_space<vmem>> -> memref<128xi32, #tpu.memory_space<vmem>>
    %dma_wait3A_1918 = arith.constant 0 : i32
    %dma_wait3A_1919 = arith.constant 0 : i32
    %dma_wait3A_1920 = tpu.memref_slice %arg2[%dma_wait3A_1918, %dma_wait3A_1919] : memref<8192x208xbf16, #tpu.memory_space<hbm>> -> memref<8192x208xbf16, #tpu.memory_space<hbm>>
    tpu.wait_indirect_dma semaphore(%arg9 : memref<!tpu.dma_semaphore, #tpu.memory_space<semaphore_mem>>) src(%dma_wait3A_1920 : memref<8192x208xbf16, #tpu.memory_space<hbm>>) dst(%dma_wait3A_1914 : memref<128x208xbf16, #tpu.memory_space<vmem>>)
    %add3A_1921 = arith.constant 4736 : i32
    %add3A_1922 = arith.addi %mul3A_2, %add3A_1921 : i32
    %dma_start3A_1923 = arith.constant 2 : i32
    %dma_start3A_1924 = arith.constant 0 : i32
    %dma_start3A_1925 = arith.constant 0 : i32
    %dma_start3A_1926 = tpu.memref_slice %arg6[%dma_start3A_1923, %dma_start3A_1924, %dma_start3A_1925] : memref<7x128x208xbf16, #tpu.memory_space<vmem>> -> memref<1x128x208xbf16, #tpu.memory_space<vmem>>
    %dma_start3A_1927 = tpu.memref_squeeze %dma_start3A_1926 : memref<1x128x208xbf16, #tpu.memory_space<vmem>> -> memref<128x208xbf16, #tpu.memory_space<vmem>>
    %dma_start3A_1928 = arith.constant 0 : i32
    %dma_start3A_1929 = tpu.memref_slice %arg4[%add3A_1922, %dma_start3A_1928] : memref<163840x208xbf16, #tpu.memory_space<hbm>> -> memref<128x208xbf16, #tpu.memory_space<hbm>>
    %dma_start3A_1930 = arith.constant 0 : i32
    %dma_start3A_1931 = tpu.memref_slice %arg4[%add3A_1922, %dma_start3A_1930] : memref<163840x208xbf16, #tpu.memory_space<hbm>> -> memref<128x208xbf16, #tpu.memory_space<hbm>>
    %dma_start3A_1932 = arith.constant 0 : i32
    %dma_start3A_1933 = arith.constant 0 : i32
    %dma_start3A_1934 = tpu.memref_slice %arg6[%dma_start3A_1923, %dma_start3A_1932, %dma_start3A_1933] : memref<7x128x208xbf16, #tpu.memory_space<vmem>> -> memref<1x128x208xbf16, #tpu.memory_space<vmem>>
    %dma_start3A_1935 = tpu.memref_squeeze %dma_start3A_1934 : memref<1x128x208xbf16, #tpu.memory_space<vmem>> -> memref<128x208xbf16, #tpu.memory_space<vmem>>
    tpu.enqueue_dma source(%dma_start3A_1935 : memref<128x208xbf16, #tpu.memory_space<vmem>>) target(%dma_start3A_1931 : memref<128x208xbf16, #tpu.memory_space<hbm>>) target_semaphore(%arg16 : memref<!tpu.dma_semaphore, #tpu.memory_space<semaphore_mem>>)
    %dma_wait3A_1936 = arith.constant 38 : i32
    %dma_wait3A_1937 = arith.constant 3 : i32
    %dma_wait3A_1938 = arith.constant 0 : i32
    %dma_wait3A_1939 = arith.constant 0 : i32
    %dma_wait3A_1940 = tpu.memref_slice %arg6[%dma_wait3A_1937, %dma_wait3A_1938, %dma_wait3A_1939] : memref<7x128x208xbf16, #tpu.memory_space<vmem>> -> memref<1x128x208xbf16, #tpu.memory_space<vmem>>
    %dma_wait3A_1941 = tpu.memref_squeeze %dma_wait3A_1940 : memref<1x128x208xbf16, #tpu.memory_space<vmem>> -> memref<128x208xbf16, #tpu.memory_space<vmem>>
    %dma_wait3A_1942 = arith.constant 0 : i32
    %dma_wait3A_1943 = tpu.memref_slice %arg5[%dma_wait3A_1936, %dma_wait3A_1942] : memref<40x128xi32, #tpu.memory_space<vmem>> -> memref<1x128xi32, #tpu.memory_space<vmem>>
    %dma_wait3A_1944 = tpu.memref_squeeze %dma_wait3A_1943 : memref<1x128xi32, #tpu.memory_space<vmem>> -> memref<128xi32, #tpu.memory_space<vmem>>
    %dma_wait3A_1945 = arith.constant 0 : i32
    %dma_wait3A_1946 = arith.constant 0 : i32
    %dma_wait3A_1947 = tpu.memref_slice %arg2[%dma_wait3A_1945, %dma_wait3A_1946] : memref<8192x208xbf16, #tpu.memory_space<hbm>> -> memref<8192x208xbf16, #tpu.memory_space<hbm>>
    tpu.wait_indirect_dma semaphore(%arg10 : memref<!tpu.dma_semaphore, #tpu.memory_space<semaphore_mem>>) src(%dma_wait3A_1947 : memref<8192x208xbf16, #tpu.memory_space<hbm>>) dst(%dma_wait3A_1941 : memref<128x208xbf16, #tpu.memory_space<vmem>>)
    %add3A_1948 = arith.constant 4864 : i32
    %add3A_1949 = arith.addi %mul3A_2, %add3A_1948 : i32
    %dma_start3A_1950 = arith.constant 3 : i32
    %dma_start3A_1951 = arith.constant 0 : i32
    %dma_start3A_1952 = arith.constant 0 : i32
    %dma_start3A_1953 = tpu.memref_slice %arg6[%dma_start3A_1950, %dma_start3A_1951, %dma_start3A_1952] : memref<7x128x208xbf16, #tpu.memory_space<vmem>> -> memref<1x128x208xbf16, #tpu.memory_space<vmem>>
    %dma_start3A_1954 = tpu.memref_squeeze %dma_start3A_1953 : memref<1x128x208xbf16, #tpu.memory_space<vmem>> -> memref<128x208xbf16, #tpu.memory_space<vmem>>
    %dma_start3A_1955 = arith.constant 0 : i32
    %dma_start3A_1956 = tpu.memref_slice %arg4[%add3A_1949, %dma_start3A_1955] : memref<163840x208xbf16, #tpu.memory_space<hbm>> -> memref<128x208xbf16, #tpu.memory_space<hbm>>
    %dma_start3A_1957 = arith.constant 0 : i32
    %dma_start3A_1958 = tpu.memref_slice %arg4[%add3A_1949, %dma_start3A_1957] : memref<163840x208xbf16, #tpu.memory_space<hbm>> -> memref<128x208xbf16, #tpu.memory_space<hbm>>
    %dma_start3A_1959 = arith.constant 0 : i32
    %dma_start3A_1960 = arith.constant 0 : i32
    %dma_start3A_1961 = tpu.memref_slice %arg6[%dma_start3A_1950, %dma_start3A_1959, %dma_start3A_1960] : memref<7x128x208xbf16, #tpu.memory_space<vmem>> -> memref<1x128x208xbf16, #tpu.memory_space<vmem>>
    %dma_start3A_1962 = tpu.memref_squeeze %dma_start3A_1961 : memref<1x128x208xbf16, #tpu.memory_space<vmem>> -> memref<128x208xbf16, #tpu.memory_space<vmem>>
    tpu.enqueue_dma source(%dma_start3A_1962 : memref<128x208xbf16, #tpu.memory_space<vmem>>) target(%dma_start3A_1958 : memref<128x208xbf16, #tpu.memory_space<hbm>>) target_semaphore(%arg17 : memref<!tpu.dma_semaphore, #tpu.memory_space<semaphore_mem>>)
    %dma_wait3A_1963 = arith.constant 39 : i32
    %dma_wait3A_1964 = arith.constant 4 : i32
    %dma_wait3A_1965 = arith.constant 0 : i32
    %dma_wait3A_1966 = arith.constant 0 : i32
    %dma_wait3A_1967 = tpu.memref_slice %arg6[%dma_wait3A_1964, %dma_wait3A_1965, %dma_wait3A_1966] : memref<7x128x208xbf16, #tpu.memory_space<vmem>> -> memref<1x128x208xbf16, #tpu.memory_space<vmem>>
    %dma_wait3A_1968 = tpu.memref_squeeze %dma_wait3A_1967 : memref<1x128x208xbf16, #tpu.memory_space<vmem>> -> memref<128x208xbf16, #tpu.memory_space<vmem>>
    %dma_wait3A_1969 = arith.constant 0 : i32
    %dma_wait3A_1970 = tpu.memref_slice %arg5[%dma_wait3A_1963, %dma_wait3A_1969] : memref<40x128xi32, #tpu.memory_space<vmem>> -> memref<1x128xi32, #tpu.memory_space<vmem>>
    %dma_wait3A_1971 = tpu.memref_squeeze %dma_wait3A_1970 : memref<1x128xi32, #tpu.memory_space<vmem>> -> memref<128xi32, #tpu.memory_space<vmem>>
    %dma_wait3A_1972 = arith.constant 0 : i32
    %dma_wait3A_1973 = arith.constant 0 : i32
    %dma_wait3A_1974 = tpu.memref_slice %arg2[%dma_wait3A_1972, %dma_wait3A_1973] : memref<8192x208xbf16, #tpu.memory_space<hbm>> -> memref<8192x208xbf16, #tpu.memory_space<hbm>>
    tpu.wait_indirect_dma semaphore(%arg11 : memref<!tpu.dma_semaphore, #tpu.memory_space<semaphore_mem>>) src(%dma_wait3A_1974 : memref<8192x208xbf16, #tpu.memory_space<hbm>>) dst(%dma_wait3A_1968 : memref<128x208xbf16, #tpu.memory_space<vmem>>)
    %add3A_1975 = arith.constant 4992 : i32
    %add3A_1976 = arith.addi %mul3A_2, %add3A_1975 : i32
    %dma_start3A_1977 = arith.constant 4 : i32
    %dma_start3A_1978 = arith.constant 0 : i32
    %dma_start3A_1979 = arith.constant 0 : i32
    %dma_start3A_1980 = tpu.memref_slice %arg6[%dma_start3A_1977, %dma_start3A_1978, %dma_start3A_1979] : memref<7x128x208xbf16, #tpu.memory_space<vmem>> -> memref<1x128x208xbf16, #tpu.memory_space<vmem>>
    %dma_start3A_1981 = tpu.memref_squeeze %dma_start3A_1980 : memref<1x128x208xbf16, #tpu.memory_space<vmem>> -> memref<128x208xbf16, #tpu.memory_space<vmem>>
    %dma_start3A_1982 = arith.constant 0 : i32
    %dma_start3A_1983 = tpu.memref_slice %arg4[%add3A_1976, %dma_start3A_1982] : memref<163840x208xbf16, #tpu.memory_space<hbm>> -> memref<128x208xbf16, #tpu.memory_space<hbm>>
    %dma_start3A_1984 = arith.constant 0 : i32
    %dma_start3A_1985 = tpu.memref_slice %arg4[%add3A_1976, %dma_start3A_1984] : memref<163840x208xbf16, #tpu.memory_space<hbm>> -> memref<128x208xbf16, #tpu.memory_space<hbm>>
    %dma_start3A_1986 = arith.constant 0 : i32
    %dma_start3A_1987 = arith.constant 0 : i32
    %dma_start3A_1988 = tpu.memref_slice %arg6[%dma_start3A_1977, %dma_start3A_1986, %dma_start3A_1987] : memref<7x128x208xbf16, #tpu.memory_space<vmem>> -> memref<1x128x208xbf16, #tpu.memory_space<vmem>>
    %dma_start3A_1989 = tpu.memref_squeeze %dma_start3A_1988 : memref<1x128x208xbf16, #tpu.memory_space<vmem>> -> memref<128x208xbf16, #tpu.memory_space<vmem>>
    tpu.enqueue_dma source(%dma_start3A_1989 : memref<128x208xbf16, #tpu.memory_space<vmem>>) target(%dma_start3A_1985 : memref<128x208xbf16, #tpu.memory_space<hbm>>) target_semaphore(%arg18 : memref<!tpu.dma_semaphore, #tpu.memory_space<semaphore_mem>>)
    %dma_wait3A_1990 = arith.constant 0 : i32
    %dma_wait3A_1991 = arith.constant 0 : i32
    %dma_wait3A_1992 = arith.constant 0 : i32
    %dma_wait3A_1993 = tpu.memref_slice %arg6[%dma_wait3A_1990, %dma_wait3A_1991, %dma_wait3A_1992] : memref<7x128x208xbf16, #tpu.memory_space<vmem>> -> memref<1x128x208xbf16, #tpu.memory_space<vmem>>
    %dma_wait3A_1994 = tpu.memref_squeeze %dma_wait3A_1993 : memref<1x128x208xbf16, #tpu.memory_space<vmem>> -> memref<128x208xbf16, #tpu.memory_space<vmem>>
    %dma_wait3A_1995 = arith.constant 0 : i32
    %dma_wait3A_1996 = tpu.memref_slice %arg4[%add3A_1868, %dma_wait3A_1995] : memref<163840x208xbf16, #tpu.memory_space<hbm>> -> memref<128x208xbf16, #tpu.memory_space<hbm>>
    %dma_wait3A_1997 = arith.constant 0 : i32
    %dma_wait3A_1998 = tpu.memref_slice %arg4[%add3A_1868, %dma_wait3A_1997] : memref<163840x208xbf16, #tpu.memory_space<hbm>> -> memref<128x208xbf16, #tpu.memory_space<hbm>>
    %dma_wait3A_1999 = arith.constant 0 : i32
    %dma_wait3A_2000 = arith.constant 0 : i32
    %dma_wait3A_2001 = tpu.memref_slice %arg6[%dma_wait3A_1990, %dma_wait3A_1999, %dma_wait3A_2000] : memref<7x128x208xbf16, #tpu.memory_space<vmem>> -> memref<1x128x208xbf16, #tpu.memory_space<vmem>>
    %dma_wait3A_2002 = tpu.memref_squeeze %dma_wait3A_2001 : memref<1x128x208xbf16, #tpu.memory_space<vmem>> -> memref<128x208xbf16, #tpu.memory_space<vmem>>
    tpu.wait_dma2 semaphore(%arg14 : memref<!tpu.dma_semaphore, #tpu.memory_space<semaphore_mem>>) src(%dma_wait3A_2002 : memref<128x208xbf16, #tpu.memory_space<vmem>>) dst(%dma_wait3A_1998 : memref<128x208xbf16, #tpu.memory_space<hbm>>)
    %dma_wait3A_2003 = arith.constant 1 : i32
    %dma_wait3A_2004 = arith.constant 0 : i32
    %dma_wait3A_2005 = arith.constant 0 : i32
    %dma_wait3A_2006 = tpu.memref_slice %arg6[%dma_wait3A_2003, %dma_wait3A_2004, %dma_wait3A_2005] : memref<7x128x208xbf16, #tpu.memory_space<vmem>> -> memref<1x128x208xbf16, #tpu.memory_space<vmem>>
    %dma_wait3A_2007 = tpu.memref_squeeze %dma_wait3A_2006 : memref<1x128x208xbf16, #tpu.memory_space<vmem>> -> memref<128x208xbf16, #tpu.memory_space<vmem>>
    %dma_wait3A_2008 = arith.constant 0 : i32
    %dma_wait3A_2009 = tpu.memref_slice %arg4[%add3A_1895, %dma_wait3A_2008] : memref<163840x208xbf16, #tpu.memory_space<hbm>> -> memref<128x208xbf16, #tpu.memory_space<hbm>>
    %dma_wait3A_2010 = arith.constant 0 : i32
    %dma_wait3A_2011 = tpu.memref_slice %arg4[%add3A_1895, %dma_wait3A_2010] : memref<163840x208xbf16, #tpu.memory_space<hbm>> -> memref<128x208xbf16, #tpu.memory_space<hbm>>
    %dma_wait3A_2012 = arith.constant 0 : i32
    %dma_wait3A_2013 = arith.constant 0 : i32
    %dma_wait3A_2014 = tpu.memref_slice %arg6[%dma_wait3A_2003, %dma_wait3A_2012, %dma_wait3A_2013] : memref<7x128x208xbf16, #tpu.memory_space<vmem>> -> memref<1x128x208xbf16, #tpu.memory_space<vmem>>
    %dma_wait3A_2015 = tpu.memref_squeeze %dma_wait3A_2014 : memref<1x128x208xbf16, #tpu.memory_space<vmem>> -> memref<128x208xbf16, #tpu.memory_space<vmem>>
    tpu.wait_dma2 semaphore(%arg15 : memref<!tpu.dma_semaphore, #tpu.memory_space<semaphore_mem>>) src(%dma_wait3A_2015 : memref<128x208xbf16, #tpu.memory_space<vmem>>) dst(%dma_wait3A_2011 : memref<128x208xbf16, #tpu.memory_space<hbm>>)
    %dma_wait3A_2016 = arith.constant 2 : i32
    %dma_wait3A_2017 = arith.constant 0 : i32
    %dma_wait3A_2018 = arith.constant 0 : i32
    %dma_wait3A_2019 = tpu.memref_slice %arg6[%dma_wait3A_2016, %dma_wait3A_2017, %dma_wait3A_2018] : memref<7x128x208xbf16, #tpu.memory_space<vmem>> -> memref<1x128x208xbf16, #tpu.memory_space<vmem>>
    %dma_wait3A_2020 = tpu.memref_squeeze %dma_wait3A_2019 : memref<1x128x208xbf16, #tpu.memory_space<vmem>> -> memref<128x208xbf16, #tpu.memory_space<vmem>>
    %dma_wait3A_2021 = arith.constant 0 : i32
    %dma_wait3A_2022 = tpu.memref_slice %arg4[%add3A_1922, %dma_wait3A_2021] : memref<163840x208xbf16, #tpu.memory_space<hbm>> -> memref<128x208xbf16, #tpu.memory_space<hbm>>
    %dma_wait3A_2023 = arith.constant 0 : i32
    %dma_wait3A_2024 = tpu.memref_slice %arg4[%add3A_1922, %dma_wait3A_2023] : memref<163840x208xbf16, #tpu.memory_space<hbm>> -> memref<128x208xbf16, #tpu.memory_space<hbm>>
    %dma_wait3A_2025 = arith.constant 0 : i32
    %dma_wait3A_2026 = arith.constant 0 : i32
    %dma_wait3A_2027 = tpu.memref_slice %arg6[%dma_wait3A_2016, %dma_wait3A_2025, %dma_wait3A_2026] : memref<7x128x208xbf16, #tpu.memory_space<vmem>> -> memref<1x128x208xbf16, #tpu.memory_space<vmem>>
    %dma_wait3A_2028 = tpu.memref_squeeze %dma_wait3A_2027 : memref<1x128x208xbf16, #tpu.memory_space<vmem>> -> memref<128x208xbf16, #tpu.memory_space<vmem>>
    tpu.wait_dma2 semaphore(%arg16 : memref<!tpu.dma_semaphore, #tpu.memory_space<semaphore_mem>>) src(%dma_wait3A_2028 : memref<128x208xbf16, #tpu.memory_space<vmem>>) dst(%dma_wait3A_2024 : memref<128x208xbf16, #tpu.memory_space<hbm>>)
    %dma_wait3A_2029 = arith.constant 3 : i32
    %dma_wait3A_2030 = arith.constant 0 : i32
    %dma_wait3A_2031 = arith.constant 0 : i32
    %dma_wait3A_2032 = tpu.memref_slice %arg6[%dma_wait3A_2029, %dma_wait3A_2030, %dma_wait3A_2031] : memref<7x128x208xbf16, #tpu.memory_space<vmem>> -> memref<1x128x208xbf16, #tpu.memory_space<vmem>>
    %dma_wait3A_2033 = tpu.memref_squeeze %dma_wait3A_2032 : memref<1x128x208xbf16, #tpu.memory_space<vmem>> -> memref<128x208xbf16, #tpu.memory_space<vmem>>
    %dma_wait3A_2034 = arith.constant 0 : i32
    %dma_wait3A_2035 = tpu.memref_slice %arg4[%add3A_1949, %dma_wait3A_2034] : memref<163840x208xbf16, #tpu.memory_space<hbm>> -> memref<128x208xbf16, #tpu.memory_space<hbm>>
    %dma_wait3A_2036 = arith.constant 0 : i32
    %dma_wait3A_2037 = tpu.memref_slice %arg4[%add3A_1949, %dma_wait3A_2036] : memref<163840x208xbf16, #tpu.memory_space<hbm>> -> memref<128x208xbf16, #tpu.memory_space<hbm>>
    %dma_wait3A_2038 = arith.constant 0 : i32
    %dma_wait3A_2039 = arith.constant 0 : i32
    %dma_wait3A_2040 = tpu.memref_slice %arg6[%dma_wait3A_2029, %dma_wait3A_2038, %dma_wait3A_2039] : memref<7x128x208xbf16, #tpu.memory_space<vmem>> -> memref<1x128x208xbf16, #tpu.memory_space<vmem>>
    %dma_wait3A_2041 = tpu.memref_squeeze %dma_wait3A_2040 : memref<1x128x208xbf16, #tpu.memory_space<vmem>> -> memref<128x208xbf16, #tpu.memory_space<vmem>>
    tpu.wait_dma2 semaphore(%arg17 : memref<!tpu.dma_semaphore, #tpu.memory_space<semaphore_mem>>) src(%dma_wait3A_2041 : memref<128x208xbf16, #tpu.memory_space<vmem>>) dst(%dma_wait3A_2037 : memref<128x208xbf16, #tpu.memory_space<hbm>>)
    %dma_wait3A_2042 = arith.constant 4 : i32
    %dma_wait3A_2043 = arith.constant 0 : i32
    %dma_wait3A_2044 = arith.constant 0 : i32
    %dma_wait3A_2045 = tpu.memref_slice %arg6[%dma_wait3A_2042, %dma_wait3A_2043, %dma_wait3A_2044] : memref<7x128x208xbf16, #tpu.memory_space<vmem>> -> memref<1x128x208xbf16, #tpu.memory_space<vmem>>
    %dma_wait3A_2046 = tpu.memref_squeeze %dma_wait3A_2045 : memref<1x128x208xbf16, #tpu.memory_space<vmem>> -> memref<128x208xbf16, #tpu.memory_space<vmem>>
    %dma_wait3A_2047 = arith.constant 0 : i32
    %dma_wait3A_2048 = tpu.memref_slice %arg4[%add3A_1976, %dma_wait3A_2047] : memref<163840x208xbf16, #tpu.memory_space<hbm>> -> memref<128x208xbf16, #tpu.memory_space<hbm>>
    %dma_wait3A_2049 = arith.constant 0 : i32
    %dma_wait3A_2050 = tpu.memref_slice %arg4[%add3A_1976, %dma_wait3A_2049] : memref<163840x208xbf16, #tpu.memory_space<hbm>> -> memref<128x208xbf16, #tpu.memory_space<hbm>>
    %dma_wait3A_2051 = arith.constant 0 : i32
    %dma_wait3A_2052 = arith.constant 0 : i32
    %dma_wait3A_2053 = tpu.memref_slice %arg6[%dma_wait3A_2042, %dma_wait3A_2051, %dma_wait3A_2052] : memref<7x128x208xbf16, #tpu.memory_space<vmem>> -> memref<1x128x208xbf16, #tpu.memory_space<vmem>>
    %dma_wait3A_2054 = tpu.memref_squeeze %dma_wait3A_2053 : memref<1x128x208xbf16, #tpu.memory_space<vmem>> -> memref<128x208xbf16, #tpu.memory_space<vmem>>
    tpu.wait_dma2 semaphore(%arg18 : memref<!tpu.dma_semaphore, #tpu.memory_space<semaphore_mem>>) src(%dma_wait3A_2054 : memref<128x208xbf16, #tpu.memory_space<vmem>>) dst(%dma_wait3A_2050 : memref<128x208xbf16, #tpu.memory_space<hbm>>)
    %dma_wait3A_2055 = arith.constant 5 : i32
    %dma_wait3A_2056 = arith.constant 0 : i32
    %dma_wait3A_2057 = arith.constant 0 : i32
    %dma_wait3A_2058 = tpu.memref_slice %arg6[%dma_wait3A_2055, %dma_wait3A_2056, %dma_wait3A_2057] : memref<7x128x208xbf16, #tpu.memory_space<vmem>> -> memref<1x128x208xbf16, #tpu.memory_space<vmem>>
    %dma_wait3A_2059 = tpu.memref_squeeze %dma_wait3A_2058 : memref<1x128x208xbf16, #tpu.memory_space<vmem>> -> memref<128x208xbf16, #tpu.memory_space<vmem>>
    %dma_wait3A_2060 = arith.constant 0 : i32
    %dma_wait3A_2061 = tpu.memref_slice %arg4[%add3A_1814, %dma_wait3A_2060] : memref<163840x208xbf16, #tpu.memory_space<hbm>> -> memref<128x208xbf16, #tpu.memory_space<hbm>>
    %dma_wait3A_2062 = arith.constant 0 : i32
    %dma_wait3A_2063 = tpu.memref_slice %arg4[%add3A_1814, %dma_wait3A_2062] : memref<163840x208xbf16, #tpu.memory_space<hbm>> -> memref<128x208xbf16, #tpu.memory_space<hbm>>
    %dma_wait3A_2064 = arith.constant 0 : i32
    %dma_wait3A_2065 = arith.constant 0 : i32
    %dma_wait3A_2066 = tpu.memref_slice %arg6[%dma_wait3A_2055, %dma_wait3A_2064, %dma_wait3A_2065] : memref<7x128x208xbf16, #tpu.memory_space<vmem>> -> memref<1x128x208xbf16, #tpu.memory_space<vmem>>
    %dma_wait3A_2067 = tpu.memref_squeeze %dma_wait3A_2066 : memref<1x128x208xbf16, #tpu.memory_space<vmem>> -> memref<128x208xbf16, #tpu.memory_space<vmem>>
    tpu.wait_dma2 semaphore(%arg19 : memref<!tpu.dma_semaphore, #tpu.memory_space<semaphore_mem>>) src(%dma_wait3A_2067 : memref<128x208xbf16, #tpu.memory_space<vmem>>) dst(%dma_wait3A_2063 : memref<128x208xbf16, #tpu.memory_space<hbm>>)
    %dma_wait3A_2068 = arith.constant 6 : i32
    %dma_wait3A_2069 = arith.constant 0 : i32
    %dma_wait3A_2070 = arith.constant 0 : i32
    %dma_wait3A_2071 = tpu.memref_slice %arg6[%dma_wait3A_2068, %dma_wait3A_2069, %dma_wait3A_2070] : memref<7x128x208xbf16, #tpu.memory_space<vmem>> -> memref<1x128x208xbf16, #tpu.memory_space<vmem>>
    %dma_wait3A_2072 = tpu.memref_squeeze %dma_wait3A_2071 : memref<1x128x208xbf16, #tpu.memory_space<vmem>> -> memref<128x208xbf16, #tpu.memory_space<vmem>>
    %dma_wait3A_2073 = arith.constant 0 : i32
    %dma_wait3A_2074 = tpu.memref_slice %arg4[%add3A_1841, %dma_wait3A_2073] : memref<163840x208xbf16, #tpu.memory_space<hbm>> -> memref<128x208xbf16, #tpu.memory_space<hbm>>
    %dma_wait3A_2075 = arith.constant 0 : i32
    %dma_wait3A_2076 = tpu.memref_slice %arg4[%add3A_1841, %dma_wait3A_2075] : memref<163840x208xbf16, #tpu.memory_space<hbm>> -> memref<128x208xbf16, #tpu.memory_space<hbm>>
    %dma_wait3A_2077 = arith.constant 0 : i32
    %dma_wait3A_2078 = arith.constant 0 : i32
    %dma_wait3A_2079 = tpu.memref_slice %arg6[%dma_wait3A_2068, %dma_wait3A_2077, %dma_wait3A_2078] : memref<7x128x208xbf16, #tpu.memory_space<vmem>> -> memref<1x128x208xbf16, #tpu.memory_space<vmem>>
    %dma_wait3A_2080 = tpu.memref_squeeze %dma_wait3A_2079 : memref<1x128x208xbf16, #tpu.memory_space<vmem>> -> memref<128x208xbf16, #tpu.memory_space<vmem>>
    tpu.wait_dma2 semaphore(%arg20 : memref<!tpu.dma_semaphore, #tpu.memory_space<semaphore_mem>>) src(%dma_wait3A_2080 : memref<128x208xbf16, #tpu.memory_space<vmem>>) dst(%dma_wait3A_2076 : memref<128x208xbf16, #tpu.memory_space<hbm>>)
    return
  }
}

module attributes {stable_mosaic.version = 14 : i64} {
  func.func @_surf_traj_body(%arg0: i32, %arg1: memref<400x3xf32, #tpu.memory_space<vmem>>, %arg2: memref<3x64xf32, #tpu.memory_space<vmem>>, %arg3: memref<1x64xf32, #tpu.memory_space<vmem>>, %arg4: memref<2x64x128xf32, #tpu.memory_space<vmem>>, %arg5: memref<2x1x128xf32, #tpu.memory_space<vmem>>, %arg6: memref<2x128x64xf32, #tpu.memory_space<vmem>>, %arg7: memref<2x1x64xf32, #tpu.memory_space<vmem>>, %arg8: memref<2x1x64xf32, #tpu.memory_space<vmem>>, %arg9: memref<2x1x64xf32, #tpu.memory_space<vmem>>, %arg10: memref<400x64xf32, #tpu.memory_space<vmem>>, %arg11: memref<400x64xf32, #tpu.memory_space<vmem>>, %arg12: memref<400x64xf32, #tpu.memory_space<vmem>>) attributes {dimension_semantics = [#tpu.dimension_semantics<arbitrary>], iteration_bounds = array<i64: 20>, scalar_prefetch = 0 : i64, scratch_operands = 0 : i64, tpu.core_type = #tpu.core_type<tc>, window_params = [{transform_indices = @transform_0, window_bounds = array<i64: 400, 3>}, {pipeline_mode = #tpu.pipeline_mode<synchronous>, transform_indices = @transform_1, window_bounds = array<i64: 3, 64>}, {pipeline_mode = #tpu.pipeline_mode<synchronous>, transform_indices = @transform_2, window_bounds = array<i64: 1, 64>}, {pipeline_mode = #tpu.pipeline_mode<synchronous>, transform_indices = @transform_3, window_bounds = array<i64: 2, 64, 128>}, {pipeline_mode = #tpu.pipeline_mode<synchronous>, transform_indices = @transform_4, window_bounds = array<i64: 2, 1, 128>}, {pipeline_mode = #tpu.pipeline_mode<synchronous>, transform_indices = @transform_5, window_bounds = array<i64: 2, 128, 64>}, {pipeline_mode = #tpu.pipeline_mode<synchronous>, transform_indices = @transform_6, window_bounds = array<i64: 2, 1, 64>}, {pipeline_mode = #tpu.pipeline_mode<synchronous>, transform_indices = @transform_7, window_bounds = array<i64: 2, 1, 64>}, {pipeline_mode = #tpu.pipeline_mode<synchronous>, transform_indices = @transform_8, window_bounds = array<i64: 2, 1, 64>}, {transform_indices = @transform_9, window_bounds = array<i64: 400, 64>}, {transform_indices = @transform_10, window_bounds = array<i64: 400, 64>}, {transform_indices = @transform_11, window_bounds = array<i64: 400, 64>}]} {
    %get3A = arith.constant 0 : index
    %get3A_0 = arith.constant 0 : index
    %get3A_1 = vector.load %arg1[%get3A, %get3A_0] : memref<400x3xf32, #tpu.memory_space<vmem>>, vector<400x3xf32>
    %get3A_2 = arith.constant 0 : index
    %get3A_3 = arith.constant 0 : index
    %get3A_4 = vector.load %arg2[%get3A_2, %get3A_3] : memref<3x64xf32, #tpu.memory_space<vmem>>, vector<3x64xf32>
    %dot_general3A = arith.constant dense<0.000000e+00> : vector<400x64xf32>
    %dot_general3A_5 = tpu.matmul %get3A_1, %get3A_4, %dot_general3A {dimension_numbers = #tpu.dot_dimension_numbers<[1], [0], [0], [1], [0, 0, 1, 1], [], []>, transpose_lhs_hint = false} : vector<400x3xf32>, vector<3x64xf32>, vector<400x64xf32> -> vector<400x64xf32>
    %get3A_6 = arith.constant 0 : index
    %get3A_7 = arith.constant 0 : index
    %get3A_8 = vector.load %arg3[%get3A_6, %get3A_7] : memref<1x64xf32, #tpu.memory_space<vmem>>, vector<1x64xf32>
    %add3A = vector.broadcast %get3A_8 : vector<1x64xf32> to vector<400x64xf32>
    %add3A_9 = arith.addf %dot_general3A_5, %add3A : vector<400x64xf32>
    %swap3A = arith.constant 0 : index
    %swap3A_10 = arith.constant 0 : index
    %swap3A_11 = vector.load %arg10[%swap3A, %swap3A_10] : memref<400x64xf32, #tpu.memory_space<vmem>>, vector<400x64xf32>
    tpu.vector_store %arg10[%swap3A, %swap3A_10], %add3A_9 {strides = array<i32>} : memref<400x64xf32, #tpu.memory_space<vmem>>, vector<400x64xf32>,
    %get3A_12 = arith.constant 0 : index
    %get3A_13 = arith.constant 0 : index
    %get3A_14 = arith.constant 0 : index
    %get3A_15 = vector.load %arg4[%get3A_12, %get3A_13, %get3A_14] : memref<2x64x128xf32, #tpu.memory_space<vmem>>, vector<1x64x128xf32>
    %get3A_16 = vector.shape_cast %get3A_15 : vector<1x64x128xf32> to vector<64x128xf32>
    %dot_general3A_17 = arith.constant dense<0.000000e+00> : vector<400x128xf32>
    %dot_general3A_18 = tpu.matmul %add3A_9, %get3A_16, %dot_general3A_17 {dimension_numbers = #tpu.dot_dimension_numbers<[1], [0], [0], [1], [0, 0, 1, 1], [], []>, transpose_lhs_hint = false} : vector<400x64xf32>, vector<64x128xf32>, vector<400x128xf32> -> vector<400x128xf32>
    %get3A_19 = arith.constant 0 : index
    %get3A_20 = arith.constant 0 : index
    %get3A_21 = arith.constant 0 : index
    %get3A_22 = vector.load %arg5[%get3A_19, %get3A_20, %get3A_21] : memref<2x1x128xf32, #tpu.memory_space<vmem>>, vector<1x1x128xf32>
    %get3A_23 = vector.shape_cast %get3A_22 : vector<1x1x128xf32> to vector<1x128xf32>
    %add3A_24 = vector.broadcast %get3A_23 : vector<1x128xf32> to vector<400x128xf32>
    %add3A_25 = arith.addf %dot_general3A_18, %add3A_24 : vector<400x128xf32>
    %max3A = arith.constant 0.000000e+00 : f32
    %max3A_26 = vector.broadcast %max3A : f32 to vector<400x128xf32>
    %max3A_27 = arith.maximumf %add3A_25, %max3A_26 : vector<400x128xf32>
    %get3A_28 = arith.constant 0 : index
    %get3A_29 = arith.constant 0 : index
    %get3A_30 = arith.constant 0 : index
    %get3A_31 = vector.load %arg6[%get3A_28, %get3A_29, %get3A_30] : memref<2x128x64xf32, #tpu.memory_space<vmem>>, vector<1x128x64xf32>
    %get3A_32 = vector.shape_cast %get3A_31 : vector<1x128x64xf32> to vector<128x64xf32>
    %dot_general3A_33 = arith.constant dense<0.000000e+00> : vector<400x64xf32>
    %dot_general3A_34 = tpu.matmul %max3A_27, %get3A_32, %dot_general3A_33 {dimension_numbers = #tpu.dot_dimension_numbers<[1], [0], [0], [1], [0, 0, 1, 1], [], []>, transpose_lhs_hint = false} : vector<400x128xf32>, vector<128x64xf32>, vector<400x64xf32> -> vector<400x64xf32>
    %get3A_35 = arith.constant 0 : index
    %get3A_36 = arith.constant 0 : index
    %get3A_37 = arith.constant 0 : index
    %get3A_38 = vector.load %arg7[%get3A_35, %get3A_36, %get3A_37] : memref<2x1x64xf32, #tpu.memory_space<vmem>>, vector<1x1x64xf32>
    %get3A_39 = vector.shape_cast %get3A_38 : vector<1x1x64xf32> to vector<1x64xf32>
    %add3A_40 = vector.broadcast %get3A_39 : vector<1x64xf32> to vector<400x64xf32>
    %add3A_41 = arith.addf %dot_general3A_34, %add3A_40 : vector<400x64xf32>
    %get3A_42 = arith.constant 0 : index
    %get3A_43 = arith.constant 0 : index
    %get3A_44 = arith.constant 0 : index
    %get3A_45 = vector.load %arg8[%get3A_42, %get3A_43, %get3A_44] : memref<2x1x64xf32, #tpu.memory_space<vmem>>, vector<1x1x64xf32>
    %get3A_46 = vector.shape_cast %get3A_45 : vector<1x1x64xf32> to vector<1x64xf32>
    %get3A_47 = arith.constant 0 : index
    %get3A_48 = arith.constant 0 : index
    %get3A_49 = arith.constant 0 : index
    %get3A_50 = vector.load %arg9[%get3A_47, %get3A_48, %get3A_49] : memref<2x1x64xf32, #tpu.memory_space<vmem>>, vector<1x1x64xf32>
    %get3A_51 = vector.shape_cast %get3A_50 : vector<1x1x64xf32> to vector<1x64xf32>
    %reduce_sum3A = arith.constant dense<0.000000e+00> : vector<400xf32>
    %reduce_sum3A_52 = vector.multi_reduction <add>, %add3A_41, %reduce_sum3A [1] : vector<400x64xf32> to vector<400xf32>
    %broadcast_in_dim3A = vector.shape_cast %reduce_sum3A_52 : vector<400xf32> to vector<400x1xf32>
    %div3A = arith.constant 6.400000e+01 : f32
    %div3A_53 = vector.broadcast %div3A : f32 to vector<400x1xf32>
    %div3A_54 = arith.divf %broadcast_in_dim3A, %div3A_53 : vector<400x1xf32>
    %sub3A = vector.broadcast %div3A_54 : vector<400x1xf32> to vector<400x64xf32>
    %sub3A_55 = arith.subf %add3A_41, %sub3A : vector<400x64xf32>
    %integer_pow3A = arith.mulf %sub3A_55, %sub3A_55 : vector<400x64xf32>
    %reduce_sum3A_56 = arith.constant dense<0.000000e+00> : vector<400xf32>
    %reduce_sum3A_57 = vector.multi_reduction <add>, %integer_pow3A, %reduce_sum3A_56 [1] : vector<400x64xf32> to vector<400xf32>
    %broadcast_in_dim3A_58 = vector.shape_cast %reduce_sum3A_57 : vector<400xf32> to vector<400x1xf32>
    %div3A_59 = arith.constant 6.400000e+01 : f32
    %div3A_60 = vector.broadcast %div3A_59 : f32 to vector<400x1xf32>
    %div3A_61 = arith.divf %broadcast_in_dim3A_58, %div3A_60 : vector<400x1xf32>
    %sub3A_62 = vector.broadcast %div3A_54 : vector<400x1xf32> to vector<400x64xf32>
    %sub3A_63 = arith.subf %add3A_41, %sub3A_62 : vector<400x64xf32>
    %add3A_64 = arith.constant 9.99999974E-6 : f32
    %add3A_65 = vector.broadcast %add3A_64 : f32 to vector<400x1xf32>
    %add3A_66 = arith.addf %div3A_61, %add3A_65 : vector<400x1xf32>
    %sqrt3A = math.sqrt %add3A_66 : vector<400x1xf32>
    %div3A_67 = vector.broadcast %sqrt3A : vector<400x1xf32> to vector<400x64xf32>
    %div3A_68 = arith.divf %sub3A_63, %div3A_67 : vector<400x64xf32>
    %mul3A = vector.broadcast %get3A_46 : vector<1x64xf32> to vector<400x64xf32>
    %mul3A_69 = arith.mulf %div3A_68, %mul3A : vector<400x64xf32>
    %add3A_70 = vector.broadcast %get3A_51 : vector<1x64xf32> to vector<400x64xf32>
    %add3A_71 = arith.addf %mul3A_69, %add3A_70 : vector<400x64xf32>
    %add3A_72 = arith.addf %add3A_9, %add3A_71 : vector<400x64xf32>
    %swap3A_73 = arith.constant 0 : index
    %swap3A_74 = arith.constant 0 : index
    %swap3A_75 = vector.load %arg11[%swap3A_73, %swap3A_74] : memref<400x64xf32, #tpu.memory_space<vmem>>, vector<400x64xf32>
    tpu.vector_store %arg11[%swap3A_73, %swap3A_74], %add3A_72 {strides = array<i32>} : memref<400x64xf32, #tpu.memory_space<vmem>>, vector<400x64xf32>,
    %get3A_76 = arith.constant 1 : index
    %get3A_77 = arith.constant 0 : index
    %get3A_78 = arith.constant 0 : index
    %get3A_79 = vector.load %arg4[%get3A_76, %get3A_77, %get3A_78] : memref<2x64x128xf32, #tpu.memory_space<vmem>>, vector<1x64x128xf32>
    %get3A_80 = vector.shape_cast %get3A_79 : vector<1x64x128xf32> to vector<64x128xf32>
    %dot_general3A_81 = arith.constant dense<0.000000e+00> : vector<400x128xf32>
    %dot_general3A_82 = tpu.matmul %add3A_72, %get3A_80, %dot_general3A_81 {dimension_numbers = #tpu.dot_dimension_numbers<[1], [0], [0], [1], [0, 0, 1, 1], [], []>, transpose_lhs_hint = false} : vector<400x64xf32>, vector<64x128xf32>, vector<400x128xf32> -> vector<400x128xf32>
    %get3A_83 = arith.constant 1 : index
    %get3A_84 = arith.constant 0 : index
    %get3A_85 = arith.constant 0 : index
    %get3A_86 = vector.load %arg5[%get3A_83, %get3A_84, %get3A_85] : memref<2x1x128xf32, #tpu.memory_space<vmem>>, vector<1x1x128xf32>
    %get3A_87 = vector.shape_cast %get3A_86 : vector<1x1x128xf32> to vector<1x128xf32>
    %add3A_88 = vector.broadcast %get3A_87 : vector<1x128xf32> to vector<400x128xf32>
    %add3A_89 = arith.addf %dot_general3A_82, %add3A_88 : vector<400x128xf32>
    %max3A_90 = arith.constant 0.000000e+00 : f32
    %max3A_91 = vector.broadcast %max3A_90 : f32 to vector<400x128xf32>
    %max3A_92 = arith.maximumf %add3A_89, %max3A_91 : vector<400x128xf32>
    %get3A_93 = arith.constant 1 : index
    %get3A_94 = arith.constant 0 : index
    %get3A_95 = arith.constant 0 : index
    %get3A_96 = vector.load %arg6[%get3A_93, %get3A_94, %get3A_95] : memref<2x128x64xf32, #tpu.memory_space<vmem>>, vector<1x128x64xf32>
    %get3A_97 = vector.shape_cast %get3A_96 : vector<1x128x64xf32> to vector<128x64xf32>
    %dot_general3A_98 = arith.constant dense<0.000000e+00> : vector<400x64xf32>
    %dot_general3A_99 = tpu.matmul %max3A_92, %get3A_97, %dot_general3A_98 {dimension_numbers = #tpu.dot_dimension_numbers<[1], [0], [0], [1], [0, 0, 1, 1], [], []>, transpose_lhs_hint = false} : vector<400x128xf32>, vector<128x64xf32>, vector<400x64xf32> -> vector<400x64xf32>
    %get3A_100 = arith.constant 1 : index
    %get3A_101 = arith.constant 0 : index
    %get3A_102 = arith.constant 0 : index
    %get3A_103 = vector.load %arg7[%get3A_100, %get3A_101, %get3A_102] : memref<2x1x64xf32, #tpu.memory_space<vmem>>, vector<1x1x64xf32>
    %get3A_104 = vector.shape_cast %get3A_103 : vector<1x1x64xf32> to vector<1x64xf32>
    %add3A_105 = vector.broadcast %get3A_104 : vector<1x64xf32> to vector<400x64xf32>
    %add3A_106 = arith.addf %dot_general3A_99, %add3A_105 : vector<400x64xf32>
    %get3A_107 = arith.constant 1 : index
    %get3A_108 = arith.constant 0 : index
    %get3A_109 = arith.constant 0 : index
    %get3A_110 = vector.load %arg8[%get3A_107, %get3A_108, %get3A_109] : memref<2x1x64xf32, #tpu.memory_space<vmem>>, vector<1x1x64xf32>
    %get3A_111 = vector.shape_cast %get3A_110 : vector<1x1x64xf32> to vector<1x64xf32>
    %get3A_112 = arith.constant 1 : index
    %get3A_113 = arith.constant 0 : index
    %get3A_114 = arith.constant 0 : index
    %get3A_115 = vector.load %arg9[%get3A_112, %get3A_113, %get3A_114] : memref<2x1x64xf32, #tpu.memory_space<vmem>>, vector<1x1x64xf32>
    %get3A_116 = vector.shape_cast %get3A_115 : vector<1x1x64xf32> to vector<1x64xf32>
    %reduce_sum3A_117 = arith.constant dense<0.000000e+00> : vector<400xf32>
    %reduce_sum3A_118 = vector.multi_reduction <add>, %add3A_106, %reduce_sum3A_117 [1] : vector<400x64xf32> to vector<400xf32>
    %broadcast_in_dim3A_119 = vector.shape_cast %reduce_sum3A_118 : vector<400xf32> to vector<400x1xf32>
    %div3A_120 = arith.constant 6.400000e+01 : f32
    %div3A_121 = vector.broadcast %div3A_120 : f32 to vector<400x1xf32>
    %div3A_122 = arith.divf %broadcast_in_dim3A_119, %div3A_121 : vector<400x1xf32>
    %sub3A_123 = vector.broadcast %div3A_122 : vector<400x1xf32> to vector<400x64xf32>
    %sub3A_124 = arith.subf %add3A_106, %sub3A_123 : vector<400x64xf32>
    %integer_pow3A_125 = arith.mulf %sub3A_124, %sub3A_124 : vector<400x64xf32>
    %reduce_sum3A_126 = arith.constant dense<0.000000e+00> : vector<400xf32>
    %reduce_sum3A_127 = vector.multi_reduction <add>, %integer_pow3A_125, %reduce_sum3A_126 [1] : vector<400x64xf32> to vector<400xf32>
    %broadcast_in_dim3A_128 = vector.shape_cast %reduce_sum3A_127 : vector<400xf32> to vector<400x1xf32>
    %div3A_129 = arith.constant 6.400000e+01 : f32
    %div3A_130 = vector.broadcast %div3A_129 : f32 to vector<400x1xf32>
    %div3A_131 = arith.divf %broadcast_in_dim3A_128, %div3A_130 : vector<400x1xf32>
    %sub3A_132 = vector.broadcast %div3A_122 : vector<400x1xf32> to vector<400x64xf32>
    %sub3A_133 = arith.subf %add3A_106, %sub3A_132 : vector<400x64xf32>
    %add3A_134 = arith.constant 9.99999974E-6 : f32
    %add3A_135 = vector.broadcast %add3A_134 : f32 to vector<400x1xf32>
    %add3A_136 = arith.addf %div3A_131, %add3A_135 : vector<400x1xf32>
    %sqrt3A_137 = math.sqrt %add3A_136 : vector<400x1xf32>
    %div3A_138 = vector.broadcast %sqrt3A_137 : vector<400x1xf32> to vector<400x64xf32>
    %div3A_139 = arith.divf %sub3A_133, %div3A_138 : vector<400x64xf32>
    %mul3A_140 = vector.broadcast %get3A_111 : vector<1x64xf32> to vector<400x64xf32>
    %mul3A_141 = arith.mulf %div3A_139, %mul3A_140 : vector<400x64xf32>
    %add3A_142 = vector.broadcast %get3A_116 : vector<1x64xf32> to vector<400x64xf32>
    %add3A_143 = arith.addf %mul3A_141, %add3A_142 : vector<400x64xf32>
    %add3A_144 = arith.addf %add3A_72, %add3A_143 : vector<400x64xf32>
    %swap3A_145 = arith.constant 0 : index
    %swap3A_146 = arith.constant 0 : index
    %swap3A_147 = vector.load %arg12[%swap3A_145, %swap3A_146] : memref<400x64xf32, #tpu.memory_space<vmem>>, vector<400x64xf32>
    tpu.vector_store %arg12[%swap3A_145, %swap3A_146], %add3A_144 {strides = array<i32>} : memref<400x64xf32, #tpu.memory_space<vmem>>, vector<400x64xf32>,
    return
  }
  func.func @transform_0(%arg0: i32) -> (i32, i32) {
    %c0_i32 = arith.constant 0 : i32
    %c0_i32_0 = arith.constant 0 : i32
    return %arg0, %c0_i32 : i32, i32
  }
  func.func @transform_1(%arg0: i32) -> (i32, i32) {
    %c0_i32 = arith.constant 0 : i32
    %c0_i32_0 = arith.constant 0 : i32
    %c0_i32_1 = arith.constant 0 : i32
    return %c0_i32, %c0_i32_0 : i32, i32
  }
  func.func @transform_2(%arg0: i32) -> (i32, i32) {
    %c0_i32 = arith.constant 0 : i32
    %c0_i32_0 = arith.constant 0 : i32
    %c0_i32_1 = arith.constant 0 : i32
    return %c0_i32, %c0_i32_0 : i32, i32
  }
  func.func @transform_3(%arg0: i32) -> (i32, i32, i32) {
    %c0_i32 = arith.constant 0 : i32
    %c0_i32_0 = arith.constant 0 : i32
    %c0_i32_1 = arith.constant 0 : i32
    %c0_i32_2 = arith.constant 0 : i32
    return %c0_i32, %c0_i32_0, %c0_i32_1 : i32, i32, i32
  }
  func.func @transform_4(%arg0: i32) -> (i32, i32, i32) {
    %c0_i32 = arith.constant 0 : i32
    %c0_i32_0 = arith.constant 0 : i32
    %c0_i32_1 = arith.constant 0 : i32
    %c0_i32_2 = arith.constant 0 : i32
    return %c0_i32, %c0_i32_0, %c0_i32_1 : i32, i32, i32
  }
  func.func @transform_5(%arg0: i32) -> (i32, i32, i32) {
    %c0_i32 = arith.constant 0 : i32
    %c0_i32_0 = arith.constant 0 : i32
    %c0_i32_1 = arith.constant 0 : i32
    %c0_i32_2 = arith.constant 0 : i32
    return %c0_i32, %c0_i32_0, %c0_i32_1 : i32, i32, i32
  }
  func.func @transform_6(%arg0: i32) -> (i32, i32, i32) {
    %c0_i32 = arith.constant 0 : i32
    %c0_i32_0 = arith.constant 0 : i32
    %c0_i32_1 = arith.constant 0 : i32
    %c0_i32_2 = arith.constant 0 : i32
    return %c0_i32, %c0_i32_0, %c0_i32_1 : i32, i32, i32
  }
  func.func @transform_7(%arg0: i32) -> (i32, i32, i32) {
    %c0_i32 = arith.constant 0 : i32
    %c0_i32_0 = arith.constant 0 : i32
    %c0_i32_1 = arith.constant 0 : i32
    %c0_i32_2 = arith.constant 0 : i32
    return %c0_i32, %c0_i32_0, %c0_i32_1 : i32, i32, i32
  }
  func.func @transform_8(%arg0: i32) -> (i32, i32, i32) {
    %c0_i32 = arith.constant 0 : i32
    %c0_i32_0 = arith.constant 0 : i32
    %c0_i32_1 = arith.constant 0 : i32
    %c0_i32_2 = arith.constant 0 : i32
    return %c0_i32, %c0_i32_0, %c0_i32_1 : i32, i32, i32
  }
  func.func @transform_9(%arg0: i32) -> (i32, i32) {
    %c0_i32 = arith.constant 0 : i32
    %c0_i32_0 = arith.constant 0 : i32
    return %arg0, %c0_i32 : i32, i32
  }
  func.func @transform_10(%arg0: i32) -> (i32, i32) {
    %c0_i32 = arith.constant 0 : i32
    %c0_i32_0 = arith.constant 0 : i32
    return %arg0, %c0_i32 : i32, i32
  }
  func.func @transform_11(%arg0: i32) -> (i32, i32) {
    %c0_i32 = arith.constant 0 : i32
    %c0_i32_0 = arith.constant 0 : i32
    return %arg0, %c0_i32 : i32, i32
  }
}

module attributes {stable_mosaic.version = 14 : i64} {
  func.func @_lig_prologue_body(%arg0: memref<2000x3xf32, #tpu.memory_space<vmem>>, %arg1: memref<2000x1xf32, #tpu.memory_space<vmem>>, %arg2: memref<64x256xf32, #tpu.memory_space<vmem>>, %arg3: memref<1x256xf32, #tpu.memory_space<vmem>>, %arg4: memref<256x64xf32, #tpu.memory_space<vmem>>, %arg5: memref<1x64xf32, #tpu.memory_space<vmem>>, %arg6: memref<3x64xf32, #tpu.memory_space<vmem>>, %arg7: memref<1x64xf32, #tpu.memory_space<vmem>>, %arg8: memref<64x64xf32, #tpu.memory_space<vmem>>, %arg9: memref<1x64xf32, #tpu.memory_space<vmem>>, %arg10: memref<64x64xf32, #tpu.memory_space<vmem>>, %arg11: memref<2000x64xf32, #tpu.memory_space<vmem>>) attributes {dimension_semantics = [], scalar_prefetch = 0 : i64, scratch_operands = 0 : i64, tpu.core_type = #tpu.core_type<tc>} {
    %get3A = arith.constant 0 : index
    %get3A_0 = arith.constant 0 : index
    %get3A_1 = vector.load %arg1[%get3A, %get3A_0] : memref<2000x1xf32, #tpu.memory_space<vmem>>, vector<2000x1xf32>
    %iota3A = tpu.iota {dimensions = array<i32: 1>} : vector<1x32xi32>
    %convert_element_type3A = arith.sitofp %iota3A : vector<1x32xi32> to vector<1x32xf32>
    %log3A = arith.constant 1.000000e+04 : f32
    %log3A_2 = math.log %log3A : f32
    %neg3A = arith.constant 0.000000e+00 : f32
    %neg3A_3 = arith.subf %neg3A, %log3A_2 : f32
    %div3A = arith.constant 3.100000e+01 : f32
    %div3A_4 = arith.divf %neg3A_3, %div3A : f32
    %mul3A = vector.broadcast %div3A_4 : f32 to vector<1x32xf32>
    %mul3A_5 = arith.mulf %mul3A, %convert_element_type3A : vector<1x32xf32>
    %exp3A = math.exp %mul3A_5 : vector<1x32xf32>
    %mul3A_6 = vector.broadcast %get3A_1 : vector<2000x1xf32> to vector<2000x32xf32>
    %mul3A_7 = vector.broadcast %exp3A : vector<1x32xf32> to vector<2000x32xf32>
    %mul3A_8 = arith.mulf %mul3A_6, %mul3A_7 : vector<2000x32xf32>
    %sin3A = math.sin %mul3A_8 : vector<2000x32xf32>
    %cos3A = math.cos %mul3A_8 : vector<2000x32xf32>
    %concatenate3A = tpu.concatenate %sin3A, %cos3A in 1 : vector<2000x32xf32>, vector<2000x32xf32> -> vector<2000x64xf32>
    %get3A_9 = arith.constant 0 : index
    %get3A_10 = arith.constant 0 : index
    %get3A_11 = vector.load %arg2[%get3A_9, %get3A_10] : memref<64x256xf32, #tpu.memory_space<vmem>>, vector<64x256xf32>
    %dot_general3A = arith.constant dense<0.000000e+00> : vector<2000x256xf32>
    %dot_general3A_12 = tpu.matmul %concatenate3A, %get3A_11, %dot_general3A {dimension_numbers = #tpu.dot_dimension_numbers<[1], [0], [0], [1], [0, 0, 1, 1], [], []>, transpose_lhs_hint = false} : vector<2000x64xf32>, vector<64x256xf32>, vector<2000x256xf32> -> vector<2000x256xf32>
    %get3A_13 = arith.constant 0 : index
    %get3A_14 = arith.constant 0 : index
    %get3A_15 = vector.load %arg3[%get3A_13, %get3A_14] : memref<1x256xf32, #tpu.memory_space<vmem>>, vector<1x256xf32>
    %add3A = vector.broadcast %get3A_15 : vector<1x256xf32> to vector<2000x256xf32>
    %add3A_16 = arith.addf %dot_general3A_12, %add3A : vector<2000x256xf32>
    %mul3A_17 = arith.constant 5.000000e-01 : f32
    %mul3A_18 = vector.broadcast %mul3A_17 : f32 to vector<2000x256xf32>
    %mul3A_19 = arith.mulf %mul3A_18, %add3A_16 : vector<2000x256xf32>
    %mul3A_20 = arith.constant 4.471500e-02 : f32
    %mul3A_21 = vector.broadcast %mul3A_20 : f32 to vector<2000x256xf32>
    %mul3A_22 = arith.mulf %mul3A_21, %add3A_16 : vector<2000x256xf32>
    %mul3A_23 = arith.mulf %mul3A_22, %add3A_16 : vector<2000x256xf32>
    %mul3A_24 = arith.mulf %mul3A_23, %add3A_16 : vector<2000x256xf32>
    %add3A_25 = arith.addf %add3A_16, %mul3A_24 : vector<2000x256xf32>
    %mul3A_26 = arith.constant 0.797884583 : f32
    %mul3A_27 = vector.broadcast %mul3A_26 : f32 to vector<2000x256xf32>
    %mul3A_28 = arith.mulf %mul3A_27, %add3A_25 : vector<2000x256xf32>
    %tanh3A = math.tanh %mul3A_28 : vector<2000x256xf32>
    %add3A_29 = arith.constant 1.000000e+00 : f32
    %add3A_30 = vector.broadcast %add3A_29 : f32 to vector<2000x256xf32>
    %add3A_31 = arith.addf %add3A_30, %tanh3A : vector<2000x256xf32>
    %mul3A_32 = arith.mulf %mul3A_19, %add3A_31 : vector<2000x256xf32>
    %get3A_33 = arith.constant 0 : index
    %get3A_34 = arith.constant 0 : index
    %get3A_35 = vector.load %arg4[%get3A_33, %get3A_34] : memref<256x64xf32, #tpu.memory_space<vmem>>, vector<256x64xf32>
    %dot_general3A_36 = arith.constant dense<0.000000e+00> : vector<2000x64xf32>
    %dot_general3A_37 = tpu.matmul %mul3A_32, %get3A_35, %dot_general3A_36 {dimension_numbers = #tpu.dot_dimension_numbers<[1], [0], [0], [1], [0, 0, 1, 1], [], []>, transpose_lhs_hint = false} : vector<2000x256xf32>, vector<256x64xf32>, vector<2000x64xf32> -> vector<2000x64xf32>
    %get3A_38 = arith.constant 0 : index
    %get3A_39 = arith.constant 0 : index
    %get3A_40 = vector.load %arg5[%get3A_38, %get3A_39] : memref<1x64xf32, #tpu.memory_space<vmem>>, vector<1x64xf32>
    %add3A_41 = vector.broadcast %get3A_40 : vector<1x64xf32> to vector<2000x64xf32>
    %add3A_42 = arith.addf %dot_general3A_37, %add3A_41 : vector<2000x64xf32>
    %get3A_43 = arith.constant 0 : index
    %get3A_44 = arith.constant 0 : index
    %get3A_45 = vector.load %arg0[%get3A_43, %get3A_44] : memref<2000x3xf32, #tpu.memory_space<vmem>>, vector<2000x3xf32>
    %get3A_46 = arith.constant 0 : index
    %get3A_47 = arith.constant 0 : index
    %get3A_48 = vector.load %arg6[%get3A_46, %get3A_47] : memref<3x64xf32, #tpu.memory_space<vmem>>, vector<3x64xf32>
    %dot_general3A_49 = arith.constant dense<0.000000e+00> : vector<2000x64xf32>
    %dot_general3A_50 = tpu.matmul %get3A_45, %get3A_48, %dot_general3A_49 {dimension_numbers = #tpu.dot_dimension_numbers<[1], [0], [0], [1], [0, 0, 1, 1], [], []>, transpose_lhs_hint = false} : vector<2000x3xf32>, vector<3x64xf32>, vector<2000x64xf32> -> vector<2000x64xf32>
    %get3A_51 = arith.constant 0 : index
    %get3A_52 = arith.constant 0 : index
    %get3A_53 = vector.load %arg7[%get3A_51, %get3A_52] : memref<1x64xf32, #tpu.memory_space<vmem>>, vector<1x64xf32>
    %add3A_54 = vector.broadcast %get3A_53 : vector<1x64xf32> to vector<2000x64xf32>
    %add3A_55 = arith.addf %dot_general3A_50, %add3A_54 : vector<2000x64xf32>
    %get3A_56 = arith.constant 0 : index
    %get3A_57 = arith.constant 0 : index
    %get3A_58 = vector.load %arg8[%get3A_56, %get3A_57] : memref<64x64xf32, #tpu.memory_space<vmem>>, vector<64x64xf32>
    %dot_general3A_59 = arith.constant dense<0.000000e+00> : vector<2000x64xf32>
    %dot_general3A_60 = tpu.matmul %add3A_42, %get3A_58, %dot_general3A_59 {dimension_numbers = #tpu.dot_dimension_numbers<[1], [0], [0], [1], [0, 0, 1, 1], [], []>, transpose_lhs_hint = false} : vector<2000x64xf32>, vector<64x64xf32>, vector<2000x64xf32> -> vector<2000x64xf32>
    %get3A_61 = arith.constant 0 : index
    %get3A_62 = arith.constant 0 : index
    %get3A_63 = vector.load %arg9[%get3A_61, %get3A_62] : memref<1x64xf32, #tpu.memory_space<vmem>>, vector<1x64xf32>
    %add3A_64 = vector.broadcast %get3A_63 : vector<1x64xf32> to vector<2000x64xf32>
    %add3A_65 = arith.addf %dot_general3A_60, %add3A_64 : vector<2000x64xf32>
    %logistic3A = arith.negf %add3A_65 : vector<2000x64xf32>
    %logistic3A_66 = math.exp %logistic3A : vector<2000x64xf32>
    %logistic3A_67 = arith.constant 1.000000e+00 : f32
    %logistic3A_68 = vector.broadcast %logistic3A_67 : f32 to vector<2000x64xf32>
    %logistic3A_69 = arith.addf %logistic3A_68, %logistic3A_66 : vector<2000x64xf32>
    %logistic3A_70 = arith.divf %logistic3A_68, %logistic3A_69 : vector<2000x64xf32>
    %mul3A_71 = arith.mulf %add3A_55, %logistic3A_70 : vector<2000x64xf32>
    %get3A_72 = arith.constant 0 : index
    %get3A_73 = arith.constant 0 : index
    %get3A_74 = vector.load %arg10[%get3A_72, %get3A_73] : memref<64x64xf32, #tpu.memory_space<vmem>>, vector<64x64xf32>
    %dot_general3A_75 = arith.constant dense<0.000000e+00> : vector<2000x64xf32>
    %dot_general3A_76 = tpu.matmul %add3A_42, %get3A_74, %dot_general3A_75 {dimension_numbers = #tpu.dot_dimension_numbers<[1], [0], [0], [1], [0, 0, 1, 1], [], []>, transpose_lhs_hint = false} : vector<2000x64xf32>, vector<64x64xf32>, vector<2000x64xf32> -> vector<2000x64xf32>
    %add3A_77 = arith.addf %mul3A_71, %dot_general3A_76 : vector<2000x64xf32>
    %swap3A = arith.constant 0 : index
    %swap3A_78 = arith.constant 0 : index
    %swap3A_79 = vector.load %arg11[%swap3A, %swap3A_78] : memref<2000x64xf32, #tpu.memory_space<vmem>>, vector<2000x64xf32>
    tpu.vector_store %arg11[%swap3A, %swap3A_78], %add3A_77 {strides = array<i32>} : memref<2000x64xf32, #tpu.memory_space<vmem>>, vector<2000x64xf32>,
    return
  }
}

module attributes {stable_mosaic.version = 14 : i64} {
  func.func @_edge_layer_body(%arg0: i32, %arg1: memref<80xi32, #tpu.memory_space<smem>>, %arg2: memref<2048x208xbf16, #tpu.memory_space<vmem>>, %arg3: memref<2048x64xf32, #tpu.memory_space<vmem>>, %arg4: memref<2048x1xi32, #tpu.memory_space<vmem>>, %arg5: memref<1x2048xi32, #tpu.memory_space<vmem>>, %arg6: memref<256x80xbf16, #tpu.memory_space<vmem>>, %arg7: memref<256x80xbf16, #tpu.memory_space<vmem>>, %arg8: memref<256x80xbf16, #tpu.memory_space<vmem>>, %arg9: memref<256x80xbf16, #tpu.memory_space<vmem>>, %arg10: memref<256x64xf32, #tpu.memory_space<vmem>>, %arg11: memref<256x64xf32, #tpu.memory_space<vmem>>, %arg12: memref<256x64xf32, #tpu.memory_space<vmem>>, %arg13: memref<256x64xf32, #tpu.memory_space<vmem>>, %arg14: memref<192x128xf32, #tpu.memory_space<vmem>>, %arg15: memref<1x128xf32, #tpu.memory_space<vmem>>, %arg16: memref<128x64xf32, #tpu.memory_space<vmem>>, %arg17: memref<1x64xf32, #tpu.memory_space<vmem>>, %arg18: memref<1x64xf32, #tpu.memory_space<vmem>>, %arg19: memref<1x64xf32, #tpu.memory_space<vmem>>, %arg20: memref<1x15xf32, #tpu.memory_space<vmem>>, %arg21: memref<1x19xf32, #tpu.memory_space<vmem>>, %arg22: memref<2048x64xf32, #tpu.memory_space<vmem>>, %arg23: memref<256x64xf32, #tpu.memory_space<vmem>>, %arg24: memref<256x64xf32, #tpu.memory_space<vmem>>, %arg25: memref<256x64xf32, #tpu.memory_space<vmem>>, %arg26: memref<256x64xf32, #tpu.memory_space<vmem>>) attributes {dimension_semantics = [#tpu.dimension_semantics<arbitrary>], iteration_bounds = array<i64: 80>, scalar_prefetch = 1 : i64, scratch_operands = 0 : i64, tpu.core_type = #tpu.core_type<tc>, window_params = [{transform_indices = @transform_0, window_bounds = array<i64: 2048, 208>}, {transform_indices = @transform_1, window_bounds = array<i64: 2048, 64>}, {transform_indices = @transform_2, window_bounds = array<i64: 2048, 1>}, {transform_indices = @transform_3, window_bounds = array<i64: 1, 2048>}, {transform_indices = @transform_4, window_bounds = array<i64: 256, 80>}, {transform_indices = @transform_5, window_bounds = array<i64: 256, 80>}, {transform_indices = @transform_6, window_bounds = array<i64: 256, 80>}, {transform_indices = @transform_7, window_bounds = array<i64: 256, 80>}, {transform_indices = @transform_8, window_bounds = array<i64: 256, 64>}, {transform_indices = @transform_9, window_bounds = array<i64: 256, 64>}, {transform_indices = @transform_10, window_bounds = array<i64: 256, 64>}, {transform_indices = @transform_11, window_bounds = array<i64: 256, 64>}, {pipeline_mode = #tpu.pipeline_mode<synchronous>, transform_indices = @transform_12, window_bounds = array<i64: 192, 128>}, {pipeline_mode = #tpu.pipeline_mode<synchronous>, transform_indices = @transform_13, window_bounds = array<i64: 1, 128>}, {pipeline_mode = #tpu.pipeline_mode<synchronous>, transform_indices = @transform_14, window_bounds = array<i64: 128, 64>}, {pipeline_mode = #tpu.pipeline_mode<synchronous>, transform_indices = @transform_15, window_bounds = array<i64: 1, 64>}, {pipeline_mode = #tpu.pipeline_mode<synchronous>, transform_indices = @transform_16, window_bounds = array<i64: 1, 64>}, {pipeline_mode = #tpu.pipeline_mode<synchronous>, transform_indices = @transform_17, window_bounds = array<i64: 1, 64>}, {pipeline_mode = #tpu.pipeline_mode<synchronous>, transform_indices = @transform_18, window_bounds = array<i64: 1, 15>}, {pipeline_mode = #tpu.pipeline_mode<synchronous>, transform_indices = @transform_19, window_bounds = array<i64: 1, 19>}, {transform_indices = @transform_20, window_bounds = array<i64: 2048, 64>}, {transform_indices = @transform_21, window_bounds = array<i64: 256, 64>}, {transform_indices = @transform_22, window_bounds = array<i64: 256, 64>}, {transform_indices = @transform_23, window_bounds = array<i64: 256, 64>}, {transform_indices = @transform_24, window_bounds = array<i64: 256, 64>}]} {
    %get3A = arith.index_cast %arg0 : i32 to index
    %get3A_0 = memref.load %arg1[%get3A] : memref<80xi32, #tpu.memory_space<smem>>
    %mul3A = arith.constant 256 : i32
    %mul3A_1 = arith.muli %get3A_0, %mul3A : i32
    %get3A_2 = arith.constant 0 : index
    %get3A_3 = arith.constant 0 : index
    %get3A_4 = vector.load %arg4[%get3A_2, %get3A_3] : memref<2048x1xi32, #tpu.memory_space<vmem>>, vector<2048x1xi32>
    %iota3A = tpu.iota {dimensions = array<i32: 1>} : vector<2048x1024xi32>
    %add3A = vector.broadcast %mul3A_1 : i32 to vector<2048x1024xi32>
    %add3A_5 = arith.addi %iota3A, %add3A : vector<2048x1024xi32>
    %eq3A = vector.broadcast %get3A_4 : vector<2048x1xi32> to vector<2048x1024xi32>
    %eq3A_6 = arith.cmpi eq, %eq3A, %add3A_5 : vector<2048x1024xi32>
    %convert_element_type3A = arith.extui %eq3A_6 : vector<2048x1024xi1> to vector<2048x1024xi32>
    %convert_element_type3A_7 = arith.sitofp %convert_element_type3A : vector<2048x1024xi32> to vector<2048x1024xf32>
    %convert_element_type3A_8 = arith.truncf %convert_element_type3A_7 : vector<2048x1024xf32> to vector<2048x1024xbf16>
    %get3A_9 = arith.constant 0 : index
    %get3A_10 = arith.constant 0 : index
    %get3A_11 = vector.load %arg6[%get3A_9, %get3A_10] : memref<256x80xbf16, #tpu.memory_space<vmem>>, vector<256x80xbf16>
    %get3A_12 = arith.constant 0 : index
    %get3A_13 = arith.constant 0 : index
    %get3A_14 = vector.load %arg7[%get3A_12, %get3A_13] : memref<256x80xbf16, #tpu.memory_space<vmem>>, vector<256x80xbf16>
    %get3A_15 = arith.constant 0 : index
    %get3A_16 = arith.constant 0 : index
    %get3A_17 = vector.load %arg8[%get3A_15, %get3A_16] : memref<256x80xbf16, #tpu.memory_space<vmem>>, vector<256x80xbf16>
    %get3A_18 = arith.constant 0 : index
    %get3A_19 = arith.constant 0 : index
    %get3A_20 = vector.load %arg9[%get3A_18, %get3A_19] : memref<256x80xbf16, #tpu.memory_space<vmem>>, vector<256x80xbf16>
    %concatenate3A = tpu.concatenate %get3A_11, %get3A_14, %get3A_17, %get3A_20 in 0 : vector<256x80xbf16>, vector<256x80xbf16>, vector<256x80xbf16>, vector<256x80xbf16> -> vector<1024x80xbf16>
    %dot_general3A = arith.constant dense<0.000000e+00> : vector<2048x80xf32>
    %dot_general3A_21 = tpu.matmul %convert_element_type3A_8, %concatenate3A, %dot_general3A {dimension_numbers = #tpu.dot_dimension_numbers<[1], [0], [0], [1], [0, 0, 1, 1], [], []>, transpose_lhs_hint = false} : vector<2048x1024xbf16>, vector<1024x80xbf16>, vector<2048x80xf32> -> vector<2048x80xf32>
    %slice3A = vector.extract_strided_slice %dot_general3A_21 {offsets = [0, 16], sizes = [2048, 64], strides = [1, 1]} : vector<2048x80xf32> to vector<2048x64xf32>
    %convert_element_type3A_22 = arith.truncf %slice3A : vector<2048x64xf32> to vector<2048x64xbf16>
    %get3A_23 = arith.constant 0 : index
    %get3A_24 = arith.constant 16 : index
    %get3A_25 = vector.load %arg2[%get3A_23, %get3A_24] : memref<2048x208xbf16, #tpu.memory_space<vmem>>, vector<2048x64xbf16>
    %get3A_26 = arith.constant 0 : index
    %get3A_27 = arith.constant 0 : index
    %get3A_28 = vector.load %arg2[%get3A_26, %get3A_27] : memref<2048x208xbf16, #tpu.memory_space<vmem>>, vector<2048x3xbf16>
    %convert_element_type3A_29 = arith.extf %get3A_28 : vector<2048x3xbf16> to vector<2048x3xf32>
    %get3A_30 = arith.constant 0 : index
    %get3A_31 = arith.constant 3 : index
    %get3A_32 = vector.load %arg2[%get3A_30, %get3A_31] : memref<2048x208xbf16, #tpu.memory_space<vmem>>, vector<2048x3xbf16>
    %convert_element_type3A_33 = arith.extf %get3A_32 : vector<2048x3xbf16> to vector<2048x3xf32>
    %add3A_34 = arith.addf %convert_element_type3A_29, %convert_element_type3A_33 : vector<2048x3xf32>
    %slice3A_35 = vector.extract_strided_slice %dot_general3A_21 {offsets = [0, 0], sizes = [2048, 3], strides = [1, 1]} : vector<2048x80xf32> to vector<2048x3xf32>
    %slice3A_36 = vector.extract_strided_slice %dot_general3A_21 {offsets = [0, 3], sizes = [2048, 3], strides = [1, 1]} : vector<2048x80xf32> to vector<2048x3xf32>
    %add3A_37 = arith.addf %slice3A_35, %slice3A_36 : vector<2048x3xf32>
    %sub3A = arith.subf %add3A_34, %add3A_37 : vector<2048x3xf32>
    %mul3A_38 = arith.mulf %sub3A, %sub3A : vector<2048x3xf32>
    %reduce_sum3A = arith.constant dense<0.000000e+00> : vector<2048xf32>
    %reduce_sum3A_39 = vector.multi_reduction <add>, %mul3A_38, %reduce_sum3A [1] : vector<2048x3xf32> to vector<2048xf32>
    %broadcast_in_dim3A = vector.shape_cast %reduce_sum3A_39 : vector<2048xf32> to vector<2048x1xf32>
    %sqrt3A = math.sqrt %broadcast_in_dim3A : vector<2048x1xf32>
    %add3A_40 = arith.constant 1.000000e-07 : f32
    %add3A_41 = vector.broadcast %add3A_40 : f32 to vector<2048x1xf32>
    %add3A_42 = arith.addf %sqrt3A, %add3A_41 : vector<2048x1xf32>
    %div3A = vector.broadcast %add3A_42 : vector<2048x1xf32> to vector<2048x3xf32>
    %div3A_43 = arith.divf %sub3A, %div3A : vector<2048x3xf32>
    %get3A_44 = arith.constant 0 : index
    %get3A_45 = arith.constant 0 : index
    %get3A_46 = vector.load %arg21[%get3A_44, %get3A_45] : memref<1x19xf32, #tpu.memory_space<vmem>>, vector<1x19xf32>
    %sub3A_47 = vector.broadcast %sqrt3A : vector<2048x1xf32> to vector<2048x19xf32>
    %sub3A_48 = vector.broadcast %get3A_46 : vector<1x19xf32> to vector<2048x19xf32>
    %sub3A_49 = arith.subf %sub3A_47, %sub3A_48 : vector<2048x19xf32>
    %integer_pow3A = arith.mulf %sub3A_49, %sub3A_49 : vector<2048x19xf32>
    %mul3A_50 = arith.constant -1.620000e+00 : f32
    %mul3A_51 = vector.broadcast %mul3A_50 : f32 to vector<2048x19xf32>
    %mul3A_52 = arith.mulf %mul3A_51, %integer_pow3A : vector<2048x19xf32>
    %exp3A = math.exp %mul3A_52 : vector<2048x19xf32>
    %get3A_53 = arith.constant 0 : index
    %get3A_54 = arith.constant 0 : index
    %get3A_55 = vector.load %arg20[%get3A_53, %get3A_54] : memref<1x15xf32, #tpu.memory_space<vmem>>, vector<1x15xf32>
    %slice3A_56 = vector.extract_strided_slice %div3A_43 {offsets = [0, 0], sizes = [2048, 1], strides = [1, 1]} : vector<2048x3xf32> to vector<2048x1xf32>
    %mul3A_57 = vector.broadcast %slice3A_56 : vector<2048x1xf32> to vector<2048x15xf32>
    %mul3A_58 = vector.broadcast %get3A_55 : vector<1x15xf32> to vector<2048x15xf32>
    %mul3A_59 = arith.mulf %mul3A_57, %mul3A_58 : vector<2048x15xf32>
    %slice3A_60 = vector.extract_strided_slice %div3A_43 {offsets = [0, 1], sizes = [2048, 1], strides = [1, 1]} : vector<2048x3xf32> to vector<2048x1xf32>
    %mul3A_61 = vector.broadcast %slice3A_60 : vector<2048x1xf32> to vector<2048x15xf32>
    %mul3A_62 = vector.broadcast %get3A_55 : vector<1x15xf32> to vector<2048x15xf32>
    %mul3A_63 = arith.mulf %mul3A_61, %mul3A_62 : vector<2048x15xf32>
    %slice3A_64 = vector.extract_strided_slice %div3A_43 {offsets = [0, 2], sizes = [2048, 1], strides = [1, 1]} : vector<2048x3xf32> to vector<2048x1xf32>
    %mul3A_65 = vector.broadcast %slice3A_64 : vector<2048x1xf32> to vector<2048x15xf32>
    %mul3A_66 = vector.broadcast %get3A_55 : vector<1x15xf32> to vector<2048x15xf32>
    %mul3A_67 = arith.mulf %mul3A_65, %mul3A_66 : vector<2048x15xf32>
    %concatenate3A_68 = tpu.concatenate %exp3A, %mul3A_59, %mul3A_63, %mul3A_67 in 1 : vector<2048x19xf32>, vector<2048x15xf32>, vector<2048x15xf32>, vector<2048x15xf32> -> vector<2048x64xf32>
    %get3A_69 = arith.constant 0 : index
    %get3A_70 = arith.constant 0 : index
    %get3A_71 = vector.load %arg14[%get3A_69, %get3A_70] : memref<192x128xf32, #tpu.memory_space<vmem>>, vector<192x128xf32>
    %slice3A_72 = vector.extract_strided_slice %get3A_71 {offsets = [0, 0], sizes = [64, 128], strides = [1, 1]} : vector<192x128xf32> to vector<64x128xf32>
    %convert_element_type3A_73 = arith.truncf %slice3A_72 : vector<64x128xf32> to vector<64x128xbf16>
    %dot_general3A_74 = arith.constant dense<0.000000e+00> : vector<2048x128xf32>
    %dot_general3A_75 = tpu.matmul %get3A_25, %convert_element_type3A_73, %dot_general3A_74 {dimension_numbers = #tpu.dot_dimension_numbers<[1], [0], [0], [1], [0, 0, 1, 1], [], []>, transpose_lhs_hint = false} : vector<2048x64xbf16>, vector<64x128xbf16>, vector<2048x128xf32> -> vector<2048x128xf32>
    %slice3A_76 = vector.extract_strided_slice %get3A_71 {offsets = [64, 0], sizes = [64, 128], strides = [1, 1]} : vector<192x128xf32> to vector<64x128xf32>
    %convert_element_type3A_77 = arith.truncf %slice3A_76 : vector<64x128xf32> to vector<64x128xbf16>
    %dot_general3A_78 = arith.constant dense<0.000000e+00> : vector<2048x128xf32>
    %dot_general3A_79 = tpu.matmul %convert_element_type3A_22, %convert_element_type3A_77, %dot_general3A_78 {dimension_numbers = #tpu.dot_dimension_numbers<[1], [0], [0], [1], [0, 0, 1, 1], [], []>, transpose_lhs_hint = false} : vector<2048x64xbf16>, vector<64x128xbf16>, vector<2048x128xf32> -> vector<2048x128xf32>
    %add3A_80 = arith.addf %dot_general3A_75, %dot_general3A_79 : vector<2048x128xf32>
    %convert_element_type3A_81 = arith.truncf %concatenate3A_68 : vector<2048x64xf32> to vector<2048x64xbf16>
    %slice3A_82 = vector.extract_strided_slice %get3A_71 {offsets = [128, 0], sizes = [64, 128], strides = [1, 1]} : vector<192x128xf32> to vector<64x128xf32>
    %convert_element_type3A_83 = arith.truncf %slice3A_82 : vector<64x128xf32> to vector<64x128xbf16>
    %dot_general3A_84 = arith.constant dense<0.000000e+00> : vector<2048x128xf32>
    %dot_general3A_85 = tpu.matmul %convert_element_type3A_81, %convert_element_type3A_83, %dot_general3A_84 {dimension_numbers = #tpu.dot_dimension_numbers<[1], [0], [0], [1], [0, 0, 1, 1], [], []>, transpose_lhs_hint = false} : vector<2048x64xbf16>, vector<64x128xbf16>, vector<2048x128xf32> -> vector<2048x128xf32>
    %add3A_86 = arith.addf %add3A_80, %dot_general3A_85 : vector<2048x128xf32>
    %get3A_87 = arith.constant 0 : index
    %get3A_88 = arith.constant 0 : index
    %get3A_89 = vector.load %arg15[%get3A_87, %get3A_88] : memref<1x128xf32, #tpu.memory_space<vmem>>, vector<1x128xf32>
    %add3A_90 = vector.broadcast %get3A_89 : vector<1x128xf32> to vector<2048x128xf32>
    %add3A_91 = arith.addf %add3A_86, %add3A_90 : vector<2048x128xf32>
    %max3A = arith.constant 0.000000e+00 : f32
    %max3A_92 = vector.broadcast %max3A : f32 to vector<2048x128xf32>
    %max3A_93 = arith.maximumf %add3A_91, %max3A_92 : vector<2048x128xf32>
    %convert_element_type3A_94 = arith.truncf %max3A_93 : vector<2048x128xf32> to vector<2048x128xbf16>
    %get3A_95 = arith.constant 0 : index
    %get3A_96 = arith.constant 0 : index
    %get3A_97 = vector.load %arg16[%get3A_95, %get3A_96] : memref<128x64xf32, #tpu.memory_space<vmem>>, vector<128x64xf32>
    %convert_element_type3A_98 = arith.truncf %get3A_97 : vector<128x64xf32> to vector<128x64xbf16>
    %dot_general3A_99 = arith.constant dense<0.000000e+00> : vector<2048x64xf32>
    %dot_general3A_100 = tpu.matmul %convert_element_type3A_94, %convert_element_type3A_98, %dot_general3A_99 {dimension_numbers = #tpu.dot_dimension_numbers<[1], [0], [0], [1], [0, 0, 1, 1], [], []>, transpose_lhs_hint = false} : vector<2048x128xbf16>, vector<128x64xbf16>, vector<2048x64xf32> -> vector<2048x64xf32>
    %get3A_101 = arith.constant 0 : index
    %get3A_102 = arith.constant 0 : index
    %get3A_103 = vector.load %arg17[%get3A_101, %get3A_102] : memref<1x64xf32, #tpu.memory_space<vmem>>, vector<1x64xf32>
    %add3A_104 = vector.broadcast %get3A_103 : vector<1x64xf32> to vector<2048x64xf32>
    %add3A_105 = arith.addf %dot_general3A_100, %add3A_104 : vector<2048x64xf32>
    %get3A_106 = arith.constant 0 : index
    %get3A_107 = arith.constant 0 : index
    %get3A_108 = vector.load %arg18[%get3A_106, %get3A_107] : memref<1x64xf32, #tpu.memory_space<vmem>>, vector<1x64xf32>
    %get3A_109 = arith.constant 0 : index
    %get3A_110 = arith.constant 0 : index
    %get3A_111 = vector.load %arg19[%get3A_109, %get3A_110] : memref<1x64xf32, #tpu.memory_space<vmem>>, vector<1x64xf32>
    %reduce_sum3A_112 = arith.constant dense<0.000000e+00> : vector<2048xf32>
    %reduce_sum3A_113 = vector.multi_reduction <add>, %add3A_105, %reduce_sum3A_112 [1] : vector<2048x64xf32> to vector<2048xf32>
    %broadcast_in_dim3A_114 = vector.shape_cast %reduce_sum3A_113 : vector<2048xf32> to vector<2048x1xf32>
    %div3A_115 = arith.constant 6.400000e+01 : f32
    %div3A_116 = vector.broadcast %div3A_115 : f32 to vector<2048x1xf32>
    %div3A_117 = arith.divf %broadcast_in_dim3A_114, %div3A_116 : vector<2048x1xf32>
    %sub3A_118 = vector.broadcast %div3A_117 : vector<2048x1xf32> to vector<2048x64xf32>
    %sub3A_119 = arith.subf %add3A_105, %sub3A_118 : vector<2048x64xf32>
    %integer_pow3A_120 = arith.mulf %sub3A_119, %sub3A_119 : vector<2048x64xf32>
    %reduce_sum3A_121 = arith.constant dense<0.000000e+00> : vector<2048xf32>
    %reduce_sum3A_122 = vector.multi_reduction <add>, %integer_pow3A_120, %reduce_sum3A_121 [1] : vector<2048x64xf32> to vector<2048xf32>
    %broadcast_in_dim3A_123 = vector.shape_cast %reduce_sum3A_122 : vector<2048xf32> to vector<2048x1xf32>
    %div3A_124 = arith.constant 6.400000e+01 : f32
    %div3A_125 = vector.broadcast %div3A_124 : f32 to vector<2048x1xf32>
    %div3A_126 = arith.divf %broadcast_in_dim3A_123, %div3A_125 : vector<2048x1xf32>
    %sub3A_127 = vector.broadcast %div3A_117 : vector<2048x1xf32> to vector<2048x64xf32>
    %sub3A_128 = arith.subf %add3A_105, %sub3A_127 : vector<2048x64xf32>
    %add3A_129 = arith.constant 9.99999974E-6 : f32
    %add3A_130 = vector.broadcast %add3A_129 : f32 to vector<2048x1xf32>
    %add3A_131 = arith.addf %div3A_126, %add3A_130 : vector<2048x1xf32>
    %sqrt3A_132 = math.sqrt %add3A_131 : vector<2048x1xf32>
    %div3A_133 = vector.broadcast %sqrt3A_132 : vector<2048x1xf32> to vector<2048x64xf32>
    %div3A_134 = arith.divf %sub3A_128, %div3A_133 : vector<2048x64xf32>
    %mul3A_135 = vector.broadcast %get3A_108 : vector<1x64xf32> to vector<2048x64xf32>
    %mul3A_136 = arith.mulf %div3A_134, %mul3A_135 : vector<2048x64xf32>
    %add3A_137 = vector.broadcast %get3A_111 : vector<1x64xf32> to vector<2048x64xf32>
    %add3A_138 = arith.addf %mul3A_136, %add3A_137 : vector<2048x64xf32>
    %add3A_139 = arith.addf %concatenate3A_68, %add3A_138 : vector<2048x64xf32>
    %swap3A = arith.constant 0 : index
    %swap3A_140 = arith.constant 0 : index
    %swap3A_141 = vector.load %arg22[%swap3A, %swap3A_140] : memref<2048x64xf32, #tpu.memory_space<vmem>>, vector<2048x64xf32>
    tpu.vector_store %arg22[%swap3A, %swap3A_140], %add3A_139 {strides = array<i32>} : memref<2048x64xf32, #tpu.memory_space<vmem>>, vector<2048x64xf32>,
    %convert_element_type3A_142 = arith.truncf %add3A_139 : vector<2048x64xf32> to vector<2048x64xbf16>
    %sub3A_143 = arith.constant 1 : i32
    %sub3A_144 = arith.subi %arg0, %sub3A_143 : i32
    %max3A_145 = arith.constant 0 : i32
    %max3A_146 = arith.maxsi %sub3A_144, %max3A_145 : i32
    %get3A_147 = arith.index_cast %max3A_146 : i32 to index
    %get3A_148 = memref.load %arg1[%get3A_147] : memref<80xi32, #tpu.memory_space<smem>>
    %eq3A_149 = arith.constant 0 : i32
    %eq3A_150 = arith.cmpi eq, %arg0, %eq3A_149 : i32
    %get3A_151 = arith.index_cast %arg0 : i32 to index
    %get3A_152 = memref.load %arg1[%get3A_151] : memref<80xi32, #tpu.memory_space<smem>>
    %ne3A = arith.cmpi ne, %get3A_152, %get3A_148 : i32
    %or3A = arith.ori %eq3A_150, %ne3A : i1
    %iota3A_153 = tpu.iota {dimensions = array<i32: 0>} : vector<1024x2048xi32>
    %add3A_154 = vector.broadcast %mul3A_1 : i32 to vector<1024x2048xi32>
    %add3A_155 = arith.addi %iota3A_153, %add3A_154 : vector<1024x2048xi32>
    %get3A_156 = arith.constant 0 : index
    %get3A_157 = arith.constant 0 : index
    %get3A_158 = vector.load %arg5[%get3A_156, %get3A_157] : memref<1x2048xi32, #tpu.memory_space<vmem>>, vector<1x2048xi32>
    %eq3A_159 = vector.broadcast %get3A_158 : vector<1x2048xi32> to vector<1024x2048xi32>
    %eq3A_160 = arith.cmpi eq, %add3A_155, %eq3A_159 : vector<1024x2048xi32>
    %convert_element_type3A_161 = arith.extui %eq3A_160 : vector<1024x2048xi1> to vector<1024x2048xi32>
    %convert_element_type3A_162 = arith.sitofp %convert_element_type3A_161 : vector<1024x2048xi32> to vector<1024x2048xf32>
    %convert_element_type3A_163 = arith.truncf %convert_element_type3A_162 : vector<1024x2048xf32> to vector<1024x2048xbf16>
    %slice3A_164 = vector.extract_strided_slice %convert_element_type3A_163 {offsets = [0, 0], sizes = [256, 2048], strides = [1, 1]} : vector<1024x2048xbf16> to vector<256x2048xbf16>
    %dot_general3A_165 = arith.constant dense<0.000000e+00> : vector<256x64xf32>
    %dot_general3A_166 = tpu.matmul %slice3A_164, %convert_element_type3A_142, %dot_general3A_165 {dimension_numbers = #tpu.dot_dimension_numbers<[1], [0], [0], [1], [0, 0, 1, 1], [], []>, transpose_lhs_hint = false} : vector<256x2048xbf16>, vector<2048x64xbf16>, vector<256x64xf32> -> vector<256x64xf32>
    %convert_element_type3A_167 = arith.extui %or3A : i1 to i32
    %cond3A = arith.constant 0 : i32
    %cond3A_168 = arith.cmpi ne, %convert_element_type3A_167, %cond3A : i32
    scf.if %cond3A_168 {
      %swap3A_206 = arith.constant 0 : index
      %swap3A_207 = arith.constant 0 : index
      %swap3A_208 = vector.load %arg23[%swap3A_206, %swap3A_207] : memref<256x64xf32, #tpu.memory_space<vmem>>, vector<256x64xf32>
      tpu.vector_store %arg23[%swap3A_206, %swap3A_207], %dot_general3A_166 {strides = array<i32>} : memref<256x64xf32, #tpu.memory_space<vmem>>, vector<256x64xf32>,
    } else {
    }
    %not3A = arith.constant true
    %not3A_169 = arith.xori %or3A, %not3A : i1
    %convert_element_type3A_170 = arith.extui %not3A_169 : i1 to i32
    %cond3A_171 = arith.constant 0 : i32
    %cond3A_172 = arith.cmpi ne, %convert_element_type3A_170, %cond3A_171 : i32
    scf.if %cond3A_172 {
      %get3A_206 = arith.constant 0 : index
      %get3A_207 = arith.constant 0 : index
      %get3A_208 = vector.load %arg23[%get3A_206, %get3A_207] : memref<256x64xf32, #tpu.memory_space<vmem>>, vector<256x64xf32>
      %add3A_209 = arith.addf %get3A_208, %dot_general3A_166 : vector<256x64xf32>
      %swap3A_210 = arith.constant 0 : index
      %swap3A_211 = arith.constant 0 : index
      %swap3A_212 = vector.load %arg23[%swap3A_210, %swap3A_211] : memref<256x64xf32, #tpu.memory_space<vmem>>, vector<256x64xf32>
      tpu.vector_store %arg23[%swap3A_210, %swap3A_211], %add3A_209 {strides = array<i32>} : memref<256x64xf32, #tpu.memory_space<vmem>>, vector<256x64xf32>,
    } else {
    }
    %slice3A_173 = vector.extract_strided_slice %convert_element_type3A_163 {offsets = [256, 0], sizes = [256, 2048], strides = [1, 1]} : vector<1024x2048xbf16> to vector<256x2048xbf16>
    %dot_general3A_174 = arith.constant dense<0.000000e+00> : vector<256x64xf32>
    %dot_general3A_175 = tpu.matmul %slice3A_173, %convert_element_type3A_142, %dot_general3A_174 {dimension_numbers = #tpu.dot_dimension_numbers<[1], [0], [0], [1], [0, 0, 1, 1], [], []>, transpose_lhs_hint = false} : vector<256x2048xbf16>, vector<2048x64xbf16>, vector<256x64xf32> -> vector<256x64xf32>
    %convert_element_type3A_176 = arith.extui %or3A : i1 to i32
    %cond3A_177 = arith.constant 0 : i32
    %cond3A_178 = arith.cmpi ne, %convert_element_type3A_176, %cond3A_177 : i32
    scf.if %cond3A_178 {
      %swap3A_206 = arith.constant 0 : index
      %swap3A_207 = arith.constant 0 : index
      %swap3A_208 = vector.load %arg24[%swap3A_206, %swap3A_207] : memref<256x64xf32, #tpu.memory_space<vmem>>, vector<256x64xf32>
      tpu.vector_store %arg24[%swap3A_206, %swap3A_207], %dot_general3A_175 {strides = array<i32>} : memref<256x64xf32, #tpu.memory_space<vmem>>, vector<256x64xf32>,
    } else {
    }
    %not3A_179 = arith.constant true
    %not3A_180 = arith.xori %or3A, %not3A_179 : i1
    %convert_element_type3A_181 = arith.extui %not3A_180 : i1 to i32
    %cond3A_182 = arith.constant 0 : i32
    %cond3A_183 = arith.cmpi ne, %convert_element_type3A_181, %cond3A_182 : i32
    scf.if %cond3A_183 {
      %get3A_206 = arith.constant 0 : index
      %get3A_207 = arith.constant 0 : index
      %get3A_208 = vector.load %arg24[%get3A_206, %get3A_207] : memref<256x64xf32, #tpu.memory_space<vmem>>, vector<256x64xf32>
      %add3A_209 = arith.addf %get3A_208, %dot_general3A_175 : vector<256x64xf32>
      %swap3A_210 = arith.constant 0 : index
      %swap3A_211 = arith.constant 0 : index
      %swap3A_212 = vector.load %arg24[%swap3A_210, %swap3A_211] : memref<256x64xf32, #tpu.memory_space<vmem>>, vector<256x64xf32>
      tpu.vector_store %arg24[%swap3A_210, %swap3A_211], %add3A_209 {strides = array<i32>} : memref<256x64xf32, #tpu.memory_space<vmem>>, vector<256x64xf32>,
    } else {
    }
    %slice3A_184 = vector.extract_strided_slice %convert_element_type3A_163 {offsets = [512, 0], sizes = [256, 2048], strides = [1, 1]} : vector<1024x2048xbf16> to vector<256x2048xbf16>
    %dot_general3A_185 = arith.constant dense<0.000000e+00> : vector<256x64xf32>
    %dot_general3A_186 = tpu.matmul %slice3A_184, %convert_element_type3A_142, %dot_general3A_185 {dimension_numbers = #tpu.dot_dimension_numbers<[1], [0], [0], [1], [0, 0, 1, 1], [], []>, transpose_lhs_hint = false} : vector<256x2048xbf16>, vector<2048x64xbf16>, vector<256x64xf32> -> vector<256x64xf32>
    %convert_element_type3A_187 = arith.extui %or3A : i1 to i32
    %cond3A_188 = arith.constant 0 : i32
    %cond3A_189 = arith.cmpi ne, %convert_element_type3A_187, %cond3A_188 : i32
    scf.if %cond3A_189 {
      %swap3A_206 = arith.constant 0 : index
      %swap3A_207 = arith.constant 0 : index
      %swap3A_208 = vector.load %arg25[%swap3A_206, %swap3A_207] : memref<256x64xf32, #tpu.memory_space<vmem>>, vector<256x64xf32>
      tpu.vector_store %arg25[%swap3A_206, %swap3A_207], %dot_general3A_186 {strides = array<i32>} : memref<256x64xf32, #tpu.memory_space<vmem>>, vector<256x64xf32>,
    } else {
    }
    %not3A_190 = arith.constant true
    %not3A_191 = arith.xori %or3A, %not3A_190 : i1
    %convert_element_type3A_192 = arith.extui %not3A_191 : i1 to i32
    %cond3A_193 = arith.constant 0 : i32
    %cond3A_194 = arith.cmpi ne, %convert_element_type3A_192, %cond3A_193 : i32
    scf.if %cond3A_194 {
      %get3A_206 = arith.constant 0 : index
      %get3A_207 = arith.constant 0 : index
      %get3A_208 = vector.load %arg25[%get3A_206, %get3A_207] : memref<256x64xf32, #tpu.memory_space<vmem>>, vector<256x64xf32>
      %add3A_209 = arith.addf %get3A_208, %dot_general3A_186 : vector<256x64xf32>
      %swap3A_210 = arith.constant 0 : index
      %swap3A_211 = arith.constant 0 : index
      %swap3A_212 = vector.load %arg25[%swap3A_210, %swap3A_211] : memref<256x64xf32, #tpu.memory_space<vmem>>, vector<256x64xf32>
      tpu.vector_store %arg25[%swap3A_210, %swap3A_211], %add3A_209 {strides = array<i32>} : memref<256x64xf32, #tpu.memory_space<vmem>>, vector<256x64xf32>,
    } else {
    }
    %slice3A_195 = vector.extract_strided_slice %convert_element_type3A_163 {offsets = [768, 0], sizes = [256, 2048], strides = [1, 1]} : vector<1024x2048xbf16> to vector<256x2048xbf16>
    %dot_general3A_196 = arith.constant dense<0.000000e+00> : vector<256x64xf32>
    %dot_general3A_197 = tpu.matmul %slice3A_195, %convert_element_type3A_142, %dot_general3A_196 {dimension_numbers = #tpu.dot_dimension_numbers<[1], [0], [0], [1], [0, 0, 1, 1], [], []>, transpose_lhs_hint = false} : vector<256x2048xbf16>, vector<2048x64xbf16>, vector<256x64xf32> -> vector<256x64xf32>
    %convert_element_type3A_198 = arith.extui %or3A : i1 to i32
    %cond3A_199 = arith.constant 0 : i32
    %cond3A_200 = arith.cmpi ne, %convert_element_type3A_198, %cond3A_199 : i32
    scf.if %cond3A_200 {
      %swap3A_206 = arith.constant 0 : index
      %swap3A_207 = arith.constant 0 : index
      %swap3A_208 = vector.load %arg26[%swap3A_206, %swap3A_207] : memref<256x64xf32, #tpu.memory_space<vmem>>, vector<256x64xf32>
      tpu.vector_store %arg26[%swap3A_206, %swap3A_207], %dot_general3A_197 {strides = array<i32>} : memref<256x64xf32, #tpu.memory_space<vmem>>, vector<256x64xf32>,
    } else {
    }
    %not3A_201 = arith.constant true
    %not3A_202 = arith.xori %or3A, %not3A_201 : i1
    %convert_element_type3A_203 = arith.extui %not3A_202 : i1 to i32
    %cond3A_204 = arith.constant 0 : i32
    %cond3A_205 = arith.cmpi ne, %convert_element_type3A_203, %cond3A_204 : i32
    scf.if %cond3A_205 {
      %get3A_206 = arith.constant 0 : index
      %get3A_207 = arith.constant 0 : index
      %get3A_208 = vector.load %arg26[%get3A_206, %get3A_207] : memref<256x64xf32, #tpu.memory_space<vmem>>, vector<256x64xf32>
      %add3A_209 = arith.addf %get3A_208, %dot_general3A_197 : vector<256x64xf32>
      %swap3A_210 = arith.constant 0 : index
      %swap3A_211 = arith.constant 0 : index
      %swap3A_212 = vector.load %arg26[%swap3A_210, %swap3A_211] : memref<256x64xf32, #tpu.memory_space<vmem>>, vector<256x64xf32>
      tpu.vector_store %arg26[%swap3A_210, %swap3A_211], %add3A_209 {strides = array<i32>} : memref<256x64xf32, #tpu.memory_space<vmem>>, vector<256x64xf32>,
    } else {
    }
    return
  }
  func.func @transform_0(%arg0: i32, %arg1: memref<80xi32, #tpu.memory_space<smem>>) -> (i32, i32) {
    %c0_i32 = arith.constant 0 : i32
    %c0_i32_0 = arith.constant 0 : i32
    return %arg0, %c0_i32 : i32, i32
  }
  func.func @transform_1(%arg0: i32, %arg1: memref<80xi32, #tpu.memory_space<smem>>) -> (i32, i32) {
    %c0_i32 = arith.constant 0 : i32
    %c0_i32_0 = arith.constant 0 : i32
    return %arg0, %c0_i32 : i32, i32
  }
  func.func @transform_2(%arg0: i32, %arg1: memref<80xi32, #tpu.memory_space<smem>>) -> (i32, i32) {
    %c0_i32 = arith.constant 0 : i32
    %c0_i32_0 = arith.constant 0 : i32
    return %arg0, %c0_i32 : i32, i32
  }
  func.func @transform_3(%arg0: i32, %arg1: memref<80xi32, #tpu.memory_space<smem>>) -> (i32, i32) {
    %c0_i32 = arith.constant 0 : i32
    %c0_i32_0 = arith.constant 0 : i32
    return %c0_i32, %arg0 : i32, i32
  }
  func.func @transform_4(%arg0: i32, %arg1: memref<80xi32, #tpu.memory_space<smem>>) -> (i32, i32) {
    %get3A = arith.index_cast %arg0 : i32 to index
    %get3A_0 = memref.load %arg1[%get3A] : memref<80xi32, #tpu.memory_space<smem>>
    %add3A = arith.constant 0 : i32
    %add3A_1 = arith.addi %get3A_0, %add3A : i32
    %c0_i32 = arith.constant 0 : i32
    %c0_i32_2 = arith.constant 0 : i32
    return %add3A_1, %c0_i32 : i32, i32
  }
  func.func @transform_5(%arg0: i32, %arg1: memref<80xi32, #tpu.memory_space<smem>>) -> (i32, i32) {
    %get3A = arith.index_cast %arg0 : i32 to index
    %get3A_0 = memref.load %arg1[%get3A] : memref<80xi32, #tpu.memory_space<smem>>
    %add3A = arith.constant 1 : i32
    %add3A_1 = arith.addi %get3A_0, %add3A : i32
    %c0_i32 = arith.constant 0 : i32
    %c0_i32_2 = arith.constant 0 : i32
    return %add3A_1, %c0_i32 : i32, i32
  }
  func.func @transform_6(%arg0: i32, %arg1: memref<80xi32, #tpu.memory_space<smem>>) -> (i32, i32) {
    %get3A = arith.index_cast %arg0 : i32 to index
    %get3A_0 = memref.load %arg1[%get3A] : memref<80xi32, #tpu.memory_space<smem>>
    %add3A = arith.constant 2 : i32
    %add3A_1 = arith.addi %get3A_0, %add3A : i32
    %c0_i32 = arith.constant 0 : i32
    %c0_i32_2 = arith.constant 0 : i32
    return %add3A_1, %c0_i32 : i32, i32
  }
  func.func @transform_7(%arg0: i32, %arg1: memref<80xi32, #tpu.memory_space<smem>>) -> (i32, i32) {
    %get3A = arith.index_cast %arg0 : i32 to index
    %get3A_0 = memref.load %arg1[%get3A] : memref<80xi32, #tpu.memory_space<smem>>
    %add3A = arith.constant 3 : i32
    %add3A_1 = arith.addi %get3A_0, %add3A : i32
    %c0_i32 = arith.constant 0 : i32
    %c0_i32_2 = arith.constant 0 : i32
    return %add3A_1, %c0_i32 : i32, i32
  }
  func.func @transform_8(%arg0: i32, %arg1: memref<80xi32, #tpu.memory_space<smem>>) -> (i32, i32) {
    %get3A = arith.index_cast %arg0 : i32 to index
    %get3A_0 = memref.load %arg1[%get3A] : memref<80xi32, #tpu.memory_space<smem>>
    %add3A = arith.constant 0 : i32
    %add3A_1 = arith.addi %get3A_0, %add3A : i32
    %c0_i32 = arith.constant 0 : i32
    %c0_i32_2 = arith.constant 0 : i32
    return %add3A_1, %c0_i32 : i32, i32
  }
  func.func @transform_9(%arg0: i32, %arg1: memref<80xi32, #tpu.memory_space<smem>>) -> (i32, i32) {
    %get3A = arith.index_cast %arg0 : i32 to index
    %get3A_0 = memref.load %arg1[%get3A] : memref<80xi32, #tpu.memory_space<smem>>
    %add3A = arith.constant 1 : i32
    %add3A_1 = arith.addi %get3A_0, %add3A : i32
    %c0_i32 = arith.constant 0 : i32
    %c0_i32_2 = arith.constant 0 : i32
    return %add3A_1, %c0_i32 : i32, i32
  }
  func.func @transform_10(%arg0: i32, %arg1: memref<80xi32, #tpu.memory_space<smem>>) -> (i32, i32) {
    %get3A = arith.index_cast %arg0 : i32 to index
    %get3A_0 = memref.load %arg1[%get3A] : memref<80xi32, #tpu.memory_space<smem>>
    %add3A = arith.constant 2 : i32
    %add3A_1 = arith.addi %get3A_0, %add3A : i32
    %c0_i32 = arith.constant 0 : i32
    %c0_i32_2 = arith.constant 0 : i32
    return %add3A_1, %c0_i32 : i32, i32
  }
  func.func @transform_11(%arg0: i32, %arg1: memref<80xi32, #tpu.memory_space<smem>>) -> (i32, i32) {
    %get3A = arith.index_cast %arg0 : i32 to index
    %get3A_0 = memref.load %arg1[%get3A] : memref<80xi32, #tpu.memory_space<smem>>
    %add3A = arith.constant 3 : i32
    %add3A_1 = arith.addi %get3A_0, %add3A : i32
    %c0_i32 = arith.constant 0 : i32
    %c0_i32_2 = arith.constant 0 : i32
    return %add3A_1, %c0_i32 : i32, i32
  }
  func.func @transform_12(%arg0: i32, %arg1: memref<80xi32, #tpu.memory_space<smem>>) -> (i32, i32) {
    %c0_i32 = arith.constant 0 : i32
    %c0_i32_0 = arith.constant 0 : i32
    %c0_i32_1 = arith.constant 0 : i32
    return %c0_i32, %c0_i32_0 : i32, i32
  }
  func.func @transform_13(%arg0: i32, %arg1: memref<80xi32, #tpu.memory_space<smem>>) -> (i32, i32) {
    %c0_i32 = arith.constant 0 : i32
    %c0_i32_0 = arith.constant 0 : i32
    %c0_i32_1 = arith.constant 0 : i32
    return %c0_i32, %c0_i32_0 : i32, i32
  }
  func.func @transform_14(%arg0: i32, %arg1: memref<80xi32, #tpu.memory_space<smem>>) -> (i32, i32) {
    %c0_i32 = arith.constant 0 : i32
    %c0_i32_0 = arith.constant 0 : i32
    %c0_i32_1 = arith.constant 0 : i32
    return %c0_i32, %c0_i32_0 : i32, i32
  }
  func.func @transform_15(%arg0: i32, %arg1: memref<80xi32, #tpu.memory_space<smem>>) -> (i32, i32) {
    %c0_i32 = arith.constant 0 : i32
    %c0_i32_0 = arith.constant 0 : i32
    %c0_i32_1 = arith.constant 0 : i32
    return %c0_i32, %c0_i32_0 : i32, i32
  }
  func.func @transform_16(%arg0: i32, %arg1: memref<80xi32, #tpu.memory_space<smem>>) -> (i32, i32) {
    %c0_i32 = arith.constant 0 : i32
    %c0_i32_0 = arith.constant 0 : i32
    %c0_i32_1 = arith.constant 0 : i32
    return %c0_i32, %c0_i32_0 : i32, i32
  }
  func.func @transform_17(%arg0: i32, %arg1: memref<80xi32, #tpu.memory_space<smem>>) -> (i32, i32) {
    %c0_i32 = arith.constant 0 : i32
    %c0_i32_0 = arith.constant 0 : i32
    %c0_i32_1 = arith.constant 0 : i32
    return %c0_i32, %c0_i32_0 : i32, i32
  }
  func.func @transform_18(%arg0: i32, %arg1: memref<80xi32, #tpu.memory_space<smem>>) -> (i32, i32) {
    %c0_i32 = arith.constant 0 : i32
    %c0_i32_0 = arith.constant 0 : i32
    %c0_i32_1 = arith.constant 0 : i32
    return %c0_i32, %c0_i32_0 : i32, i32
  }
  func.func @transform_19(%arg0: i32, %arg1: memref<80xi32, #tpu.memory_space<smem>>) -> (i32, i32) {
    %c0_i32 = arith.constant 0 : i32
    %c0_i32_0 = arith.constant 0 : i32
    %c0_i32_1 = arith.constant 0 : i32
    return %c0_i32, %c0_i32_0 : i32, i32
  }
  func.func @transform_20(%arg0: i32, %arg1: memref<80xi32, #tpu.memory_space<smem>>) -> (i32, i32) {
    %c0_i32 = arith.constant 0 : i32
    %c0_i32_0 = arith.constant 0 : i32
    return %arg0, %c0_i32 : i32, i32
  }
  func.func @transform_21(%arg0: i32, %arg1: memref<80xi32, #tpu.memory_space<smem>>) -> (i32, i32) {
    %get3A = arith.index_cast %arg0 : i32 to index
    %get3A_0 = memref.load %arg1[%get3A] : memref<80xi32, #tpu.memory_space<smem>>
    %add3A = arith.constant 0 : i32
    %add3A_1 = arith.addi %get3A_0, %add3A : i32
    %c0_i32 = arith.constant 0 : i32
    %c0_i32_2 = arith.constant 0 : i32
    return %add3A_1, %c0_i32 : i32, i32
  }
  func.func @transform_22(%arg0: i32, %arg1: memref<80xi32, #tpu.memory_space<smem>>) -> (i32, i32) {
    %get3A = arith.index_cast %arg0 : i32 to index
    %get3A_0 = memref.load %arg1[%get3A] : memref<80xi32, #tpu.memory_space<smem>>
    %add3A = arith.constant 1 : i32
    %add3A_1 = arith.addi %get3A_0, %add3A : i32
    %c0_i32 = arith.constant 0 : i32
    %c0_i32_2 = arith.constant 0 : i32
    return %add3A_1, %c0_i32 : i32, i32
  }
  func.func @transform_23(%arg0: i32, %arg1: memref<80xi32, #tpu.memory_space<smem>>) -> (i32, i32) {
    %get3A = arith.index_cast %arg0 : i32 to index
    %get3A_0 = memref.load %arg1[%get3A] : memref<80xi32, #tpu.memory_space<smem>>
    %add3A = arith.constant 2 : i32
    %add3A_1 = arith.addi %get3A_0, %add3A : i32
    %c0_i32 = arith.constant 0 : i32
    %c0_i32_2 = arith.constant 0 : i32
    return %add3A_1, %c0_i32 : i32, i32
  }
  func.func @transform_24(%arg0: i32, %arg1: memref<80xi32, #tpu.memory_space<smem>>) -> (i32, i32) {
    %get3A = arith.index_cast %arg0 : i32 to index
    %get3A_0 = memref.load %arg1[%get3A] : memref<80xi32, #tpu.memory_space<smem>>
    %add3A = arith.constant 3 : i32
    %add3A_1 = arith.addi %get3A_0, %add3A : i32
    %c0_i32 = arith.constant 0 : i32
    %c0_i32_2 = arith.constant 0 : i32
    return %add3A_1, %c0_i32 : i32, i32
  }
}

module attributes {stable_mosaic.version = 14 : i64} {
  func.func @_lig_node_body(%arg0: memref<2000x64xf32, #tpu.memory_space<vmem>>, %arg1: memref<2048x64xf32, #tpu.memory_space<vmem>>, %arg2: memref<2048x64xf32, #tpu.memory_space<vmem>>, %arg3: memref<2048x64xf32, #tpu.memory_space<vmem>>, %arg4: memref<2048x64xf32, #tpu.memory_space<vmem>>, %arg5: memref<128x128xf32, #tpu.memory_space<vmem>>, %arg6: memref<1x128xf32, #tpu.memory_space<vmem>>, %arg7: memref<128x64xf32, #tpu.memory_space<vmem>>, %arg8: memref<1x64xf32, #tpu.memory_space<vmem>>, %arg9: memref<1x64xf32, #tpu.memory_space<vmem>>, %arg10: memref<1x64xf32, #tpu.memory_space<vmem>>, %arg11: memref<2000x64xf32, #tpu.memory_space<vmem>>) attributes {dimension_semantics = [], scalar_prefetch = 0 : i64, scratch_operands = 0 : i64, tpu.core_type = #tpu.core_type<tc>} {
    %get3A = arith.constant 0 : index
    %get3A_0 = arith.constant 0 : index
    %get3A_1 = vector.load %arg1[%get3A, %get3A_0] : memref<2048x64xf32, #tpu.memory_space<vmem>>, vector<2000x64xf32>
    %get3A_2 = arith.constant 0 : index
    %get3A_3 = arith.constant 0 : index
    %get3A_4 = vector.load %arg2[%get3A_2, %get3A_3] : memref<2048x64xf32, #tpu.memory_space<vmem>>, vector<2000x64xf32>
    %add3A = arith.addf %get3A_1, %get3A_4 : vector<2000x64xf32>
    %get3A_5 = arith.constant 0 : index
    %get3A_6 = arith.constant 0 : index
    %get3A_7 = vector.load %arg3[%get3A_5, %get3A_6] : memref<2048x64xf32, #tpu.memory_space<vmem>>, vector<2000x64xf32>
    %get3A_8 = arith.constant 0 : index
    %get3A_9 = arith.constant 0 : index
    %get3A_10 = vector.load %arg4[%get3A_8, %get3A_9] : memref<2048x64xf32, #tpu.memory_space<vmem>>, vector<2000x64xf32>
    %add3A_11 = arith.addf %get3A_7, %get3A_10 : vector<2000x64xf32>
    %add3A_12 = arith.addf %add3A, %add3A_11 : vector<2000x64xf32>
    %get3A_13 = arith.constant 0 : index
    %get3A_14 = arith.constant 0 : index
    %get3A_15 = vector.load %arg0[%get3A_13, %get3A_14] : memref<2000x64xf32, #tpu.memory_space<vmem>>, vector<2000x64xf32>
    %get3A_16 = arith.constant 0 : index
    %get3A_17 = arith.constant 0 : index
    %get3A_18 = vector.load %arg5[%get3A_16, %get3A_17] : memref<128x128xf32, #tpu.memory_space<vmem>>, vector<128x128xf32>
    %slice3A = vector.extract_strided_slice %get3A_18 {offsets = [0, 0], sizes = [64, 128], strides = [1, 1]} : vector<128x128xf32> to vector<64x128xf32>
    %dot_general3A = arith.constant dense<0.000000e+00> : vector<2000x128xf32>
    %dot_general3A_19 = tpu.matmul %get3A_15, %slice3A, %dot_general3A {dimension_numbers = #tpu.dot_dimension_numbers<[1], [0], [0], [1], [0, 0, 1, 1], [], []>, transpose_lhs_hint = false} : vector<2000x64xf32>, vector<64x128xf32>, vector<2000x128xf32> -> vector<2000x128xf32>
    %slice3A_20 = vector.extract_strided_slice %get3A_18 {offsets = [64, 0], sizes = [64, 128], strides = [1, 1]} : vector<128x128xf32> to vector<64x128xf32>
    %dot_general3A_21 = arith.constant dense<0.000000e+00> : vector<2000x128xf32>
    %dot_general3A_22 = tpu.matmul %add3A_12, %slice3A_20, %dot_general3A_21 {dimension_numbers = #tpu.dot_dimension_numbers<[1], [0], [0], [1], [0, 0, 1, 1], [], []>, transpose_lhs_hint = false} : vector<2000x64xf32>, vector<64x128xf32>, vector<2000x128xf32> -> vector<2000x128xf32>
    %add3A_23 = arith.addf %dot_general3A_19, %dot_general3A_22 : vector<2000x128xf32>
    %get3A_24 = arith.constant 0 : index
    %get3A_25 = arith.constant 0 : index
    %get3A_26 = vector.load %arg6[%get3A_24, %get3A_25] : memref<1x128xf32, #tpu.memory_space<vmem>>, vector<1x128xf32>
    %add3A_27 = vector.broadcast %get3A_26 : vector<1x128xf32> to vector<2000x128xf32>
    %add3A_28 = arith.addf %add3A_23, %add3A_27 : vector<2000x128xf32>
    %max3A = arith.constant 0.000000e+00 : f32
    %max3A_29 = vector.broadcast %max3A : f32 to vector<2000x128xf32>
    %max3A_30 = arith.maximumf %add3A_28, %max3A_29 : vector<2000x128xf32>
    %get3A_31 = arith.constant 0 : index
    %get3A_32 = arith.constant 0 : index
    %get3A_33 = vector.load %arg7[%get3A_31, %get3A_32] : memref<128x64xf32, #tpu.memory_space<vmem>>, vector<128x64xf32>
    %dot_general3A_34 = arith.constant dense<0.000000e+00> : vector<2000x64xf32>
    %dot_general3A_35 = tpu.matmul %max3A_30, %get3A_33, %dot_general3A_34 {dimension_numbers = #tpu.dot_dimension_numbers<[1], [0], [0], [1], [0, 0, 1, 1], [], []>, transpose_lhs_hint = false} : vector<2000x128xf32>, vector<128x64xf32>, vector<2000x64xf32> -> vector<2000x64xf32>
    %get3A_36 = arith.constant 0 : index
    %get3A_37 = arith.constant 0 : index
    %get3A_38 = vector.load %arg8[%get3A_36, %get3A_37] : memref<1x64xf32, #tpu.memory_space<vmem>>, vector<1x64xf32>
    %add3A_39 = vector.broadcast %get3A_38 : vector<1x64xf32> to vector<2000x64xf32>
    %add3A_40 = arith.addf %dot_general3A_35, %add3A_39 : vector<2000x64xf32>
    %get3A_41 = arith.constant 0 : index
    %get3A_42 = arith.constant 0 : index
    %get3A_43 = vector.load %arg9[%get3A_41, %get3A_42] : memref<1x64xf32, #tpu.memory_space<vmem>>, vector<1x64xf32>
    %get3A_44 = arith.constant 0 : index
    %get3A_45 = arith.constant 0 : index
    %get3A_46 = vector.load %arg10[%get3A_44, %get3A_45] : memref<1x64xf32, #tpu.memory_space<vmem>>, vector<1x64xf32>
    %reduce_sum3A = arith.constant dense<0.000000e+00> : vector<2000xf32>
    %reduce_sum3A_47 = vector.multi_reduction <add>, %add3A_40, %reduce_sum3A [1] : vector<2000x64xf32> to vector<2000xf32>
    %broadcast_in_dim3A = vector.shape_cast %reduce_sum3A_47 : vector<2000xf32> to vector<2000x1xf32>
    %div3A = arith.constant 6.400000e+01 : f32
    %div3A_48 = vector.broadcast %div3A : f32 to vector<2000x1xf32>
    %div3A_49 = arith.divf %broadcast_in_dim3A, %div3A_48 : vector<2000x1xf32>
    %sub3A = vector.broadcast %div3A_49 : vector<2000x1xf32> to vector<2000x64xf32>
    %sub3A_50 = arith.subf %add3A_40, %sub3A : vector<2000x64xf32>
    %integer_pow3A = arith.mulf %sub3A_50, %sub3A_50 : vector<2000x64xf32>
    %reduce_sum3A_51 = arith.constant dense<0.000000e+00> : vector<2000xf32>
    %reduce_sum3A_52 = vector.multi_reduction <add>, %integer_pow3A, %reduce_sum3A_51 [1] : vector<2000x64xf32> to vector<2000xf32>
    %broadcast_in_dim3A_53 = vector.shape_cast %reduce_sum3A_52 : vector<2000xf32> to vector<2000x1xf32>
    %div3A_54 = arith.constant 6.400000e+01 : f32
    %div3A_55 = vector.broadcast %div3A_54 : f32 to vector<2000x1xf32>
    %div3A_56 = arith.divf %broadcast_in_dim3A_53, %div3A_55 : vector<2000x1xf32>
    %sub3A_57 = vector.broadcast %div3A_49 : vector<2000x1xf32> to vector<2000x64xf32>
    %sub3A_58 = arith.subf %add3A_40, %sub3A_57 : vector<2000x64xf32>
    %add3A_59 = arith.constant 9.99999974E-6 : f32
    %add3A_60 = vector.broadcast %add3A_59 : f32 to vector<2000x1xf32>
    %add3A_61 = arith.addf %div3A_56, %add3A_60 : vector<2000x1xf32>
    %sqrt3A = math.sqrt %add3A_61 : vector<2000x1xf32>
    %div3A_62 = vector.broadcast %sqrt3A : vector<2000x1xf32> to vector<2000x64xf32>
    %div3A_63 = arith.divf %sub3A_58, %div3A_62 : vector<2000x64xf32>
    %mul3A = vector.broadcast %get3A_43 : vector<1x64xf32> to vector<2000x64xf32>
    %mul3A_64 = arith.mulf %div3A_63, %mul3A : vector<2000x64xf32>
    %add3A_65 = vector.broadcast %get3A_46 : vector<1x64xf32> to vector<2000x64xf32>
    %add3A_66 = arith.addf %mul3A_64, %add3A_65 : vector<2000x64xf32>
    %add3A_67 = arith.addf %get3A_15, %add3A_66 : vector<2000x64xf32>
    %swap3A = arith.constant 0 : index
    %swap3A_68 = arith.constant 0 : index
    %swap3A_69 = vector.load %arg11[%swap3A, %swap3A_68] : memref<2000x64xf32, #tpu.memory_space<vmem>>, vector<2000x64xf32>
    tpu.vector_store %arg11[%swap3A, %swap3A_68], %add3A_67 {strides = array<i32>} : memref<2000x64xf32, #tpu.memory_space<vmem>>, vector<2000x64xf32>,
    return
  }
}

module attributes {stable_mosaic.version = 14 : i64} {
  func.func @_edge_layer_body(%arg0: i32, %arg1: memref<80xi32, #tpu.memory_space<smem>>, %arg2: memref<2048x208xbf16, #tpu.memory_space<vmem>>, %arg3: memref<2048x64xf32, #tpu.memory_space<vmem>>, %arg4: memref<2048x1xi32, #tpu.memory_space<vmem>>, %arg5: memref<1x2048xi32, #tpu.memory_space<vmem>>, %arg6: memref<256x80xbf16, #tpu.memory_space<vmem>>, %arg7: memref<256x80xbf16, #tpu.memory_space<vmem>>, %arg8: memref<256x80xbf16, #tpu.memory_space<vmem>>, %arg9: memref<256x80xbf16, #tpu.memory_space<vmem>>, %arg10: memref<256x64xf32, #tpu.memory_space<vmem>>, %arg11: memref<256x64xf32, #tpu.memory_space<vmem>>, %arg12: memref<256x64xf32, #tpu.memory_space<vmem>>, %arg13: memref<256x64xf32, #tpu.memory_space<vmem>>, %arg14: memref<192x128xf32, #tpu.memory_space<vmem>>, %arg15: memref<1x128xf32, #tpu.memory_space<vmem>>, %arg16: memref<128x64xf32, #tpu.memory_space<vmem>>, %arg17: memref<1x64xf32, #tpu.memory_space<vmem>>, %arg18: memref<1x64xf32, #tpu.memory_space<vmem>>, %arg19: memref<1x64xf32, #tpu.memory_space<vmem>>, %arg20: memref<1x15xf32, #tpu.memory_space<vmem>>, %arg21: memref<1x19xf32, #tpu.memory_space<vmem>>, %arg22: memref<2048x64xf32, #tpu.memory_space<vmem>>, %arg23: memref<256x64xf32, #tpu.memory_space<vmem>>, %arg24: memref<256x64xf32, #tpu.memory_space<vmem>>, %arg25: memref<256x64xf32, #tpu.memory_space<vmem>>, %arg26: memref<256x64xf32, #tpu.memory_space<vmem>>) attributes {dimension_semantics = [#tpu.dimension_semantics<arbitrary>], iteration_bounds = array<i64: 80>, scalar_prefetch = 1 : i64, scratch_operands = 0 : i64, tpu.core_type = #tpu.core_type<tc>, window_params = [{transform_indices = @transform_0, window_bounds = array<i64: 2048, 208>}, {transform_indices = @transform_1, window_bounds = array<i64: 2048, 64>}, {transform_indices = @transform_2, window_bounds = array<i64: 2048, 1>}, {transform_indices = @transform_3, window_bounds = array<i64: 1, 2048>}, {transform_indices = @transform_4, window_bounds = array<i64: 256, 80>}, {transform_indices = @transform_5, window_bounds = array<i64: 256, 80>}, {transform_indices = @transform_6, window_bounds = array<i64: 256, 80>}, {transform_indices = @transform_7, window_bounds = array<i64: 256, 80>}, {transform_indices = @transform_8, window_bounds = array<i64: 256, 64>}, {transform_indices = @transform_9, window_bounds = array<i64: 256, 64>}, {transform_indices = @transform_10, window_bounds = array<i64: 256, 64>}, {transform_indices = @transform_11, window_bounds = array<i64: 256, 64>}, {pipeline_mode = #tpu.pipeline_mode<synchronous>, transform_indices = @transform_12, window_bounds = array<i64: 192, 128>}, {pipeline_mode = #tpu.pipeline_mode<synchronous>, transform_indices = @transform_13, window_bounds = array<i64: 1, 128>}, {pipeline_mode = #tpu.pipeline_mode<synchronous>, transform_indices = @transform_14, window_bounds = array<i64: 128, 64>}, {pipeline_mode = #tpu.pipeline_mode<synchronous>, transform_indices = @transform_15, window_bounds = array<i64: 1, 64>}, {pipeline_mode = #tpu.pipeline_mode<synchronous>, transform_indices = @transform_16, window_bounds = array<i64: 1, 64>}, {pipeline_mode = #tpu.pipeline_mode<synchronous>, transform_indices = @transform_17, window_bounds = array<i64: 1, 64>}, {pipeline_mode = #tpu.pipeline_mode<synchronous>, transform_indices = @transform_18, window_bounds = array<i64: 1, 15>}, {pipeline_mode = #tpu.pipeline_mode<synchronous>, transform_indices = @transform_19, window_bounds = array<i64: 1, 19>}, {transform_indices = @transform_20, window_bounds = array<i64: 2048, 64>}, {transform_indices = @transform_21, window_bounds = array<i64: 256, 64>}, {transform_indices = @transform_22, window_bounds = array<i64: 256, 64>}, {transform_indices = @transform_23, window_bounds = array<i64: 256, 64>}, {transform_indices = @transform_24, window_bounds = array<i64: 256, 64>}]} {
    %get3A = arith.index_cast %arg0 : i32 to index
    %get3A_0 = memref.load %arg1[%get3A] : memref<80xi32, #tpu.memory_space<smem>>
    %mul3A = arith.constant 256 : i32
    %mul3A_1 = arith.muli %get3A_0, %mul3A : i32
    %get3A_2 = arith.constant 0 : index
    %get3A_3 = arith.constant 0 : index
    %get3A_4 = vector.load %arg4[%get3A_2, %get3A_3] : memref<2048x1xi32, #tpu.memory_space<vmem>>, vector<2048x1xi32>
    %iota3A = tpu.iota {dimensions = array<i32: 1>} : vector<2048x1024xi32>
    %add3A = vector.broadcast %mul3A_1 : i32 to vector<2048x1024xi32>
    %add3A_5 = arith.addi %iota3A, %add3A : vector<2048x1024xi32>
    %eq3A = vector.broadcast %get3A_4 : vector<2048x1xi32> to vector<2048x1024xi32>
    %eq3A_6 = arith.cmpi eq, %eq3A, %add3A_5 : vector<2048x1024xi32>
    %convert_element_type3A = arith.extui %eq3A_6 : vector<2048x1024xi1> to vector<2048x1024xi32>
    %convert_element_type3A_7 = arith.sitofp %convert_element_type3A : vector<2048x1024xi32> to vector<2048x1024xf32>
    %convert_element_type3A_8 = arith.truncf %convert_element_type3A_7 : vector<2048x1024xf32> to vector<2048x1024xbf16>
    %get3A_9 = arith.constant 0 : index
    %get3A_10 = arith.constant 0 : index
    %get3A_11 = vector.load %arg6[%get3A_9, %get3A_10] : memref<256x80xbf16, #tpu.memory_space<vmem>>, vector<256x80xbf16>
    %get3A_12 = arith.constant 0 : index
    %get3A_13 = arith.constant 0 : index
    %get3A_14 = vector.load %arg7[%get3A_12, %get3A_13] : memref<256x80xbf16, #tpu.memory_space<vmem>>, vector<256x80xbf16>
    %get3A_15 = arith.constant 0 : index
    %get3A_16 = arith.constant 0 : index
    %get3A_17 = vector.load %arg8[%get3A_15, %get3A_16] : memref<256x80xbf16, #tpu.memory_space<vmem>>, vector<256x80xbf16>
    %get3A_18 = arith.constant 0 : index
    %get3A_19 = arith.constant 0 : index
    %get3A_20 = vector.load %arg9[%get3A_18, %get3A_19] : memref<256x80xbf16, #tpu.memory_space<vmem>>, vector<256x80xbf16>
    %concatenate3A = tpu.concatenate %get3A_11, %get3A_14, %get3A_17, %get3A_20 in 0 : vector<256x80xbf16>, vector<256x80xbf16>, vector<256x80xbf16>, vector<256x80xbf16> -> vector<1024x80xbf16>
    %dot_general3A = arith.constant dense<0.000000e+00> : vector<2048x80xf32>
    %dot_general3A_21 = tpu.matmul %convert_element_type3A_8, %concatenate3A, %dot_general3A {dimension_numbers = #tpu.dot_dimension_numbers<[1], [0], [0], [1], [0, 0, 1, 1], [], []>, transpose_lhs_hint = false} : vector<2048x1024xbf16>, vector<1024x80xbf16>, vector<2048x80xf32> -> vector<2048x80xf32>
    %slice3A = vector.extract_strided_slice %dot_general3A_21 {offsets = [0, 16], sizes = [2048, 64], strides = [1, 1]} : vector<2048x80xf32> to vector<2048x64xf32>
    %convert_element_type3A_22 = arith.truncf %slice3A : vector<2048x64xf32> to vector<2048x64xbf16>
    %get3A_23 = arith.constant 0 : index
    %get3A_24 = arith.constant 80 : index
    %get3A_25 = vector.load %arg2[%get3A_23, %get3A_24] : memref<2048x208xbf16, #tpu.memory_space<vmem>>, vector<2048x64xbf16>
    %get3A_26 = arith.constant 0 : index
    %get3A_27 = arith.constant 0 : index
    %get3A_28 = vector.load %arg3[%get3A_26, %get3A_27] : memref<2048x64xf32, #tpu.memory_space<vmem>>, vector<2048x64xf32>
    %get3A_29 = arith.constant 0 : index
    %get3A_30 = arith.constant 0 : index
    %get3A_31 = vector.load %arg14[%get3A_29, %get3A_30] : memref<192x128xf32, #tpu.memory_space<vmem>>, vector<192x128xf32>
    %slice3A_32 = vector.extract_strided_slice %get3A_31 {offsets = [0, 0], sizes = [64, 128], strides = [1, 1]} : vector<192x128xf32> to vector<64x128xf32>
    %convert_element_type3A_33 = arith.truncf %slice3A_32 : vector<64x128xf32> to vector<64x128xbf16>
    %dot_general3A_34 = arith.constant dense<0.000000e+00> : vector<2048x128xf32>
    %dot_general3A_35 = tpu.matmul %get3A_25, %convert_element_type3A_33, %dot_general3A_34 {dimension_numbers = #tpu.dot_dimension_numbers<[1], [0], [0], [1], [0, 0, 1, 1], [], []>, transpose_lhs_hint = false} : vector<2048x64xbf16>, vector<64x128xbf16>, vector<2048x128xf32> -> vector<2048x128xf32>
    %slice3A_36 = vector.extract_strided_slice %get3A_31 {offsets = [64, 0], sizes = [64, 128], strides = [1, 1]} : vector<192x128xf32> to vector<64x128xf32>
    %convert_element_type3A_37 = arith.truncf %slice3A_36 : vector<64x128xf32> to vector<64x128xbf16>
    %dot_general3A_38 = arith.constant dense<0.000000e+00> : vector<2048x128xf32>
    %dot_general3A_39 = tpu.matmul %convert_element_type3A_22, %convert_element_type3A_37, %dot_general3A_38 {dimension_numbers = #tpu.dot_dimension_numbers<[1], [0], [0], [1], [0, 0, 1, 1], [], []>, transpose_lhs_hint = false} : vector<2048x64xbf16>, vector<64x128xbf16>, vector<2048x128xf32> -> vector<2048x128xf32>
    %add3A_40 = arith.addf %dot_general3A_35, %dot_general3A_39 : vector<2048x128xf32>
    %convert_element_type3A_41 = arith.truncf %get3A_28 : vector<2048x64xf32> to vector<2048x64xbf16>
    %slice3A_42 = vector.extract_strided_slice %get3A_31 {offsets = [128, 0], sizes = [64, 128], strides = [1, 1]} : vector<192x128xf32> to vector<64x128xf32>
    %convert_element_type3A_43 = arith.truncf %slice3A_42 : vector<64x128xf32> to vector<64x128xbf16>
    %dot_general3A_44 = arith.constant dense<0.000000e+00> : vector<2048x128xf32>
    %dot_general3A_45 = tpu.matmul %convert_element_type3A_41, %convert_element_type3A_43, %dot_general3A_44 {dimension_numbers = #tpu.dot_dimension_numbers<[1], [0], [0], [1], [0, 0, 1, 1], [], []>, transpose_lhs_hint = false} : vector<2048x64xbf16>, vector<64x128xbf16>, vector<2048x128xf32> -> vector<2048x128xf32>
    %add3A_46 = arith.addf %add3A_40, %dot_general3A_45 : vector<2048x128xf32>
    %get3A_47 = arith.constant 0 : index
    %get3A_48 = arith.constant 0 : index
    %get3A_49 = vector.load %arg15[%get3A_47, %get3A_48] : memref<1x128xf32, #tpu.memory_space<vmem>>, vector<1x128xf32>
    %add3A_50 = vector.broadcast %get3A_49 : vector<1x128xf32> to vector<2048x128xf32>
    %add3A_51 = arith.addf %add3A_46, %add3A_50 : vector<2048x128xf32>
    %max3A = arith.constant 0.000000e+00 : f32
    %max3A_52 = vector.broadcast %max3A : f32 to vector<2048x128xf32>
    %max3A_53 = arith.maximumf %add3A_51, %max3A_52 : vector<2048x128xf32>
    %convert_element_type3A_54 = arith.truncf %max3A_53 : vector<2048x128xf32> to vector<2048x128xbf16>
    %get3A_55 = arith.constant 0 : index
    %get3A_56 = arith.constant 0 : index
    %get3A_57 = vector.load %arg16[%get3A_55, %get3A_56] : memref<128x64xf32, #tpu.memory_space<vmem>>, vector<128x64xf32>
    %convert_element_type3A_58 = arith.truncf %get3A_57 : vector<128x64xf32> to vector<128x64xbf16>
    %dot_general3A_59 = arith.constant dense<0.000000e+00> : vector<2048x64xf32>
    %dot_general3A_60 = tpu.matmul %convert_element_type3A_54, %convert_element_type3A_58, %dot_general3A_59 {dimension_numbers = #tpu.dot_dimension_numbers<[1], [0], [0], [1], [0, 0, 1, 1], [], []>, transpose_lhs_hint = false} : vector<2048x128xbf16>, vector<128x64xbf16>, vector<2048x64xf32> -> vector<2048x64xf32>
    %get3A_61 = arith.constant 0 : index
    %get3A_62 = arith.constant 0 : index
    %get3A_63 = vector.load %arg17[%get3A_61, %get3A_62] : memref<1x64xf32, #tpu.memory_space<vmem>>, vector<1x64xf32>
    %add3A_64 = vector.broadcast %get3A_63 : vector<1x64xf32> to vector<2048x64xf32>
    %add3A_65 = arith.addf %dot_general3A_60, %add3A_64 : vector<2048x64xf32>
    %get3A_66 = arith.constant 0 : index
    %get3A_67 = arith.constant 0 : index
    %get3A_68 = vector.load %arg18[%get3A_66, %get3A_67] : memref<1x64xf32, #tpu.memory_space<vmem>>, vector<1x64xf32>
    %get3A_69 = arith.constant 0 : index
    %get3A_70 = arith.constant 0 : index
    %get3A_71 = vector.load %arg19[%get3A_69, %get3A_70] : memref<1x64xf32, #tpu.memory_space<vmem>>, vector<1x64xf32>
    %reduce_sum3A = arith.constant dense<0.000000e+00> : vector<2048xf32>
    %reduce_sum3A_72 = vector.multi_reduction <add>, %add3A_65, %reduce_sum3A [1] : vector<2048x64xf32> to vector<2048xf32>
    %broadcast_in_dim3A = vector.shape_cast %reduce_sum3A_72 : vector<2048xf32> to vector<2048x1xf32>
    %div3A = arith.constant 6.400000e+01 : f32
    %div3A_73 = vector.broadcast %div3A : f32 to vector<2048x1xf32>
    %div3A_74 = arith.divf %broadcast_in_dim3A, %div3A_73 : vector<2048x1xf32>
    %sub3A = vector.broadcast %div3A_74 : vector<2048x1xf32> to vector<2048x64xf32>
    %sub3A_75 = arith.subf %add3A_65, %sub3A : vector<2048x64xf32>
    %integer_pow3A = arith.mulf %sub3A_75, %sub3A_75 : vector<2048x64xf32>
    %reduce_sum3A_76 = arith.constant dense<0.000000e+00> : vector<2048xf32>
    %reduce_sum3A_77 = vector.multi_reduction <add>, %integer_pow3A, %reduce_sum3A_76 [1] : vector<2048x64xf32> to vector<2048xf32>
    %broadcast_in_dim3A_78 = vector.shape_cast %reduce_sum3A_77 : vector<2048xf32> to vector<2048x1xf32>
    %div3A_79 = arith.constant 6.400000e+01 : f32
    %div3A_80 = vector.broadcast %div3A_79 : f32 to vector<2048x1xf32>
    %div3A_81 = arith.divf %broadcast_in_dim3A_78, %div3A_80 : vector<2048x1xf32>
    %sub3A_82 = vector.broadcast %div3A_74 : vector<2048x1xf32> to vector<2048x64xf32>
    %sub3A_83 = arith.subf %add3A_65, %sub3A_82 : vector<2048x64xf32>
    %add3A_84 = arith.constant 9.99999974E-6 : f32
    %add3A_85 = vector.broadcast %add3A_84 : f32 to vector<2048x1xf32>
    %add3A_86 = arith.addf %div3A_81, %add3A_85 : vector<2048x1xf32>
    %sqrt3A = math.sqrt %add3A_86 : vector<2048x1xf32>
    %div3A_87 = vector.broadcast %sqrt3A : vector<2048x1xf32> to vector<2048x64xf32>
    %div3A_88 = arith.divf %sub3A_83, %div3A_87 : vector<2048x64xf32>
    %mul3A_89 = vector.broadcast %get3A_68 : vector<1x64xf32> to vector<2048x64xf32>
    %mul3A_90 = arith.mulf %div3A_88, %mul3A_89 : vector<2048x64xf32>
    %add3A_91 = vector.broadcast %get3A_71 : vector<1x64xf32> to vector<2048x64xf32>
    %add3A_92 = arith.addf %mul3A_90, %add3A_91 : vector<2048x64xf32>
    %add3A_93 = arith.addf %get3A_28, %add3A_92 : vector<2048x64xf32>
    %swap3A = arith.constant 0 : index
    %swap3A_94 = arith.constant 0 : index
    %swap3A_95 = vector.load %arg22[%swap3A, %swap3A_94] : memref<2048x64xf32, #tpu.memory_space<vmem>>, vector<2048x64xf32>
    tpu.vector_store %arg22[%swap3A, %swap3A_94], %add3A_93 {strides = array<i32>} : memref<2048x64xf32, #tpu.memory_space<vmem>>, vector<2048x64xf32>,
    %convert_element_type3A_96 = arith.truncf %add3A_93 : vector<2048x64xf32> to vector<2048x64xbf16>
    %sub3A_97 = arith.constant 1 : i32
    %sub3A_98 = arith.subi %arg0, %sub3A_97 : i32
    %max3A_99 = arith.constant 0 : i32
    %max3A_100 = arith.maxsi %sub3A_98, %max3A_99 : i32
    %get3A_101 = arith.index_cast %max3A_100 : i32 to index
    %get3A_102 = memref.load %arg1[%get3A_101] : memref<80xi32, #tpu.memory_space<smem>>
    %eq3A_103 = arith.constant 0 : i32
    %eq3A_104 = arith.cmpi eq, %arg0, %eq3A_103 : i32
    %get3A_105 = arith.index_cast %arg0 : i32 to index
    %get3A_106 = memref.load %arg1[%get3A_105] : memref<80xi32, #tpu.memory_space<smem>>
    %ne3A = arith.cmpi ne, %get3A_106, %get3A_102 : i32
    %or3A = arith.ori %eq3A_104, %ne3A : i1
    %iota3A_107 = tpu.iota {dimensions = array<i32: 0>} : vector<1024x2048xi32>
    %add3A_108 = vector.broadcast %mul3A_1 : i32 to vector<1024x2048xi32>
    %add3A_109 = arith.addi %iota3A_107, %add3A_108 : vector<1024x2048xi32>
    %get3A_110 = arith.constant 0 : index
    %get3A_111 = arith.constant 0 : index
    %get3A_112 = vector.load %arg5[%get3A_110, %get3A_111] : memref<1x2048xi32, #tpu.memory_space<vmem>>, vector<1x2048xi32>
    %eq3A_113 = vector.broadcast %get3A_112 : vector<1x2048xi32> to vector<1024x2048xi32>
    %eq3A_114 = arith.cmpi eq, %add3A_109, %eq3A_113 : vector<1024x2048xi32>
    %convert_element_type3A_115 = arith.extui %eq3A_114 : vector<1024x2048xi1> to vector<1024x2048xi32>
    %convert_element_type3A_116 = arith.sitofp %convert_element_type3A_115 : vector<1024x2048xi32> to vector<1024x2048xf32>
    %convert_element_type3A_117 = arith.truncf %convert_element_type3A_116 : vector<1024x2048xf32> to vector<1024x2048xbf16>
    %slice3A_118 = vector.extract_strided_slice %convert_element_type3A_117 {offsets = [0, 0], sizes = [256, 2048], strides = [1, 1]} : vector<1024x2048xbf16> to vector<256x2048xbf16>
    %dot_general3A_119 = arith.constant dense<0.000000e+00> : vector<256x64xf32>
    %dot_general3A_120 = tpu.matmul %slice3A_118, %convert_element_type3A_96, %dot_general3A_119 {dimension_numbers = #tpu.dot_dimension_numbers<[1], [0], [0], [1], [0, 0, 1, 1], [], []>, transpose_lhs_hint = false} : vector<256x2048xbf16>, vector<2048x64xbf16>, vector<256x64xf32> -> vector<256x64xf32>
    %convert_element_type3A_121 = arith.extui %or3A : i1 to i32
    %cond3A = arith.constant 0 : i32
    %cond3A_122 = arith.cmpi ne, %convert_element_type3A_121, %cond3A : i32
    scf.if %cond3A_122 {
      %swap3A_160 = arith.constant 0 : index
      %swap3A_161 = arith.constant 0 : index
      %swap3A_162 = vector.load %arg23[%swap3A_160, %swap3A_161] : memref<256x64xf32, #tpu.memory_space<vmem>>, vector<256x64xf32>
      tpu.vector_store %arg23[%swap3A_160, %swap3A_161], %dot_general3A_120 {strides = array<i32>} : memref<256x64xf32, #tpu.memory_space<vmem>>, vector<256x64xf32>,
    } else {
    }
    %not3A = arith.constant true
    %not3A_123 = arith.xori %or3A, %not3A : i1
    %convert_element_type3A_124 = arith.extui %not3A_123 : i1 to i32
    %cond3A_125 = arith.constant 0 : i32
    %cond3A_126 = arith.cmpi ne, %convert_element_type3A_124, %cond3A_125 : i32
    scf.if %cond3A_126 {
      %get3A_160 = arith.constant 0 : index
      %get3A_161 = arith.constant 0 : index
      %get3A_162 = vector.load %arg23[%get3A_160, %get3A_161] : memref<256x64xf32, #tpu.memory_space<vmem>>, vector<256x64xf32>
      %add3A_163 = arith.addf %get3A_162, %dot_general3A_120 : vector<256x64xf32>
      %swap3A_164 = arith.constant 0 : index
      %swap3A_165 = arith.constant 0 : index
      %swap3A_166 = vector.load %arg23[%swap3A_164, %swap3A_165] : memref<256x64xf32, #tpu.memory_space<vmem>>, vector<256x64xf32>
      tpu.vector_store %arg23[%swap3A_164, %swap3A_165], %add3A_163 {strides = array<i32>} : memref<256x64xf32, #tpu.memory_space<vmem>>, vector<256x64xf32>,
    } else {
    }
    %slice3A_127 = vector.extract_strided_slice %convert_element_type3A_117 {offsets = [256, 0], sizes = [256, 2048], strides = [1, 1]} : vector<1024x2048xbf16> to vector<256x2048xbf16>
    %dot_general3A_128 = arith.constant dense<0.000000e+00> : vector<256x64xf32>
    %dot_general3A_129 = tpu.matmul %slice3A_127, %convert_element_type3A_96, %dot_general3A_128 {dimension_numbers = #tpu.dot_dimension_numbers<[1], [0], [0], [1], [0, 0, 1, 1], [], []>, transpose_lhs_hint = false} : vector<256x2048xbf16>, vector<2048x64xbf16>, vector<256x64xf32> -> vector<256x64xf32>
    %convert_element_type3A_130 = arith.extui %or3A : i1 to i32
    %cond3A_131 = arith.constant 0 : i32
    %cond3A_132 = arith.cmpi ne, %convert_element_type3A_130, %cond3A_131 : i32
    scf.if %cond3A_132 {
      %swap3A_160 = arith.constant 0 : index
      %swap3A_161 = arith.constant 0 : index
      %swap3A_162 = vector.load %arg24[%swap3A_160, %swap3A_161] : memref<256x64xf32, #tpu.memory_space<vmem>>, vector<256x64xf32>
      tpu.vector_store %arg24[%swap3A_160, %swap3A_161], %dot_general3A_129 {strides = array<i32>} : memref<256x64xf32, #tpu.memory_space<vmem>>, vector<256x64xf32>,
    } else {
    }
    %not3A_133 = arith.constant true
    %not3A_134 = arith.xori %or3A, %not3A_133 : i1
    %convert_element_type3A_135 = arith.extui %not3A_134 : i1 to i32
    %cond3A_136 = arith.constant 0 : i32
    %cond3A_137 = arith.cmpi ne, %convert_element_type3A_135, %cond3A_136 : i32
    scf.if %cond3A_137 {
      %get3A_160 = arith.constant 0 : index
      %get3A_161 = arith.constant 0 : index
      %get3A_162 = vector.load %arg24[%get3A_160, %get3A_161] : memref<256x64xf32, #tpu.memory_space<vmem>>, vector<256x64xf32>
      %add3A_163 = arith.addf %get3A_162, %dot_general3A_129 : vector<256x64xf32>
      %swap3A_164 = arith.constant 0 : index
      %swap3A_165 = arith.constant 0 : index
      %swap3A_166 = vector.load %arg24[%swap3A_164, %swap3A_165] : memref<256x64xf32, #tpu.memory_space<vmem>>, vector<256x64xf32>
      tpu.vector_store %arg24[%swap3A_164, %swap3A_165], %add3A_163 {strides = array<i32>} : memref<256x64xf32, #tpu.memory_space<vmem>>, vector<256x64xf32>,
    } else {
    }
    %slice3A_138 = vector.extract_strided_slice %convert_element_type3A_117 {offsets = [512, 0], sizes = [256, 2048], strides = [1, 1]} : vector<1024x2048xbf16> to vector<256x2048xbf16>
    %dot_general3A_139 = arith.constant dense<0.000000e+00> : vector<256x64xf32>
    %dot_general3A_140 = tpu.matmul %slice3A_138, %convert_element_type3A_96, %dot_general3A_139 {dimension_numbers = #tpu.dot_dimension_numbers<[1], [0], [0], [1], [0, 0, 1, 1], [], []>, transpose_lhs_hint = false} : vector<256x2048xbf16>, vector<2048x64xbf16>, vector<256x64xf32> -> vector<256x64xf32>
    %convert_element_type3A_141 = arith.extui %or3A : i1 to i32
    %cond3A_142 = arith.constant 0 : i32
    %cond3A_143 = arith.cmpi ne, %convert_element_type3A_141, %cond3A_142 : i32
    scf.if %cond3A_143 {
      %swap3A_160 = arith.constant 0 : index
      %swap3A_161 = arith.constant 0 : index
      %swap3A_162 = vector.load %arg25[%swap3A_160, %swap3A_161] : memref<256x64xf32, #tpu.memory_space<vmem>>, vector<256x64xf32>
      tpu.vector_store %arg25[%swap3A_160, %swap3A_161], %dot_general3A_140 {strides = array<i32>} : memref<256x64xf32, #tpu.memory_space<vmem>>, vector<256x64xf32>,
    } else {
    }
    %not3A_144 = arith.constant true
    %not3A_145 = arith.xori %or3A, %not3A_144 : i1
    %convert_element_type3A_146 = arith.extui %not3A_145 : i1 to i32
    %cond3A_147 = arith.constant 0 : i32
    %cond3A_148 = arith.cmpi ne, %convert_element_type3A_146, %cond3A_147 : i32
    scf.if %cond3A_148 {
      %get3A_160 = arith.constant 0 : index
      %get3A_161 = arith.constant 0 : index
      %get3A_162 = vector.load %arg25[%get3A_160, %get3A_161] : memref<256x64xf32, #tpu.memory_space<vmem>>, vector<256x64xf32>
      %add3A_163 = arith.addf %get3A_162, %dot_general3A_140 : vector<256x64xf32>
      %swap3A_164 = arith.constant 0 : index
      %swap3A_165 = arith.constant 0 : index
      %swap3A_166 = vector.load %arg25[%swap3A_164, %swap3A_165] : memref<256x64xf32, #tpu.memory_space<vmem>>, vector<256x64xf32>
      tpu.vector_store %arg25[%swap3A_164, %swap3A_165], %add3A_163 {strides = array<i32>} : memref<256x64xf32, #tpu.memory_space<vmem>>, vector<256x64xf32>,
    } else {
    }
    %slice3A_149 = vector.extract_strided_slice %convert_element_type3A_117 {offsets = [768, 0], sizes = [256, 2048], strides = [1, 1]} : vector<1024x2048xbf16> to vector<256x2048xbf16>
    %dot_general3A_150 = arith.constant dense<0.000000e+00> : vector<256x64xf32>
    %dot_general3A_151 = tpu.matmul %slice3A_149, %convert_element_type3A_96, %dot_general3A_150 {dimension_numbers = #tpu.dot_dimension_numbers<[1], [0], [0], [1], [0, 0, 1, 1], [], []>, transpose_lhs_hint = false} : vector<256x2048xbf16>, vector<2048x64xbf16>, vector<256x64xf32> -> vector<256x64xf32>
    %convert_element_type3A_152 = arith.extui %or3A : i1 to i32
    %cond3A_153 = arith.constant 0 : i32
    %cond3A_154 = arith.cmpi ne, %convert_element_type3A_152, %cond3A_153 : i32
    scf.if %cond3A_154 {
      %swap3A_160 = arith.constant 0 : index
      %swap3A_161 = arith.constant 0 : index
      %swap3A_162 = vector.load %arg26[%swap3A_160, %swap3A_161] : memref<256x64xf32, #tpu.memory_space<vmem>>, vector<256x64xf32>
      tpu.vector_store %arg26[%swap3A_160, %swap3A_161], %dot_general3A_151 {strides = array<i32>} : memref<256x64xf32, #tpu.memory_space<vmem>>, vector<256x64xf32>,
    } else {
    }
    %not3A_155 = arith.constant true
    %not3A_156 = arith.xori %or3A, %not3A_155 : i1
    %convert_element_type3A_157 = arith.extui %not3A_156 : i1 to i32
    %cond3A_158 = arith.constant 0 : i32
    %cond3A_159 = arith.cmpi ne, %convert_element_type3A_157, %cond3A_158 : i32
    scf.if %cond3A_159 {
      %get3A_160 = arith.constant 0 : index
      %get3A_161 = arith.constant 0 : index
      %get3A_162 = vector.load %arg26[%get3A_160, %get3A_161] : memref<256x64xf32, #tpu.memory_space<vmem>>, vector<256x64xf32>
      %add3A_163 = arith.addf %get3A_162, %dot_general3A_151 : vector<256x64xf32>
      %swap3A_164 = arith.constant 0 : index
      %swap3A_165 = arith.constant 0 : index
      %swap3A_166 = vector.load %arg26[%swap3A_164, %swap3A_165] : memref<256x64xf32, #tpu.memory_space<vmem>>, vector<256x64xf32>
      tpu.vector_store %arg26[%swap3A_164, %swap3A_165], %add3A_163 {strides = array<i32>} : memref<256x64xf32, #tpu.memory_space<vmem>>, vector<256x64xf32>,
    } else {
    }
    return
  }
  func.func @transform_0(%arg0: i32, %arg1: memref<80xi32, #tpu.memory_space<smem>>) -> (i32, i32) {
    %c0_i32 = arith.constant 0 : i32
    %c0_i32_0 = arith.constant 0 : i32
    return %arg0, %c0_i32 : i32, i32
  }
  func.func @transform_1(%arg0: i32, %arg1: memref<80xi32, #tpu.memory_space<smem>>) -> (i32, i32) {
    %c0_i32 = arith.constant 0 : i32
    %c0_i32_0 = arith.constant 0 : i32
    return %arg0, %c0_i32 : i32, i32
  }
  func.func @transform_2(%arg0: i32, %arg1: memref<80xi32, #tpu.memory_space<smem>>) -> (i32, i32) {
    %c0_i32 = arith.constant 0 : i32
    %c0_i32_0 = arith.constant 0 : i32
    return %arg0, %c0_i32 : i32, i32
  }
  func.func @transform_3(%arg0: i32, %arg1: memref<80xi32, #tpu.memory_space<smem>>) -> (i32, i32) {
    %c0_i32 = arith.constant 0 : i32
    %c0_i32_0 = arith.constant 0 : i32
    return %c0_i32, %arg0 : i32, i32
  }
  func.func @transform_4(%arg0: i32, %arg1: memref<80xi32, #tpu.memory_space<smem>>) -> (i32, i32) {
    %get3A = arith.index_cast %arg0 : i32 to index
    %get3A_0 = memref.load %arg1[%get3A] : memref<80xi32, #tpu.memory_space<smem>>
    %add3A = arith.constant 0 : i32
    %add3A_1 = arith.addi %get3A_0, %add3A : i32
    %c0_i32 = arith.constant 0 : i32
    %c0_i32_2 = arith.constant 0 : i32
    return %add3A_1, %c0_i32 : i32, i32
  }
  func.func @transform_5(%arg0: i32, %arg1: memref<80xi32, #tpu.memory_space<smem>>) -> (i32, i32) {
    %get3A = arith.index_cast %arg0 : i32 to index
    %get3A_0 = memref.load %arg1[%get3A] : memref<80xi32, #tpu.memory_space<smem>>
    %add3A = arith.constant 1 : i32
    %add3A_1 = arith.addi %get3A_0, %add3A : i32
    %c0_i32 = arith.constant 0 : i32
    %c0_i32_2 = arith.constant 0 : i32
    return %add3A_1, %c0_i32 : i32, i32
  }
  func.func @transform_6(%arg0: i32, %arg1: memref<80xi32, #tpu.memory_space<smem>>) -> (i32, i32) {
    %get3A = arith.index_cast %arg0 : i32 to index
    %get3A_0 = memref.load %arg1[%get3A] : memref<80xi32, #tpu.memory_space<smem>>
    %add3A = arith.constant 2 : i32
    %add3A_1 = arith.addi %get3A_0, %add3A : i32
    %c0_i32 = arith.constant 0 : i32
    %c0_i32_2 = arith.constant 0 : i32
    return %add3A_1, %c0_i32 : i32, i32
  }
  func.func @transform_7(%arg0: i32, %arg1: memref<80xi32, #tpu.memory_space<smem>>) -> (i32, i32) {
    %get3A = arith.index_cast %arg0 : i32 to index
    %get3A_0 = memref.load %arg1[%get3A] : memref<80xi32, #tpu.memory_space<smem>>
    %add3A = arith.constant 3 : i32
    %add3A_1 = arith.addi %get3A_0, %add3A : i32
    %c0_i32 = arith.constant 0 : i32
    %c0_i32_2 = arith.constant 0 : i32
    return %add3A_1, %c0_i32 : i32, i32
  }
  func.func @transform_8(%arg0: i32, %arg1: memref<80xi32, #tpu.memory_space<smem>>) -> (i32, i32) {
    %get3A = arith.index_cast %arg0 : i32 to index
    %get3A_0 = memref.load %arg1[%get3A] : memref<80xi32, #tpu.memory_space<smem>>
    %add3A = arith.constant 0 : i32
    %add3A_1 = arith.addi %get3A_0, %add3A : i32
    %c0_i32 = arith.constant 0 : i32
    %c0_i32_2 = arith.constant 0 : i32
    return %add3A_1, %c0_i32 : i32, i32
  }
  func.func @transform_9(%arg0: i32, %arg1: memref<80xi32, #tpu.memory_space<smem>>) -> (i32, i32) {
    %get3A = arith.index_cast %arg0 : i32 to index
    %get3A_0 = memref.load %arg1[%get3A] : memref<80xi32, #tpu.memory_space<smem>>
    %add3A = arith.constant 1 : i32
    %add3A_1 = arith.addi %get3A_0, %add3A : i32
    %c0_i32 = arith.constant 0 : i32
    %c0_i32_2 = arith.constant 0 : i32
    return %add3A_1, %c0_i32 : i32, i32
  }
  func.func @transform_10(%arg0: i32, %arg1: memref<80xi32, #tpu.memory_space<smem>>) -> (i32, i32) {
    %get3A = arith.index_cast %arg0 : i32 to index
    %get3A_0 = memref.load %arg1[%get3A] : memref<80xi32, #tpu.memory_space<smem>>
    %add3A = arith.constant 2 : i32
    %add3A_1 = arith.addi %get3A_0, %add3A : i32
    %c0_i32 = arith.constant 0 : i32
    %c0_i32_2 = arith.constant 0 : i32
    return %add3A_1, %c0_i32 : i32, i32
  }
  func.func @transform_11(%arg0: i32, %arg1: memref<80xi32, #tpu.memory_space<smem>>) -> (i32, i32) {
    %get3A = arith.index_cast %arg0 : i32 to index
    %get3A_0 = memref.load %arg1[%get3A] : memref<80xi32, #tpu.memory_space<smem>>
    %add3A = arith.constant 3 : i32
    %add3A_1 = arith.addi %get3A_0, %add3A : i32
    %c0_i32 = arith.constant 0 : i32
    %c0_i32_2 = arith.constant 0 : i32
    return %add3A_1, %c0_i32 : i32, i32
  }
  func.func @transform_12(%arg0: i32, %arg1: memref<80xi32, #tpu.memory_space<smem>>) -> (i32, i32) {
    %c0_i32 = arith.constant 0 : i32
    %c0_i32_0 = arith.constant 0 : i32
    %c0_i32_1 = arith.constant 0 : i32
    return %c0_i32, %c0_i32_0 : i32, i32
  }
  func.func @transform_13(%arg0: i32, %arg1: memref<80xi32, #tpu.memory_space<smem>>) -> (i32, i32) {
    %c0_i32 = arith.constant 0 : i32
    %c0_i32_0 = arith.constant 0 : i32
    %c0_i32_1 = arith.constant 0 : i32
    return %c0_i32, %c0_i32_0 : i32, i32
  }
  func.func @transform_14(%arg0: i32, %arg1: memref<80xi32, #tpu.memory_space<smem>>) -> (i32, i32) {
    %c0_i32 = arith.constant 0 : i32
    %c0_i32_0 = arith.constant 0 : i32
    %c0_i32_1 = arith.constant 0 : i32
    return %c0_i32, %c0_i32_0 : i32, i32
  }
  func.func @transform_15(%arg0: i32, %arg1: memref<80xi32, #tpu.memory_space<smem>>) -> (i32, i32) {
    %c0_i32 = arith.constant 0 : i32
    %c0_i32_0 = arith.constant 0 : i32
    %c0_i32_1 = arith.constant 0 : i32
    return %c0_i32, %c0_i32_0 : i32, i32
  }
  func.func @transform_16(%arg0: i32, %arg1: memref<80xi32, #tpu.memory_space<smem>>) -> (i32, i32) {
    %c0_i32 = arith.constant 0 : i32
    %c0_i32_0 = arith.constant 0 : i32
    %c0_i32_1 = arith.constant 0 : i32
    return %c0_i32, %c0_i32_0 : i32, i32
  }
  func.func @transform_17(%arg0: i32, %arg1: memref<80xi32, #tpu.memory_space<smem>>) -> (i32, i32) {
    %c0_i32 = arith.constant 0 : i32
    %c0_i32_0 = arith.constant 0 : i32
    %c0_i32_1 = arith.constant 0 : i32
    return %c0_i32, %c0_i32_0 : i32, i32
  }
  func.func @transform_18(%arg0: i32, %arg1: memref<80xi32, #tpu.memory_space<smem>>) -> (i32, i32) {
    %c0_i32 = arith.constant 0 : i32
    %c0_i32_0 = arith.constant 0 : i32
    %c0_i32_1 = arith.constant 0 : i32
    return %c0_i32, %c0_i32_0 : i32, i32
  }
  func.func @transform_19(%arg0: i32, %arg1: memref<80xi32, #tpu.memory_space<smem>>) -> (i32, i32) {
    %c0_i32 = arith.constant 0 : i32
    %c0_i32_0 = arith.constant 0 : i32
    %c0_i32_1 = arith.constant 0 : i32
    return %c0_i32, %c0_i32_0 : i32, i32
  }
  func.func @transform_20(%arg0: i32, %arg1: memref<80xi32, #tpu.memory_space<smem>>) -> (i32, i32) {
    %c0_i32 = arith.constant 0 : i32
    %c0_i32_0 = arith.constant 0 : i32
    return %arg0, %c0_i32 : i32, i32
  }
  func.func @transform_21(%arg0: i32, %arg1: memref<80xi32, #tpu.memory_space<smem>>) -> (i32, i32) {
    %get3A = arith.index_cast %arg0 : i32 to index
    %get3A_0 = memref.load %arg1[%get3A] : memref<80xi32, #tpu.memory_space<smem>>
    %add3A = arith.constant 0 : i32
    %add3A_1 = arith.addi %get3A_0, %add3A : i32
    %c0_i32 = arith.constant 0 : i32
    %c0_i32_2 = arith.constant 0 : i32
    return %add3A_1, %c0_i32 : i32, i32
  }
  func.func @transform_22(%arg0: i32, %arg1: memref<80xi32, #tpu.memory_space<smem>>) -> (i32, i32) {
    %get3A = arith.index_cast %arg0 : i32 to index
    %get3A_0 = memref.load %arg1[%get3A] : memref<80xi32, #tpu.memory_space<smem>>
    %add3A = arith.constant 1 : i32
    %add3A_1 = arith.addi %get3A_0, %add3A : i32
    %c0_i32 = arith.constant 0 : i32
    %c0_i32_2 = arith.constant 0 : i32
    return %add3A_1, %c0_i32 : i32, i32
  }
  func.func @transform_23(%arg0: i32, %arg1: memref<80xi32, #tpu.memory_space<smem>>) -> (i32, i32) {
    %get3A = arith.index_cast %arg0 : i32 to index
    %get3A_0 = memref.load %arg1[%get3A] : memref<80xi32, #tpu.memory_space<smem>>
    %add3A = arith.constant 2 : i32
    %add3A_1 = arith.addi %get3A_0, %add3A : i32
    %c0_i32 = arith.constant 0 : i32
    %c0_i32_2 = arith.constant 0 : i32
    return %add3A_1, %c0_i32 : i32, i32
  }
  func.func @transform_24(%arg0: i32, %arg1: memref<80xi32, #tpu.memory_space<smem>>) -> (i32, i32) {
    %get3A = arith.index_cast %arg0 : i32 to index
    %get3A_0 = memref.load %arg1[%get3A] : memref<80xi32, #tpu.memory_space<smem>>
    %add3A = arith.constant 3 : i32
    %add3A_1 = arith.addi %get3A_0, %add3A : i32
    %c0_i32 = arith.constant 0 : i32
    %c0_i32_2 = arith.constant 0 : i32
    return %add3A_1, %c0_i32 : i32, i32
  }
}

module attributes {stable_mosaic.version = 14 : i64} {
  func.func @_edge_layer_body(%arg0: i32, %arg1: memref<80xi32, #tpu.memory_space<smem>>, %arg2: memref<2048x208xbf16, #tpu.memory_space<vmem>>, %arg3: memref<2048x64xf32, #tpu.memory_space<vmem>>, %arg4: memref<2048x1xi32, #tpu.memory_space<vmem>>, %arg5: memref<1x2048xi32, #tpu.memory_space<vmem>>, %arg6: memref<256x80xbf16, #tpu.memory_space<vmem>>, %arg7: memref<256x80xbf16, #tpu.memory_space<vmem>>, %arg8: memref<256x80xbf16, #tpu.memory_space<vmem>>, %arg9: memref<256x80xbf16, #tpu.memory_space<vmem>>, %arg10: memref<256x64xf32, #tpu.memory_space<vmem>>, %arg11: memref<256x64xf32, #tpu.memory_space<vmem>>, %arg12: memref<256x64xf32, #tpu.memory_space<vmem>>, %arg13: memref<256x64xf32, #tpu.memory_space<vmem>>, %arg14: memref<192x128xf32, #tpu.memory_space<vmem>>, %arg15: memref<1x128xf32, #tpu.memory_space<vmem>>, %arg16: memref<128x64xf32, #tpu.memory_space<vmem>>, %arg17: memref<1x64xf32, #tpu.memory_space<vmem>>, %arg18: memref<1x64xf32, #tpu.memory_space<vmem>>, %arg19: memref<1x64xf32, #tpu.memory_space<vmem>>, %arg20: memref<1x15xf32, #tpu.memory_space<vmem>>, %arg21: memref<1x19xf32, #tpu.memory_space<vmem>>, %arg22: memref<2048x64xf32, #tpu.memory_space<vmem>>, %arg23: memref<256x64xf32, #tpu.memory_space<vmem>>, %arg24: memref<256x64xf32, #tpu.memory_space<vmem>>, %arg25: memref<256x64xf32, #tpu.memory_space<vmem>>, %arg26: memref<256x64xf32, #tpu.memory_space<vmem>>) attributes {dimension_semantics = [#tpu.dimension_semantics<arbitrary>], iteration_bounds = array<i64: 80>, scalar_prefetch = 1 : i64, scratch_operands = 0 : i64, tpu.core_type = #tpu.core_type<tc>, window_params = [{transform_indices = @transform_0, window_bounds = array<i64: 2048, 208>}, {transform_indices = @transform_1, window_bounds = array<i64: 2048, 64>}, {transform_indices = @transform_2, window_bounds = array<i64: 2048, 1>}, {transform_indices = @transform_3, window_bounds = array<i64: 1, 2048>}, {transform_indices = @transform_4, window_bounds = array<i64: 256, 80>}, {transform_indices = @transform_5, window_bounds = array<i64: 256, 80>}, {transform_indices = @transform_6, window_bounds = array<i64: 256, 80>}, {transform_indices = @transform_7, window_bounds = array<i64: 256, 80>}, {transform_indices = @transform_8, window_bounds = array<i64: 256, 64>}, {transform_indices = @transform_9, window_bounds = array<i64: 256, 64>}, {transform_indices = @transform_10, window_bounds = array<i64: 256, 64>}, {transform_indices = @transform_11, window_bounds = array<i64: 256, 64>}, {pipeline_mode = #tpu.pipeline_mode<synchronous>, transform_indices = @transform_12, window_bounds = array<i64: 192, 128>}, {pipeline_mode = #tpu.pipeline_mode<synchronous>, transform_indices = @transform_13, window_bounds = array<i64: 1, 128>}, {pipeline_mode = #tpu.pipeline_mode<synchronous>, transform_indices = @transform_14, window_bounds = array<i64: 128, 64>}, {pipeline_mode = #tpu.pipeline_mode<synchronous>, transform_indices = @transform_15, window_bounds = array<i64: 1, 64>}, {pipeline_mode = #tpu.pipeline_mode<synchronous>, transform_indices = @transform_16, window_bounds = array<i64: 1, 64>}, {pipeline_mode = #tpu.pipeline_mode<synchronous>, transform_indices = @transform_17, window_bounds = array<i64: 1, 64>}, {pipeline_mode = #tpu.pipeline_mode<synchronous>, transform_indices = @transform_18, window_bounds = array<i64: 1, 15>}, {pipeline_mode = #tpu.pipeline_mode<synchronous>, transform_indices = @transform_19, window_bounds = array<i64: 1, 19>}, {transform_indices = @transform_20, window_bounds = array<i64: 2048, 64>}, {transform_indices = @transform_21, window_bounds = array<i64: 256, 64>}, {transform_indices = @transform_22, window_bounds = array<i64: 256, 64>}, {transform_indices = @transform_23, window_bounds = array<i64: 256, 64>}, {transform_indices = @transform_24, window_bounds = array<i64: 256, 64>}]} {
    %get3A = arith.index_cast %arg0 : i32 to index
    %get3A_0 = memref.load %arg1[%get3A] : memref<80xi32, #tpu.memory_space<smem>>
    %mul3A = arith.constant 256 : i32
    %mul3A_1 = arith.muli %get3A_0, %mul3A : i32
    %get3A_2 = arith.constant 0 : index
    %get3A_3 = arith.constant 0 : index
    %get3A_4 = vector.load %arg4[%get3A_2, %get3A_3] : memref<2048x1xi32, #tpu.memory_space<vmem>>, vector<2048x1xi32>
    %iota3A = tpu.iota {dimensions = array<i32: 1>} : vector<2048x1024xi32>
    %add3A = vector.broadcast %mul3A_1 : i32 to vector<2048x1024xi32>
    %add3A_5 = arith.addi %iota3A, %add3A : vector<2048x1024xi32>
    %eq3A = vector.broadcast %get3A_4 : vector<2048x1xi32> to vector<2048x1024xi32>
    %eq3A_6 = arith.cmpi eq, %eq3A, %add3A_5 : vector<2048x1024xi32>
    %convert_element_type3A = arith.extui %eq3A_6 : vector<2048x1024xi1> to vector<2048x1024xi32>
    %convert_element_type3A_7 = arith.sitofp %convert_element_type3A : vector<2048x1024xi32> to vector<2048x1024xf32>
    %convert_element_type3A_8 = arith.truncf %convert_element_type3A_7 : vector<2048x1024xf32> to vector<2048x1024xbf16>
    %get3A_9 = arith.constant 0 : index
    %get3A_10 = arith.constant 0 : index
    %get3A_11 = vector.load %arg6[%get3A_9, %get3A_10] : memref<256x80xbf16, #tpu.memory_space<vmem>>, vector<256x80xbf16>
    %get3A_12 = arith.constant 0 : index
    %get3A_13 = arith.constant 0 : index
    %get3A_14 = vector.load %arg7[%get3A_12, %get3A_13] : memref<256x80xbf16, #tpu.memory_space<vmem>>, vector<256x80xbf16>
    %get3A_15 = arith.constant 0 : index
    %get3A_16 = arith.constant 0 : index
    %get3A_17 = vector.load %arg8[%get3A_15, %get3A_16] : memref<256x80xbf16, #tpu.memory_space<vmem>>, vector<256x80xbf16>
    %get3A_18 = arith.constant 0 : index
    %get3A_19 = arith.constant 0 : index
    %get3A_20 = vector.load %arg9[%get3A_18, %get3A_19] : memref<256x80xbf16, #tpu.memory_space<vmem>>, vector<256x80xbf16>
    %concatenate3A = tpu.concatenate %get3A_11, %get3A_14, %get3A_17, %get3A_20 in 0 : vector<256x80xbf16>, vector<256x80xbf16>, vector<256x80xbf16>, vector<256x80xbf16> -> vector<1024x80xbf16>
    %dot_general3A = arith.constant dense<0.000000e+00> : vector<2048x80xf32>
    %dot_general3A_21 = tpu.matmul %convert_element_type3A_8, %concatenate3A, %dot_general3A {dimension_numbers = #tpu.dot_dimension_numbers<[1], [0], [0], [1], [0, 0, 1, 1], [], []>, transpose_lhs_hint = false} : vector<2048x1024xbf16>, vector<1024x80xbf16>, vector<2048x80xf32> -> vector<2048x80xf32>
    %slice3A = vector.extract_strided_slice %dot_general3A_21 {offsets = [0, 16], sizes = [2048, 64], strides = [1, 1]} : vector<2048x80xf32> to vector<2048x64xf32>
    %convert_element_type3A_22 = arith.truncf %slice3A : vector<2048x64xf32> to vector<2048x64xbf16>
    %get3A_23 = arith.constant 0 : index
    %get3A_24 = arith.constant 144 : index
    %get3A_25 = vector.load %arg2[%get3A_23, %get3A_24] : memref<2048x208xbf16, #tpu.memory_space<vmem>>, vector<2048x64xbf16>
    %get3A_26 = arith.constant 0 : index
    %get3A_27 = arith.constant 0 : index
    %get3A_28 = vector.load %arg3[%get3A_26, %get3A_27] : memref<2048x64xf32, #tpu.memory_space<vmem>>, vector<2048x64xf32>
    %get3A_29 = arith.constant 0 : index
    %get3A_30 = arith.constant 0 : index
    %get3A_31 = vector.load %arg14[%get3A_29, %get3A_30] : memref<192x128xf32, #tpu.memory_space<vmem>>, vector<192x128xf32>
    %slice3A_32 = vector.extract_strided_slice %get3A_31 {offsets = [0, 0], sizes = [64, 128], strides = [1, 1]} : vector<192x128xf32> to vector<64x128xf32>
    %convert_element_type3A_33 = arith.truncf %slice3A_32 : vector<64x128xf32> to vector<64x128xbf16>
    %dot_general3A_34 = arith.constant dense<0.000000e+00> : vector<2048x128xf32>
    %dot_general3A_35 = tpu.matmul %get3A_25, %convert_element_type3A_33, %dot_general3A_34 {dimension_numbers = #tpu.dot_dimension_numbers<[1], [0], [0], [1], [0, 0, 1, 1], [], []>, transpose_lhs_hint = false} : vector<2048x64xbf16>, vector<64x128xbf16>, vector<2048x128xf32> -> vector<2048x128xf32>
    %slice3A_36 = vector.extract_strided_slice %get3A_31 {offsets = [64, 0], sizes = [64, 128], strides = [1, 1]} : vector<192x128xf32> to vector<64x128xf32>
    %convert_element_type3A_37 = arith.truncf %slice3A_36 : vector<64x128xf32> to vector<64x128xbf16>
    %dot_general3A_38 = arith.constant dense<0.000000e+00> : vector<2048x128xf32>
    %dot_general3A_39 = tpu.matmul %convert_element_type3A_22, %convert_element_type3A_37, %dot_general3A_38 {dimension_numbers = #tpu.dot_dimension_numbers<[1], [0], [0], [1], [0, 0, 1, 1], [], []>, transpose_lhs_hint = false} : vector<2048x64xbf16>, vector<64x128xbf16>, vector<2048x128xf32> -> vector<2048x128xf32>
    %add3A_40 = arith.addf %dot_general3A_35, %dot_general3A_39 : vector<2048x128xf32>
    %convert_element_type3A_41 = arith.truncf %get3A_28 : vector<2048x64xf32> to vector<2048x64xbf16>
    %slice3A_42 = vector.extract_strided_slice %get3A_31 {offsets = [128, 0], sizes = [64, 128], strides = [1, 1]} : vector<192x128xf32> to vector<64x128xf32>
    %convert_element_type3A_43 = arith.truncf %slice3A_42 : vector<64x128xf32> to vector<64x128xbf16>
    %dot_general3A_44 = arith.constant dense<0.000000e+00> : vector<2048x128xf32>
    %dot_general3A_45 = tpu.matmul %convert_element_type3A_41, %convert_element_type3A_43, %dot_general3A_44 {dimension_numbers = #tpu.dot_dimension_numbers<[1], [0], [0], [1], [0, 0, 1, 1], [], []>, transpose_lhs_hint = false} : vector<2048x64xbf16>, vector<64x128xbf16>, vector<2048x128xf32> -> vector<2048x128xf32>
    %add3A_46 = arith.addf %add3A_40, %dot_general3A_45 : vector<2048x128xf32>
    %get3A_47 = arith.constant 0 : index
    %get3A_48 = arith.constant 0 : index
    %get3A_49 = vector.load %arg15[%get3A_47, %get3A_48] : memref<1x128xf32, #tpu.memory_space<vmem>>, vector<1x128xf32>
    %add3A_50 = vector.broadcast %get3A_49 : vector<1x128xf32> to vector<2048x128xf32>
    %add3A_51 = arith.addf %add3A_46, %add3A_50 : vector<2048x128xf32>
    %max3A = arith.constant 0.000000e+00 : f32
    %max3A_52 = vector.broadcast %max3A : f32 to vector<2048x128xf32>
    %max3A_53 = arith.maximumf %add3A_51, %max3A_52 : vector<2048x128xf32>
    %convert_element_type3A_54 = arith.truncf %max3A_53 : vector<2048x128xf32> to vector<2048x128xbf16>
    %get3A_55 = arith.constant 0 : index
    %get3A_56 = arith.constant 0 : index
    %get3A_57 = vector.load %arg16[%get3A_55, %get3A_56] : memref<128x64xf32, #tpu.memory_space<vmem>>, vector<128x64xf32>
    %convert_element_type3A_58 = arith.truncf %get3A_57 : vector<128x64xf32> to vector<128x64xbf16>
    %dot_general3A_59 = arith.constant dense<0.000000e+00> : vector<2048x64xf32>
    %dot_general3A_60 = tpu.matmul %convert_element_type3A_54, %convert_element_type3A_58, %dot_general3A_59 {dimension_numbers = #tpu.dot_dimension_numbers<[1], [0], [0], [1], [0, 0, 1, 1], [], []>, transpose_lhs_hint = false} : vector<2048x128xbf16>, vector<128x64xbf16>, vector<2048x64xf32> -> vector<2048x64xf32>
    %get3A_61 = arith.constant 0 : index
    %get3A_62 = arith.constant 0 : index
    %get3A_63 = vector.load %arg17[%get3A_61, %get3A_62] : memref<1x64xf32, #tpu.memory_space<vmem>>, vector<1x64xf32>
    %add3A_64 = vector.broadcast %get3A_63 : vector<1x64xf32> to vector<2048x64xf32>
    %add3A_65 = arith.addf %dot_general3A_60, %add3A_64 : vector<2048x64xf32>
    %get3A_66 = arith.constant 0 : index
    %get3A_67 = arith.constant 0 : index
    %get3A_68 = vector.load %arg18[%get3A_66, %get3A_67] : memref<1x64xf32, #tpu.memory_space<vmem>>, vector<1x64xf32>
    %get3A_69 = arith.constant 0 : index
    %get3A_70 = arith.constant 0 : index
    %get3A_71 = vector.load %arg19[%get3A_69, %get3A_70] : memref<1x64xf32, #tpu.memory_space<vmem>>, vector<1x64xf32>
    %reduce_sum3A = arith.constant dense<0.000000e+00> : vector<2048xf32>
    %reduce_sum3A_72 = vector.multi_reduction <add>, %add3A_65, %reduce_sum3A [1] : vector<2048x64xf32> to vector<2048xf32>
    %broadcast_in_dim3A = vector.shape_cast %reduce_sum3A_72 : vector<2048xf32> to vector<2048x1xf32>
    %div3A = arith.constant 6.400000e+01 : f32
    %div3A_73 = vector.broadcast %div3A : f32 to vector<2048x1xf32>
    %div3A_74 = arith.divf %broadcast_in_dim3A, %div3A_73 : vector<2048x1xf32>
    %sub3A = vector.broadcast %div3A_74 : vector<2048x1xf32> to vector<2048x64xf32>
    %sub3A_75 = arith.subf %add3A_65, %sub3A : vector<2048x64xf32>
    %integer_pow3A = arith.mulf %sub3A_75, %sub3A_75 : vector<2048x64xf32>
    %reduce_sum3A_76 = arith.constant dense<0.000000e+00> : vector<2048xf32>
    %reduce_sum3A_77 = vector.multi_reduction <add>, %integer_pow3A, %reduce_sum3A_76 [1] : vector<2048x64xf32> to vector<2048xf32>
    %broadcast_in_dim3A_78 = vector.shape_cast %reduce_sum3A_77 : vector<2048xf32> to vector<2048x1xf32>
    %div3A_79 = arith.constant 6.400000e+01 : f32
    %div3A_80 = vector.broadcast %div3A_79 : f32 to vector<2048x1xf32>
    %div3A_81 = arith.divf %broadcast_in_dim3A_78, %div3A_80 : vector<2048x1xf32>
    %sub3A_82 = vector.broadcast %div3A_74 : vector<2048x1xf32> to vector<2048x64xf32>
    %sub3A_83 = arith.subf %add3A_65, %sub3A_82 : vector<2048x64xf32>
    %add3A_84 = arith.constant 9.99999974E-6 : f32
    %add3A_85 = vector.broadcast %add3A_84 : f32 to vector<2048x1xf32>
    %add3A_86 = arith.addf %div3A_81, %add3A_85 : vector<2048x1xf32>
    %sqrt3A = math.sqrt %add3A_86 : vector<2048x1xf32>
    %div3A_87 = vector.broadcast %sqrt3A : vector<2048x1xf32> to vector<2048x64xf32>
    %div3A_88 = arith.divf %sub3A_83, %div3A_87 : vector<2048x64xf32>
    %mul3A_89 = vector.broadcast %get3A_68 : vector<1x64xf32> to vector<2048x64xf32>
    %mul3A_90 = arith.mulf %div3A_88, %mul3A_89 : vector<2048x64xf32>
    %add3A_91 = vector.broadcast %get3A_71 : vector<1x64xf32> to vector<2048x64xf32>
    %add3A_92 = arith.addf %mul3A_90, %add3A_91 : vector<2048x64xf32>
    %add3A_93 = arith.addf %get3A_28, %add3A_92 : vector<2048x64xf32>
    %swap3A = arith.constant 0 : index
    %swap3A_94 = arith.constant 0 : index
    %swap3A_95 = vector.load %arg22[%swap3A, %swap3A_94] : memref<2048x64xf32, #tpu.memory_space<vmem>>, vector<2048x64xf32>
    tpu.vector_store %arg22[%swap3A, %swap3A_94], %add3A_93 {strides = array<i32>} : memref<2048x64xf32, #tpu.memory_space<vmem>>, vector<2048x64xf32>,
    %convert_element_type3A_96 = arith.truncf %add3A_93 : vector<2048x64xf32> to vector<2048x64xbf16>
    %sub3A_97 = arith.constant 1 : i32
    %sub3A_98 = arith.subi %arg0, %sub3A_97 : i32
    %max3A_99 = arith.constant 0 : i32
    %max3A_100 = arith.maxsi %sub3A_98, %max3A_99 : i32
    %get3A_101 = arith.index_cast %max3A_100 : i32 to index
    %get3A_102 = memref.load %arg1[%get3A_101] : memref<80xi32, #tpu.memory_space<smem>>
    %eq3A_103 = arith.constant 0 : i32
    %eq3A_104 = arith.cmpi eq, %arg0, %eq3A_103 : i32
    %get3A_105 = arith.index_cast %arg0 : i32 to index
    %get3A_106 = memref.load %arg1[%get3A_105] : memref<80xi32, #tpu.memory_space<smem>>
    %ne3A = arith.cmpi ne, %get3A_106, %get3A_102 : i32
    %or3A = arith.ori %eq3A_104, %ne3A : i1
    %iota3A_107 = tpu.iota {dimensions = array<i32: 0>} : vector<1024x2048xi32>
    %add3A_108 = vector.broadcast %mul3A_1 : i32 to vector<1024x2048xi32>
    %add3A_109 = arith.addi %iota3A_107, %add3A_108 : vector<1024x2048xi32>
    %get3A_110 = arith.constant 0 : index
    %get3A_111 = arith.constant 0 : index
    %get3A_112 = vector.load %arg5[%get3A_110, %get3A_111] : memref<1x2048xi32, #tpu.memory_space<vmem>>, vector<1x2048xi32>
    %eq3A_113 = vector.broadcast %get3A_112 : vector<1x2048xi32> to vector<1024x2048xi32>
    %eq3A_114 = arith.cmpi eq, %add3A_109, %eq3A_113 : vector<1024x2048xi32>
    %convert_element_type3A_115 = arith.extui %eq3A_114 : vector<1024x2048xi1> to vector<1024x2048xi32>
    %convert_element_type3A_116 = arith.sitofp %convert_element_type3A_115 : vector<1024x2048xi32> to vector<1024x2048xf32>
    %convert_element_type3A_117 = arith.truncf %convert_element_type3A_116 : vector<1024x2048xf32> to vector<1024x2048xbf16>
    %slice3A_118 = vector.extract_strided_slice %convert_element_type3A_117 {offsets = [0, 0], sizes = [256, 2048], strides = [1, 1]} : vector<1024x2048xbf16> to vector<256x2048xbf16>
    %dot_general3A_119 = arith.constant dense<0.000000e+00> : vector<256x64xf32>
    %dot_general3A_120 = tpu.matmul %slice3A_118, %convert_element_type3A_96, %dot_general3A_119 {dimension_numbers = #tpu.dot_dimension_numbers<[1], [0], [0], [1], [0, 0, 1, 1], [], []>, transpose_lhs_hint = false} : vector<256x2048xbf16>, vector<2048x64xbf16>, vector<256x64xf32> -> vector<256x64xf32>
    %convert_element_type3A_121 = arith.extui %or3A : i1 to i32
    %cond3A = arith.constant 0 : i32
    %cond3A_122 = arith.cmpi ne, %convert_element_type3A_121, %cond3A : i32
    scf.if %cond3A_122 {
      %swap3A_160 = arith.constant 0 : index
      %swap3A_161 = arith.constant 0 : index
      %swap3A_162 = vector.load %arg23[%swap3A_160, %swap3A_161] : memref<256x64xf32, #tpu.memory_space<vmem>>, vector<256x64xf32>
      tpu.vector_store %arg23[%swap3A_160, %swap3A_161], %dot_general3A_120 {strides = array<i32>} : memref<256x64xf32, #tpu.memory_space<vmem>>, vector<256x64xf32>,
    } else {
    }
    %not3A = arith.constant true
    %not3A_123 = arith.xori %or3A, %not3A : i1
    %convert_element_type3A_124 = arith.extui %not3A_123 : i1 to i32
    %cond3A_125 = arith.constant 0 : i32
    %cond3A_126 = arith.cmpi ne, %convert_element_type3A_124, %cond3A_125 : i32
    scf.if %cond3A_126 {
      %get3A_160 = arith.constant 0 : index
      %get3A_161 = arith.constant 0 : index
      %get3A_162 = vector.load %arg23[%get3A_160, %get3A_161] : memref<256x64xf32, #tpu.memory_space<vmem>>, vector<256x64xf32>
      %add3A_163 = arith.addf %get3A_162, %dot_general3A_120 : vector<256x64xf32>
      %swap3A_164 = arith.constant 0 : index
      %swap3A_165 = arith.constant 0 : index
      %swap3A_166 = vector.load %arg23[%swap3A_164, %swap3A_165] : memref<256x64xf32, #tpu.memory_space<vmem>>, vector<256x64xf32>
      tpu.vector_store %arg23[%swap3A_164, %swap3A_165], %add3A_163 {strides = array<i32>} : memref<256x64xf32, #tpu.memory_space<vmem>>, vector<256x64xf32>,
    } else {
    }
    %slice3A_127 = vector.extract_strided_slice %convert_element_type3A_117 {offsets = [256, 0], sizes = [256, 2048], strides = [1, 1]} : vector<1024x2048xbf16> to vector<256x2048xbf16>
    %dot_general3A_128 = arith.constant dense<0.000000e+00> : vector<256x64xf32>
    %dot_general3A_129 = tpu.matmul %slice3A_127, %convert_element_type3A_96, %dot_general3A_128 {dimension_numbers = #tpu.dot_dimension_numbers<[1], [0], [0], [1], [0, 0, 1, 1], [], []>, transpose_lhs_hint = false} : vector<256x2048xbf16>, vector<2048x64xbf16>, vector<256x64xf32> -> vector<256x64xf32>
    %convert_element_type3A_130 = arith.extui %or3A : i1 to i32
    %cond3A_131 = arith.constant 0 : i32
    %cond3A_132 = arith.cmpi ne, %convert_element_type3A_130, %cond3A_131 : i32
    scf.if %cond3A_132 {
      %swap3A_160 = arith.constant 0 : index
      %swap3A_161 = arith.constant 0 : index
      %swap3A_162 = vector.load %arg24[%swap3A_160, %swap3A_161] : memref<256x64xf32, #tpu.memory_space<vmem>>, vector<256x64xf32>
      tpu.vector_store %arg24[%swap3A_160, %swap3A_161], %dot_general3A_129 {strides = array<i32>} : memref<256x64xf32, #tpu.memory_space<vmem>>, vector<256x64xf32>,
    } else {
    }
    %not3A_133 = arith.constant true
    %not3A_134 = arith.xori %or3A, %not3A_133 : i1
    %convert_element_type3A_135 = arith.extui %not3A_134 : i1 to i32
    %cond3A_136 = arith.constant 0 : i32
    %cond3A_137 = arith.cmpi ne, %convert_element_type3A_135, %cond3A_136 : i32
    scf.if %cond3A_137 {
      %get3A_160 = arith.constant 0 : index
      %get3A_161 = arith.constant 0 : index
      %get3A_162 = vector.load %arg24[%get3A_160, %get3A_161] : memref<256x64xf32, #tpu.memory_space<vmem>>, vector<256x64xf32>
      %add3A_163 = arith.addf %get3A_162, %dot_general3A_129 : vector<256x64xf32>
      %swap3A_164 = arith.constant 0 : index
      %swap3A_165 = arith.constant 0 : index
      %swap3A_166 = vector.load %arg24[%swap3A_164, %swap3A_165] : memref<256x64xf32, #tpu.memory_space<vmem>>, vector<256x64xf32>
      tpu.vector_store %arg24[%swap3A_164, %swap3A_165], %add3A_163 {strides = array<i32>} : memref<256x64xf32, #tpu.memory_space<vmem>>, vector<256x64xf32>,
    } else {
    }
    %slice3A_138 = vector.extract_strided_slice %convert_element_type3A_117 {offsets = [512, 0], sizes = [256, 2048], strides = [1, 1]} : vector<1024x2048xbf16> to vector<256x2048xbf16>
    %dot_general3A_139 = arith.constant dense<0.000000e+00> : vector<256x64xf32>
    %dot_general3A_140 = tpu.matmul %slice3A_138, %convert_element_type3A_96, %dot_general3A_139 {dimension_numbers = #tpu.dot_dimension_numbers<[1], [0], [0], [1], [0, 0, 1, 1], [], []>, transpose_lhs_hint = false} : vector<256x2048xbf16>, vector<2048x64xbf16>, vector<256x64xf32> -> vector<256x64xf32>
    %convert_element_type3A_141 = arith.extui %or3A : i1 to i32
    %cond3A_142 = arith.constant 0 : i32
    %cond3A_143 = arith.cmpi ne, %convert_element_type3A_141, %cond3A_142 : i32
    scf.if %cond3A_143 {
      %swap3A_160 = arith.constant 0 : index
      %swap3A_161 = arith.constant 0 : index
      %swap3A_162 = vector.load %arg25[%swap3A_160, %swap3A_161] : memref<256x64xf32, #tpu.memory_space<vmem>>, vector<256x64xf32>
      tpu.vector_store %arg25[%swap3A_160, %swap3A_161], %dot_general3A_140 {strides = array<i32>} : memref<256x64xf32, #tpu.memory_space<vmem>>, vector<256x64xf32>,
    } else {
    }
    %not3A_144 = arith.constant true
    %not3A_145 = arith.xori %or3A, %not3A_144 : i1
    %convert_element_type3A_146 = arith.extui %not3A_145 : i1 to i32
    %cond3A_147 = arith.constant 0 : i32
    %cond3A_148 = arith.cmpi ne, %convert_element_type3A_146, %cond3A_147 : i32
    scf.if %cond3A_148 {
      %get3A_160 = arith.constant 0 : index
      %get3A_161 = arith.constant 0 : index
      %get3A_162 = vector.load %arg25[%get3A_160, %get3A_161] : memref<256x64xf32, #tpu.memory_space<vmem>>, vector<256x64xf32>
      %add3A_163 = arith.addf %get3A_162, %dot_general3A_140 : vector<256x64xf32>
      %swap3A_164 = arith.constant 0 : index
      %swap3A_165 = arith.constant 0 : index
      %swap3A_166 = vector.load %arg25[%swap3A_164, %swap3A_165] : memref<256x64xf32, #tpu.memory_space<vmem>>, vector<256x64xf32>
      tpu.vector_store %arg25[%swap3A_164, %swap3A_165], %add3A_163 {strides = array<i32>} : memref<256x64xf32, #tpu.memory_space<vmem>>, vector<256x64xf32>,
    } else {
    }
    %slice3A_149 = vector.extract_strided_slice %convert_element_type3A_117 {offsets = [768, 0], sizes = [256, 2048], strides = [1, 1]} : vector<1024x2048xbf16> to vector<256x2048xbf16>
    %dot_general3A_150 = arith.constant dense<0.000000e+00> : vector<256x64xf32>
    %dot_general3A_151 = tpu.matmul %slice3A_149, %convert_element_type3A_96, %dot_general3A_150 {dimension_numbers = #tpu.dot_dimension_numbers<[1], [0], [0], [1], [0, 0, 1, 1], [], []>, transpose_lhs_hint = false} : vector<256x2048xbf16>, vector<2048x64xbf16>, vector<256x64xf32> -> vector<256x64xf32>
    %convert_element_type3A_152 = arith.extui %or3A : i1 to i32
    %cond3A_153 = arith.constant 0 : i32
    %cond3A_154 = arith.cmpi ne, %convert_element_type3A_152, %cond3A_153 : i32
    scf.if %cond3A_154 {
      %swap3A_160 = arith.constant 0 : index
      %swap3A_161 = arith.constant 0 : index
      %swap3A_162 = vector.load %arg26[%swap3A_160, %swap3A_161] : memref<256x64xf32, #tpu.memory_space<vmem>>, vector<256x64xf32>
      tpu.vector_store %arg26[%swap3A_160, %swap3A_161], %dot_general3A_151 {strides = array<i32>} : memref<256x64xf32, #tpu.memory_space<vmem>>, vector<256x64xf32>,
    } else {
    }
    %not3A_155 = arith.constant true
    %not3A_156 = arith.xori %or3A, %not3A_155 : i1
    %convert_element_type3A_157 = arith.extui %not3A_156 : i1 to i32
    %cond3A_158 = arith.constant 0 : i32
    %cond3A_159 = arith.cmpi ne, %convert_element_type3A_157, %cond3A_158 : i32
    scf.if %cond3A_159 {
      %get3A_160 = arith.constant 0 : index
      %get3A_161 = arith.constant 0 : index
      %get3A_162 = vector.load %arg26[%get3A_160, %get3A_161] : memref<256x64xf32, #tpu.memory_space<vmem>>, vector<256x64xf32>
      %add3A_163 = arith.addf %get3A_162, %dot_general3A_151 : vector<256x64xf32>
      %swap3A_164 = arith.constant 0 : index
      %swap3A_165 = arith.constant 0 : index
      %swap3A_166 = vector.load %arg26[%swap3A_164, %swap3A_165] : memref<256x64xf32, #tpu.memory_space<vmem>>, vector<256x64xf32>
      tpu.vector_store %arg26[%swap3A_164, %swap3A_165], %add3A_163 {strides = array<i32>} : memref<256x64xf32, #tpu.memory_space<vmem>>, vector<256x64xf32>,
    } else {
    }
    return
  }
  func.func @transform_0(%arg0: i32, %arg1: memref<80xi32, #tpu.memory_space<smem>>) -> (i32, i32) {
    %c0_i32 = arith.constant 0 : i32
    %c0_i32_0 = arith.constant 0 : i32
    return %arg0, %c0_i32 : i32, i32
  }
  func.func @transform_1(%arg0: i32, %arg1: memref<80xi32, #tpu.memory_space<smem>>) -> (i32, i32) {
    %c0_i32 = arith.constant 0 : i32
    %c0_i32_0 = arith.constant 0 : i32
    return %arg0, %c0_i32 : i32, i32
  }
  func.func @transform_2(%arg0: i32, %arg1: memref<80xi32, #tpu.memory_space<smem>>) -> (i32, i32) {
    %c0_i32 = arith.constant 0 : i32
    %c0_i32_0 = arith.constant 0 : i32
    return %arg0, %c0_i32 : i32, i32
  }
  func.func @transform_3(%arg0: i32, %arg1: memref<80xi32, #tpu.memory_space<smem>>) -> (i32, i32) {
    %c0_i32 = arith.constant 0 : i32
    %c0_i32_0 = arith.constant 0 : i32
    return %c0_i32, %arg0 : i32, i32
  }
  func.func @transform_4(%arg0: i32, %arg1: memref<80xi32, #tpu.memory_space<smem>>) -> (i32, i32) {
    %get3A = arith.index_cast %arg0 : i32 to index
    %get3A_0 = memref.load %arg1[%get3A] : memref<80xi32, #tpu.memory_space<smem>>
    %add3A = arith.constant 0 : i32
    %add3A_1 = arith.addi %get3A_0, %add3A : i32
    %c0_i32 = arith.constant 0 : i32
    %c0_i32_2 = arith.constant 0 : i32
    return %add3A_1, %c0_i32 : i32, i32
  }
  func.func @transform_5(%arg0: i32, %arg1: memref<80xi32, #tpu.memory_space<smem>>) -> (i32, i32) {
    %get3A = arith.index_cast %arg0 : i32 to index
    %get3A_0 = memref.load %arg1[%get3A] : memref<80xi32, #tpu.memory_space<smem>>
    %add3A = arith.constant 1 : i32
    %add3A_1 = arith.addi %get3A_0, %add3A : i32
    %c0_i32 = arith.constant 0 : i32
    %c0_i32_2 = arith.constant 0 : i32
    return %add3A_1, %c0_i32 : i32, i32
  }
  func.func @transform_6(%arg0: i32, %arg1: memref<80xi32, #tpu.memory_space<smem>>) -> (i32, i32) {
    %get3A = arith.index_cast %arg0 : i32 to index
    %get3A_0 = memref.load %arg1[%get3A] : memref<80xi32, #tpu.memory_space<smem>>
    %add3A = arith.constant 2 : i32
    %add3A_1 = arith.addi %get3A_0, %add3A : i32
    %c0_i32 = arith.constant 0 : i32
    %c0_i32_2 = arith.constant 0 : i32
    return %add3A_1, %c0_i32 : i32, i32
  }
  func.func @transform_7(%arg0: i32, %arg1: memref<80xi32, #tpu.memory_space<smem>>) -> (i32, i32) {
    %get3A = arith.index_cast %arg0 : i32 to index
    %get3A_0 = memref.load %arg1[%get3A] : memref<80xi32, #tpu.memory_space<smem>>
    %add3A = arith.constant 3 : i32
    %add3A_1 = arith.addi %get3A_0, %add3A : i32
    %c0_i32 = arith.constant 0 : i32
    %c0_i32_2 = arith.constant 0 : i32
    return %add3A_1, %c0_i32 : i32, i32
  }
  func.func @transform_8(%arg0: i32, %arg1: memref<80xi32, #tpu.memory_space<smem>>) -> (i32, i32) {
    %get3A = arith.index_cast %arg0 : i32 to index
    %get3A_0 = memref.load %arg1[%get3A] : memref<80xi32, #tpu.memory_space<smem>>
    %add3A = arith.constant 0 : i32
    %add3A_1 = arith.addi %get3A_0, %add3A : i32
    %c0_i32 = arith.constant 0 : i32
    %c0_i32_2 = arith.constant 0 : i32
    return %add3A_1, %c0_i32 : i32, i32
  }
  func.func @transform_9(%arg0: i32, %arg1: memref<80xi32, #tpu.memory_space<smem>>) -> (i32, i32) {
    %get3A = arith.index_cast %arg0 : i32 to index
    %get3A_0 = memref.load %arg1[%get3A] : memref<80xi32, #tpu.memory_space<smem>>
    %add3A = arith.constant 1 : i32
    %add3A_1 = arith.addi %get3A_0, %add3A : i32
    %c0_i32 = arith.constant 0 : i32
    %c0_i32_2 = arith.constant 0 : i32
    return %add3A_1, %c0_i32 : i32, i32
  }
  func.func @transform_10(%arg0: i32, %arg1: memref<80xi32, #tpu.memory_space<smem>>) -> (i32, i32) {
    %get3A = arith.index_cast %arg0 : i32 to index
    %get3A_0 = memref.load %arg1[%get3A] : memref<80xi32, #tpu.memory_space<smem>>
    %add3A = arith.constant 2 : i32
    %add3A_1 = arith.addi %get3A_0, %add3A : i32
    %c0_i32 = arith.constant 0 : i32
    %c0_i32_2 = arith.constant 0 : i32
    return %add3A_1, %c0_i32 : i32, i32
  }
  func.func @transform_11(%arg0: i32, %arg1: memref<80xi32, #tpu.memory_space<smem>>) -> (i32, i32) {
    %get3A = arith.index_cast %arg0 : i32 to index
    %get3A_0 = memref.load %arg1[%get3A] : memref<80xi32, #tpu.memory_space<smem>>
    %add3A = arith.constant 3 : i32
    %add3A_1 = arith.addi %get3A_0, %add3A : i32
    %c0_i32 = arith.constant 0 : i32
    %c0_i32_2 = arith.constant 0 : i32
    return %add3A_1, %c0_i32 : i32, i32
  }
  func.func @transform_12(%arg0: i32, %arg1: memref<80xi32, #tpu.memory_space<smem>>) -> (i32, i32) {
    %c0_i32 = arith.constant 0 : i32
    %c0_i32_0 = arith.constant 0 : i32
    %c0_i32_1 = arith.constant 0 : i32
    return %c0_i32, %c0_i32_0 : i32, i32
  }
  func.func @transform_13(%arg0: i32, %arg1: memref<80xi32, #tpu.memory_space<smem>>) -> (i32, i32) {
    %c0_i32 = arith.constant 0 : i32
    %c0_i32_0 = arith.constant 0 : i32
    %c0_i32_1 = arith.constant 0 : i32
    return %c0_i32, %c0_i32_0 : i32, i32
  }
  func.func @transform_14(%arg0: i32, %arg1: memref<80xi32, #tpu.memory_space<smem>>) -> (i32, i32) {
    %c0_i32 = arith.constant 0 : i32
    %c0_i32_0 = arith.constant 0 : i32
    %c0_i32_1 = arith.constant 0 : i32
    return %c0_i32, %c0_i32_0 : i32, i32
  }
  func.func @transform_15(%arg0: i32, %arg1: memref<80xi32, #tpu.memory_space<smem>>) -> (i32, i32) {
    %c0_i32 = arith.constant 0 : i32
    %c0_i32_0 = arith.constant 0 : i32
    %c0_i32_1 = arith.constant 0 : i32
    return %c0_i32, %c0_i32_0 : i32, i32
  }
  func.func @transform_16(%arg0: i32, %arg1: memref<80xi32, #tpu.memory_space<smem>>) -> (i32, i32) {
    %c0_i32 = arith.constant 0 : i32
    %c0_i32_0 = arith.constant 0 : i32
    %c0_i32_1 = arith.constant 0 : i32
    return %c0_i32, %c0_i32_0 : i32, i32
  }
  func.func @transform_17(%arg0: i32, %arg1: memref<80xi32, #tpu.memory_space<smem>>) -> (i32, i32) {
    %c0_i32 = arith.constant 0 : i32
    %c0_i32_0 = arith.constant 0 : i32
    %c0_i32_1 = arith.constant 0 : i32
    return %c0_i32, %c0_i32_0 : i32, i32
  }
  func.func @transform_18(%arg0: i32, %arg1: memref<80xi32, #tpu.memory_space<smem>>) -> (i32, i32) {
    %c0_i32 = arith.constant 0 : i32
    %c0_i32_0 = arith.constant 0 : i32
    %c0_i32_1 = arith.constant 0 : i32
    return %c0_i32, %c0_i32_0 : i32, i32
  }
  func.func @transform_19(%arg0: i32, %arg1: memref<80xi32, #tpu.memory_space<smem>>) -> (i32, i32) {
    %c0_i32 = arith.constant 0 : i32
    %c0_i32_0 = arith.constant 0 : i32
    %c0_i32_1 = arith.constant 0 : i32
    return %c0_i32, %c0_i32_0 : i32, i32
  }
  func.func @transform_20(%arg0: i32, %arg1: memref<80xi32, #tpu.memory_space<smem>>) -> (i32, i32) {
    %c0_i32 = arith.constant 0 : i32
    %c0_i32_0 = arith.constant 0 : i32
    return %arg0, %c0_i32 : i32, i32
  }
  func.func @transform_21(%arg0: i32, %arg1: memref<80xi32, #tpu.memory_space<smem>>) -> (i32, i32) {
    %get3A = arith.index_cast %arg0 : i32 to index
    %get3A_0 = memref.load %arg1[%get3A] : memref<80xi32, #tpu.memory_space<smem>>
    %add3A = arith.constant 0 : i32
    %add3A_1 = arith.addi %get3A_0, %add3A : i32
    %c0_i32 = arith.constant 0 : i32
    %c0_i32_2 = arith.constant 0 : i32
    return %add3A_1, %c0_i32 : i32, i32
  }
  func.func @transform_22(%arg0: i32, %arg1: memref<80xi32, #tpu.memory_space<smem>>) -> (i32, i32) {
    %get3A = arith.index_cast %arg0 : i32 to index
    %get3A_0 = memref.load %arg1[%get3A] : memref<80xi32, #tpu.memory_space<smem>>
    %add3A = arith.constant 1 : i32
    %add3A_1 = arith.addi %get3A_0, %add3A : i32
    %c0_i32 = arith.constant 0 : i32
    %c0_i32_2 = arith.constant 0 : i32
    return %add3A_1, %c0_i32 : i32, i32
  }
  func.func @transform_23(%arg0: i32, %arg1: memref<80xi32, #tpu.memory_space<smem>>) -> (i32, i32) {
    %get3A = arith.index_cast %arg0 : i32 to index
    %get3A_0 = memref.load %arg1[%get3A] : memref<80xi32, #tpu.memory_space<smem>>
    %add3A = arith.constant 2 : i32
    %add3A_1 = arith.addi %get3A_0, %add3A : i32
    %c0_i32 = arith.constant 0 : i32
    %c0_i32_2 = arith.constant 0 : i32
    return %add3A_1, %c0_i32 : i32, i32
  }
  func.func @transform_24(%arg0: i32, %arg1: memref<80xi32, #tpu.memory_space<smem>>) -> (i32, i32) {
    %get3A = arith.index_cast %arg0 : i32 to index
    %get3A_0 = memref.load %arg1[%get3A] : memref<80xi32, #tpu.memory_space<smem>>
    %add3A = arith.constant 3 : i32
    %add3A_1 = arith.addi %get3A_0, %add3A : i32
    %c0_i32 = arith.constant 0 : i32
    %c0_i32_2 = arith.constant 0 : i32
    return %add3A_1, %c0_i32 : i32, i32
  }
}

module attributes {stable_mosaic.version = 14 : i64} {
  func.func @_pos_out_body(%arg0: memref<2000x64xf32, #tpu.memory_space<vmem>>, %arg1: memref<2000x3xf32, #tpu.memory_space<vmem>>, %arg2: memref<64x64xf32, #tpu.memory_space<vmem>>, %arg3: memref<1x64xf32, #tpu.memory_space<vmem>>, %arg4: memref<64x3xf32, #tpu.memory_space<vmem>>, %arg5: memref<1x3xf32, #tpu.memory_space<vmem>>, %arg6: memref<2000x3xf32, #tpu.memory_space<vmem>>) attributes {dimension_semantics = [], scalar_prefetch = 0 : i64, scratch_operands = 0 : i64, tpu.core_type = #tpu.core_type<tc>} {
    %get3A = arith.constant 0 : index
    %get3A_0 = arith.constant 0 : index
    %get3A_1 = vector.load %arg0[%get3A, %get3A_0] : memref<2000x64xf32, #tpu.memory_space<vmem>>, vector<2000x64xf32>
    %get3A_2 = arith.constant 0 : index
    %get3A_3 = arith.constant 0 : index
    %get3A_4 = vector.load %arg2[%get3A_2, %get3A_3] : memref<64x64xf32, #tpu.memory_space<vmem>>, vector<64x64xf32>
    %dot_general3A = arith.constant dense<0.000000e+00> : vector<2000x64xf32>
    %dot_general3A_5 = tpu.matmul %get3A_1, %get3A_4, %dot_general3A {dimension_numbers = #tpu.dot_dimension_numbers<[1], [0], [0], [1], [0, 0, 1, 1], [], []>, transpose_lhs_hint = false} : vector<2000x64xf32>, vector<64x64xf32>, vector<2000x64xf32> -> vector<2000x64xf32>
    %get3A_6 = arith.constant 0 : index
    %get3A_7 = arith.constant 0 : index
    %get3A_8 = vector.load %arg3[%get3A_6, %get3A_7] : memref<1x64xf32, #tpu.memory_space<vmem>>, vector<1x64xf32>
    %add3A = vector.broadcast %get3A_8 : vector<1x64xf32> to vector<2000x64xf32>
    %add3A_9 = arith.addf %dot_general3A_5, %add3A : vector<2000x64xf32>
    %max3A = arith.constant 0.000000e+00 : f32
    %max3A_10 = vector.broadcast %max3A : f32 to vector<2000x64xf32>
    %max3A_11 = arith.maximumf %add3A_9, %max3A_10 : vector<2000x64xf32>
    %get3A_12 = arith.constant 0 : index
    %get3A_13 = arith.constant 0 : index
    %get3A_14 = vector.load %arg4[%get3A_12, %get3A_13] : memref<64x3xf32, #tpu.memory_space<vmem>>, vector<64x3xf32>
    %dot_general3A_15 = arith.constant dense<0.000000e+00> : vector<2000x3xf32>
    %dot_general3A_16 = tpu.matmul %max3A_11, %get3A_14, %dot_general3A_15 {dimension_numbers = #tpu.dot_dimension_numbers<[1], [0], [0], [1], [0, 0, 1, 1], [], []>, transpose_lhs_hint = false} : vector<2000x64xf32>, vector<64x3xf32>, vector<2000x3xf32> -> vector<2000x3xf32>
    %get3A_17 = arith.constant 0 : index
    %get3A_18 = arith.constant 0 : index
    %get3A_19 = vector.load %arg5[%get3A_17, %get3A_18] : memref<1x3xf32, #tpu.memory_space<vmem>>, vector<1x3xf32>
    %add3A_20 = vector.broadcast %get3A_19 : vector<1x3xf32> to vector<2000x3xf32>
    %add3A_21 = arith.addf %dot_general3A_16, %add3A_20 : vector<2000x3xf32>
    %get3A_22 = arith.constant 0 : index
    %get3A_23 = arith.constant 0 : index
    %get3A_24 = vector.load %arg1[%get3A_22, %get3A_23] : memref<2000x3xf32, #tpu.memory_space<vmem>>, vector<2000x3xf32>
    %add3A_25 = arith.addf %add3A_21, %get3A_24 : vector<2000x3xf32>
    %swap3A = arith.constant 0 : index
    %swap3A_26 = arith.constant 0 : index
    %swap3A_27 = vector.load %arg6[%swap3A, %swap3A_26] : memref<2000x3xf32, #tpu.memory_space<vmem>>, vector<2000x3xf32>
    tpu.vector_store %arg6[%swap3A, %swap3A_26], %add3A_25 {strides = array<i32>} : memref<2000x3xf32, #tpu.memory_space<vmem>>, vector<2000x3xf32>,
    return
  }
}

</mosaic_0001>

<sc_bundles>
// kernel: kernel.12.cloned.1.call-start
scs
__scs_entry_jumppad:
0x0: {  	(pc) =	sbr.rel $0x88, $3  }
0x1: {  	(tag) =	ssettag $0x0;
	lr =	simm.s32 $0x1  }
0x2: {  	[smem:$0x3F67] =	sst lr;
	_ =	strace $0xD0000000  }
0x3: {  	_ = 	snop  }
0x4: {  	_ = 	snop  }
0x5: {  	_ = 	snop  }
0x6: {  	_ = 	snop  }
0x7: {  	_ = 	snop  }
__scs_overlays_trampoline_lowered:
0x8: {  	[smem:$0x3F76] =	sst s0  }
0x9: {  	[smem:$0x3F77] =	sst s1  }
0xa: {  	[smem:$0x3F78] =	sst s2  }
0xb: {  	[smem:$0x3F79] =	sst s3  }
0xc: {  	[smem:$0x3F7A] =	sst s4  }
0xd: {  	[smem:$0x3F7B] =	sst s5  }
0xe: {  	[smem:$0x3F7C] =	sst s6  }
0xf: {  	[smem:$0x3F7D] =	sst s7  }
0x10: {  	[smem:$0x3F7E] =	sst s8  }
0x11: {  	[smem:$0x3F7F] =	sst s9;
	s0 =	simm.s32 @!p0 $0x0  }
0x12: {  	s1 =	sld [smem:$0x3F65];
	s0 =	simm.s32 @p0 $0x1  }
0x13: {  	[smem:$0x3F80] =	sst s0;
	s0 =	simm.s32 @!p1 $0x0  }
0x14: {  	s2 =	sld [smem:$0x3F64];
	s0 =	simm.s32 @p1 $0x1  }
0x15: {  	[smem:$0x3F81] =	sst s0;
	s0 =	simm.s32 @!p2 $0x0  }
0x16: {  	s3 =	sld [smem:$0x3FDB];
	s0 =	simm.s32 @p2 $0x1  }
0x17: {  	s4 =	simm.s32 $0x1BF5;
	[smem:$0x3F83] =	sst s0  }
0x18: {  	s0 =	sld [smem:$0x3F66];
	_ =	swait.ge [sflag:s4], $0x0  }
0x19: {  	s7 =	sld [smem:$0x3F67]  }
0x1a: {  	s8 =	sadd.s32 $0xFFFFE003, lr  }
0x1b: {  	s9 =	sadd.s32 $0xFFFFFEF7, lr;
	s5 =	simm.s32 $0xFFFFFFFF;
	p2 =	slt.u32 s8, $0xFFFFF086  }
0x1c: {  	p1 =	slt.u32 s9, $0xF7A;
	s5 =	simm.s32 @!p2 $0x0  }
0x1d: {  	s5 =	simm.s32 @p1 $0x1;
	p0 =	seq.s32 s7, s2  }
0x1e: {  	s7 =	smul.u32 @!p0 $0xF7A, s2;
	p2 =	seq.s32 @!p0 s5, $0x0  }
0x1f: {  	s9 =	smul.u32 $0xF7A, s1;
	s8 =	simm.s32 @!p0 $0x1BF5;
	p2 =	por !p2, p0  }
0x20: {  	[sflag:s8] =	ssyncset.s32 @!p0 $0xFFFFF086;
	s6 =	sadd.s32 @!p0 s3, s7;
	s7 =	simm.s32 @!p0 $0x108  }
0x21: {  	s3 =	sadd.s32 s3, s9;
	s6 =	sadd.s32 @!p0 $0x88, s6;
	s7 =	simm.s32 @p2 $0x1082  }
0x22: {  	[simem:s7], [sflag:s8] =	dma.local @!p0 [hbm:s6], $0xF7A  }
0x23: {  	s9 =	sor.u32 $0xD0000000, s2;
	s6 =	simm.s32 $0x108;
	_ =	swait.ge @!p0 [sflag:s8], $0x0  }
0x24: {  	s3 =	sadd.s32 $0x88, s3;
	s6 =	simm.s32 @!p1 $0x1082;
	[sflag:s4] =	ssyncset.s32 $0xFFFFF086  }
0x25: {  	[simem:s6], [sflag:s4] =	dma.local [hbm:s3], $0xF7A  }
0x26: {  	[smem:$0x3F67] =	sst s1;
	(tag) =	ssettag s2;
	_ =	strace s9  }
0x27: {  	s1 =	sld [smem:$0x3F77]  }
0x28: {  	s2 =	sld [smem:$0x3F78]  }
0x29: {  	s4 =	sld [smem:$0x3F7A]  }
0x2a: {  	p0 =	seq.s32 s5, $0x0;
	s5 =	sld [smem:$0x3F7B]  }
0x2b: {  	s6 =	sld [smem:$0x3F7C]  }
0x2c: {  	s7 =	sld [smem:$0x3F7D]  }
0x2d: {  	s3 =	simm.s32 $0x108;
	s8 =	sld [smem:$0x3F7E]  }
0x2e: {  	s3 =	simm.s32 @!p0 $0x1082;
	s9 =	sld [smem:$0x3F7F]  }
0x2f: {  	lr =	sadd.s32 s0, s3;
	s0 =	sld [smem:$0x3F76]  }
0x30: {  	s3 =	sld [smem:$0x3F79]  }
0x31: {  	[smem:$0x3F82] =	sst s10  }
0x32: {  	s10 =	sld [smem:$0x3F80];
	_ =	sdelay $0x3  }
0x33: {  	p0 =	seq.s32 s10, $0x1;
	s10 =	sld [smem:$0x3F82];
	_ =	sdelay $0x3  }
0x34: {  	[smem:$0x3F82] =	sst s10  }
0x35: {  	s10 =	sld [smem:$0x3F81];
	_ =	sdelay $0x3  }
0x36: {  	p1 =	seq.s32 s10, $0x1;
	s10 =	sld [smem:$0x3F82];
	_ =	sdelay $0x3  }
0x37: {  	[smem:$0x3F82] =	sst s10  }
0x38: {  	s10 =	sld [smem:$0x3F83]  }
0x39: {  	_ = 	snop;
	(pc) =	sbr.ind lr, $3  }
0x3a: {  	_ = 	snop  }
0x3b: {  	_ = 	snop  }
0x3c: {  	p2 =	seq.s32 s10, $0x1;
	s10 =	sld [smem:$0x3F82]  }
0x3d: {  	_ =	shalt  }
0x3e: {  	_ =	shalt  }
0x3f: {  	_ =	shalt  }
0x40: {  	_ =	shalt  }
0x41: {  	_ =	shalt  }
0x42: {  	_ =	shalt  }
0x43: {  	_ =	shalt  }
0x44: {  	_ =	shalt  }
0x45: {  	_ =	shalt  }
0x46: {  	_ =	shalt  }
0x47: {  	_ =	shalt  }
0x48: {  	_ =	shalt  }
0x49: {  	_ =	shalt  }
0x4a: {  	_ =	shalt  }
0x4b: {  	_ =	shalt  }
0x4c: {  	_ =	shalt  }
0x4d: {  	_ =	shalt  }
0x4e: {  	_ =	shalt  }
0x4f: {  	_ =	shalt  }
0x50: {  	_ =	shalt  }
0x51: {  	_ =	shalt  }
0x52: {  	_ =	shalt  }
0x53: {  	_ =	shalt  }
0x54: {  	_ =	shalt  }
0x55: {  	_ =	shalt  }
0x56: {  	_ =	shalt  }
0x57: {  	_ =	shalt  }
0x58: {  	_ =	shalt  }
0x59: {  	_ =	shalt  }
0x5a: {  	_ =	shalt  }
0x5b: {  	_ =	shalt  }
0x5c: {  	_ =	shalt  }
0x5d: {  	_ =	shalt  }
0x5e: {  	_ =	shalt  }
0x5f: {  	_ =	shalt  }
0x60: {  	_ =	shalt  }
0x61: {  	_ =	shalt  }
0x62: {  	_ =	shalt  }
0x63: {  	_ =	shalt  }
0x64: {  	_ =	shalt  }
0x65: {  	_ =	shalt  }
0x66: {  	_ =	shalt  }
0x67: {  	_ =	shalt  }
0x68: {  	_ =	shalt  }
0x69: {  	_ =	shalt  }
0x6a: {  	_ =	shalt  }
0x6b: {  	_ =	shalt  }
0x6c: {  	_ =	shalt  }
0x6d: {  	_ =	shalt  }
0x6e: {  	_ =	shalt  }
0x6f: {  	_ =	shalt  }
0x70: {  	_ =	shalt  }
0x71: {  	_ =	shalt  }
0x72: {  	_ =	shalt  }
0x73: {  	_ =	shalt  }
0x74: {  	_ =	shalt  }
0x75: {  	_ =	shalt  }
0x76: {  	_ =	shalt  }
0x77: {  	_ =	shalt  }
0x78: {  	_ =	shalt  }
0x79: {  	_ =	shalt  }
0x7a: {  	_ =	shalt  }
0x7b: {  	_ =	shalt  }
0x7c: {  	_ =	shalt  }
0x7d: {  	_ =	shalt  }
0x7e: {  	_ =	shalt  }
0x7f: {  	_ =	shalt  }
0x80: {  	_ =	shalt  }
0x81: {  	_ =	shalt  }
0x82: {  	_ =	shalt  }
0x83: {  	_ =	shalt  }
0x84: {  	_ =	shalt  }
0x85: {  	_ =	shalt  }
0x86: {  	_ =	shalt  }
0x87: {  	_ =	shalt  }
.Lfunc_end0:
.L_simem_size_0:
called_computation_lowered:
.L_overlay_start_0:
0x88: {  	s2 =	sld [smem:$0x3FD9]  }
0x89: {  	s3 =	sld [smem:$0x3FFE];
	_ =	sdelay $0x1  }
0x8a: {  	s1 =	srdreg.scid  }
0x8b: {  	s0 =	sand.u32 $0x1, s1  }
0x8c: {  	s16 =	sshll.u32 s0, $0xA;
	s2 =	sadd.s32 s3, s2  }
0x8d: {  	s2 =	sadd.s32 s2, s16  }
0x8e: {  	[smem:$0x3F8E] =	sst s2  }
0x8f: {  	_ = 	snop  }
0x90: {  	(tm) =	ssettm $0x1  }
0x91: {  	s17 =	sld [smem:$0x3FFB];
	_ =	sdelay $0x3  }
0x92: {  	_ =	strace s17  }
0x93: {  	s2 =	sld [smem:$0x3FFC];
	_ =	sdelay $0x3  }
0x94: {  	_ =	strace s2  }
0x95: {  	s2 =	sld [smem:$0x3FFD];
	_ =	sdelay $0x3  }
0x96: {  	_ =	strace s2  }
0x97: {  	_ =	strace $0x8FFFFFFF  }
0x98: {  	s18 =	sld [smem:$0x3FDB];
	_ =	sdelay $0x1  }
0x99: {  	s19 =	simm.s32 $_scs_section_size  }
0x9a: {  	s4 =	simm.s32 $_size__tile_overlayer_lowered;
	s5 =	simm.s32 $_tile_overlayer_lowered  }
0x9b: {  	s22 =	simm.s32 $0x1BFF;
	s21 =	sshll.u32 s5, $0x1;
	s2 =	sadd.s32 s19, s18  }
0x9c: {  	s6 =	simm.s32 $0x0;
	s20 =	sshll.u32 s4, $0x1;
	s4 =	sadd.s32 s21, s2  }
0x9d: {  	[timem:s6], [sflag:s22] =	dma.local [hbm:s4], s20  }
0x9e: {  	_ =	swait.ge [sflag:s22], s20  }
0x9f: {  	s3 =	ssub.s32 $0x0, s20;
	[sflag:s22] =	ssyncset.done $0x0  }
0xa0: {  	[sflag:s22] =	ssyncadd.s32 s3;
	_ =	sdelay $0x1  }
0xa1: {  	s23 =	simm.s32 $0x1B8B  }
0xa2: {  	_ =	swait.ge [sflag:s23], $0x1  }
0xa3: {  	[sflag:s23] =	ssyncset.done $0x0  }
0xa4: {  	s25 =	simm.s32 $0x1B8E;
	s24 =	sld [smem:$0x3FFE];
	[sflag:s23] =	ssyncadd.s32 $0xFFFFFFFF  }
0xa5: {  	s26 =	simm.s32 $execute0_lowered;
	[smem:$0x3FD2] =	sst s25  }
0xa6: {  	s4 =	sshll.u32 s26, $0x1;
	_ =	strace $0x80000046;
	[dreg:$0x1] =	wrdreg $0xFFFFFFFF  }
0xa7: {  	s28 =	simm.s32 $_size_execute0_lowered;
	s2 =	sadd.s32 s2, s4;
	[dreg:$0x0] =	wrdreg $0x0  }
0xa8: {  	s4 =	sshll.u32 s28, $0x1;
	[dreg:$0x2] =	wrdreg s2  }
0xa9: {  	[dreg:$0x3] =	wrdreg s4  }
0xaa: {  	[dreg:$0x4] =	wrdreg $0xC0  }
0xab: {  	_ =	task [dreg:s6], $0x5FFFF  }
0xac: {  	[dreg:$0x1] =	wrdreg $0xFFFFFFFF  }
0xad: {  	[dreg:$0x0] =	wrdreg $0x60  }
0xae: {  	[dreg:$0x2] =	wrdreg s24  }
0xaf: {  	[dreg:$0x3] =	wrdreg $0x9  }
0xb0: {  	_ =	task.clear_ibuf [dreg:s6], $0x4FFFF;
	_ =	strace $0x90000046  }
0xb1: {  	s29 =	simm.s32 $0x9;
	_ =	strace $0x80000048  }
0xb2: {  	_ =	swait.ge [sflag:s29], $0x1  }
0xb3: {  	[sflag:s29] =	ssyncadd.s32 $0xFFFFFFFF  }
0xb4: {  	_ =	strace $0x90000048  }
0xb5: {  	_ =	sfence  }
0xb6: {  	s30 =	sld [smem:$0x0];
	_ =	sdelay $0x2  }
0xb7: {  	s31 =	sshll.u32 s1, $0xD;
	s1 =	sshrl.u32 s1, $0x2  }
0xb8: {  	s3 =	sand.u32 $0x4000, s31;
	s1 =	sadd.s32 s1, s30  }
0xb9: {  	s0 =	sor.u32 s3, s0;
	s1 =	sshll.u32 s1, $0x11  }
0xba: {  	s0 =	sor.u32 s1, s0  }
0xbb: {  	s0 =	sadd.s32 $0x8F2B, s0  }
0xbc: {  	[sflag:s0] =	ssyncadd.remote.s32 $0x1  }
0xbd: {  	_ =	sfence.sel $0xFFFF  }
0xbe: {  	[dreg:$0x0] =	wrdreg $0xFFFFFFFF;
	(pc) =	sbr.abs _section_cstart, $3  }
0xbf: {  	[dreg:$0x1] =	wrdreg $0xFFFFFFFF  }
0xc0: {  	_ =	task.clear_ibuf [dreg:s6], $0x2FFFF;
	_ =	strace $0x9FFFFFFF  }
0xc1: {  	(tm) =	ssettm $0x7FFFFFFF  }
tec
execute0_lowered:
.L_overlay_start_1:
0x0: {  	(tag) =	ssettag $0x1  }
0x1: {  	s0 =	srdreg.scid;
	s26 =	stileid.u32  }
0x2: {  	s1 =	sand.u32 $0x1, s0;
	s11 =	sshll.u32 s26, $0x1  }
0x3: {  	s0 =	sor.u32 s1, s11  }
0x4: {  	s4 =	smul.u32 $0x280, s0  }
0x5: {  	s5 =	smul.u32 $0x104000, s0  }
0x6: {  	s3 =	rddreg [dreg:$0x0];
	s2 =	simm.s32 $0x0;
	s0 =	smul.u32 $0x10400, s0  }
0x7: {  	[smem:$0x7FF] =	sst s2;
	s6 =	sadd.s32 $0x2BC00, s3  }
0x8: {  	_ =	strace $0x80000047;
	s4 =	sadd.s32 s4, s3;
	s0 =	sadd.s32 s6, s0  }
0x9: {  	s5 =	sshrl.u32 s5, $0x4;
	s4 =	sadd.s32 $0xBC00, s4;
	[dreg:$0x3] =	wrdreg s0  }
0xa: {  	[dreg:$0x2] =	wrdreg s4;
	s4 =	sadd.s32 s6, s5  }
0xb: {  	s12 =	sadd.s32 $0x680, s4;
	s0 =	rddreg [dreg:$0x2]  }
0xc: {  	s13 =	sadd.s32 $0xD00, s4;
	[dreg:$0x4] =	wrdreg s12  }
0xd: {  	s14 =	sadd.s32 $0x1380, s4;
	[dreg:$0x5] =	wrdreg s13  }
0xe: {  	s15 =	sadd.s32 $0x1A00, s4;
	[dreg:$0x6] =	wrdreg s14  }
0xf: {  	s16 =	sadd.s32 $0x2080, s4;
	[dreg:$0x7] =	wrdreg s15  }
0x10: {  	s17 =	sadd.s32 $0x2700, s4;
	[dreg:$0x8] =	wrdreg s16  }
0x11: {  	s18 =	sadd.s32 $0x2D80, s4;
	[dreg:$0x9] =	wrdreg s17  }
0x12: {  	s19 =	sadd.s32 $0x3400, s4;
	[dreg:$0xa] =	wrdreg s18  }
0x13: {  	s20 =	sadd.s32 $0x3A80, s4;
	[dreg:$0xb] =	wrdreg s19  }
0x14: {  	s21 =	sadd.s32 $0x4100, s4;
	[dreg:$0xc] =	wrdreg s20  }
0x15: {  	s22 =	sadd.s32 $0x4780, s4;
	[dreg:$0xd] =	wrdreg s21  }
0x16: {  	s23 =	sadd.s32 $0x4E00, s4;
	[dreg:$0xe] =	wrdreg s22  }
0x17: {  	s24 =	sadd.s32 $0x5480, s4;
	[dreg:$0xf] =	wrdreg s23  }
0x18: {  	s25 =	sadd.s32 $0x5B00, s4;
	[dreg:$0x10] =	wrdreg s24  }
0x19: {  	s5 =	sadd.s32 $0x6180, s4;
	[dreg:$0x11] =	wrdreg s25  }
0x1a: {  	s6 =	sadd.s32 $0x6800, s4;
	[dreg:$0x12] =	wrdreg s5  }
0x1b: {  	s7 =	sadd.s32 $0x6E80, s4;
	[dreg:$0x13] =	wrdreg s6  }
0x1c: {  	s8 =	sadd.s32 $0x7500, s4;
	[dreg:$0x14] =	wrdreg s7  }
0x1d: {  	s9 =	sadd.s32 $0x7B80, s4;
	[dreg:$0x15] =	wrdreg s8  }
0x1e: {  	s10 =	sadd.s32 $0x8200, s4;
	[dreg:$0x16] =	wrdreg s9  }
0x1f: {  	s11 =	sadd.s32 $0x8880, s4;
	[dreg:$0x17] =	wrdreg s10  }
0x20: {  	[dreg:$0x18] =	wrdreg s11;
	s12 =	sadd.s32 $0x8F00, s4  }
0x21: {  	s13 =	sadd.s32 $0x9580, s4;
	[dreg:$0x19] =	wrdreg s12  }
0x22: {  	s14 =	sadd.s32 $0x9C00, s4;
	[dreg:$0x1a] =	wrdreg s13  }
0x23: {  	s15 =	sadd.s32 $0xA280, s4;
	[dreg:$0x1b] =	wrdreg s14  }
0x24: {  	s16 =	sadd.s32 $0xA900, s4;
	[dreg:$0x1c] =	wrdreg s15  }
0x25: {  	s17 =	sadd.s32 $0xAF80, s4;
	[dreg:$0x1d] =	wrdreg s16  }
0x26: {  	s18 =	sadd.s32 $0xB600, s4;
	[dreg:$0x1e] =	wrdreg s17  }
0x27: {  	s19 =	sadd.s32 $0xBC80, s4;
	[dreg:$0x1f] =	wrdreg s18  }
0x28: {  	s20 =	sadd.s32 $0xC300, s4;
	[smem:$0x7D1] =	sst s19  }
0x29: {  	s21 =	sadd.s32 $0xC980, s4;
	[smem:$0x7D2] =	sst s20  }
0x2a: {  	s22 =	sadd.s32 $0xD000, s4;
	[smem:$0x7D3] =	sst s21  }
0x2b: {  	s23 =	sadd.s32 $0xD680, s4;
	[smem:$0x7D4] =	sst s22  }
0x2c: {  	s24 =	sadd.s32 $0xDD00, s4;
	[smem:$0x7D5] =	sst s23  }
0x2d: {  	s25 =	sadd.s32 $0xE380, s4;
	[smem:$0x7D6] =	sst s24  }
0x2e: {  	s5 =	sadd.s32 $0xEA00, s4;
	[smem:$0x7D7] =	sst s25  }
0x2f: {  	s6 =	sadd.s32 $0xF080, s4;
	[smem:$0x7D8] =	sst s5  }
0x30: {  	s7 =	sadd.s32 $0xF700, s4;
	[smem:$0x7D9] =	sst s6  }
0x31: {  	s8 =	sadd.s32 $0xFD80, s4;
	[smem:$0x7DA] =	sst s7  }
0x32: {  	s9 =	simm.s32 $0x100;
	[smem:$0x7DB] =	sst s8  }
0x33: {  	s10 =	simm.s32 $0x180;
	[smem:$0x7DC] =	sst s9  }
0x34: {  	s11 =	simm.s32 $0x200;
	[smem:$0x7DD] =	sst s10  }
0x35: {  	s4 =	sadd.s32 $0x11C00, s3;
	s3 =	simm.s32 $0x900;
	[smem:$0x7DE] =	sst s11  }
0x36: {  	s12 =	simm.s32 $0x280;
	[smem:$0x7EC] =	sst s3  }
0x37: {  	s13 =	simm.s32 $0x300;
	[smem:$0x7DF] =	sst s12  }
0x38: {  	s14 =	simm.s32 $0x380;
	[smem:$0x7E0] =	sst s13  }
0x39: {  	s15 =	simm.s32 $0x400;
	[smem:$0x7E1] =	sst s14  }
0x3a: {  	s31 =	simm.s32 $0xF;
	s16 =	simm.s32 $0x480;
	[smem:$0x7E2] =	sst s15  }
0x3b: {  	p0 =	por $0x0, $0x0;
	s17 =	simm.s32 $0x500;
	[smem:$0x7E3] =	sst s16  }
0x3c: {  	s30 =	simm.s32 $0x1280;
	s18 =	simm.s32 $0x580;
	[smem:$0x7E4] =	sst s17  }
0x3d: {  	s29 =	simm.s32 $0x1300;
	s19 =	simm.s32 $0x600;
	[smem:$0x7E5] =	sst s18  }
0x3e: {  	s28 =	simm.s32 $0x1380;
	s21 =	simm.s32 $0x680;
	[smem:$0x7E6] =	sst s19  }
0x3f: {  	s1 =	ssub.s32 $0x2, s1;
	s22 =	simm.s32 $0x700;
	[smem:$0x7E7] =	sst s21  }
0x40: {  	s20 =	sshrl.u32 s1, $0x1;
	s23 =	simm.s32 $0x780;
	[smem:$0x7E8] =	sst s22  }
0x41: {  	s24 =	simm.s32 $0x800;
	s25 =	simm.s32 $0x880;
	[smem:$0x7E9] =	sst s23  }
0x42: {  	s8 =	simm.s32 $0x1400;
	s7 =	simm.s32 $0x4800;
	[smem:$0x7EA] =	sst s24  }
0x43: {  	s5 =	simm.s32 $0x980;
	s6 =	simm.s32 $0x7C00;
	[smem:$0x7EB] =	sst s25  }
0x44: {  	s9 =	simm.s32 $0xA00;
	s10 =	simm.s32 $0xA80;
	[smem:$0x7ED] =	sst s5  }
0x45: {  	s3 =	simm.s32 $0xE400;
	s11 =	simm.s32 $0xB00;
	[smem:$0x7EE] =	sst s9  }
0x46: {  	s1 =	ssub.s32 s1, s20;
	s13 =	simm.s32 $0x80;
	[smem:$0x7EF] =	sst s10  }
0x47: {  	s5 =	simm.s32 $0xB000;
	s21 =	simm.s32 $0x11800;
	[smem:$0x7F0] =	sst s11  }
0x48: {  	s12 =	simm.s32 $0xB80;
	s18 =	simm.s32 $0x14C00;
	s14 =	simm.s32 $0xC00  }
0x49: {  	s17 =	simm.s32 $0x1;
	s15 =	simm.s32 $0xC80;
	[smem:$0x7F1] =	sst s12  }
0x4a: {  	s9 =	simm.s32 $0x8;
	s16 =	simm.s32 $0xD00;
	[smem:$0x7F2] =	sst s14  }
0x4b: {  	s19 =	simm.s32 $0x2;
	s20 =	simm.s32 $0xD80;
	[smem:$0x7F3] =	sst s15  }
0x4c: {  	s10 =	simm.s32 $0x9;
	s22 =	simm.s32 $0xE00;
	[smem:$0x7F4] =	sst s16  }
0x4d: {  	s23 =	simm.s32 $0xE80;
	s11 =	simm.s32 $0xA;
	[smem:$0x7F5] =	sst s20  }
0x4e: {  	s24 =	simm.s32 $0xF00;
	s25 =	simm.s32 $0xF80;
	[smem:$0x7F6] =	sst s22  }
0x4f: {  	s1 =	smax.u32 s1, $0x1;
	s20 =	simm.s32 $0x3;
	[smem:$0x7F7] =	sst s23  }
0x50: {  	s22 =	simm.s32 $0x4;
	[smem:$0x7F8] =	sst s24;
	s12 =	simm.s32 $0xB  }
0x51: {  	[smem:$0x7F9] =	sst s25;
	s14 =	simm.s32 $0x1000;
	p1 =	sne.s32 s1, $0x1  }
.Ltmp0:
0x52: {  	s15 =	simm.s32 $0x1080;
	[smem:$0x7FA] =	sst s14;
	(pc) =	sbr.rel @!p1 .LBB2_1-.Ltmp0, $4  }
0x53: {  	s23 =	simm.s32 $0x5;
	s16 =	simm.s32 $0x1100;
	[smem:$0x7FB] =	sst s15  }
0x54: {  	s24 =	simm.s32 $0x6;
	s25 =	simm.s32 $0x1180;
	[smem:$0x7FC] =	sst s16  }
0x55: {  	s14 =	simm.s32 $0xC;
	[smem:$0x7FD] =	sst s25;
	s15 =	simm.s32 $0xD  }
0x56: {  	s1 =	sadd.s32 $0xFFFFFFFF, s1;
	s25 =	simm.s32 $0x7;
	s16 =	simm.s32 $0xE  }
0x57: {  	[tilespmem:s2], [sflag:$0xF] =	stream.linear.gather [hbm4b:s0+s2], $0x1400, $0x38;
	[tilespmem:$0x18000] =	vst v63  }
0x58: {  	_ =	swait.ge [sflag:s31], $0x1400  }
0x59: {  	[sflag:s31] =	ssyncset.done $0x0  }
0x5a: {  	[sflag:s31] =	ssyncadd.s32 $0xFFFFEC00  }
0x5b: {  	[tilespmem:s8], [sflag:$0x1] =	stream.indirect.gather [hbm4b:s4+s13], $0x68, s2, s13, $0xb8;
	[tilespmem:$0x18000] =	vst v63  }
0x5c: {  	s0 =	sld [smem:$0x7DC]  }
0x5d: {  	[tilespmem:s7], [sflag:$0x2] =	stream.indirect.gather [hbm4b:s4+s13], $0x68, s13, s13, $0xb8;
	[tilespmem:$0x18000] =	vst v63  }
0x5e: {  	s26 =	smov.u32 s1;
	s1 =	sld [smem:$0x7DD]  }
0x5f: {  	[tilespmem:s6], [sflag:$0x3] =	stream.indirect.gather [hbm4b:s4+s13], $0x68, s0, s13, $0xb8;
	[tilespmem:$0x18000] =	vst v63  }
0x60: {  	s0 =	sld [smem:$0x7DE]  }
0x61: {  	[tilespmem:s5], [sflag:$0x4] =	stream.indirect.gather [hbm4b:s4+s13], $0x68, s1, s13, $0xb8;
	[tilespmem:$0x18000] =	vst v63  }
0x62: {  	s1 =	sld [smem:$0x7DF]  }
0x63: {  	[tilespmem:s3], [sflag:$0x5] =	stream.indirect.gather [hbm4b:s4+s13], $0x68, s0, s13, $0xb8;
	[tilespmem:$0x18000] =	vst v63  }
0x64: {  	s0 =	sld [smem:$0x7E0]  }
0x65: {  	[tilespmem:s21], [sflag:$0x6] =	stream.indirect.gather [hbm4b:s4+s13], $0x68, s1, s13, $0xb8;
	[tilespmem:$0x18000] =	vst v63  }
0x66: {  	_ = 	snop  }
0x67: {  	[tilespmem:s18], [sflag:$0x7] =	stream.indirect.gather [hbm4b:s4+s13], $0x68, s0, s13, $0xb8;
	[tilespmem:$0x18000] =	vst v63  }
0x68: {  	_ =	swait.ge [sflag:s17], $0x3400  }
0x69: {  	[sflag:s17] =	ssyncset.done $0x0  }
0x6a: {  	s1 =	rddreg [dreg:$0x3];
	[sflag:s17] =	ssyncadd.s32 $0xFFFFCC00  }
0x6b: {  	[hbm4b:s1+s2] =	stream.linear.scatter [tilespmem:s8], [sflag:$0x8], $0x3400, $0x38;
	[tilespmem:$0x18000] =	vst v63  }
0x6c: {  	_ =	swait.ge [sflag:s9], $0x3400  }
0x6d: {  	s1 =	sld [smem:$0x7E1]  }
0x6e: {  	[sflag:s9] =	ssyncset.done $0x0  }
0x6f: {  	[sflag:s9] =	ssyncadd.s32 $0xFFFFCC00  }
0x70: {  	[tilespmem:s8], [sflag:$0x1] =	stream.indirect.gather [hbm4b:s4+s13], $0x68, s1, s13, $0xb8;
	[tilespmem:$0x18000] =	vst v63  }
0x71: {  	_ =	swait.ge [sflag:s19], $0x3400  }
0x72: {  	[sflag:s19] =	ssyncset.done $0x0  }
0x73: {  	s1 =	rddreg [dreg:$0x4];
	[sflag:s19] =	ssyncadd.s32 $0xFFFFCC00  }
0x74: {  	[hbm4b:s1+s2] =	stream.linear.scatter [tilespmem:s7], [sflag:$0x9], $0x3400, $0x38;
	[tilespmem:$0x18000] =	vst v63  }
0x75: {  	_ =	swait.ge [sflag:s10], $0x3400  }
0x76: {  	s1 =	sld [smem:$0x7E2]  }
0x77: {  	[sflag:s10] =	ssyncset.done $0x0  }
0x78: {  	[sflag:s10] =	ssyncadd.s32 $0xFFFFCC00  }
0x79: {  	[tilespmem:s7], [sflag:$0x2] =	stream.indirect.gather [hbm4b:s4+s13], $0x68, s1, s13, $0xb8;
	[tilespmem:$0x18000] =	vst v63  }
0x7a: {  	_ =	swait.ge [sflag:s20], $0x3400  }
0x7b: {  	[sflag:s20] =	ssyncset.done $0x0  }
0x7c: {  	s1 =	rddreg [dreg:$0x5];
	[sflag:s20] =	ssyncadd.s32 $0xFFFFCC00  }
0x7d: {  	[hbm4b:s1+s2] =	stream.linear.scatter [tilespmem:s6], [sflag:$0xA], $0x3400, $0x38;
	[tilespmem:$0x18000] =	vst v63  }
0x7e: {  	_ =	swait.ge [sflag:s11], $0x3400  }
0x7f: {  	s1 =	sld [smem:$0x7E3]  }
0x80: {  	[sflag:s11] =	ssyncset.done $0x0  }
0x81: {  	[sflag:s11] =	ssyncadd.s32 $0xFFFFCC00  }
0x82: {  	[tilespmem:s6], [sflag:$0x3] =	stream.indirect.gather [hbm4b:s4+s13], $0x68, s1, s13, $0xb8;
	[tilespmem:$0x18000] =	vst v63  }
0x83: {  	_ =	swait.ge [sflag:s22], $0x3400  }
0x84: {  	[sflag:s22] =	ssyncset.done $0x0  }
0x85: {  	s1 =	rddreg [dreg:$0x6];
	[sflag:s22] =	ssyncadd.s32 $0xFFFFCC00  }
0x86: {  	[hbm4b:s1+s2] =	stream.linear.scatter [tilespmem:s5], [sflag:$0xB], $0x3400, $0x38;
	[tilespmem:$0x18000] =	vst v63  }
0x87: {  	_ =	swait.ge [sflag:s12], $0x3400  }
0x88: {  	s1 =	sld [smem:$0x7E4]  }
0x89: {  	[sflag:s12] =	ssyncset.done $0x0  }
0x8a: {  	[sflag:s12] =	ssyncadd.s32 $0xFFFFCC00  }
0x8b: {  	[tilespmem:s5], [sflag:$0x4] =	stream.indirect.gather [hbm4b:s4+s13], $0x68, s1, s13, $0xb8;
	[tilespmem:$0x18000] =	vst v63  }
0x8c: {  	_ =	swait.ge [sflag:s23], $0x3400  }
0x8d: {  	[sflag:s23] =	ssyncset.done $0x0  }
0x8e: {  	s1 =	rddreg [dreg:$0x7];
	[sflag:s23] =	ssyncadd.s32 $0xFFFFCC00  }
0x8f: {  	[hbm4b:s1+s2] =	stream.linear.scatter [tilespmem:s3], [sflag:$0xC], $0x3400, $0x38;
	[tilespmem:$0x18000] =	vst v63  }
0x90: {  	_ =	swait.ge [sflag:s14], $0x3400  }
0x91: {  	s1 =	sld [smem:$0x7E5]  }
0x92: {  	[sflag:s14] =	ssyncset.done $0x0  }
0x93: {  	[sflag:s14] =	ssyncadd.s32 $0xFFFFCC00  }
0x94: {  	[tilespmem:s3], [sflag:$0x5] =	stream.indirect.gather [hbm4b:s4+s13], $0x68, s1, s13, $0xb8;
	[tilespmem:$0x18000] =	vst v63  }
0x95: {  	_ =	swait.ge [sflag:s24], $0x3400  }
0x96: {  	[sflag:s24] =	ssyncset.done $0x0  }
0x97: {  	s1 =	rddreg [dreg:$0x8];
	[sflag:s24] =	ssyncadd.s32 $0xFFFFCC00  }
0x98: {  	[hbm4b:s1+s2] =	stream.linear.scatter [tilespmem:s21], [sflag:$0xD], $0x3400, $0x38;
	[tilespmem:$0x18000] =	vst v63  }
0x99: {  	_ =	swait.ge [sflag:s15], $0x3400  }
0x9a: {  	s1 =	sld [smem:$0x7E6]  }
0x9b: {  	[sflag:s15] =	ssyncset.done $0x0  }
0x9c: {  	[sflag:s15] =	ssyncadd.s32 $0xFFFFCC00  }
0x9d: {  	[tilespmem:s21], [sflag:$0x6] =	stream.indirect.gather [hbm4b:s4+s13], $0x68, s1, s13, $0xb8;
	[tilespmem:$0x18000] =	vst v63  }
0x9e: {  	_ =	swait.ge [sflag:s25], $0x3400  }
0x9f: {  	[sflag:s25] =	ssyncset.done $0x0  }
0xa0: {  	s1 =	rddreg [dreg:$0x9];
	[sflag:s25] =	ssyncadd.s32 $0xFFFFCC00  }
0xa1: {  	[hbm4b:s1+s2] =	stream.linear.scatter [tilespmem:s18], [sflag:$0xE], $0x3400, $0x38;
	[tilespmem:$0x18000] =	vst v63  }
0xa2: {  	_ =	swait.ge [sflag:s16], $0x3400  }
0xa3: {  	s1 =	sld [smem:$0x7E7]  }
0xa4: {  	[sflag:s16] =	ssyncset.done $0x0  }
0xa5: {  	[sflag:s16] =	ssyncadd.s32 $0xFFFFCC00  }
0xa6: {  	[tilespmem:s18], [sflag:$0x7] =	stream.indirect.gather [hbm4b:s4+s13], $0x68, s1, s13, $0xb8;
	[tilespmem:$0x18000] =	vst v63  }
0xa7: {  	_ =	swait.ge [sflag:s17], $0x3400  }
0xa8: {  	[sflag:s17] =	ssyncset.done $0x0  }
0xa9: {  	s1 =	rddreg [dreg:$0xa];
	[sflag:s17] =	ssyncadd.s32 $0xFFFFCC00  }
0xaa: {  	[hbm4b:s1+s2] =	stream.linear.scatter [tilespmem:s8], [sflag:$0x8], $0x3400, $0x38;
	[tilespmem:$0x18000] =	vst v63  }
0xab: {  	_ =	swait.ge [sflag:s9], $0x3400  }
0xac: {  	s1 =	sld [smem:$0x7E8]  }
0xad: {  	[sflag:s9] =	ssyncset.done $0x0  }
0xae: {  	[sflag:s9] =	ssyncadd.s32 $0xFFFFCC00  }
0xaf: {  	[tilespmem:s8], [sflag:$0x1] =	stream.indirect.gather [hbm4b:s4+s13], $0x68, s1, s13, $0xb8;
	[tilespmem:$0x18000] =	vst v63  }
0xb0: {  	_ =	swait.ge [sflag:s19], $0x3400  }
0xb1: {  	[sflag:s19] =	ssyncset.done $0x0  }
0xb2: {  	s1 =	rddreg [dreg:$0xb];
	[sflag:s19] =	ssyncadd.s32 $0xFFFFCC00  }
0xb3: {  	[hbm4b:s1+s2] =	stream.linear.scatter [tilespmem:s7], [sflag:$0x9], $0x3400, $0x38;
	[tilespmem:$0x18000] =	vst v63  }
0xb4: {  	_ =	swait.ge [sflag:s10], $0x3400  }
0xb5: {  	s1 =	sld [smem:$0x7E9]  }
0xb6: {  	[sflag:s10] =	ssyncset.done $0x0  }
0xb7: {  	[sflag:s10] =	ssyncadd.s32 $0xFFFFCC00  }
0xb8: {  	[tilespmem:s7], [sflag:$0x2] =	stream.indirect.gather [hbm4b:s4+s13], $0x68, s1, s13, $0xb8;
	[tilespmem:$0x18000] =	vst v63  }
0xb9: {  	_ =	swait.ge [sflag:s20], $0x3400  }
0xba: {  	[sflag:s20] =	ssyncset.done $0x0  }
0xbb: {  	s1 =	rddreg [dreg:$0xc];
	[sflag:s20] =	ssyncadd.s32 $0xFFFFCC00  }
0xbc: {  	[hbm4b:s1+s2] =	stream.linear.scatter [tilespmem:s6], [sflag:$0xA], $0x3400, $0x38;
	[tilespmem:$0x18000] =	vst v63  }
0xbd: {  	_ =	swait.ge [sflag:s11], $0x3400  }
0xbe: {  	s1 =	sld [smem:$0x7EA]  }
0xbf: {  	[sflag:s11] =	ssyncset.done $0x0  }
0xc0: {  	[sflag:s11] =	ssyncadd.s32 $0xFFFFCC00  }
0xc1: {  	[tilespmem:s6], [sflag:$0x3] =	stream.indirect.gather [hbm4b:s4+s13], $0x68, s1, s13, $0xb8;
	[tilespmem:$0x18000] =	vst v63  }
0xc2: {  	_ =	swait.ge [sflag:s22], $0x3400  }
0xc3: {  	[sflag:s22] =	ssyncset.done $0x0  }
0xc4: {  	s1 =	rddreg [dreg:$0xd];
	[sflag:s22] =	ssyncadd.s32 $0xFFFFCC00  }
0xc5: {  	[hbm4b:s1+s2] =	stream.linear.scatter [tilespmem:s5], [sflag:$0xB], $0x3400, $0x38;
	[tilespmem:$0x18000] =	vst v63  }
0xc6: {  	_ =	swait.ge [sflag:s12], $0x3400  }
0xc7: {  	s1 =	sld [smem:$0x7EB]  }
0xc8: {  	[sflag:s12] =	ssyncset.done $0x0  }
0xc9: {  	[sflag:s12] =	ssyncadd.s32 $0xFFFFCC00  }
0xca: {  	[tilespmem:s5], [sflag:$0x4] =	stream.indirect.gather [hbm4b:s4+s13], $0x68, s1, s13, $0xb8;
	[tilespmem:$0x18000] =	vst v63  }
0xcb: {  	_ =	swait.ge [sflag:s23], $0x3400  }
0xcc: {  	[sflag:s23] =	ssyncset.done $0x0  }
0xcd: {  	s1 =	rddreg [dreg:$0xe];
	[sflag:s23] =	ssyncadd.s32 $0xFFFFCC00  }
0xce: {  	[hbm4b:s1+s2] =	stream.linear.scatter [tilespmem:s3], [sflag:$0xC], $0x3400, $0x38;
	[tilespmem:$0x18000] =	vst v63  }
0xcf: {  	_ =	swait.ge [sflag:s14], $0x3400  }
0xd0: {  	s1 =	sld [smem:$0x7EC]  }
0xd1: {  	[sflag:s14] =	ssyncset.done $0x0  }
0xd2: {  	[sflag:s14] =	ssyncadd.s32 $0xFFFFCC00  }
0xd3: {  	[tilespmem:s3], [sflag:$0x5] =	stream.indirect.gather [hbm4b:s4+s13], $0x68, s1, s13, $0xb8;
	[tilespmem:$0x18000] =	vst v63  }
0xd4: {  	_ =	swait.ge [sflag:s24], $0x3400  }
0xd5: {  	[sflag:s24] =	ssyncset.done $0x0  }
0xd6: {  	s1 =	rddreg [dreg:$0xf];
	[sflag:s24] =	ssyncadd.s32 $0xFFFFCC00  }
0xd7: {  	[hbm4b:s1+s2] =	stream.linear.scatter [tilespmem:s21], [sflag:$0xD], $0x3400, $0x38;
	[tilespmem:$0x18000] =	vst v63  }
0xd8: {  	_ =	swait.ge [sflag:s15], $0x3400  }
0xd9: {  	s1 =	sld [smem:$0x7ED]  }
0xda: {  	[sflag:s15] =	ssyncset.done $0x0  }
0xdb: {  	[sflag:s15] =	ssyncadd.s32 $0xFFFFCC00  }
0xdc: {  	[tilespmem:s21], [sflag:$0x6] =	stream.indirect.gather [hbm4b:s4+s13], $0x68, s1, s13, $0xb8;
	[tilespmem:$0x18000] =	vst v63  }
0xdd: {  	_ =	swait.ge [sflag:s25], $0x3400  }
0xde: {  	[sflag:s25] =	ssyncset.done $0x0  }
0xdf: {  	s1 =	rddreg [dreg:$0x10];
	[sflag:s25] =	ssyncadd.s32 $0xFFFFCC00  }
0xe0: {  	[hbm4b:s1+s2] =	stream.linear.scatter [tilespmem:s18], [sflag:$0xE], $0x3400, $0x38;
	[tilespmem:$0x18000] =	vst v63  }
0xe1: {  	_ =	swait.ge [sflag:s16], $0x3400  }
0xe2: {  	s1 =	sld [smem:$0x7EE]  }
0xe3: {  	[sflag:s16] =	ssyncset.done $0x0  }
0xe4: {  	[sflag:s16] =	ssyncadd.s32 $0xFFFFCC00  }
0xe5: {  	[tilespmem:s18], [sflag:$0x7] =	stream.indirect.gather [hbm4b:s4+s13], $0x68, s1, s13, $0xb8;
	[tilespmem:$0x18000] =	vst v63  }
0xe6: {  	_ =	swait.ge [sflag:s17], $0x3400  }
0xe7: {  	[sflag:s17] =	ssyncset.done $0x0  }
0xe8: {  	s1 =	rddreg [dreg:$0x11];
	[sflag:s17] =	ssyncadd.s32 $0xFFFFCC00  }
0xe9: {  	[hbm4b:s1+s2] =	stream.linear.scatter [tilespmem:s8], [sflag:$0x8], $0x3400, $0x38;
	[tilespmem:$0x18000] =	vst v63  }
0xea: {  	_ =	swait.ge [sflag:s9], $0x3400  }
0xeb: {  	s1 =	sld [smem:$0x7EF]  }
0xec: {  	[sflag:s9] =	ssyncset.done $0x0  }
0xed: {  	[sflag:s9] =	ssyncadd.s32 $0xFFFFCC00  }
0xee: {  	[tilespmem:s8], [sflag:$0x1] =	stream.indirect.gather [hbm4b:s4+s13], $0x68, s1, s13, $0xb8;
	[tilespmem:$0x18000] =	vst v63  }
0xef: {  	_ =	swait.ge [sflag:s19], $0x3400  }
0xf0: {  	[sflag:s19] =	ssyncset.done $0x0  }
0xf1: {  	s1 =	rddreg [dreg:$0x12];
	[sflag:s19] =	ssyncadd.s32 $0xFFFFCC00  }
0xf2: {  	[hbm4b:s1+s2] =	stream.linear.scatter [tilespmem:s7], [sflag:$0x9], $0x3400, $0x38;
	[tilespmem:$0x18000] =	vst v63  }
0xf3: {  	_ =	swait.ge [sflag:s10], $0x3400  }
0xf4: {  	s1 =	sld [smem:$0x7F0]  }
0xf5: {  	[sflag:s10] =	ssyncset.done $0x0  }
0xf6: {  	[sflag:s10] =	ssyncadd.s32 $0xFFFFCC00  }
0xf7: {  	[tilespmem:s7], [sflag:$0x2] =	stream.indirect.gather [hbm4b:s4+s13], $0x68, s1, s13, $0xb8;
	[tilespmem:$0x18000] =	vst v63  }
0xf8: {  	_ =	swait.ge [sflag:s20], $0x3400  }
0xf9: {  	[sflag:s20] =	ssyncset.done $0x0  }
0xfa: {  	s1 =	rddreg [dreg:$0x13];
	[sflag:s20] =	ssyncadd.s32 $0xFFFFCC00  }
0xfb: {  	[hbm4b:s1+s2] =	stream.linear.scatter [tilespmem:s6], [sflag:$0xA], $0x3400, $0x38;
	[tilespmem:$0x18000] =	vst v63  }
0xfc: {  	_ =	swait.ge [sflag:s11], $0x3400  }
0xfd: {  	s1 =	sld [smem:$0x7F1]  }
0xfe: {  	[sflag:s11] =	ssyncset.done $0x0  }
0xff: {  	[sflag:s11] =	ssyncadd.s32 $0xFFFFCC00  }
0x100: {  	[tilespmem:s6], [sflag:$0x3] =	stream.indirect.gather [hbm4b:s4+s13], $0x68, s1, s13, $0xb8;
	[tilespmem:$0x18000] =	vst v63  }
0x101: {  	_ =	swait.ge [sflag:s22], $0x3400  }
0x102: {  	[sflag:s22] =	ssyncset.done $0x0  }
0x103: {  	s1 =	rddreg [dreg:$0x14];
	[sflag:s22] =	ssyncadd.s32 $0xFFFFCC00  }
0x104: {  	[hbm4b:s1+s2] =	stream.linear.scatter [tilespmem:s5], [sflag:$0xB], $0x3400, $0x38;
	[tilespmem:$0x18000] =	vst v63  }
0x105: {  	_ =	swait.ge [sflag:s12], $0x3400  }
0x106: {  	s1 =	sld [smem:$0x7F2]  }
0x107: {  	[sflag:s12] =	ssyncset.done $0x0  }
0x108: {  	[sflag:s12] =	ssyncadd.s32 $0xFFFFCC00  }
0x109: {  	[tilespmem:s5], [sflag:$0x4] =	stream.indirect.gather [hbm4b:s4+s13], $0x68, s1, s13, $0xb8;
	[tilespmem:$0x18000] =	vst v63  }
0x10a: {  	_ =	swait.ge [sflag:s23], $0x3400  }
0x10b: {  	[sflag:s23] =	ssyncset.done $0x0  }
0x10c: {  	s1 =	rddreg [dreg:$0x15];
	[sflag:s23] =	ssyncadd.s32 $0xFFFFCC00  }
0x10d: {  	[hbm4b:s1+s2] =	stream.linear.scatter [tilespmem:s3], [sflag:$0xC], $0x3400, $0x38;
	[tilespmem:$0x18000] =	vst v63  }
0x10e: {  	_ =	swait.ge [sflag:s14], $0x3400  }
0x10f: {  	s1 =	sld [smem:$0x7F3]  }
0x110: {  	[sflag:s14] =	ssyncset.done $0x0  }
0x111: {  	[sflag:s14] =	ssyncadd.s32 $0xFFFFCC00  }
0x112: {  	[tilespmem:s3], [sflag:$0x5] =	stream.indirect.gather [hbm4b:s4+s13], $0x68, s1, s13, $0xb8;
	[tilespmem:$0x18000] =	vst v63  }
0x113: {  	_ =	swait.ge [sflag:s24], $0x3400  }
0x114: {  	[sflag:s24] =	ssyncset.done $0x0  }
0x115: {  	s1 =	rddreg [dreg:$0x16];
	[sflag:s24] =	ssyncadd.s32 $0xFFFFCC00  }
0x116: {  	[hbm4b:s1+s2] =	stream.linear.scatter [tilespmem:s21], [sflag:$0xD], $0x3400, $0x38;
	[tilespmem:$0x18000] =	vst v63  }
0x117: {  	_ =	swait.ge [sflag:s15], $0x3400  }
0x118: {  	s1 =	sld [smem:$0x7F4]  }
0x119: {  	[sflag:s15] =	ssyncset.done $0x0  }
0x11a: {  	[sflag:s15] =	ssyncadd.s32 $0xFFFFCC00  }
0x11b: {  	[tilespmem:s21], [sflag:$0x6] =	stream.indirect.gather [hbm4b:s4+s13], $0x68, s1, s13, $0xb8;
	[tilespmem:$0x18000] =	vst v63  }
0x11c: {  	_ =	swait.ge [sflag:s25], $0x3400  }
0x11d: {  	[sflag:s25] =	ssyncset.done $0x0  }
0x11e: {  	s1 =	rddreg [dreg:$0x17];
	[sflag:s25] =	ssyncadd.s32 $0xFFFFCC00  }
0x11f: {  	[hbm4b:s1+s2] =	stream.linear.scatter [tilespmem:s18], [sflag:$0xE], $0x3400, $0x38;
	[tilespmem:$0x18000] =	vst v63  }
0x120: {  	_ =	swait.ge [sflag:s16], $0x3400  }
0x121: {  	s1 =	sld [smem:$0x7F5]  }
0x122: {  	[sflag:s16] =	ssyncset.done $0x0  }
0x123: {  	[sflag:s16] =	ssyncadd.s32 $0xFFFFCC00  }
0x124: {  	[tilespmem:s18], [sflag:$0x7] =	stream.indirect.gather [hbm4b:s4+s13], $0x68, s1, s13, $0xb8;
	[tilespmem:$0x18000] =	vst v63  }
0x125: {  	_ =	swait.ge [sflag:s17], $0x3400  }
0x126: {  	[sflag:s17] =	ssyncset.done $0x0  }
0x127: {  	s1 =	rddreg [dreg:$0x18];
	[sflag:s17] =	ssyncadd.s32 $0xFFFFCC00  }
0x128: {  	[hbm4b:s1+s2] =	stream.linear.scatter [tilespmem:s8], [sflag:$0x8], $0x3400, $0x38;
	[tilespmem:$0x18000] =	vst v63  }
0x129: {  	_ =	swait.ge [sflag:s9], $0x3400  }
0x12a: {  	s1 =	sld [smem:$0x7F6]  }
0x12b: {  	[sflag:s9] =	ssyncset.done $0x0  }
0x12c: {  	[sflag:s9] =	ssyncadd.s32 $0xFFFFCC00  }
0x12d: {  	[tilespmem:s8], [sflag:$0x1] =	stream.indirect.gather [hbm4b:s4+s13], $0x68, s1, s13, $0xb8;
	[tilespmem:$0x18000] =	vst v63  }
0x12e: {  	_ =	swait.ge [sflag:s19], $0x3400  }
0x12f: {  	[sflag:s19] =	ssyncset.done $0x0  }
0x130: {  	s1 =	rddreg [dreg:$0x19];
	[sflag:s19] =	ssyncadd.s32 $0xFFFFCC00  }
0x131: {  	[hbm4b:s1+s2] =	stream.linear.scatter [tilespmem:s7], [sflag:$0x9], $0x3400, $0x38;
	[tilespmem:$0x18000] =	vst v63  }
0x132: {  	_ =	swait.ge [sflag:s10], $0x3400  }
0x133: {  	s1 =	sld [smem:$0x7F7]  }
0x134: {  	[sflag:s10] =	ssyncset.done $0x0  }
0x135: {  	[sflag:s10] =	ssyncadd.s32 $0xFFFFCC00  }
0x136: {  	[tilespmem:s7], [sflag:$0x2] =	stream.indirect.gather [hbm4b:s4+s13], $0x68, s1, s13, $0xb8;
	[tilespmem:$0x18000] =	vst v63  }
0x137: {  	_ =	swait.ge [sflag:s20], $0x3400  }
0x138: {  	[sflag:s20] =	ssyncset.done $0x0  }
0x139: {  	s1 =	rddreg [dreg:$0x1a];
	[sflag:s20] =	ssyncadd.s32 $0xFFFFCC00  }
0x13a: {  	[hbm4b:s1+s2] =	stream.linear.scatter [tilespmem:s6], [sflag:$0xA], $0x3400, $0x38;
	[tilespmem:$0x18000] =	vst v63  }
0x13b: {  	_ =	swait.ge [sflag:s11], $0x3400  }
0x13c: {  	s1 =	sld [smem:$0x7F8]  }
0x13d: {  	[sflag:s11] =	ssyncset.done $0x0  }
0x13e: {  	[sflag:s11] =	ssyncadd.s32 $0xFFFFCC00  }
0x13f: {  	[tilespmem:s6], [sflag:$0x3] =	stream.indirect.gather [hbm4b:s4+s13], $0x68, s1, s13, $0xb8;
	[tilespmem:$0x18000] =	vst v63  }
0x140: {  	_ =	swait.ge [sflag:s22], $0x3400  }
0x141: {  	[sflag:s22] =	ssyncset.done $0x0  }
0x142: {  	s1 =	rddreg [dreg:$0x1b];
	[sflag:s22] =	ssyncadd.s32 $0xFFFFCC00  }
0x143: {  	[hbm4b:s1+s2] =	stream.linear.scatter [tilespmem:s5], [sflag:$0xB], $0x3400, $0x38;
	[tilespmem:$0x18000] =	vst v63  }
0x144: {  	_ =	swait.ge [sflag:s12], $0x3400  }
0x145: {  	s1 =	sld [smem:$0x7F9]  }
0x146: {  	[sflag:s12] =	ssyncset.done $0x0  }
0x147: {  	[sflag:s12] =	ssyncadd.s32 $0xFFFFCC00  }
0x148: {  	[tilespmem:s5], [sflag:$0x4] =	stream.indirect.gather [hbm4b:s4+s13], $0x68, s1, s13, $0xb8;
	[tilespmem:$0x18000] =	vst v63  }
0x149: {  	_ =	swait.ge [sflag:s23], $0x3400  }
0x14a: {  	[sflag:s23] =	ssyncset.done $0x0  }
0x14b: {  	s1 =	rddreg [dreg:$0x1c];
	[sflag:s23] =	ssyncadd.s32 $0xFFFFCC00  }
0x14c: {  	[hbm4b:s1+s2] =	stream.linear.scatter [tilespmem:s3], [sflag:$0xC], $0x3400, $0x38;
	[tilespmem:$0x18000] =	vst v63  }
0x14d: {  	_ =	swait.ge [sflag:s14], $0x3400  }
0x14e: {  	s1 =	sld [smem:$0x7FA]  }
0x14f: {  	[sflag:s14] =	ssyncset.done $0x0  }
0x150: {  	[sflag:s14] =	ssyncadd.s32 $0xFFFFCC00  }
0x151: {  	[tilespmem:s3], [sflag:$0x5] =	stream.indirect.gather [hbm4b:s4+s13], $0x68, s1, s13, $0xb8;
	[tilespmem:$0x18000] =	vst v63  }
0x152: {  	_ =	swait.ge [sflag:s24], $0x3400  }
0x153: {  	[sflag:s24] =	ssyncset.done $0x0  }
0x154: {  	s1 =	rddreg [dreg:$0x1d];
	[sflag:s24] =	ssyncadd.s32 $0xFFFFCC00  }
0x155: {  	[hbm4b:s1+s2] =	stream.linear.scatter [tilespmem:s21], [sflag:$0xD], $0x3400, $0x38;
	[tilespmem:$0x18000] =	vst v63  }
0x156: {  	_ =	swait.ge [sflag:s15], $0x3400  }
0x157: {  	s1 =	sld [smem:$0x7FB]  }
0x158: {  	[sflag:s15] =	ssyncset.done $0x0  }
0x159: {  	[sflag:s15] =	ssyncadd.s32 $0xFFFFCC00  }
0x15a: {  	[tilespmem:s21], [sflag:$0x6] =	stream.indirect.gather [hbm4b:s4+s13], $0x68, s1, s13, $0xb8;
	[tilespmem:$0x18000] =	vst v63  }
0x15b: {  	_ =	swait.ge [sflag:s25], $0x3400  }
0x15c: {  	[sflag:s25] =	ssyncset.done $0x0  }
0x15d: {  	s1 =	rddreg [dreg:$0x1e];
	[sflag:s25] =	ssyncadd.s32 $0xFFFFCC00  }
0x15e: {  	[hbm4b:s1+s2] =	stream.linear.scatter [tilespmem:s18], [sflag:$0xE], $0x3400, $0x38;
	[tilespmem:$0x18000] =	vst v63  }
0x15f: {  	_ =	swait.ge [sflag:s16], $0x3400  }
0x160: {  	s1 =	sld [smem:$0x7FC]  }
0x161: {  	[sflag:s16] =	ssyncset.done $0x0  }
0x162: {  	[sflag:s16] =	ssyncadd.s32 $0xFFFFCC00  }
0x163: {  	[tilespmem:s18], [sflag:$0x7] =	stream.indirect.gather [hbm4b:s4+s13], $0x68, s1, s13, $0xb8;
	[tilespmem:$0x18000] =	vst v63  }
0x164: {  	_ =	swait.ge [sflag:s17], $0x3400  }
0x165: {  	[sflag:s17] =	ssyncset.done $0x0  }
0x166: {  	s1 =	rddreg [dreg:$0x1f];
	[sflag:s17] =	ssyncadd.s32 $0xFFFFCC00  }
0x167: {  	[hbm4b:s1+s2] =	stream.linear.scatter [tilespmem:s8], [sflag:$0x8], $0x3400, $0x38;
	[tilespmem:$0x18000] =	vst v63  }
0x168: {  	_ =	swait.ge [sflag:s9], $0x3400  }
0x169: {  	s1 =	sld [smem:$0x7FD]  }
0x16a: {  	[sflag:s9] =	ssyncset.done $0x0  }
0x16b: {  	[sflag:s9] =	ssyncadd.s32 $0xFFFFCC00  }
0x16c: {  	[tilespmem:s8], [sflag:$0x1] =	stream.indirect.gather [hbm4b:s4+s13], $0x68, s1, s13, $0xb8;
	[tilespmem:$0x18000] =	vst v63  }
0x16d: {  	_ =	swait.ge [sflag:s19], $0x3400  }
0x16e: {  	s1 =	sld [smem:$0x7D1]  }
0x16f: {  	[sflag:s19] =	ssyncset.done $0x0  }
0x170: {  	[sflag:s19] =	ssyncadd.s32 $0xFFFFCC00  }
0x171: {  	[hbm4b:s1+s2] =	stream.linear.scatter [tilespmem:s7], [sflag:$0x9], $0x3400, $0x38;
	[tilespmem:$0x18000] =	vst v63  }
0x172: {  	_ =	swait.ge [sflag:s10], $0x3400  }
0x173: {  	[sflag:s10] =	ssyncset.done $0x0  }
0x174: {  	s1 =	simm.s32 $0x1200;
	[sflag:s10] =	ssyncadd.s32 $0xFFFFCC00  }
0x175: {  	[tilespmem:s7], [sflag:$0x2] =	stream.indirect.gather [hbm4b:s4+s13], $0x68, s1, s13, $0xb8;
	[tilespmem:$0x18000] =	vst v63  }
0x176: {  	_ =	swait.ge [sflag:s20], $0x3400  }
0x177: {  	s1 =	sld [smem:$0x7D2]  }
0x178: {  	[sflag:s20] =	ssyncset.done $0x0  }
0x179: {  	[sflag:s20] =	ssyncadd.s32 $0xFFFFCC00  }
0x17a: {  	[hbm4b:s1+s2] =	stream.linear.scatter [tilespmem:s6], [sflag:$0xA], $0x3400, $0x38;
	[tilespmem:$0x18000] =	vst v63  }
0x17b: {  	_ =	swait.ge [sflag:s11], $0x3400  }
0x17c: {  	[sflag:s11] =	ssyncset.done $0x0  }
0x17d: {  	[sflag:s11] =	ssyncadd.s32 $0xFFFFCC00  }
0x17e: {  	[tilespmem:s6], [sflag:$0x3] =	stream.indirect.gather [hbm4b:s4+s13], $0x68, s30, s13, $0xb8;
	[tilespmem:$0x18000] =	vst v63  }
0x17f: {  	_ =	swait.ge [sflag:s22], $0x3400  }
0x180: {  	s1 =	sld [smem:$0x7D3]  }
0x181: {  	[sflag:s22] =	ssyncset.done $0x0  }
0x182: {  	[sflag:s22] =	ssyncadd.s32 $0xFFFFCC00  }
0x183: {  	[hbm4b:s1+s2] =	stream.linear.scatter [tilespmem:s5], [sflag:$0xB], $0x3400, $0x38;
	[tilespmem:$0x18000] =	vst v63  }
0x184: {  	_ =	swait.ge [sflag:s12], $0x3400  }
0x185: {  	[sflag:s12] =	ssyncset.done $0x0  }
0x186: {  	[sflag:s12] =	ssyncadd.s32 $0xFFFFCC00  }
0x187: {  	[tilespmem:s5], [sflag:$0x4] =	stream.indirect.gather [hbm4b:s4+s13], $0x68, s29, s13, $0xb8;
	[tilespmem:$0x18000] =	vst v63  }
0x188: {  	_ =	swait.ge [sflag:s23], $0x3400  }
0x189: {  	s1 =	sld [smem:$0x7D4]  }
0x18a: {  	[sflag:s23] =	ssyncset.done $0x0  }
0x18b: {  	[sflag:s23] =	ssyncadd.s32 $0xFFFFCC00  }
0x18c: {  	[hbm4b:s1+s2] =	stream.linear.scatter [tilespmem:s3], [sflag:$0xC], $0x3400, $0x38;
	[tilespmem:$0x18000] =	vst v63  }
0x18d: {  	_ =	swait.ge [sflag:s14], $0x3400  }
0x18e: {  	[sflag:s14] =	ssyncset.done $0x0  }
0x18f: {  	[sflag:s14] =	ssyncadd.s32 $0xFFFFCC00  }
0x190: {  	[tilespmem:s3], [sflag:$0x5] =	stream.indirect.gather [hbm4b:s4+s13], $0x68, s28, s13, $0xb8;
	[tilespmem:$0x18000] =	vst v63  }
0x191: {  	_ =	swait.ge [sflag:s24], $0x3400  }
0x192: {  	s1 =	sld [smem:$0x7D5]  }
0x193: {  	[sflag:s24] =	ssyncset.done $0x0  }
0x194: {  	[sflag:s24] =	ssyncadd.s32 $0xFFFFCC00  }
0x195: {  	[hbm4b:s1+s2] =	stream.linear.scatter [tilespmem:s21], [sflag:$0xD], $0x3400, $0x38;
	[tilespmem:$0x18000] =	vst v63  }
0x196: {  	_ =	swait.ge [sflag:s25], $0x3400  }
0x197: {  	s1 =	sld [smem:$0x7D6]  }
0x198: {  	[sflag:s25] =	ssyncset.done $0x0  }
0x199: {  	[sflag:s25] =	ssyncadd.s32 $0xFFFFCC00  }
0x19a: {  	[hbm4b:s1+s2] =	stream.linear.scatter [tilespmem:s18], [sflag:$0xE], $0x3400, $0x38;
	[tilespmem:$0x18000] =	vst v63  }
0x19b: {  	_ =	swait.ge [sflag:s17], $0x3400  }
0x19c: {  	s1 =	sld [smem:$0x7D7]  }
0x19d: {  	[sflag:s17] =	ssyncset.done $0x0  }
0x19e: {  	[sflag:s17] =	ssyncadd.s32 $0xFFFFCC00  }
0x19f: {  	[hbm4b:s1+s2] =	stream.linear.scatter [tilespmem:s8], [sflag:$0x8], $0x3400, $0x38;
	[tilespmem:$0x18000] =	vst v63  }
0x1a0: {  	_ =	swait.ge [sflag:s19], $0x3400  }
0x1a1: {  	s1 =	sld [smem:$0x7D8]  }
0x1a2: {  	[sflag:s19] =	ssyncset.done $0x0  }
0x1a3: {  	[sflag:s19] =	ssyncadd.s32 $0xFFFFCC00  }
0x1a4: {  	[hbm4b:s1+s2] =	stream.linear.scatter [tilespmem:s7], [sflag:$0x9], $0x3400, $0x38;
	[tilespmem:$0x18000] =	vst v63  }
0x1a5: {  	_ =	swait.ge [sflag:s20], $0x3400  }
0x1a6: {  	s1 =	sld [smem:$0x7D9]  }
0x1a7: {  	[sflag:s20] =	ssyncset.done $0x0  }
0x1a8: {  	[sflag:s20] =	ssyncadd.s32 $0xFFFFCC00  }
0x1a9: {  	[hbm4b:s1+s2] =	stream.linear.scatter [tilespmem:s6], [sflag:$0xA], $0x3400, $0x38;
	[tilespmem:$0x18000] =	vst v63  }
0x1aa: {  	_ =	swait.ge [sflag:s22], $0x3400  }
0x1ab: {  	s1 =	sld [smem:$0x7DA]  }
0x1ac: {  	[sflag:s22] =	ssyncset.done $0x0  }
0x1ad: {  	[sflag:s22] =	ssyncadd.s32 $0xFFFFCC00  }
0x1ae: {  	[hbm4b:s1+s2] =	stream.linear.scatter [tilespmem:s5], [sflag:$0xB], $0x3400, $0x38;
	[tilespmem:$0x18000] =	vst v63  }
0x1af: {  	_ =	swait.ge [sflag:s23], $0x3400  }
0x1b0: {  	s1 =	sld [smem:$0x7DB]  }
0x1b1: {  	[sflag:s23] =	ssyncset.done $0x0  }
0x1b2: {  	[sflag:s23] =	ssyncadd.s32 $0xFFFFCC00  }
0x1b3: {  	[hbm4b:s1+s2] =	stream.linear.scatter [tilespmem:s3], [sflag:$0xC], $0x3400, $0x38;
	[tilespmem:$0x18000] =	vst v63  }
0x1b4: {  	_ =	swait.ge [sflag:s9], $0x3400  }
0x1b5: {  	[sflag:s9] =	ssyncset.done $0x0  }
0x1b6: {  	[sflag:s9] =	ssyncadd.s32 $0xFFFFCC00  }
0x1b7: {  	_ =	swait.ge [sflag:s10], $0x3400  }
0x1b8: {  	[sflag:s10] =	ssyncset.done $0x0  }
0x1b9: {  	[sflag:s10] =	ssyncadd.s32 $0xFFFFCC00  }
0x1ba: {  	_ =	swait.ge [sflag:s11], $0x3400  }
0x1bb: {  	[sflag:s11] =	ssyncset.done $0x0  }
0x1bc: {  	[sflag:s11] =	ssyncadd.s32 $0xFFFFCC00  }
0x1bd: {  	_ =	swait.ge [sflag:s12], $0x3400  }
0x1be: {  	[sflag:s12] =	ssyncset.done $0x0  }
0x1bf: {  	[sflag:s12] =	ssyncadd.s32 $0xFFFFCC00  }
0x1c0: {  	_ =	swait.ge [sflag:s14], $0x3400  }
0x1c1: {  	[sflag:s14] =	ssyncset.done $0x0  }
0x1c2: {  	p1 =	sne.s32 s26, $0x1;
	[sflag:s14] =	ssyncadd.s32 $0xFFFFCC00  }
.Ltmp1:
0x1c3: {  	_ =	swait.ge [sflag:s15], $0x3400;
	(pc) =	sbr.rel @!p1 .LBB2_3-.Ltmp1, $4  }
0x1c4: {  	[sflag:s15] =	ssyncset.done $0x0  }
0x1c5: {  	[sflag:s15] =	ssyncadd.s32 $0xFFFFCC00  }
0x1c6: {  	p0 =	por $0x1, $0x1;
	_ =	swait.ge [sflag:s16], $0x3400  }
0x1c7: {  	s1 =	sadd.s32 $0xFFFFFFFF, s26;
	s0 =	rddreg [dreg:$0x2];
	[sflag:s16] =	ssyncset.done $0x0  }
.LBB2_4:
0x1c8: {  	[sflag:s16] =	ssyncadd.s32 $0xFFFFCC00  }
0x1c9: {  	[tilespmem:s2], [sflag:$0xF] =	stream.linear.gather [hbm4b:s0+s2], $0x1400, $0x38;
	[tilespmem:$0x18000] =	vst v63  }
0x1ca: {  	_ =	swait.ge [sflag:s31], $0x1400  }
0x1cb: {  	[sflag:s31] =	ssyncset.done $0x0  }
0x1cc: {  	[sflag:s31] =	ssyncadd.s32 $0xFFFFEC00  }
0x1cd: {  	[tilespmem:s8], [sflag:$0x1] =	stream.indirect.gather [hbm4b:s4+s13], $0x68, s2, s13, $0xb8;
	[tilespmem:$0x18000] =	vst v63  }
0x1ce: {  	s0 =	sld [smem:$0x7DC]  }
0x1cf: {  	[tilespmem:s7], [sflag:$0x2] =	stream.indirect.gather [hbm4b:s4+s13], $0x68, s13, s13, $0xb8;
	[tilespmem:$0x18000] =	vst v63  }
0x1d0: {  	s26 =	sld [smem:$0x7DD]  }
0x1d1: {  	[tilespmem:s6], [sflag:$0x3] =	stream.indirect.gather [hbm4b:s4+s13], $0x68, s0, s13, $0xb8;
	[tilespmem:$0x18000] =	vst v63  }
0x1d2: {  	s0 =	sld [smem:$0x7DE]  }
0x1d3: {  	[tilespmem:s5], [sflag:$0x4] =	stream.indirect.gather [hbm4b:s4+s13], $0x68, s26, s13, $0xb8;
	[tilespmem:$0x18000] =	vst v63  }
0x1d4: {  	s26 =	sld [smem:$0x7DF]  }
0x1d5: {  	[tilespmem:s3], [sflag:$0x5] =	stream.indirect.gather [hbm4b:s4+s13], $0x68, s0, s13, $0xb8;
	[tilespmem:$0x18000] =	vst v63  }
0x1d6: {  	s0 =	sld [smem:$0x7E0]  }
0x1d7: {  	[tilespmem:s21], [sflag:$0x6] =	stream.indirect.gather [hbm4b:s4+s13], $0x68, s26, s13, $0xb8;
	[tilespmem:$0x18000] =	vst v63  }
0x1d8: {  	_ = 	snop  }
0x1d9: {  	[tilespmem:s18], [sflag:$0x7] =	stream.indirect.gather [hbm4b:s4+s13], $0x68, s0, s13, $0xb8;
	[tilespmem:$0x18000] =	vst v63  }
0x1da: {  	_ =	swait.ge [sflag:s17], $0x3400  }
0x1db: {  	[sflag:s17] =	ssyncset.done $0x0  }
0x1dc: {  	s26 =	rddreg [dreg:$0x3];
	[sflag:s17] =	ssyncadd.s32 $0xFFFFCC00  }
0x1dd: {  	[hbm4b:s26+s2] =	stream.linear.scatter [tilespmem:s8], [sflag:$0x8], $0x3400, $0x38;
	[tilespmem:$0x18000] =	vst v63  }
0x1de: {  	_ =	swait.ge [sflag:s9], $0x3400  }
0x1df: {  	s26 =	sld [smem:$0x7E1]  }
0x1e0: {  	[sflag:s9] =	ssyncset.done $0x0  }
0x1e1: {  	[sflag:s9] =	ssyncadd.s32 $0xFFFFCC00  }
0x1e2: {  	[tilespmem:s8], [sflag:$0x1] =	stream.indirect.gather [hbm4b:s4+s13], $0x68, s26, s13, $0xb8;
	[tilespmem:$0x18000] =	vst v63  }
0x1e3: {  	_ =	swait.ge [sflag:s19], $0x3400  }
0x1e4: {  	[sflag:s19] =	ssyncset.done $0x0  }
0x1e5: {  	s26 =	rddreg [dreg:$0x4];
	[sflag:s19] =	ssyncadd.s32 $0xFFFFCC00  }
0x1e6: {  	[hbm4b:s26+s2] =	stream.linear.scatter [tilespmem:s7], [sflag:$0x9], $0x3400, $0x38;
	[tilespmem:$0x18000] =	vst v63  }
0x1e7: {  	_ =	swait.ge [sflag:s10], $0x3400  }
0x1e8: {  	s26 =	sld [smem:$0x7E2]  }
0x1e9: {  	[sflag:s10] =	ssyncset.done $0x0  }
0x1ea: {  	[sflag:s10] =	ssyncadd.s32 $0xFFFFCC00  }
0x1eb: {  	[tilespmem:s7], [sflag:$0x2] =	stream.indirect.gather [hbm4b:s4+s13], $0x68, s26, s13, $0xb8;
	[tilespmem:$0x18000] =	vst v63  }
0x1ec: {  	_ =	swait.ge [sflag:s20], $0x3400  }
0x1ed: {  	[sflag:s20] =	ssyncset.done $0x0  }
0x1ee: {  	s26 =	rddreg [dreg:$0x5];
	[sflag:s20] =	ssyncadd.s32 $0xFFFFCC00  }
0x1ef: {  	[hbm4b:s26+s2] =	stream.linear.scatter [tilespmem:s6], [sflag:$0xA], $0x3400, $0x38;
	[tilespmem:$0x18000] =	vst v63  }
0x1f0: {  	_ =	swait.ge [sflag:s11], $0x3400  }
0x1f1: {  	s26 =	sld [smem:$0x7E3]  }
0x1f2: {  	[sflag:s11] =	ssyncset.done $0x0  }
0x1f3: {  	[sflag:s11] =	ssyncadd.s32 $0xFFFFCC00  }
0x1f4: {  	[tilespmem:s6], [sflag:$0x3] =	stream.indirect.gather [hbm4b:s4+s13], $0x68, s26, s13, $0xb8;
	[tilespmem:$0x18000] =	vst v63  }
0x1f5: {  	_ =	swait.ge [sflag:s22], $0x3400  }
0x1f6: {  	[sflag:s22] =	ssyncset.done $0x0  }
0x1f7: {  	s26 =	rddreg [dreg:$0x6];
	[sflag:s22] =	ssyncadd.s32 $0xFFFFCC00  }
0x1f8: {  	[hbm4b:s26+s2] =	stream.linear.scatter [tilespmem:s5], [sflag:$0xB], $0x3400, $0x38;
	[tilespmem:$0x18000] =	vst v63  }
0x1f9: {  	_ =	swait.ge [sflag:s12], $0x3400  }
0x1fa: {  	s26 =	sld [smem:$0x7E4]  }
0x1fb: {  	[sflag:s12] =	ssyncset.done $0x0  }
0x1fc: {  	[sflag:s12] =	ssyncadd.s32 $0xFFFFCC00  }
0x1fd: {  	[tilespmem:s5], [sflag:$0x4] =	stream.indirect.gather [hbm4b:s4+s13], $0x68, s26, s13, $0xb8;
	[tilespmem:$0x18000] =	vst v63  }
0x1fe: {  	_ =	swait.ge [sflag:s23], $0x3400  }
0x1ff: {  	[sflag:s23] =	ssyncset.done $0x0  }
0x200: {  	s26 =	rddreg [dreg:$0x7];
	[sflag:s23] =	ssyncadd.s32 $0xFFFFCC00  }
0x201: {  	[hbm4b:s26+s2] =	stream.linear.scatter [tilespmem:s3], [sflag:$0xC], $0x3400, $0x38;
	[tilespmem:$0x18000] =	vst v63  }
0x202: {  	_ =	swait.ge [sflag:s14], $0x3400  }
0x203: {  	s26 =	sld [smem:$0x7E5]  }
0x204: {  	[sflag:s14] =	ssyncset.done $0x0  }
0x205: {  	[sflag:s14] =	ssyncadd.s32 $0xFFFFCC00  }
0x206: {  	[tilespmem:s3], [sflag:$0x5] =	stream.indirect.gather [hbm4b:s4+s13], $0x68, s26, s13, $0xb8;
	[tilespmem:$0x18000] =	vst v63  }
0x207: {  	_ =	swait.ge [sflag:s24], $0x3400  }
0x208: {  	[sflag:s24] =	ssyncset.done $0x0  }
0x209: {  	s26 =	rddreg [dreg:$0x8];
	[sflag:s24] =	ssyncadd.s32 $0xFFFFCC00  }
0x20a: {  	[hbm4b:s26+s2] =	stream.linear.scatter [tilespmem:s21], [sflag:$0xD], $0x3400, $0x38;
	[tilespmem:$0x18000] =	vst v63  }
0x20b: {  	_ =	swait.ge [sflag:s15], $0x3400  }
0x20c: {  	s26 =	sld [smem:$0x7E6]  }
0x20d: {  	[sflag:s15] =	ssyncset.done $0x0  }
0x20e: {  	[sflag:s15] =	ssyncadd.s32 $0xFFFFCC00  }
0x20f: {  	[tilespmem:s21], [sflag:$0x6] =	stream.indirect.gather [hbm4b:s4+s13], $0x68, s26, s13, $0xb8;
	[tilespmem:$0x18000] =	vst v63  }
0x210: {  	_ =	swait.ge [sflag:s25], $0x3400  }
0x211: {  	[sflag:s25] =	ssyncset.done $0x0  }
0x212: {  	s26 =	rddreg [dreg:$0x9];
	[sflag:s25] =	ssyncadd.s32 $0xFFFFCC00  }
0x213: {  	[hbm4b:s26+s2] =	stream.linear.scatter [tilespmem:s18], [sflag:$0xE], $0x3400, $0x38;
	[tilespmem:$0x18000] =	vst v63  }
0x214: {  	_ =	swait.ge [sflag:s16], $0x3400  }
0x215: {  	s26 =	sld [smem:$0x7E7]  }
0x216: {  	[sflag:s16] =	ssyncset.done $0x0  }
0x217: {  	[sflag:s16] =	ssyncadd.s32 $0xFFFFCC00  }
0x218: {  	[tilespmem:s18], [sflag:$0x7] =	stream.indirect.gather [hbm4b:s4+s13], $0x68, s26, s13, $0xb8;
	[tilespmem:$0x18000] =	vst v63  }
0x219: {  	_ =	swait.ge [sflag:s17], $0x3400  }
0x21a: {  	[sflag:s17] =	ssyncset.done $0x0  }
0x21b: {  	s26 =	rddreg [dreg:$0xa];
	[sflag:s17] =	ssyncadd.s32 $0xFFFFCC00  }
0x21c: {  	[hbm4b:s26+s2] =	stream.linear.scatter [tilespmem:s8], [sflag:$0x8], $0x3400, $0x38;
	[tilespmem:$0x18000] =	vst v63  }
0x21d: {  	_ =	swait.ge [sflag:s9], $0x3400  }
0x21e: {  	s26 =	sld [smem:$0x7E8]  }
0x21f: {  	[sflag:s9] =	ssyncset.done $0x0  }
0x220: {  	[sflag:s9] =	ssyncadd.s32 $0xFFFFCC00  }
0x221: {  	[tilespmem:s8], [sflag:$0x1] =	stream.indirect.gather [hbm4b:s4+s13], $0x68, s26, s13, $0xb8;
	[tilespmem:$0x18000] =	vst v63  }
0x222: {  	_ =	swait.ge [sflag:s19], $0x3400  }
0x223: {  	[sflag:s19] =	ssyncset.done $0x0  }
0x224: {  	s26 =	rddreg [dreg:$0xb];
	[sflag:s19] =	ssyncadd.s32 $0xFFFFCC00  }
0x225: {  	[hbm4b:s26+s2] =	stream.linear.scatter [tilespmem:s7], [sflag:$0x9], $0x3400, $0x38;
	[tilespmem:$0x18000] =	vst v63  }
0x226: {  	_ =	swait.ge [sflag:s10], $0x3400  }
0x227: {  	s26 =	sld [smem:$0x7E9]  }
0x228: {  	[sflag:s10] =	ssyncset.done $0x0  }
0x229: {  	[sflag:s10] =	ssyncadd.s32 $0xFFFFCC00  }
0x22a: {  	[tilespmem:s7], [sflag:$0x2] =	stream.indirect.gather [hbm4b:s4+s13], $0x68, s26, s13, $0xb8;
	[tilespmem:$0x18000] =	vst v63  }
0x22b: {  	_ =	swait.ge [sflag:s20], $0x3400  }
0x22c: {  	[sflag:s20] =	ssyncset.done $0x0  }
0x22d: {  	s26 =	rddreg [dreg:$0xc];
	[sflag:s20] =	ssyncadd.s32 $0xFFFFCC00  }
0x22e: {  	[hbm4b:s26+s2] =	stream.linear.scatter [tilespmem:s6], [sflag:$0xA], $0x3400, $0x38;
	[tilespmem:$0x18000] =	vst v63  }
0x22f: {  	_ =	swait.ge [sflag:s11], $0x3400  }
0x230: {  	s26 =	sld [smem:$0x7EA]  }
0x231: {  	[sflag:s11] =	ssyncset.done $0x0  }
0x232: {  	[sflag:s11] =	ssyncadd.s32 $0xFFFFCC00  }
0x233: {  	[tilespmem:s6], [sflag:$0x3] =	stream.indirect.gather [hbm4b:s4+s13], $0x68, s26, s13, $0xb8;
	[tilespmem:$0x18000] =	vst v63  }
0x234: {  	_ =	swait.ge [sflag:s22], $0x3400  }
0x235: {  	[sflag:s22] =	ssyncset.done $0x0  }
0x236: {  	s26 =	rddreg [dreg:$0xd];
	[sflag:s22] =	ssyncadd.s32 $0xFFFFCC00  }
0x237: {  	[hbm4b:s26+s2] =	stream.linear.scatter [tilespmem:s5], [sflag:$0xB], $0x3400, $0x38;
	[tilespmem:$0x18000] =	vst v63  }
0x238: {  	_ =	swait.ge [sflag:s12], $0x3400  }
0x239: {  	s26 =	sld [smem:$0x7EB]  }
0x23a: {  	[sflag:s12] =	ssyncset.done $0x0  }
0x23b: {  	[sflag:s12] =	ssyncadd.s32 $0xFFFFCC00  }
0x23c: {  	[tilespmem:s5], [sflag:$0x4] =	stream.indirect.gather [hbm4b:s4+s13], $0x68, s26, s13, $0xb8;
	[tilespmem:$0x18000] =	vst v63  }
0x23d: {  	_ =	swait.ge [sflag:s23], $0x3400  }
0x23e: {  	[sflag:s23] =	ssyncset.done $0x0  }
0x23f: {  	s26 =	rddreg [dreg:$0xe];
	[sflag:s23] =	ssyncadd.s32 $0xFFFFCC00  }
0x240: {  	[hbm4b:s26+s2] =	stream.linear.scatter [tilespmem:s3], [sflag:$0xC], $0x3400, $0x38;
	[tilespmem:$0x18000] =	vst v63  }
0x241: {  	_ =	swait.ge [sflag:s14], $0x3400  }
0x242: {  	s26 =	sld [smem:$0x7EC]  }
0x243: {  	[sflag:s14] =	ssyncset.done $0x0  }
0x244: {  	[sflag:s14] =	ssyncadd.s32 $0xFFFFCC00  }
0x245: {  	[tilespmem:s3], [sflag:$0x5] =	stream.indirect.gather [hbm4b:s4+s13], $0x68, s26, s13, $0xb8;
	[tilespmem:$0x18000] =	vst v63  }
0x246: {  	_ =	swait.ge [sflag:s24], $0x3400  }
0x247: {  	[sflag:s24] =	ssyncset.done $0x0  }
0x248: {  	s26 =	rddreg [dreg:$0xf];
	[sflag:s24] =	ssyncadd.s32 $0xFFFFCC00  }
0x249: {  	[hbm4b:s26+s2] =	stream.linear.scatter [tilespmem:s21], [sflag:$0xD], $0x3400, $0x38;
	[tilespmem:$0x18000] =	vst v63  }
0x24a: {  	_ =	swait.ge [sflag:s15], $0x3400  }
0x24b: {  	s26 =	sld [smem:$0x7ED]  }
0x24c: {  	[sflag:s15] =	ssyncset.done $0x0  }
0x24d: {  	[sflag:s15] =	ssyncadd.s32 $0xFFFFCC00  }
0x24e: {  	[tilespmem:s21], [sflag:$0x6] =	stream.indirect.gather [hbm4b:s4+s13], $0x68, s26, s13, $0xb8;
	[tilespmem:$0x18000] =	vst v63  }
0x24f: {  	_ =	swait.ge [sflag:s25], $0x3400  }
0x250: {  	[sflag:s25] =	ssyncset.done $0x0  }
0x251: {  	s26 =	rddreg [dreg:$0x10];
	[sflag:s25] =	ssyncadd.s32 $0xFFFFCC00  }
0x252: {  	[hbm4b:s26+s2] =	stream.linear.scatter [tilespmem:s18], [sflag:$0xE], $0x3400, $0x38;
	[tilespmem:$0x18000] =	vst v63  }
0x253: {  	_ =	swait.ge [sflag:s16], $0x3400  }
0x254: {  	s26 =	sld [smem:$0x7EE]  }
0x255: {  	[sflag:s16] =	ssyncset.done $0x0  }
0x256: {  	[sflag:s16] =	ssyncadd.s32 $0xFFFFCC00  }
0x257: {  	[tilespmem:s18], [sflag:$0x7] =	stream.indirect.gather [hbm4b:s4+s13], $0x68, s26, s13, $0xb8;
	[tilespmem:$0x18000] =	vst v63  }
0x258: {  	_ =	swait.ge [sflag:s17], $0x3400  }
0x259: {  	[sflag:s17] =	ssyncset.done $0x0  }
0x25a: {  	s26 =	rddreg [dreg:$0x11];
	[sflag:s17] =	ssyncadd.s32 $0xFFFFCC00  }
0x25b: {  	[hbm4b:s26+s2] =	stream.linear.scatter [tilespmem:s8], [sflag:$0x8], $0x3400, $0x38;
	[tilespmem:$0x18000] =	vst v63  }
0x25c: {  	_ =	swait.ge [sflag:s9], $0x3400  }
0x25d: {  	s26 =	sld [smem:$0x7EF]  }
0x25e: {  	[sflag:s9] =	ssyncset.done $0x0  }
0x25f: {  	[sflag:s9] =	ssyncadd.s32 $0xFFFFCC00  }
0x260: {  	[tilespmem:s8], [sflag:$0x1] =	stream.indirect.gather [hbm4b:s4+s13], $0x68, s26, s13, $0xb8;
	[tilespmem:$0x18000] =	vst v63  }
0x261: {  	_ =	swait.ge [sflag:s19], $0x3400  }
0x262: {  	[sflag:s19] =	ssyncset.done $0x0  }
0x263: {  	s26 =	rddreg [dreg:$0x12];
	[sflag:s19] =	ssyncadd.s32 $0xFFFFCC00  }
0x264: {  	[hbm4b:s26+s2] =	stream.linear.scatter [tilespmem:s7], [sflag:$0x9], $0x3400, $0x38;
	[tilespmem:$0x18000] =	vst v63  }
0x265: {  	_ =	swait.ge [sflag:s10], $0x3400  }
0x266: {  	s26 =	sld [smem:$0x7F0]  }
0x267: {  	[sflag:s10] =	ssyncset.done $0x0  }
0x268: {  	[sflag:s10] =	ssyncadd.s32 $0xFFFFCC00  }
0x269: {  	[tilespmem:s7], [sflag:$0x2] =	stream.indirect.gather [hbm4b:s4+s13], $0x68, s26, s13, $0xb8;
	[tilespmem:$0x18000] =	vst v63  }
0x26a: {  	_ =	swait.ge [sflag:s20], $0x3400  }
0x26b: {  	[sflag:s20] =	ssyncset.done $0x0  }
0x26c: {  	s26 =	rddreg [dreg:$0x13];
	[sflag:s20] =	ssyncadd.s32 $0xFFFFCC00  }
0x26d: {  	[hbm4b:s26+s2] =	stream.linear.scatter [tilespmem:s6], [sflag:$0xA], $0x3400, $0x38;
	[tilespmem:$0x18000] =	vst v63  }
0x26e: {  	_ =	swait.ge [sflag:s11], $0x3400  }
0x26f: {  	s26 =	sld [smem:$0x7F1]  }
0x270: {  	[sflag:s11] =	ssyncset.done $0x0  }
0x271: {  	[sflag:s11] =	ssyncadd.s32 $0xFFFFCC00  }
0x272: {  	[tilespmem:s6], [sflag:$0x3] =	stream.indirect.gather [hbm4b:s4+s13], $0x68, s26, s13, $0xb8;
	[tilespmem:$0x18000] =	vst v63  }
0x273: {  	_ =	swait.ge [sflag:s22], $0x3400  }
0x274: {  	[sflag:s22] =	ssyncset.done $0x0  }
0x275: {  	s26 =	rddreg [dreg:$0x14];
	[sflag:s22] =	ssyncadd.s32 $0xFFFFCC00  }
0x276: {  	[hbm4b:s26+s2] =	stream.linear.scatter [tilespmem:s5], [sflag:$0xB], $0x3400, $0x38;
	[tilespmem:$0x18000] =	vst v63  }
0x277: {  	_ =	swait.ge [sflag:s12], $0x3400  }
0x278: {  	s26 =	sld [smem:$0x7F2]  }
0x279: {  	[sflag:s12] =	ssyncset.done $0x0  }
0x27a: {  	[sflag:s12] =	ssyncadd.s32 $0xFFFFCC00  }
0x27b: {  	[tilespmem:s5], [sflag:$0x4] =	stream.indirect.gather [hbm4b:s4+s13], $0x68, s26, s13, $0xb8;
	[tilespmem:$0x18000] =	vst v63  }
0x27c: {  	_ =	swait.ge [sflag:s23], $0x3400  }
0x27d: {  	[sflag:s23] =	ssyncset.done $0x0  }
0x27e: {  	s26 =	rddreg [dreg:$0x15];
	[sflag:s23] =	ssyncadd.s32 $0xFFFFCC00  }
0x27f: {  	[hbm4b:s26+s2] =	stream.linear.scatter [tilespmem:s3], [sflag:$0xC], $0x3400, $0x38;
	[tilespmem:$0x18000] =	vst v63  }
0x280: {  	_ =	swait.ge [sflag:s14], $0x3400  }
0x281: {  	s26 =	sld [smem:$0x7F3]  }
0x282: {  	[sflag:s14] =	ssyncset.done $0x0  }
0x283: {  	[sflag:s14] =	ssyncadd.s32 $0xFFFFCC00  }
0x284: {  	[tilespmem:s3], [sflag:$0x5] =	stream.indirect.gather [hbm4b:s4+s13], $0x68, s26, s13, $0xb8;
	[tilespmem:$0x18000] =	vst v63  }
0x285: {  	_ =	swait.ge [sflag:s24], $0x3400  }
0x286: {  	[sflag:s24] =	ssyncset.done $0x0  }
0x287: {  	s26 =	rddreg [dreg:$0x16];
	[sflag:s24] =	ssyncadd.s32 $0xFFFFCC00  }
0x288: {  	[hbm4b:s26+s2] =	stream.linear.scatter [tilespmem:s21], [sflag:$0xD], $0x3400, $0x38;
	[tilespmem:$0x18000] =	vst v63  }
0x289: {  	_ =	swait.ge [sflag:s15], $0x3400  }
0x28a: {  	s26 =	sld [smem:$0x7F4]  }
0x28b: {  	[sflag:s15] =	ssyncset.done $0x0  }
0x28c: {  	[sflag:s15] =	ssyncadd.s32 $0xFFFFCC00  }
0x28d: {  	[tilespmem:s21], [sflag:$0x6] =	stream.indirect.gather [hbm4b:s4+s13], $0x68, s26, s13, $0xb8;
	[tilespmem:$0x18000] =	vst v63  }
0x28e: {  	_ =	swait.ge [sflag:s25], $0x3400  }
0x28f: {  	[sflag:s25] =	ssyncset.done $0x0  }
0x290: {  	s26 =	rddreg [dreg:$0x17];
	[sflag:s25] =	ssyncadd.s32 $0xFFFFCC00  }
0x291: {  	[hbm4b:s26+s2] =	stream.linear.scatter [tilespmem:s18], [sflag:$0xE], $0x3400, $0x38;
	[tilespmem:$0x18000] =	vst v63  }
0x292: {  	_ =	swait.ge [sflag:s16], $0x3400  }
0x293: {  	s26 =	sld [smem:$0x7F5]  }
0x294: {  	[sflag:s16] =	ssyncset.done $0x0  }
0x295: {  	[sflag:s16] =	ssyncadd.s32 $0xFFFFCC00  }
0x296: {  	[tilespmem:s18], [sflag:$0x7] =	stream.indirect.gather [hbm4b:s4+s13], $0x68, s26, s13, $0xb8;
	[tilespmem:$0x18000] =	vst v63  }
0x297: {  	_ =	swait.ge [sflag:s17], $0x3400  }
0x298: {  	[sflag:s17] =	ssyncset.done $0x0  }
0x299: {  	s26 =	rddreg [dreg:$0x18];
	[sflag:s17] =	ssyncadd.s32 $0xFFFFCC00  }
0x29a: {  	[hbm4b:s26+s2] =	stream.linear.scatter [tilespmem:s8], [sflag:$0x8], $0x3400, $0x38;
	[tilespmem:$0x18000] =	vst v63  }
0x29b: {  	_ =	swait.ge [sflag:s9], $0x3400  }
0x29c: {  	s26 =	sld [smem:$0x7F6]  }
0x29d: {  	[sflag:s9] =	ssyncset.done $0x0  }
0x29e: {  	[sflag:s9] =	ssyncadd.s32 $0xFFFFCC00  }
0x29f: {  	[tilespmem:s8], [sflag:$0x1] =	stream.indirect.gather [hbm4b:s4+s13], $0x68, s26, s13, $0xb8;
	[tilespmem:$0x18000] =	vst v63  }
0x2a0: {  	_ =	swait.ge [sflag:s19], $0x3400  }
0x2a1: {  	[sflag:s19] =	ssyncset.done $0x0  }
0x2a2: {  	s26 =	rddreg [dreg:$0x19];
	[sflag:s19] =	ssyncadd.s32 $0xFFFFCC00  }
0x2a3: {  	[hbm4b:s26+s2] =	stream.linear.scatter [tilespmem:s7], [sflag:$0x9], $0x3400, $0x38;
	[tilespmem:$0x18000] =	vst v63  }
0x2a4: {  	_ =	swait.ge [sflag:s10], $0x3400  }
0x2a5: {  	s26 =	sld [smem:$0x7F7]  }
0x2a6: {  	[sflag:s10] =	ssyncset.done $0x0  }
0x2a7: {  	[sflag:s10] =	ssyncadd.s32 $0xFFFFCC00  }
0x2a8: {  	[tilespmem:s7], [sflag:$0x2] =	stream.indirect.gather [hbm4b:s4+s13], $0x68, s26, s13, $0xb8;
	[tilespmem:$0x18000] =	vst v63  }
0x2a9: {  	_ =	swait.ge [sflag:s20], $0x3400  }
0x2aa: {  	[sflag:s20] =	ssyncset.done $0x0  }
0x2ab: {  	s26 =	rddreg [dreg:$0x1a];
	[sflag:s20] =	ssyncadd.s32 $0xFFFFCC00  }
0x2ac: {  	[hbm4b:s26+s2] =	stream.linear.scatter [tilespmem:s6], [sflag:$0xA], $0x3400, $0x38;
	[tilespmem:$0x18000] =	vst v63  }
0x2ad: {  	_ =	swait.ge [sflag:s11], $0x3400  }
0x2ae: {  	s26 =	sld [smem:$0x7F8]  }
0x2af: {  	[sflag:s11] =	ssyncset.done $0x0  }
0x2b0: {  	[sflag:s11] =	ssyncadd.s32 $0xFFFFCC00  }
0x2b1: {  	[tilespmem:s6], [sflag:$0x3] =	stream.indirect.gather [hbm4b:s4+s13], $0x68, s26, s13, $0xb8;
	[tilespmem:$0x18000] =	vst v63  }
0x2b2: {  	_ =	swait.ge [sflag:s22], $0x3400  }
0x2b3: {  	[sflag:s22] =	ssyncset.done $0x0  }
0x2b4: {  	s26 =	rddreg [dreg:$0x1b];
	[sflag:s22] =	ssyncadd.s32 $0xFFFFCC00  }
0x2b5: {  	[hbm4b:s26+s2] =	stream.linear.scatter [tilespmem:s5], [sflag:$0xB], $0x3400, $0x38;
	[tilespmem:$0x18000] =	vst v63  }
0x2b6: {  	_ =	swait.ge [sflag:s12], $0x3400  }
0x2b7: {  	s26 =	sld [smem:$0x7F9]  }
0x2b8: {  	[sflag:s12] =	ssyncset.done $0x0  }
0x2b9: {  	[sflag:s12] =	ssyncadd.s32 $0xFFFFCC00  }
0x2ba: {  	[tilespmem:s5], [sflag:$0x4] =	stream.indirect.gather [hbm4b:s4+s13], $0x68, s26, s13, $0xb8;
	[tilespmem:$0x18000] =	vst v63  }
0x2bb: {  	_ =	swait.ge [sflag:s23], $0x3400  }
0x2bc: {  	[sflag:s23] =	ssyncset.done $0x0  }
0x2bd: {  	s26 =	rddreg [dreg:$0x1c];
	[sflag:s23] =	ssyncadd.s32 $0xFFFFCC00  }
0x2be: {  	[hbm4b:s26+s2] =	stream.linear.scatter [tilespmem:s3], [sflag:$0xC], $0x3400, $0x38;
	[tilespmem:$0x18000] =	vst v63  }
0x2bf: {  	_ =	swait.ge [sflag:s14], $0x3400  }
0x2c0: {  	s26 =	sld [smem:$0x7FA]  }
0x2c1: {  	[sflag:s14] =	ssyncset.done $0x0  }
0x2c2: {  	[sflag:s14] =	ssyncadd.s32 $0xFFFFCC00  }
0x2c3: {  	[tilespmem:s3], [sflag:$0x5] =	stream.indirect.gather [hbm4b:s4+s13], $0x68, s26, s13, $0xb8;
	[tilespmem:$0x18000] =	vst v63  }
0x2c4: {  	_ =	swait.ge [sflag:s24], $0x3400  }
0x2c5: {  	[sflag:s24] =	ssyncset.done $0x0  }
0x2c6: {  	s26 =	rddreg [dreg:$0x1d];
	[sflag:s24] =	ssyncadd.s32 $0xFFFFCC00  }
0x2c7: {  	[hbm4b:s26+s2] =	stream.linear.scatter [tilespmem:s21], [sflag:$0xD], $0x3400, $0x38;
	[tilespmem:$0x18000] =	vst v63  }
0x2c8: {  	_ =	swait.ge [sflag:s15], $0x3400  }
0x2c9: {  	s26 =	sld [smem:$0x7FB]  }
0x2ca: {  	[sflag:s15] =	ssyncset.done $0x0  }
0x2cb: {  	[sflag:s15] =	ssyncadd.s32 $0xFFFFCC00  }
0x2cc: {  	[tilespmem:s21], [sflag:$0x6] =	stream.indirect.gather [hbm4b:s4+s13], $0x68, s26, s13, $0xb8;
	[tilespmem:$0x18000] =	vst v63  }
0x2cd: {  	_ =	swait.ge [sflag:s25], $0x3400  }
0x2ce: {  	[sflag:s25] =	ssyncset.done $0x0  }
0x2cf: {  	s26 =	rddreg [dreg:$0x1e];
	[sflag:s25] =	ssyncadd.s32 $0xFFFFCC00  }
0x2d0: {  	[hbm4b:s26+s2] =	stream.linear.scatter [tilespmem:s18], [sflag:$0xE], $0x3400, $0x38;
	[tilespmem:$0x18000] =	vst v63  }
0x2d1: {  	_ =	swait.ge [sflag:s16], $0x3400  }
0x2d2: {  	s26 =	sld [smem:$0x7FC]  }
0x2d3: {  	[sflag:s16] =	ssyncset.done $0x0  }
0x2d4: {  	[sflag:s16] =	ssyncadd.s32 $0xFFFFCC00  }
0x2d5: {  	[tilespmem:s18], [sflag:$0x7] =	stream.indirect.gather [hbm4b:s4+s13], $0x68, s26, s13, $0xb8;
	[tilespmem:$0x18000] =	vst v63  }
0x2d6: {  	_ =	swait.ge [sflag:s17], $0x3400  }
0x2d7: {  	[sflag:s17] =	ssyncset.done $0x0  }
0x2d8: {  	s26 =	rddreg [dreg:$0x1f];
	[sflag:s17] =	ssyncadd.s32 $0xFFFFCC00  }
0x2d9: {  	[hbm4b:s26+s2] =	stream.linear.scatter [tilespmem:s8], [sflag:$0x8], $0x3400, $0x38;
	[tilespmem:$0x18000] =	vst v63  }
0x2da: {  	_ =	swait.ge [sflag:s9], $0x3400  }
0x2db: {  	s26 =	sld [smem:$0x7FD]  }
0x2dc: {  	[sflag:s9] =	ssyncset.done $0x0  }
0x2dd: {  	[sflag:s9] =	ssyncadd.s32 $0xFFFFCC00  }
0x2de: {  	[tilespmem:s8], [sflag:$0x1] =	stream.indirect.gather [hbm4b:s4+s13], $0x68, s26, s13, $0xb8;
	[tilespmem:$0x18000] =	vst v63  }
0x2df: {  	_ =	swait.ge [sflag:s19], $0x3400  }
0x2e0: {  	s26 =	sld [smem:$0x7D1]  }
0x2e1: {  	[sflag:s19] =	ssyncset.done $0x0  }
0x2e2: {  	[sflag:s19] =	ssyncadd.s32 $0xFFFFCC00  }
0x2e3: {  	[hbm4b:s26+s2] =	stream.linear.scatter [tilespmem:s7], [sflag:$0x9], $0x3400, $0x38;
	[tilespmem:$0x18000] =	vst v63  }
0x2e4: {  	_ =	swait.ge [sflag:s10], $0x3400  }
0x2e5: {  	[sflag:s10] =	ssyncset.done $0x0  }
0x2e6: {  	s26 =	simm.s32 $0x1200;
	[sflag:s10] =	ssyncadd.s32 $0xFFFFCC00  }
0x2e7: {  	[tilespmem:s7], [sflag:$0x2] =	stream.indirect.gather [hbm4b:s4+s13], $0x68, s26, s13, $0xb8;
	[tilespmem:$0x18000] =	vst v63  }
0x2e8: {  	_ =	swait.ge [sflag:s20], $0x3400  }
0x2e9: {  	s26 =	sld [smem:$0x7D2]  }
0x2ea: {  	[sflag:s20] =	ssyncset.done $0x0  }
0x2eb: {  	[sflag:s20] =	ssyncadd.s32 $0xFFFFCC00  }
0x2ec: {  	[hbm4b:s26+s2] =	stream.linear.scatter [tilespmem:s6], [sflag:$0xA], $0x3400, $0x38;
	[tilespmem:$0x18000] =	vst v63  }
0x2ed: {  	_ =	swait.ge [sflag:s11], $0x3400  }
0x2ee: {  	[sflag:s11] =	ssyncset.done $0x0  }
0x2ef: {  	[sflag:s11] =	ssyncadd.s32 $0xFFFFCC00  }
0x2f0: {  	[tilespmem:s6], [sflag:$0x3] =	stream.indirect.gather [hbm4b:s4+s13], $0x68, s30, s13, $0xb8;
	[tilespmem:$0x18000] =	vst v63  }
0x2f1: {  	_ =	swait.ge [sflag:s22], $0x3400  }
0x2f2: {  	s26 =	sld [smem:$0x7D3]  }
0x2f3: {  	[sflag:s22] =	ssyncset.done $0x0  }
0x2f4: {  	[sflag:s22] =	ssyncadd.s32 $0xFFFFCC00  }
0x2f5: {  	[hbm4b:s26+s2] =	stream.linear.scatter [tilespmem:s5], [sflag:$0xB], $0x3400, $0x38;
	[tilespmem:$0x18000] =	vst v63  }
0x2f6: {  	_ =	swait.ge [sflag:s12], $0x3400  }
0x2f7: {  	[sflag:s12] =	ssyncset.done $0x0  }
0x2f8: {  	[sflag:s12] =	ssyncadd.s32 $0xFFFFCC00  }
0x2f9: {  	[tilespmem:s5], [sflag:$0x4] =	stream.indirect.gather [hbm4b:s4+s13], $0x68, s29, s13, $0xb8;
	[tilespmem:$0x18000] =	vst v63  }
0x2fa: {  	_ =	swait.ge [sflag:s23], $0x3400  }
0x2fb: {  	s26 =	sld [smem:$0x7D4]  }
0x2fc: {  	[sflag:s23] =	ssyncset.done $0x0  }
0x2fd: {  	[sflag:s23] =	ssyncadd.s32 $0xFFFFCC00  }
0x2fe: {  	[hbm4b:s26+s2] =	stream.linear.scatter [tilespmem:s3], [sflag:$0xC], $0x3400, $0x38;
	[tilespmem:$0x18000] =	vst v63  }
0x2ff: {  	_ =	swait.ge [sflag:s14], $0x3400  }
0x300: {  	[sflag:s14] =	ssyncset.done $0x0  }
0x301: {  	[sflag:s14] =	ssyncadd.s32 $0xFFFFCC00  }
0x302: {  	[tilespmem:s3], [sflag:$0x5] =	stream.indirect.gather [hbm4b:s4+s13], $0x68, s28, s13, $0xb8;
	[tilespmem:$0x18000] =	vst v63  }
0x303: {  	_ =	swait.ge [sflag:s24], $0x3400  }
0x304: {  	s26 =	sld [smem:$0x7D5]  }
0x305: {  	[sflag:s24] =	ssyncset.done $0x0  }
0x306: {  	[sflag:s24] =	ssyncadd.s32 $0xFFFFCC00  }
0x307: {  	[hbm4b:s26+s2] =	stream.linear.scatter [tilespmem:s21], [sflag:$0xD], $0x3400, $0x38;
	[tilespmem:$0x18000] =	vst v63  }
0x308: {  	_ =	swait.ge [sflag:s25], $0x3400  }
0x309: {  	s26 =	sld [smem:$0x7D6]  }
0x30a: {  	[sflag:s25] =	ssyncset.done $0x0  }
0x30b: {  	[sflag:s25] =	ssyncadd.s32 $0xFFFFCC00  }
0x30c: {  	[hbm4b:s26+s2] =	stream.linear.scatter [tilespmem:s18], [sflag:$0xE], $0x3400, $0x38;
	[tilespmem:$0x18000] =	vst v63  }
0x30d: {  	_ =	swait.ge [sflag:s17], $0x3400  }
0x30e: {  	s26 =	sld [smem:$0x7D7]  }
0x30f: {  	[sflag:s17] =	ssyncset.done $0x0  }
0x310: {  	[sflag:s17] =	ssyncadd.s32 $0xFFFFCC00  }
0x311: {  	[hbm4b:s26+s2] =	stream.linear.scatter [tilespmem:s8], [sflag:$0x8], $0x3400, $0x38;
	[tilespmem:$0x18000] =	vst v63  }
0x312: {  	_ =	swait.ge [sflag:s19], $0x3400  }
0x313: {  	s26 =	sld [smem:$0x7D8]  }
0x314: {  	[sflag:s19] =	ssyncset.done $0x0  }
0x315: {  	[sflag:s19] =	ssyncadd.s32 $0xFFFFCC00  }
0x316: {  	[hbm4b:s26+s2] =	stream.linear.scatter [tilespmem:s7], [sflag:$0x9], $0x3400, $0x38;
	[tilespmem:$0x18000] =	vst v63  }
0x317: {  	_ =	swait.ge [sflag:s20], $0x3400  }
0x318: {  	s26 =	sld [smem:$0x7D9]  }
0x319: {  	[sflag:s20] =	ssyncset.done $0x0  }
0x31a: {  	[sflag:s20] =	ssyncadd.s32 $0xFFFFCC00  }
0x31b: {  	[hbm4b:s26+s2] =	stream.linear.scatter [tilespmem:s6], [sflag:$0xA], $0x3400, $0x38;
	[tilespmem:$0x18000] =	vst v63  }
0x31c: {  	_ =	swait.ge [sflag:s22], $0x3400  }
0x31d: {  	s26 =	sld [smem:$0x7DA]  }
0x31e: {  	[sflag:s22] =	ssyncset.done $0x0  }
0x31f: {  	[sflag:s22] =	ssyncadd.s32 $0xFFFFCC00  }
0x320: {  	[hbm4b:s26+s2] =	stream.linear.scatter [tilespmem:s5], [sflag:$0xB], $0x3400, $0x38;
	[tilespmem:$0x18000] =	vst v63  }
0x321: {  	_ =	swait.ge [sflag:s23], $0x3400  }
0x322: {  	s26 =	sld [smem:$0x7DB]  }
0x323: {  	[sflag:s23] =	ssyncset.done $0x0  }
0x324: {  	[sflag:s23] =	ssyncadd.s32 $0xFFFFCC00  }
0x325: {  	[hbm4b:s26+s2] =	stream.linear.scatter [tilespmem:s3], [sflag:$0xC], $0x3400, $0x38;
	[tilespmem:$0x18000] =	vst v63  }
0x326: {  	_ =	swait.ge [sflag:s9], $0x3400  }
0x327: {  	[sflag:s9] =	ssyncset.done $0x0  }
0x328: {  	[sflag:s9] =	ssyncadd.s32 $0xFFFFCC00  }
0x329: {  	_ =	swait.ge [sflag:s10], $0x3400  }
0x32a: {  	[sflag:s10] =	ssyncset.done $0x0  }
0x32b: {  	[sflag:s10] =	ssyncadd.s32 $0xFFFFCC00  }
0x32c: {  	_ =	swait.ge [sflag:s11], $0x3400  }
0x32d: {  	[sflag:s11] =	ssyncset.done $0x0  }
0x32e: {  	[sflag:s11] =	ssyncadd.s32 $0xFFFFCC00  }
0x32f: {  	_ =	swait.ge [sflag:s12], $0x3400  }
0x330: {  	[sflag:s12] =	ssyncset.done $0x0  }
0x331: {  	[sflag:s12] =	ssyncadd.s32 $0xFFFFCC00  }
0x332: {  	_ =	swait.ge [sflag:s14], $0x3400  }
0x333: {  	[sflag:s14] =	ssyncset.done $0x0  }
0x334: {  	p1 =	sne.s32 s1, $0x1;
	[sflag:s14] =	ssyncadd.s32 $0xFFFFCC00  }
.Ltmp2:
0x335: {  	_ =	swait.ge [sflag:s15], $0x3400;
	(pc) =	sbr.rel @p1 .LBB2_4-.Ltmp2, $4  }
0x336: {  	[sflag:s15] =	ssyncset.done $0x0  }
0x337: {  	[sflag:s15] =	ssyncadd.s32 $0xFFFFCC00  }
0x338: {  	_ =	swait.ge [sflag:s16], $0x3400  }
0x339: {  	s1 =	sadd.s32 $0xFFFFFFFF, s1;
	s0 =	rddreg [dreg:$0x2];
	[sflag:s16] =	ssyncset.done $0x0  }
0x33a: {  	s28 =	simm.s32 $0x1200  }
0x33b: {  	s30 =	simm.s32 $0x1280;
	s29 =	simm.s32 $0x1300;
	s26 =	stileid.u32  }
.LBB2_6:
0x33c: {  	[sflag:s16] =	ssyncadd.s32 @p0 $0xFFFFCC00  }
0x33d: {  	[tilespmem:s2], [sflag:$0xF] =	stream.linear.gather [hbm4b:s0+s2], $0x1400, $0x38;
	[tilespmem:$0x18000] =	vst v63  }
0x33e: {  	_ =	swait.ge [sflag:s31], $0x1400  }
0x33f: {  	[sflag:s31] =	ssyncset.done $0x0  }
0x340: {  	[sflag:s31] =	ssyncadd.s32 $0xFFFFEC00  }
0x341: {  	[tilespmem:s8], [sflag:$0x1] =	stream.indirect.gather [hbm4b:s4+s13], $0x68, s2, s13, $0xb8;
	[tilespmem:$0x18000] =	vst v63  }
0x342: {  	s31 =	sld [smem:$0x7DC]  }
0x343: {  	[tilespmem:s7], [sflag:$0x2] =	stream.indirect.gather [hbm4b:s4+s13], $0x68, s13, s13, $0xb8;
	[tilespmem:$0x18000] =	vst v63  }
0x344: {  	s1 =	sld [smem:$0x7DD]  }
0x345: {  	[tilespmem:s6], [sflag:$0x3] =	stream.indirect.gather [hbm4b:s4+s13], $0x68, s31, s13, $0xb8;
	[tilespmem:$0x18000] =	vst v63  }
0x346: {  	s31 =	sld [smem:$0x7DE]  }
0x347: {  	[tilespmem:s5], [sflag:$0x4] =	stream.indirect.gather [hbm4b:s4+s13], $0x68, s1, s13, $0xb8;
	[tilespmem:$0x18000] =	vst v63  }
0x348: {  	s1 =	sld [smem:$0x7DF]  }
0x349: {  	[tilespmem:s3], [sflag:$0x5] =	stream.indirect.gather [hbm4b:s4+s13], $0x68, s31, s13, $0xb8;
	[tilespmem:$0x18000] =	vst v63  }
0x34a: {  	s31 =	sld [smem:$0x7E0]  }
0x34b: {  	[tilespmem:s21], [sflag:$0x6] =	stream.indirect.gather [hbm4b:s4+s13], $0x68, s1, s13, $0xb8;
	[tilespmem:$0x18000] =	vst v63  }
0x34c: {  	_ = 	snop  }
0x34d: {  	[tilespmem:s18], [sflag:$0x7] =	stream.indirect.gather [hbm4b:s4+s13], $0x68, s31, s13, $0xb8;
	[tilespmem:$0x18000] =	vst v63  }
0x34e: {  	_ =	swait.ge [sflag:s17], $0x3400  }
0x34f: {  	[sflag:s17] =	ssyncset.done $0x0  }
0x350: {  	s1 =	rddreg [dreg:$0x3];
	[sflag:s17] =	ssyncadd.s32 $0xFFFFCC00  }
0x351: {  	[hbm4b:s1+s2] =	stream.linear.scatter [tilespmem:s8], [sflag:$0x8], $0x3400, $0x38;
	[tilespmem:$0x18000] =	vst v63  }
0x352: {  	_ =	swait.ge [sflag:s9], $0x3400  }
0x353: {  	s31 =	sld [smem:$0x7E1]  }
0x354: {  	[sflag:s9] =	ssyncset.done $0x0  }
0x355: {  	[sflag:s9] =	ssyncadd.s32 $0xFFFFCC00  }
0x356: {  	[tilespmem:s8], [sflag:$0x1] =	stream.indirect.gather [hbm4b:s4+s13], $0x68, s31, s13, $0xb8;
	[tilespmem:$0x18000] =	vst v63  }
0x357: {  	_ =	swait.ge [sflag:s19], $0x3400  }
0x358: {  	[sflag:s19] =	ssyncset.done $0x0  }
0x359: {  	s1 =	rddreg [dreg:$0x4];
	[sflag:s19] =	ssyncadd.s32 $0xFFFFCC00  }
0x35a: {  	[hbm4b:s1+s2] =	stream.linear.scatter [tilespmem:s7], [sflag:$0x9], $0x3400, $0x38;
	[tilespmem:$0x18000] =	vst v63  }
0x35b: {  	_ =	swait.ge [sflag:s10], $0x3400  }
0x35c: {  	s31 =	sld [smem:$0x7E2]  }
0x35d: {  	[sflag:s10] =	ssyncset.done $0x0  }
0x35e: {  	[sflag:s10] =	ssyncadd.s32 $0xFFFFCC00  }
0x35f: {  	[tilespmem:s7], [sflag:$0x2] =	stream.indirect.gather [hbm4b:s4+s13], $0x68, s31, s13, $0xb8;
	[tilespmem:$0x18000] =	vst v63  }
0x360: {  	_ =	swait.ge [sflag:s20], $0x3400  }
0x361: {  	[sflag:s20] =	ssyncset.done $0x0  }
0x362: {  	s1 =	rddreg [dreg:$0x5];
	[sflag:s20] =	ssyncadd.s32 $0xFFFFCC00  }
0x363: {  	[hbm4b:s1+s2] =	stream.linear.scatter [tilespmem:s6], [sflag:$0xA], $0x3400, $0x38;
	[tilespmem:$0x18000] =	vst v63  }
0x364: {  	_ =	swait.ge [sflag:s11], $0x3400  }
0x365: {  	s31 =	sld [smem:$0x7E3]  }
0x366: {  	[sflag:s11] =	ssyncset.done $0x0  }
0x367: {  	[sflag:s11] =	ssyncadd.s32 $0xFFFFCC00  }
0x368: {  	[tilespmem:s6], [sflag:$0x3] =	stream.indirect.gather [hbm4b:s4+s13], $0x68, s31, s13, $0xb8;
	[tilespmem:$0x18000] =	vst v63  }
0x369: {  	_ =	swait.ge [sflag:s22], $0x3400  }
0x36a: {  	[sflag:s22] =	ssyncset.done $0x0  }
0x36b: {  	s1 =	rddreg [dreg:$0x6];
	[sflag:s22] =	ssyncadd.s32 $0xFFFFCC00  }
0x36c: {  	[hbm4b:s1+s2] =	stream.linear.scatter [tilespmem:s5], [sflag:$0xB], $0x3400, $0x38;
	[tilespmem:$0x18000] =	vst v63  }
0x36d: {  	_ =	swait.ge [sflag:s12], $0x3400  }
0x36e: {  	s31 =	sld [smem:$0x7E4]  }
0x36f: {  	[sflag:s12] =	ssyncset.done $0x0  }
0x370: {  	[sflag:s12] =	ssyncadd.s32 $0xFFFFCC00  }
0x371: {  	[tilespmem:s5], [sflag:$0x4] =	stream.indirect.gather [hbm4b:s4+s13], $0x68, s31, s13, $0xb8;
	[tilespmem:$0x18000] =	vst v63  }
0x372: {  	_ =	swait.ge [sflag:s23], $0x3400  }
0x373: {  	[sflag:s23] =	ssyncset.done $0x0  }
0x374: {  	s1 =	rddreg [dreg:$0x7];
	[sflag:s23] =	ssyncadd.s32 $0xFFFFCC00  }
0x375: {  	[hbm4b:s1+s2] =	stream.linear.scatter [tilespmem:s3], [sflag:$0xC], $0x3400, $0x38;
	[tilespmem:$0x18000] =	vst v63  }
0x376: {  	_ =	swait.ge [sflag:s14], $0x3400  }
0x377: {  	s31 =	sld [smem:$0x7E5]  }
0x378: {  	[sflag:s14] =	ssyncset.done $0x0  }
0x379: {  	[sflag:s14] =	ssyncadd.s32 $0xFFFFCC00  }
0x37a: {  	[tilespmem:s3], [sflag:$0x5] =	stream.indirect.gather [hbm4b:s4+s13], $0x68, s31, s13, $0xb8;
	[tilespmem:$0x18000] =	vst v63  }
0x37b: {  	_ =	swait.ge [sflag:s24], $0x3400  }
0x37c: {  	[sflag:s24] =	ssyncset.done $0x0  }
0x37d: {  	s1 =	rddreg [dreg:$0x8];
	[sflag:s24] =	ssyncadd.s32 $0xFFFFCC00  }
0x37e: {  	[hbm4b:s1+s2] =	stream.linear.scatter [tilespmem:s21], [sflag:$0xD], $0x3400, $0x38;
	[tilespmem:$0x18000] =	vst v63  }
0x37f: {  	_ =	swait.ge [sflag:s15], $0x3400  }
0x380: {  	s31 =	sld [smem:$0x7E6]  }
0x381: {  	[sflag:s15] =	ssyncset.done $0x0  }
0x382: {  	[sflag:s15] =	ssyncadd.s32 $0xFFFFCC00  }
0x383: {  	[tilespmem:s21], [sflag:$0x6] =	stream.indirect.gather [hbm4b:s4+s13], $0x68, s31, s13, $0xb8;
	[tilespmem:$0x18000] =	vst v63  }
0x384: {  	_ =	swait.ge [sflag:s25], $0x3400  }
0x385: {  	[sflag:s25] =	ssyncset.done $0x0  }
0x386: {  	s1 =	rddreg [dreg:$0x9];
	[sflag:s25] =	ssyncadd.s32 $0xFFFFCC00  }
0x387: {  	[hbm4b:s1+s2] =	stream.linear.scatter [tilespmem:s18], [sflag:$0xE], $0x3400, $0x38;
	[tilespmem:$0x18000] =	vst v63  }
0x388: {  	_ =	swait.ge [sflag:s16], $0x3400  }
0x389: {  	s31 =	sld [smem:$0x7E7]  }
0x38a: {  	[sflag:s16] =	ssyncset.done $0x0  }
0x38b: {  	[sflag:s16] =	ssyncadd.s32 $0xFFFFCC00  }
0x38c: {  	[tilespmem:s18], [sflag:$0x7] =	stream.indirect.gather [hbm4b:s4+s13], $0x68, s31, s13, $0xb8;
	[tilespmem:$0x18000] =	vst v63  }
0x38d: {  	_ =	swait.ge [sflag:s17], $0x3400  }
0x38e: {  	[sflag:s17] =	ssyncset.done $0x0  }
0x38f: {  	s1 =	rddreg [dreg:$0xa];
	[sflag:s17] =	ssyncadd.s32 $0xFFFFCC00  }
0x390: {  	[hbm4b:s1+s2] =	stream.linear.scatter [tilespmem:s8], [sflag:$0x8], $0x3400, $0x38;
	[tilespmem:$0x18000] =	vst v63  }
0x391: {  	_ =	swait.ge [sflag:s9], $0x3400  }
0x392: {  	s31 =	sld [smem:$0x7E8]  }
0x393: {  	[sflag:s9] =	ssyncset.done $0x0  }
0x394: {  	[sflag:s9] =	ssyncadd.s32 $0xFFFFCC00  }
0x395: {  	[tilespmem:s8], [sflag:$0x1] =	stream.indirect.gather [hbm4b:s4+s13], $0x68, s31, s13, $0xb8;
	[tilespmem:$0x18000] =	vst v63  }
0x396: {  	_ =	swait.ge [sflag:s19], $0x3400  }
0x397: {  	[sflag:s19] =	ssyncset.done $0x0  }
0x398: {  	s1 =	rddreg [dreg:$0xb];
	[sflag:s19] =	ssyncadd.s32 $0xFFFFCC00  }
0x399: {  	[hbm4b:s1+s2] =	stream.linear.scatter [tilespmem:s7], [sflag:$0x9], $0x3400, $0x38;
	[tilespmem:$0x18000] =	vst v63  }
0x39a: {  	_ =	swait.ge [sflag:s10], $0x3400  }
0x39b: {  	s31 =	sld [smem:$0x7E9]  }
0x39c: {  	[sflag:s10] =	ssyncset.done $0x0  }
0x39d: {  	[sflag:s10] =	ssyncadd.s32 $0xFFFFCC00  }
0x39e: {  	[tilespmem:s7], [sflag:$0x2] =	stream.indirect.gather [hbm4b:s4+s13], $0x68, s31, s13, $0xb8;
	[tilespmem:$0x18000] =	vst v63  }
0x39f: {  	_ =	swait.ge [sflag:s20], $0x3400  }
0x3a0: {  	[sflag:s20] =	ssyncset.done $0x0  }
0x3a1: {  	s1 =	rddreg [dreg:$0xc];
	[sflag:s20] =	ssyncadd.s32 $0xFFFFCC00  }
0x3a2: {  	[hbm4b:s1+s2] =	stream.linear.scatter [tilespmem:s6], [sflag:$0xA], $0x3400, $0x38;
	[tilespmem:$0x18000] =	vst v63  }
0x3a3: {  	_ =	swait.ge [sflag:s11], $0x3400  }
0x3a4: {  	s31 =	sld [smem:$0x7EA]  }
0x3a5: {  	[sflag:s11] =	ssyncset.done $0x0  }
0x3a6: {  	[sflag:s11] =	ssyncadd.s32 $0xFFFFCC00  }
0x3a7: {  	[tilespmem:s6], [sflag:$0x3] =	stream.indirect.gather [hbm4b:s4+s13], $0x68, s31, s13, $0xb8;
	[tilespmem:$0x18000] =	vst v63  }
0x3a8: {  	_ =	swait.ge [sflag:s22], $0x3400  }
0x3a9: {  	[sflag:s22] =	ssyncset.done $0x0  }
0x3aa: {  	s1 =	rddreg [dreg:$0xd];
	[sflag:s22] =	ssyncadd.s32 $0xFFFFCC00  }
0x3ab: {  	[hbm4b:s1+s2] =	stream.linear.scatter [tilespmem:s5], [sflag:$0xB], $0x3400, $0x38;
	[tilespmem:$0x18000] =	vst v63  }
0x3ac: {  	_ =	swait.ge [sflag:s12], $0x3400  }
0x3ad: {  	s31 =	sld [smem:$0x7EB]  }
0x3ae: {  	[sflag:s12] =	ssyncset.done $0x0  }
0x3af: {  	[sflag:s12] =	ssyncadd.s32 $0xFFFFCC00  }
0x3b0: {  	[tilespmem:s5], [sflag:$0x4] =	stream.indirect.gather [hbm4b:s4+s13], $0x68, s31, s13, $0xb8;
	[tilespmem:$0x18000] =	vst v63  }
0x3b1: {  	_ =	swait.ge [sflag:s23], $0x3400  }
0x3b2: {  	[sflag:s23] =	ssyncset.done $0x0  }
0x3b3: {  	s1 =	rddreg [dreg:$0xe];
	[sflag:s23] =	ssyncadd.s32 $0xFFFFCC00  }
0x3b4: {  	[hbm4b:s1+s2] =	stream.linear.scatter [tilespmem:s3], [sflag:$0xC], $0x3400, $0x38;
	[tilespmem:$0x18000] =	vst v63  }
0x3b5: {  	_ =	swait.ge [sflag:s14], $0x3400  }
0x3b6: {  	s31 =	sld [smem:$0x7EC]  }
0x3b7: {  	[sflag:s14] =	ssyncset.done $0x0  }
0x3b8: {  	[sflag:s14] =	ssyncadd.s32 $0xFFFFCC00  }
0x3b9: {  	[tilespmem:s3], [sflag:$0x5] =	stream.indirect.gather [hbm4b:s4+s13], $0x68, s31, s13, $0xb8;
	[tilespmem:$0x18000] =	vst v63  }
0x3ba: {  	_ =	swait.ge [sflag:s24], $0x3400  }
0x3bb: {  	[sflag:s24] =	ssyncset.done $0x0  }
0x3bc: {  	s1 =	rddreg [dreg:$0xf];
	[sflag:s24] =	ssyncadd.s32 $0xFFFFCC00  }
0x3bd: {  	[hbm4b:s1+s2] =	stream.linear.scatter [tilespmem:s21], [sflag:$0xD], $0x3400, $0x38;
	[tilespmem:$0x18000] =	vst v63  }
0x3be: {  	_ =	swait.ge [sflag:s15], $0x3400  }
0x3bf: {  	s31 =	sld [smem:$0x7ED]  }
0x3c0: {  	[sflag:s15] =	ssyncset.done $0x0  }
0x3c1: {  	[sflag:s15] =	ssyncadd.s32 $0xFFFFCC00  }
0x3c2: {  	[tilespmem:s21], [sflag:$0x6] =	stream.indirect.gather [hbm4b:s4+s13], $0x68, s31, s13, $0xb8;
	[tilespmem:$0x18000] =	vst v63  }
0x3c3: {  	_ =	swait.ge [sflag:s25], $0x3400  }
0x3c4: {  	[sflag:s25] =	ssyncset.done $0x0  }
0x3c5: {  	s1 =	rddreg [dreg:$0x10];
	[sflag:s25] =	ssyncadd.s32 $0xFFFFCC00  }
0x3c6: {  	[hbm4b:s1+s2] =	stream.linear.scatter [tilespmem:s18], [sflag:$0xE], $0x3400, $0x38;
	[tilespmem:$0x18000] =	vst v63  }
0x3c7: {  	_ =	swait.ge [sflag:s16], $0x3400  }
0x3c8: {  	s31 =	sld [smem:$0x7EE]  }
0x3c9: {  	[sflag:s16] =	ssyncset.done $0x0  }
0x3ca: {  	[sflag:s16] =	ssyncadd.s32 $0xFFFFCC00  }
0x3cb: {  	[tilespmem:s18], [sflag:$0x7] =	stream.indirect.gather [hbm4b:s4+s13], $0x68, s31, s13, $0xb8;
	[tilespmem:$0x18000] =	vst v63  }
0x3cc: {  	_ =	swait.ge [sflag:s17], $0x3400  }
0x3cd: {  	[sflag:s17] =	ssyncset.done $0x0  }
0x3ce: {  	s1 =	rddreg [dreg:$0x11];
	[sflag:s17] =	ssyncadd.s32 $0xFFFFCC00  }
0x3cf: {  	[hbm4b:s1+s2] =	stream.linear.scatter [tilespmem:s8], [sflag:$0x8], $0x3400, $0x38;
	[tilespmem:$0x18000] =	vst v63  }
0x3d0: {  	_ =	swait.ge [sflag:s9], $0x3400  }
0x3d1: {  	s31 =	sld [smem:$0x7EF]  }
0x3d2: {  	[sflag:s9] =	ssyncset.done $0x0  }
0x3d3: {  	[sflag:s9] =	ssyncadd.s32 $0xFFFFCC00  }
0x3d4: {  	[tilespmem:s8], [sflag:$0x1] =	stream.indirect.gather [hbm4b:s4+s13], $0x68, s31, s13, $0xb8;
	[tilespmem:$0x18000] =	vst v63  }
0x3d5: {  	_ =	swait.ge [sflag:s19], $0x3400  }
0x3d6: {  	[sflag:s19] =	ssyncset.done $0x0  }
0x3d7: {  	s1 =	rddreg [dreg:$0x12];
	[sflag:s19] =	ssyncadd.s32 $0xFFFFCC00  }
0x3d8: {  	[hbm4b:s1+s2] =	stream.linear.scatter [tilespmem:s7], [sflag:$0x9], $0x3400, $0x38;
	[tilespmem:$0x18000] =	vst v63  }
0x3d9: {  	_ =	swait.ge [sflag:s10], $0x3400  }
0x3da: {  	s31 =	sld [smem:$0x7F0]  }
0x3db: {  	[sflag:s10] =	ssyncset.done $0x0  }
0x3dc: {  	[sflag:s10] =	ssyncadd.s32 $0xFFFFCC00  }
0x3dd: {  	[tilespmem:s7], [sflag:$0x2] =	stream.indirect.gather [hbm4b:s4+s13], $0x68, s31, s13, $0xb8;
	[tilespmem:$0x18000] =	vst v63  }
0x3de: {  	_ =	swait.ge [sflag:s20], $0x3400  }
0x3df: {  	[sflag:s20] =	ssyncset.done $0x0  }
0x3e0: {  	s1 =	rddreg [dreg:$0x13];
	[sflag:s20] =	ssyncadd.s32 $0xFFFFCC00  }
0x3e1: {  	[hbm4b:s1+s2] =	stream.linear.scatter [tilespmem:s6], [sflag:$0xA], $0x3400, $0x38;
	[tilespmem:$0x18000] =	vst v63  }
0x3e2: {  	_ =	swait.ge [sflag:s11], $0x3400  }
0x3e3: {  	s31 =	sld [smem:$0x7F1]  }
0x3e4: {  	[sflag:s11] =	ssyncset.done $0x0  }
0x3e5: {  	[sflag:s11] =	ssyncadd.s32 $0xFFFFCC00  }
0x3e6: {  	[tilespmem:s6], [sflag:$0x3] =	stream.indirect.gather [hbm4b:s4+s13], $0x68, s31, s13, $0xb8;
	[tilespmem:$0x18000] =	vst v63  }
0x3e7: {  	_ =	swait.ge [sflag:s22], $0x3400  }
0x3e8: {  	[sflag:s22] =	ssyncset.done $0x0  }
0x3e9: {  	s1 =	rddreg [dreg:$0x14];
	[sflag:s22] =	ssyncadd.s32 $0xFFFFCC00  }
0x3ea: {  	[hbm4b:s1+s2] =	stream.linear.scatter [tilespmem:s5], [sflag:$0xB], $0x3400, $0x38;
	[tilespmem:$0x18000] =	vst v63  }
0x3eb: {  	_ =	swait.ge [sflag:s12], $0x3400  }
0x3ec: {  	s31 =	sld [smem:$0x7F2]  }
0x3ed: {  	[sflag:s12] =	ssyncset.done $0x0  }
0x3ee: {  	[sflag:s12] =	ssyncadd.s32 $0xFFFFCC00  }
0x3ef: {  	[tilespmem:s5], [sflag:$0x4] =	stream.indirect.gather [hbm4b:s4+s13], $0x68, s31, s13, $0xb8;
	[tilespmem:$0x18000] =	vst v63  }
0x3f0: {  	_ =	swait.ge [sflag:s23], $0x3400  }
0x3f1: {  	[sflag:s23] =	ssyncset.done $0x0  }
0x3f2: {  	s1 =	rddreg [dreg:$0x15];
	[sflag:s23] =	ssyncadd.s32 $0xFFFFCC00  }
0x3f3: {  	[hbm4b:s1+s2] =	stream.linear.scatter [tilespmem:s3], [sflag:$0xC], $0x3400, $0x38;
	[tilespmem:$0x18000] =	vst v63  }
0x3f4: {  	_ =	swait.ge [sflag:s14], $0x3400  }
0x3f5: {  	s31 =	sld [smem:$0x7F3]  }
0x3f6: {  	[sflag:s14] =	ssyncset.done $0x0  }
0x3f7: {  	[sflag:s14] =	ssyncadd.s32 $0xFFFFCC00  }
0x3f8: {  	[tilespmem:s3], [sflag:$0x5] =	stream.indirect.gather [hbm4b:s4+s13], $0x68, s31, s13, $0xb8;
	[tilespmem:$0x18000] =	vst v63  }
0x3f9: {  	_ =	swait.ge [sflag:s24], $0x3400  }
0x3fa: {  	[sflag:s24] =	ssyncset.done $0x0  }
0x3fb: {  	s1 =	rddreg [dreg:$0x16];
	[sflag:s24] =	ssyncadd.s32 $0xFFFFCC00  }
0x3fc: {  	[hbm4b:s1+s2] =	stream.linear.scatter [tilespmem:s21], [sflag:$0xD], $0x3400, $0x38;
	[tilespmem:$0x18000] =	vst v63  }
0x3fd: {  	_ =	swait.ge [sflag:s15], $0x3400  }
0x3fe: {  	s31 =	sld [smem:$0x7F4]  }
0x3ff: {  	[sflag:s15] =	ssyncset.done $0x0  }
0x400: {  	[sflag:s15] =	ssyncadd.s32 $0xFFFFCC00  }
0x401: {  	[tilespmem:s21], [sflag:$0x6] =	stream.indirect.gather [hbm4b:s4+s13], $0x68, s31, s13, $0xb8;
	[tilespmem:$0x18000] =	vst v63  }
0x402: {  	_ =	swait.ge [sflag:s25], $0x3400  }
0x403: {  	[sflag:s25] =	ssyncset.done $0x0  }
0x404: {  	s1 =	rddreg [dreg:$0x17];
	[sflag:s25] =	ssyncadd.s32 $0xFFFFCC00  }
0x405: {  	[hbm4b:s1+s2] =	stream.linear.scatter [tilespmem:s18], [sflag:$0xE], $0x3400, $0x38;
	[tilespmem:$0x18000] =	vst v63  }
0x406: {  	_ =	swait.ge [sflag:s16], $0x3400  }
0x407: {  	s31 =	sld [smem:$0x7F5]  }
0x408: {  	[sflag:s16] =	ssyncset.done $0x0  }
0x409: {  	[sflag:s16] =	ssyncadd.s32 $0xFFFFCC00  }
0x40a: {  	[tilespmem:s18], [sflag:$0x7] =	stream.indirect.gather [hbm4b:s4+s13], $0x68, s31, s13, $0xb8;
	[tilespmem:$0x18000] =	vst v63  }
0x40b: {  	_ =	swait.ge [sflag:s17], $0x3400  }
0x40c: {  	[sflag:s17] =	ssyncset.done $0x0  }
0x40d: {  	s1 =	rddreg [dreg:$0x18];
	[sflag:s17] =	ssyncadd.s32 $0xFFFFCC00  }
0x40e: {  	[hbm4b:s1+s2] =	stream.linear.scatter [tilespmem:s8], [sflag:$0x8], $0x3400, $0x38;
	[tilespmem:$0x18000] =	vst v63  }
0x40f: {  	_ =	swait.ge [sflag:s9], $0x3400  }
0x410: {  	s31 =	sld [smem:$0x7F6]  }
0x411: {  	[sflag:s9] =	ssyncset.done $0x0  }
0x412: {  	[sflag:s9] =	ssyncadd.s32 $0xFFFFCC00  }
0x413: {  	[tilespmem:s8], [sflag:$0x1] =	stream.indirect.gather [hbm4b:s4+s13], $0x68, s31, s13, $0xb8;
	[tilespmem:$0x18000] =	vst v63  }
0x414: {  	_ =	swait.ge [sflag:s19], $0x3400  }
0x415: {  	[sflag:s19] =	ssyncset.done $0x0  }
0x416: {  	s1 =	rddreg [dreg:$0x19];
	[sflag:s19] =	ssyncadd.s32 $0xFFFFCC00  }
0x417: {  	[hbm4b:s1+s2] =	stream.linear.scatter [tilespmem:s7], [sflag:$0x9], $0x3400, $0x38;
	[tilespmem:$0x18000] =	vst v63  }
0x418: {  	_ =	swait.ge [sflag:s10], $0x3400  }
0x419: {  	s31 =	sld [smem:$0x7F7]  }
0x41a: {  	[sflag:s10] =	ssyncset.done $0x0  }
0x41b: {  	[sflag:s10] =	ssyncadd.s32 $0xFFFFCC00  }
0x41c: {  	[tilespmem:s7], [sflag:$0x2] =	stream.indirect.gather [hbm4b:s4+s13], $0x68, s31, s13, $0xb8;
	[tilespmem:$0x18000] =	vst v63  }
0x41d: {  	_ =	swait.ge [sflag:s20], $0x3400  }
0x41e: {  	[sflag:s20] =	ssyncset.done $0x0  }
0x41f: {  	s1 =	rddreg [dreg:$0x1a];
	[sflag:s20] =	ssyncadd.s32 $0xFFFFCC00  }
0x420: {  	[hbm4b:s1+s2] =	stream.linear.scatter [tilespmem:s6], [sflag:$0xA], $0x3400, $0x38;
	[tilespmem:$0x18000] =	vst v63  }
0x421: {  	_ =	swait.ge [sflag:s11], $0x3400  }
0x422: {  	s31 =	sld [smem:$0x7F8]  }
0x423: {  	[sflag:s11] =	ssyncset.done $0x0  }
0x424: {  	[sflag:s11] =	ssyncadd.s32 $0xFFFFCC00  }
0x425: {  	[tilespmem:s6], [sflag:$0x3] =	stream.indirect.gather [hbm4b:s4+s13], $0x68, s31, s13, $0xb8;
	[tilespmem:$0x18000] =	vst v63  }
0x426: {  	_ =	swait.ge [sflag:s22], $0x3400  }
0x427: {  	[sflag:s22] =	ssyncset.done $0x0  }
0x428: {  	s1 =	rddreg [dreg:$0x1b];
	[sflag:s22] =	ssyncadd.s32 $0xFFFFCC00  }
0x429: {  	[hbm4b:s1+s2] =	stream.linear.scatter [tilespmem:s5], [sflag:$0xB], $0x3400, $0x38;
	[tilespmem:$0x18000] =	vst v63  }
0x42a: {  	_ =	swait.ge [sflag:s12], $0x3400  }
0x42b: {  	s31 =	sld [smem:$0x7F9]  }
0x42c: {  	[sflag:s12] =	ssyncset.done $0x0  }
0x42d: {  	[sflag:s12] =	ssyncadd.s32 $0xFFFFCC00  }
0x42e: {  	[tilespmem:s5], [sflag:$0x4] =	stream.indirect.gather [hbm4b:s4+s13], $0x68, s31, s13, $0xb8;
	[tilespmem:$0x18000] =	vst v63  }
0x42f: {  	_ =	swait.ge [sflag:s23], $0x3400  }
0x430: {  	[sflag:s23] =	ssyncset.done $0x0  }
0x431: {  	s1 =	rddreg [dreg:$0x1c];
	[sflag:s23] =	ssyncadd.s32 $0xFFFFCC00  }
0x432: {  	[hbm4b:s1+s2] =	stream.linear.scatter [tilespmem:s3], [sflag:$0xC], $0x3400, $0x38;
	[tilespmem:$0x18000] =	vst v63  }
0x433: {  	_ =	swait.ge [sflag:s14], $0x3400  }
0x434: {  	s31 =	sld [smem:$0x7FA]  }
0x435: {  	[sflag:s14] =	ssyncset.done $0x0  }
0x436: {  	[sflag:s14] =	ssyncadd.s32 $0xFFFFCC00  }
0x437: {  	[tilespmem:s3], [sflag:$0x5] =	stream.indirect.gather [hbm4b:s4+s13], $0x68, s31, s13, $0xb8;
	[tilespmem:$0x18000] =	vst v63  }
0x438: {  	_ =	swait.ge [sflag:s24], $0x3400  }
0x439: {  	[sflag:s24] =	ssyncset.done $0x0  }
0x43a: {  	s1 =	rddreg [dreg:$0x1d];
	[sflag:s24] =	ssyncadd.s32 $0xFFFFCC00  }
0x43b: {  	[hbm4b:s1+s2] =	stream.linear.scatter [tilespmem:s21], [sflag:$0xD], $0x3400, $0x38;
	[tilespmem:$0x18000] =	vst v63  }
0x43c: {  	_ =	swait.ge [sflag:s15], $0x3400  }
0x43d: {  	s31 =	sld [smem:$0x7FB]  }
0x43e: {  	[sflag:s15] =	ssyncset.done $0x0  }
0x43f: {  	[sflag:s15] =	ssyncadd.s32 $0xFFFFCC00  }
0x440: {  	[tilespmem:s21], [sflag:$0x6] =	stream.indirect.gather [hbm4b:s4+s13], $0x68, s31, s13, $0xb8;
	[tilespmem:$0x18000] =	vst v63  }
0x441: {  	_ =	swait.ge [sflag:s25], $0x3400  }
0x442: {  	[sflag:s25] =	ssyncset.done $0x0  }
0x443: {  	s1 =	rddreg [dreg:$0x1e];
	[sflag:s25] =	ssyncadd.s32 $0xFFFFCC00  }
0x444: {  	[hbm4b:s1+s2] =	stream.linear.scatter [tilespmem:s18], [sflag:$0xE], $0x3400, $0x38;
	[tilespmem:$0x18000] =	vst v63  }
0x445: {  	_ =	swait.ge [sflag:s16], $0x3400  }
0x446: {  	s31 =	sld [smem:$0x7FC]  }
0x447: {  	[sflag:s16] =	ssyncset.done $0x0  }
0x448: {  	[sflag:s16] =	ssyncadd.s32 $0xFFFFCC00  }
0x449: {  	[tilespmem:s18], [sflag:$0x7] =	stream.indirect.gather [hbm4b:s4+s13], $0x68, s31, s13, $0xb8;
	[tilespmem:$0x18000] =	vst v63  }
0x44a: {  	_ =	swait.ge [sflag:s17], $0x3400  }
0x44b: {  	[sflag:s17] =	ssyncset.done $0x0  }
0x44c: {  	s1 =	rddreg [dreg:$0x1f];
	[sflag:s17] =	ssyncadd.s32 $0xFFFFCC00  }
0x44d: {  	[hbm4b:s1+s2] =	stream.linear.scatter [tilespmem:s8], [sflag:$0x8], $0x3400, $0x38;
	[tilespmem:$0x18000] =	vst v63  }
0x44e: {  	_ =	swait.ge [sflag:s9], $0x3400  }
0x44f: {  	s31 =	sld [smem:$0x7FD]  }
0x450: {  	[sflag:s9] =	ssyncset.done $0x0  }
0x451: {  	[sflag:s9] =	ssyncadd.s32 $0xFFFFCC00  }
0x452: {  	[tilespmem:s8], [sflag:$0x1] =	stream.indirect.gather [hbm4b:s4+s13], $0x68, s31, s13, $0xb8;
	[tilespmem:$0x18000] =	vst v63  }
0x453: {  	_ =	swait.ge [sflag:s19], $0x3400  }
0x454: {  	s1 =	sld [smem:$0x7D1]  }
0x455: {  	[sflag:s19] =	ssyncset.done $0x0  }
0x456: {  	[sflag:s19] =	ssyncadd.s32 $0xFFFFCC00  }
0x457: {  	[hbm4b:s1+s2] =	stream.linear.scatter [tilespmem:s7], [sflag:$0x9], $0x3400, $0x38;
	[tilespmem:$0x18000] =	vst v63  }
0x458: {  	_ =	swait.ge [sflag:s10], $0x3400  }
0x459: {  	[sflag:s10] =	ssyncset.done $0x0  }
0x45a: {  	[sflag:s10] =	ssyncadd.s32 $0xFFFFCC00  }
0x45b: {  	[tilespmem:s7], [sflag:$0x2] =	stream.indirect.gather [hbm4b:s4+s13], $0x68, s28, s13, $0xb8;
	[tilespmem:$0x18000] =	vst v63  }
0x45c: {  	_ =	swait.ge [sflag:s20], $0x3400  }
0x45d: {  	s28 =	sld [smem:$0x7D2]  }
0x45e: {  	[sflag:s20] =	ssyncset.done $0x0  }
0x45f: {  	[sflag:s20] =	ssyncadd.s32 $0xFFFFCC00  }
0x460: {  	[hbm4b:s28+s2] =	stream.linear.scatter [tilespmem:s6], [sflag:$0xA], $0x3400, $0x38;
	[tilespmem:$0x18000] =	vst v63  }
0x461: {  	_ =	swait.ge [sflag:s11], $0x3400  }
0x462: {  	[sflag:s11] =	ssyncset.done $0x0  }
0x463: {  	[sflag:s11] =	ssyncadd.s32 $0xFFFFCC00  }
0x464: {  	[tilespmem:s6], [sflag:$0x3] =	stream.indirect.gather [hbm4b:s4+s13], $0x68, s30, s13, $0xb8;
	[tilespmem:$0x18000] =	vst v63  }
0x465: {  	_ =	swait.ge [sflag:s22], $0x3400  }
0x466: {  	s30 =	sld [smem:$0x7D3]  }
0x467: {  	[sflag:s22] =	ssyncset.done $0x0  }
0x468: {  	[sflag:s22] =	ssyncadd.s32 $0xFFFFCC00  }
0x469: {  	[hbm4b:s30+s2] =	stream.linear.scatter [tilespmem:s5], [sflag:$0xB], $0x3400, $0x38;
	[tilespmem:$0x18000] =	vst v63  }
0x46a: {  	_ =	swait.ge [sflag:s12], $0x3400  }
0x46b: {  	[sflag:s12] =	ssyncset.done $0x0  }
0x46c: {  	[sflag:s12] =	ssyncadd.s32 $0xFFFFCC00  }
0x46d: {  	[tilespmem:s5], [sflag:$0x4] =	stream.indirect.gather [hbm4b:s4+s13], $0x68, s29, s13, $0xb8;
	[tilespmem:$0x18000] =	vst v63  }
0x46e: {  	_ =	swait.ge [sflag:s23], $0x3400  }
0x46f: {  	s31 =	sld [smem:$0x7D4]  }
0x470: {  	[sflag:s23] =	ssyncset.done $0x0  }
0x471: {  	[sflag:s23] =	ssyncadd.s32 $0xFFFFCC00  }
0x472: {  	[hbm4b:s31+s2] =	stream.linear.scatter [tilespmem:s3], [sflag:$0xC], $0x3400, $0x38;
	[tilespmem:$0x18000] =	vst v63  }
0x473: {  	_ =	swait.ge [sflag:s14], $0x3400  }
0x474: {  	[sflag:s14] =	ssyncset.done $0x0  }
0x475: {  	s1 =	simm.s32 $0x1380;
	[sflag:s14] =	ssyncadd.s32 $0xFFFFCC00  }
0x476: {  	[tilespmem:s3], [sflag:$0x5] =	stream.indirect.gather [hbm4b:s4+s13], $0x68, s1, s13, $0xb8;
	[tilespmem:$0x18000] =	vst v63  }
0x477: {  	_ =	swait.ge [sflag:s24], $0x3400  }
0x478: {  	s13 =	sld [smem:$0x7D5]  }
0x479: {  	[sflag:s24] =	ssyncset.done $0x0  }
0x47a: {  	[sflag:s24] =	ssyncadd.s32 $0xFFFFCC00  }
0x47b: {  	[hbm4b:s13+s2] =	stream.linear.scatter [tilespmem:s21], [sflag:$0xD], $0x3400, $0x38;
	[tilespmem:$0x18000] =	vst v63  }
0x47c: {  	_ =	swait.ge [sflag:s25], $0x3400  }
0x47d: {  	s24 =	sld [smem:$0x7D6]  }
0x47e: {  	[sflag:s25] =	ssyncset.done $0x0  }
0x47f: {  	[sflag:s25] =	ssyncadd.s32 $0xFFFFCC00  }
0x480: {  	[hbm4b:s24+s2] =	stream.linear.scatter [tilespmem:s18], [sflag:$0xE], $0x3400, $0x38;
	[tilespmem:$0x18000] =	vst v63  }
0x481: {  	_ =	swait.ge [sflag:s17], $0x3400  }
0x482: {  	s25 =	sld [smem:$0x7D7]  }
0x483: {  	[sflag:s17] =	ssyncset.done $0x0  }
0x484: {  	[sflag:s17] =	ssyncadd.s32 $0xFFFFCC00  }
0x485: {  	[hbm4b:s25+s2] =	stream.linear.scatter [tilespmem:s8], [sflag:$0x8], $0x3400, $0x38;
	[tilespmem:$0x18000] =	vst v63  }
0x486: {  	_ =	swait.ge [sflag:s19], $0x3400  }
0x487: {  	s28 =	sld [smem:$0x7D8]  }
0x488: {  	[sflag:s19] =	ssyncset.done $0x0  }
0x489: {  	[sflag:s19] =	ssyncadd.s32 $0xFFFFCC00  }
0x48a: {  	[hbm4b:s28+s2] =	stream.linear.scatter [tilespmem:s7], [sflag:$0x9], $0x3400, $0x38;
	[tilespmem:$0x18000] =	vst v63  }
0x48b: {  	_ =	swait.ge [sflag:s20], $0x3400  }
0x48c: {  	s29 =	sld [smem:$0x7D9]  }
0x48d: {  	[sflag:s20] =	ssyncset.done $0x0  }
0x48e: {  	[sflag:s20] =	ssyncadd.s32 $0xFFFFCC00  }
0x48f: {  	[hbm4b:s29+s2] =	stream.linear.scatter [tilespmem:s6], [sflag:$0xA], $0x3400, $0x38;
	[tilespmem:$0x18000] =	vst v63  }
0x490: {  	_ =	swait.ge [sflag:s22], $0x3400  }
0x491: {  	s30 =	sld [smem:$0x7DA]  }
0x492: {  	[sflag:s22] =	ssyncset.done $0x0  }
0x493: {  	[sflag:s22] =	ssyncadd.s32 $0xFFFFCC00  }
0x494: {  	[hbm4b:s30+s2] =	stream.linear.scatter [tilespmem:s5], [sflag:$0xB], $0x3400, $0x38;
	[tilespmem:$0x18000] =	vst v63  }
0x495: {  	_ =	swait.ge [sflag:s23], $0x3400  }
0x496: {  	s31 =	sld [smem:$0x7DB]  }
0x497: {  	[sflag:s23] =	ssyncset.done $0x0  }
0x498: {  	[sflag:s23] =	ssyncadd.s32 $0xFFFFCC00  }
0x499: {  	[hbm4b:s31+s2] =	stream.linear.scatter [tilespmem:s3], [sflag:$0xC], $0x3400, $0x38;
	[tilespmem:$0x18000] =	vst v63  }
0x49a: {  	_ =	swait.ge [sflag:s9], $0x3400  }
0x49b: {  	[sflag:s9] =	ssyncset.done $0x0  }
0x49c: {  	[sflag:s9] =	ssyncadd.s32 $0xFFFFCC00  }
0x49d: {  	_ =	swait.ge [sflag:s10], $0x3400  }
0x49e: {  	[sflag:s10] =	ssyncset.done $0x0  }
0x49f: {  	[sflag:s10] =	ssyncadd.s32 $0xFFFFCC00  }
0x4a0: {  	_ =	swait.ge [sflag:s11], $0x3400  }
0x4a1: {  	[sflag:s11] =	ssyncset.done $0x0  }
0x4a2: {  	[sflag:s11] =	ssyncadd.s32 $0xFFFFCC00  }
0x4a3: {  	_ =	swait.ge [sflag:s12], $0x3400  }
0x4a4: {  	[sflag:s12] =	ssyncset.done $0x0  }
0x4a5: {  	[sflag:s12] =	ssyncadd.s32 $0xFFFFCC00  }
0x4a6: {  	_ =	swait.ge [sflag:s14], $0x3400  }
0x4a7: {  	[sflag:s14] =	ssyncset.done $0x0  }
0x4a8: {  	[sflag:s14] =	ssyncadd.s32 $0xFFFFCC00  }
0x4a9: {  	_ =	swait.ge [sflag:s15], $0x3400  }
0x4aa: {  	[sflag:s15] =	ssyncset.done $0x0  }
0x4ab: {  	[sflag:s15] =	ssyncadd.s32 $0xFFFFCC00  }
0x4ac: {  	_ =	swait.ge [sflag:s16], $0x3400  }
0x4ad: {  	[sflag:s16] =	ssyncset.done $0x0  }
0x4ae: {  	[sflag:s16] =	ssyncadd.s32 $0xFFFFCC00  }
0x4af: {  	_ =	sfence.sel $0x180000  }
0x4b0: {  	[bflag:$0x0] =	sbarrier.arrive $0xFFFF  }
0x4b1: {  	_ =	strace $0x90000047  }
0x4b2: {  	[bflag:$0x2] =	sbarrier.arrive $0xFFFF  }
0x4b3: {  	p0 =	sne.s32 s26, $0x0;
	s0 =	rddreg [dreg:$0x1]  }
0x4b4: {  	s0 =	sadd.s32 @!p0 $0x100000, s0  }
0x4b5: {  	[sflag:s0] =	ssyncadd.tile.s32 @!p0 $0x1;
	_ =	shalt  }
.LBB2_1:
.Ltmp3:
0x4b6: {  	(pc) =	sbr.rel .LBB2_6-.Ltmp3, $2  }
0x4b7: {  	_ =	sdelay $0x2  }
0x4b8: {  	s28 =	simm.s32 $0x1200;
	s30 =	simm.s32 $0x1280;
	s29 =	simm.s32 $0x1300  }
.LBB2_3:
.Ltmp4:
0x4b9: {  	(pc) =	sbr.rel .LBB2_6-.Ltmp4, $3  }
0x4ba: {  	_ =	sdelay $0x1  }
0x4bb: {  	s28 =	simm.s32 $0x1200  }
0x4bc: {  	s30 =	simm.s32 $0x1280;
	s29 =	simm.s32 $0x1300;
	s26 =	stileid.u32  }
.Lfunc_end2:
_tile_overlayer_lowered:
.L_overlay_start_2:
0x4bd: {  	(tag) =	ssettag $0x2  }
0x4be: {  	s0 =	rddreg [dreg:$0x0];
	s2 =	stileid.u32  }
0x4bf: {  	s1 =	rddreg [dreg:$0x1];
	p0 =	sne.s32 s2, $0x0  }
0x4c0: {  	s3 =	rddreg [dreg:$0x2];
	[bflag:$0x3] =	sbarrier.arrive $0xFFFF;
	s2 =	simm.s32 @!p0 $0x1C0F  }
0x4c1: {  	[timem:s3], [sflag:s2] =	dma.local @!p0 [hbm:s0], s1  }
0x4c2: {  	s0 =	simm.s32 @!p0 $0xF  }
0x4c3: {  	_ =	swait.ge @!p0 [sflag:s0], s1  }
0x4c4: {  	s1 =	ssub.s32 @!p0 $0x0, s1;
	[sflag:s0] =	ssyncset.done @!p0 $0x0  }
0x4c5: {  	[sflag:s0] =	ssyncadd.s32 @!p0 s1  }
0x4c6: {  	[bflag:$0x3] =	sbarrier.arrive $0xFFFF  }
0x4c7: {  	_ =	shalt  }

</sc_bundles>
